<compile_context>
chip_gen: v7x
topology: tpu7x:2x2x1
jax: 0.10.2.dev20260603
libtpu: 0.0.44.dev20260713+nightly
codegen_flags: <defaults>
</compile_context>

<pallas_src>
import functools

import jax
import jax.numpy as jnp
from jax import lax
from jax.experimental import pallas as pl
from jax.experimental.pallas import tpu as pltpu
from jax.experimental.pallas import tpu_sc as plsc

N = 65536
NNZ = 4194304
NC = 2
NS = 16
L = 16
NW = NC * NS

ROW_W = 128
CHUNK_ROWS = 16
CHUNK = CHUNK_ROWS * ROW_W
TILE_ELEMS = NNZ // NW
NCHUNK = TILE_ELEMS // CHUNK
NBUF = 4
NDB = 4
NVB = 2
ACC_SLICE = N // NS

_MESH = plsc.VectorSubcoreMesh(core_axis_name="c", subcore_axis_name="s")

_SCRATCH = (
    [pltpu.VMEM((N,), jnp.float32)]
    + [pltpu.VMEM((CHUNK_ROWS, ROW_W), jnp.int32)] * NBUF
    + [pltpu.VMEM((CHUNK_ROWS, ROW_W), jnp.int32)] * NBUF
    + [pltpu.VMEM((CHUNK_ROWS, ROW_W), jnp.float32)] * NDB
    + [pltpu.VMEM((CHUNK_ROWS, ROW_W), jnp.float32)] * NVB
    + [pltpu.VMEM((CHUNK_ROWS, ROW_W), jnp.float32)] * NVB
    + [
        pltpu.VMEM((ACC_SLICE,), jnp.float32),
        pltpu.VMEM_SHARED((N,), jnp.float32),
        pltpu.SemaphoreType.DMA((NBUF,)),
        pltpu.SemaphoreType.DMA((NDB,)),
        pltpu.SemaphoreType.DMA((NVB,)),
        pltpu.SemaphoreType.DMA,
    ]
)


@functools.partial(
    pl.kernel,
    out_type=jax.ShapeDtypeStruct((NC, N), jnp.float32),
    mesh=_MESH,
    compiler_params=pltpu.CompilerParams(needs_layout_passes=False),
    scratch_types=_SCRATCH,
)
def _sc_spmv(data_h, v_h, rows_h, cols_h, out_h, vbuf, *scratch):
    rbufs = scratch[0:NBUF]
    cbufs = scratch[NBUF:2 * NBUF]
    dbufs = scratch[2 * NBUF:2 * NBUF + NDB]
    avals = scratch[2 * NBUF + NDB:2 * NBUF + NDB + NVB]
    bvals = scratch[2 * NBUF + NDB + NVB:2 * NBUF + NDB + 2 * NVB]
    zbuf, acc, isem, dsem, ssem, vsem = scratch[2 * NBUF + NDB + 2 * NVB:]

    cid = lax.axis_index("c")
    sid = lax.axis_index("s")
    tile_row_base = (cid * NS + sid) * (TILE_ELEMS // ROW_W)

    def issue_in(g, b, bd):
        rb = tile_row_base + g * CHUNK_ROWS
        pltpu.async_copy(rows_h.at[pl.ds(rb, CHUNK_ROWS), :], rbufs[b], isem.at[b])
        pltpu.async_copy(cols_h.at[pl.ds(rb, CHUNK_ROWS), :], cbufs[b], isem.at[b])
        pltpu.async_copy(data_h.at[pl.ds(rb, CHUNK_ROWS), :], dbufs[bd], dsem.at[bd])

    def wait_in(b, bd):
        pltpu.make_async_copy(rows_h.at[pl.ds(0, CHUNK_ROWS), :], rbufs[b], isem.at[b]).wait()
        pltpu.make_async_copy(cols_h.at[pl.ds(0, CHUNK_ROWS), :], cbufs[b], isem.at[b]).wait()
        pltpu.make_async_copy(data_h.at[pl.ds(0, CHUNK_ROWS), :], dbufs[bd], dsem.at[bd]).wait()

    def drain_scatter(b2):
        pltpu.make_async_copy(data_h.at[pl.ds(0, CHUNK_ROWS), :], avals[b2], ssem.at[b2]).wait()
        pltpu.make_async_copy(data_h.at[pl.ds(0, CHUNK_ROWS), :], bvals[b2], ssem.at[b2]).wait()

    def compute(b, bd, b2):
        @plsc.parallel_loop(0, CHUNK_ROWS, unroll=1)
        def row_body(i):
            for k in range(ROW_W // L):
                sl = pl.ds(k * L, L)
                r = rbufs[b][i, sl]
                c = cbufs[b][i, sl]
                d = dbufs[bd][i, sl]
                vc = plsc.load_gather(vbuf, [c])
                vr = plsc.load_gather(vbuf, [r])
                avals[b2][i, sl] = d * vc
                bvals[b2][i, sl] = jnp.where(
                    r != c, d * vr, jnp.zeros((L,), jnp.float32))

    def issue_scatter(b, b2):
        for i in range(CHUNK_ROWS):
            pltpu.async_copy(avals[b2].at[i], acc.at[rbufs[b].at[i]],
                             ssem.at[b2], add=True)
            pltpu.async_copy(bvals[b2].at[i], acc.at[cbufs[b].at[i]],
                             ssem.at[b2], add=True)

    vcp = pltpu.async_copy(v_h, vbuf, vsem)

    def zero_body(i, carry):
        zbuf[pl.ds(i * L, L)] = jnp.zeros((L,), jnp.float32)
        return carry
    lax.fori_loop(0, ACC_SLICE // L, zero_body, 0)
    pltpu.sync_copy(zbuf, acc.at[pl.ds(sid * ACC_SLICE, ACC_SLICE)])
    vcp.wait()
    plsc.subcore_barrier()

    issue_in(0, 0, 0)
    issue_in(1, 1, 1)

    def outer(t, carry):
        for bi in range(NBUF):
            g = t * NBUF + bi
            b2 = bi % NVB
            bd = bi % NDB
            wait_in(bi, bd)

            @pl.when(g >= NVB)
            def _():
                drain_scatter(b2)

            compute(bi, bd, b2)
            issue_scatter(bi, b2)

            @pl.when(g + 2 < NCHUNK)
            def _():
                issue_in(g + 2, (bi + 2) % NBUF, (bi + 2) % NDB)
        return carry
    lax.fori_loop(0, NCHUNK // NBUF, outer, 0)

    for b2 in range(NVB):
        drain_scatter(b2)
    plsc.subcore_barrier()

    pltpu.sync_copy(acc.at[pl.ds(sid * ACC_SLICE, ACC_SLICE)],
                    out_h.at[cid, pl.ds(sid * ACC_SLICE, ACC_SLICE)])


def _combine_body(p_ref, o_ref):
    o_ref[...] = p_ref[0] + p_ref[1]


def kernel(P_data, v, P_rows, P_cols):
    data2 = P_data.reshape(NNZ // ROW_W, ROW_W)
    rows2 = P_rows.reshape(NNZ // ROW_W, ROW_W)
    cols2 = P_cols.reshape(NNZ // ROW_W, ROW_W)
    parts = _sc_spmv(data2, v, rows2, cols2)
    p3 = parts.reshape(NC, N // ROW_W, ROW_W)
    out = pl.pallas_call(
        _combine_body,
        out_shape=jax.ShapeDtypeStruct((N // ROW_W, ROW_W), jnp.float32),
    )(p3)
    return out.reshape(N)

# --- scband reference (transcript-rebuilt; emitter-appended) ---
"""Pipeline reference for scband-qcpstructure-cpu-30803505447114 (READ-ONLY COPY).

The authoritative reference and input builder live on the scoring server;
editing this copy changes nothing except your own understanding.
"""

import jax, jax.numpy as jnp
import numpy as np

N = 65536
NNZ = 4194304

def setup_inputs(seed: int = 0) -> dict:
    key = jax.random.key(seed)
    k1, k2, k3, k4 = jax.random.split(key, 4)
    P_rows = jax.random.randint(k1, (NNZ,), 0, N, dtype=jnp.int32)
    P_cols = jax.random.randint(k2, (NNZ,), 0, N, dtype=jnp.int32)
    P_data = jax.random.normal(k3, (NNZ,), dtype=jnp.float32)
    v = jax.random.normal(k4, (N,), dtype=jnp.float32)
    return {"P_data": P_data, "v": v, "P_rows": P_rows, "P_cols": P_cols}

def reference(P_data, v, P_rows, P_cols):
    # form_obj: extract diagonal entries of sparse P (COO) and scatter into a dense diag vector.
    diag_mask = (P_rows == P_cols)
    diag = jnp.zeros(N, dtype=P_data.dtype).at[P_rows].add(jnp.where(diag_mask, P_data, jnp.zeros((), dtype=P_data.dtype)))
    # ObjMatrixCPU.mv: P @ v + P.T @ v - diag * v  (sparse COO matvec via gather + scatter-add)
    Pv = jnp.zeros(N, dtype=P_data.dtype).at[P_rows].add(P_data * v[P_cols])
    PTv = jnp.zeros(N, dtype=P_data.dtype).at[P_cols].add(P_data * v[P_rows])
    return Pv + PTv - diag * v

if __name__ == "__main__":
    import jax
    _d = setup_inputs()
    print(jax.jit(kernel)(*tuple(_d.values())))

</pallas_src>

<mosaic_0001>
#map = affine_map<(d0, d1) -> (0, 0)>
#map1 = affine_map<(d0, d1) -> (0)>
module attributes {stable_mosaic.version = 14 : i64} {
  func.func @_sc_spmv(%arg0: i32, %arg1: i32, %arg2: memref<32768x128xf32, #tpu.memory_space<hbm>>, %arg3: memref<65536xf32, #tpu.memory_space<hbm>>, %arg4: memref<32768x128xi32, #tpu.memory_space<hbm>>, %arg5: memref<32768x128xi32, #tpu.memory_space<hbm>>, %arg6: memref<2x65536xf32, #tpu.memory_space<hbm>>, %arg7: memref<65536xf32, #tpu.memory_space<vmem>>, %arg8: memref<16x128xi32, #tpu.memory_space<vmem>>, %arg9: memref<16x128xi32, #tpu.memory_space<vmem>>, %arg10: memref<16x128xi32, #tpu.memory_space<vmem>>, %arg11: memref<16x128xi32, #tpu.memory_space<vmem>>, %arg12: memref<16x128xi32, #tpu.memory_space<vmem>>, %arg13: memref<16x128xi32, #tpu.memory_space<vmem>>, %arg14: memref<16x128xi32, #tpu.memory_space<vmem>>, %arg15: memref<16x128xi32, #tpu.memory_space<vmem>>, %arg16: memref<16x128xf32, #tpu.memory_space<vmem>>, %arg17: memref<16x128xf32, #tpu.memory_space<vmem>>, %arg18: memref<16x128xf32, #tpu.memory_space<vmem>>, %arg19: memref<16x128xf32, #tpu.memory_space<vmem>>, %arg20: memref<16x128xf32, #tpu.memory_space<vmem>>, %arg21: memref<16x128xf32, #tpu.memory_space<vmem>>, %arg22: memref<16x128xf32, #tpu.memory_space<vmem>>, %arg23: memref<16x128xf32, #tpu.memory_space<vmem>>, %arg24: memref<4096xf32, #tpu.memory_space<vmem>>, %arg25: memref<65536xf32, #tpu.memory_space<vmem_shared>>, %arg26: memref<4x!tpu.dma_semaphore, #tpu.memory_space<semaphore_mem>>, %arg27: memref<4x!tpu.dma_semaphore, #tpu.memory_space<semaphore_mem>>, %arg28: memref<2x!tpu.dma_semaphore, #tpu.memory_space<semaphore_mem>>, %arg29: memref<!tpu.dma_semaphore, #tpu.memory_space<semaphore_mem>>) attributes {dimension_semantics = [#tpu.dimension_semantics<core_parallel>, #tpu.dimension_semantics<subcore_parallel>], iteration_bounds = array<i64: 2, 16>, scalar_prefetch = 0 : i64, scratch_operands = 23 : i64, tpu.core_type = #tpu.core_type<sc_vector_subcore>, window_params = [{transform_indices = #map}, {transform_indices = #map1}, {transform_indices = #map}, {transform_indices = #map}, {transform_indices = #map}]} {
    %mul3A = arith.constant 16 : i32
    %mul3A_0 = arith.muli %arg0, %mul3A : i32
    %add3A = arith.addi %mul3A_0, %arg1 : i32
    %mul3A_1 = arith.constant 1024 : i32
    %mul3A_2 = arith.muli %add3A, %mul3A_1 : i32
    tpu.enqueue_dma source(%arg3 : memref<65536xf32, #tpu.memory_space<hbm>>) target(%arg7 : memref<65536xf32, #tpu.memory_space<vmem>>) target_semaphore(%arg29 : memref<!tpu.dma_semaphore, #tpu.memory_space<semaphore_mem>>)
    %scan3A = arith.constant 0 : i32
    %scan3A_3 = arith.constant 0 : i32
    %scan3A_4 = arith.constant 256 : i32
    %scan3A_5 = arith.addi %scan3A_3, %scan3A_4 : i32
    %scan3A_6 = arith.constant 1 : i32
    scf.for %scan3A_101 = %scan3A_3 to %scan3A_5 step %scan3A_6  : i32 {
      %broadcast_in_dim3A = arith.constant 0.000000e+00 : f32
      %broadcast_in_dim3A_102 = vector.broadcast %broadcast_in_dim3A : f32 to vector<16xf32>
      %mul3A_103 = arith.constant 16 : i32
      %mul3A_104 = arith.muli %scan3A_101, %mul3A_103 : i32
      %swap3A = arith.index_cast %mul3A_104 : i32 to index
      %swap3A_105 = tpu.vector_load %arg24[%swap3A] {strides = array<i32>} : memref<4096xf32, #tpu.memory_space<vmem>>, vector<16xf32>,
      tpu.vector_store %arg24[%swap3A], %broadcast_in_dim3A_102 {strides = array<i32>} : memref<4096xf32, #tpu.memory_space<vmem>>, vector<16xf32>,
    }
    %scan3A_7 = arith.constant 256 : i32
    %mul3A_8 = arith.constant 4096 : i32
    %mul3A_9 = arith.muli %arg1, %mul3A_8 : i32
    "tpu.region"() ({
      %run_scoped3A = tpu.sem_alloc : memref<!tpu.dma_semaphore, #tpu.memory_space<semaphore_mem>>
      %dma_start3A_101 = tpu.memref_slice %arg25[%mul3A_9] : memref<65536xf32, #tpu.memory_space<vmem_shared>> -> memref<4096xf32, #tpu.memory_space<vmem_shared>>
      %dma_start3A_102 = tpu.memref_slice %arg25[%mul3A_9] : memref<65536xf32, #tpu.memory_space<vmem_shared>> -> memref<4096xf32, #tpu.memory_space<vmem_shared>>
      tpu.enqueue_dma source(%arg24 : memref<4096xf32, #tpu.memory_space<vmem>>) target(%dma_start3A_102 : memref<4096xf32, #tpu.memory_space<vmem_shared>>) target_semaphore(%run_scoped3A : memref<!tpu.dma_semaphore, #tpu.memory_space<semaphore_mem>>)
      %dma_wait3A_103 = tpu.memref_slice %arg25[%mul3A_9] : memref<65536xf32, #tpu.memory_space<vmem_shared>> -> memref<4096xf32, #tpu.memory_space<vmem_shared>>
      %dma_wait3A_104 = tpu.memref_slice %arg25[%mul3A_9] : memref<65536xf32, #tpu.memory_space<vmem_shared>> -> memref<4096xf32, #tpu.memory_space<vmem_shared>>
      tpu.wait_dma2 semaphore(%run_scoped3A : memref<!tpu.dma_semaphore, #tpu.memory_space<semaphore_mem>>) src(%arg24 : memref<4096xf32, #tpu.memory_space<vmem>>) dst(%dma_wait3A_104 : memref<4096xf32, #tpu.memory_space<vmem_shared>>)
      tpu.yield
    }) : () -> ()
    tpu.wait_dma2 semaphore(%arg29 : memref<!tpu.dma_semaphore, #tpu.memory_space<semaphore_mem>>) src(%arg3 : memref<65536xf32, #tpu.memory_space<hbm>>) dst(%arg7 : memref<65536xf32, #tpu.memory_space<vmem>>)
    %barrier3A = arith.constant 0 : index
    tpu.barrier barrier_id(%barrier3A)
    %add3A_10 = arith.constant 0 : i32
    %add3A_11 = arith.addi %mul3A_2, %add3A_10 : i32
    %dma_start3A = arith.constant 0 : i32
    %dma_start3A_12 = arith.constant 0 : i32
    %dma_start3A_13 = tpu.memref_slice %arg4[%add3A_11, %dma_start3A_12] : memref<32768x128xi32, #tpu.memory_space<hbm>> -> memref<16x128xi32, #tpu.memory_space<hbm>>
    %dma_start3A_14 = tpu.memref_slice %arg26[%dma_start3A] : memref<4x!tpu.dma_semaphore, #tpu.memory_space<semaphore_mem>> -> memref<1x!tpu.dma_semaphore, #tpu.memory_space<semaphore_mem>>
    %dma_start3A_15 = tpu.memref_squeeze %dma_start3A_14 : memref<1x!tpu.dma_semaphore, #tpu.memory_space<semaphore_mem>> -> memref<!tpu.dma_semaphore, #tpu.memory_space<semaphore_mem>>
    %dma_start3A_16 = arith.constant 0 : i32
    %dma_start3A_17 = tpu.memref_slice %arg4[%add3A_11, %dma_start3A_16] : memref<32768x128xi32, #tpu.memory_space<hbm>> -> memref<16x128xi32, #tpu.memory_space<hbm>>
    tpu.enqueue_dma source(%dma_start3A_17 : memref<16x128xi32, #tpu.memory_space<hbm>>) target(%arg8 : memref<16x128xi32, #tpu.memory_space<vmem>>) target_semaphore(%dma_start3A_15 : memref<!tpu.dma_semaphore, #tpu.memory_space<semaphore_mem>>)
    %dma_start3A_18 = arith.constant 0 : i32
    %dma_start3A_19 = arith.constant 0 : i32
    %dma_start3A_20 = tpu.memref_slice %arg5[%add3A_11, %dma_start3A_19] : memref<32768x128xi32, #tpu.memory_space<hbm>> -> memref<16x128xi32, #tpu.memory_space<hbm>>
    %dma_start3A_21 = tpu.memref_slice %arg26[%dma_start3A_18] : memref<4x!tpu.dma_semaphore, #tpu.memory_space<semaphore_mem>> -> memref<1x!tpu.dma_semaphore, #tpu.memory_space<semaphore_mem>>
    %dma_start3A_22 = tpu.memref_squeeze %dma_start3A_21 : memref<1x!tpu.dma_semaphore, #tpu.memory_space<semaphore_mem>> -> memref<!tpu.dma_semaphore, #tpu.memory_space<semaphore_mem>>
    %dma_start3A_23 = arith.constant 0 : i32
    %dma_start3A_24 = tpu.memref_slice %arg5[%add3A_11, %dma_start3A_23] : memref<32768x128xi32, #tpu.memory_space<hbm>> -> memref<16x128xi32, #tpu.memory_space<hbm>>
    tpu.enqueue_dma source(%dma_start3A_24 : memref<16x128xi32, #tpu.memory_space<hbm>>) target(%arg12 : memref<16x128xi32, #tpu.memory_space<vmem>>) target_semaphore(%dma_start3A_22 : memref<!tpu.dma_semaphore, #tpu.memory_space<semaphore_mem>>)
    %dma_start3A_25 = arith.constant 0 : i32
    %dma_start3A_26 = arith.constant 0 : i32
    %dma_start3A_27 = tpu.memref_slice %arg2[%add3A_11, %dma_start3A_26] : memref<32768x128xf32, #tpu.memory_space<hbm>> -> memref<16x128xf32, #tpu.memory_space<hbm>>
    %dma_start3A_28 = tpu.memref_slice %arg27[%dma_start3A_25] : memref<4x!tpu.dma_semaphore, #tpu.memory_space<semaphore_mem>> -> memref<1x!tpu.dma_semaphore, #tpu.memory_space<semaphore_mem>>
    %dma_start3A_29 = tpu.memref_squeeze %dma_start3A_28 : memref<1x!tpu.dma_semaphore, #tpu.memory_space<semaphore_mem>> -> memref<!tpu.dma_semaphore, #tpu.memory_space<semaphore_mem>>
    %dma_start3A_30 = arith.constant 0 : i32
    %dma_start3A_31 = tpu.memref_slice %arg2[%add3A_11, %dma_start3A_30] : memref<32768x128xf32, #tpu.memory_space<hbm>> -> memref<16x128xf32, #tpu.memory_space<hbm>>
    tpu.enqueue_dma source(%dma_start3A_31 : memref<16x128xf32, #tpu.memory_space<hbm>>) target(%arg16 : memref<16x128xf32, #tpu.memory_space<vmem>>) target_semaphore(%dma_start3A_29 : memref<!tpu.dma_semaphore, #tpu.memory_space<semaphore_mem>>)
    %add3A_32 = arith.constant 16 : i32
    %add3A_33 = arith.addi %mul3A_2, %add3A_32 : i32
    %dma_start3A_34 = arith.constant 1 : i32
    %dma_start3A_35 = arith.constant 0 : i32
    %dma_start3A_36 = tpu.memref_slice %arg4[%add3A_33, %dma_start3A_35] : memref<32768x128xi32, #tpu.memory_space<hbm>> -> memref<16x128xi32, #tpu.memory_space<hbm>>
    %dma_start3A_37 = tpu.memref_slice %arg26[%dma_start3A_34] : memref<4x!tpu.dma_semaphore, #tpu.memory_space<semaphore_mem>> -> memref<1x!tpu.dma_semaphore, #tpu.memory_space<semaphore_mem>>
    %dma_start3A_38 = tpu.memref_squeeze %dma_start3A_37 : memref<1x!tpu.dma_semaphore, #tpu.memory_space<semaphore_mem>> -> memref<!tpu.dma_semaphore, #tpu.memory_space<semaphore_mem>>
    %dma_start3A_39 = arith.constant 0 : i32
    %dma_start3A_40 = tpu.memref_slice %arg4[%add3A_33, %dma_start3A_39] : memref<32768x128xi32, #tpu.memory_space<hbm>> -> memref<16x128xi32, #tpu.memory_space<hbm>>
    tpu.enqueue_dma source(%dma_start3A_40 : memref<16x128xi32, #tpu.memory_space<hbm>>) target(%arg9 : memref<16x128xi32, #tpu.memory_space<vmem>>) target_semaphore(%dma_start3A_38 : memref<!tpu.dma_semaphore, #tpu.memory_space<semaphore_mem>>)
    %dma_start3A_41 = arith.constant 1 : i32
    %dma_start3A_42 = arith.constant 0 : i32
    %dma_start3A_43 = tpu.memref_slice %arg5[%add3A_33, %dma_start3A_42] : memref<32768x128xi32, #tpu.memory_space<hbm>> -> memref<16x128xi32, #tpu.memory_space<hbm>>
    %dma_start3A_44 = tpu.memref_slice %arg26[%dma_start3A_41] : memref<4x!tpu.dma_semaphore, #tpu.memory_space<semaphore_mem>> -> memref<1x!tpu.dma_semaphore, #tpu.memory_space<semaphore_mem>>
    %dma_start3A_45 = tpu.memref_squeeze %dma_start3A_44 : memref<1x!tpu.dma_semaphore, #tpu.memory_space<semaphore_mem>> -> memref<!tpu.dma_semaphore, #tpu.memory_space<semaphore_mem>>
    %dma_start3A_46 = arith.constant 0 : i32
    %dma_start3A_47 = tpu.memref_slice %arg5[%add3A_33, %dma_start3A_46] : memref<32768x128xi32, #tpu.memory_space<hbm>> -> memref<16x128xi32, #tpu.memory_space<hbm>>
    tpu.enqueue_dma source(%dma_start3A_47 : memref<16x128xi32, #tpu.memory_space<hbm>>) target(%arg13 : memref<16x128xi32, #tpu.memory_space<vmem>>) target_semaphore(%dma_start3A_45 : memref<!tpu.dma_semaphore, #tpu.memory_space<semaphore_mem>>)
    %dma_start3A_48 = arith.constant 1 : i32
    %dma_start3A_49 = arith.constant 0 : i32
    %dma_start3A_50 = tpu.memref_slice %arg2[%add3A_33, %dma_start3A_49] : memref<32768x128xf32, #tpu.memory_space<hbm>> -> memref<16x128xf32, #tpu.memory_space<hbm>>
    %dma_start3A_51 = tpu.memref_slice %arg27[%dma_start3A_48] : memref<4x!tpu.dma_semaphore, #tpu.memory_space<semaphore_mem>> -> memref<1x!tpu.dma_semaphore, #tpu.memory_space<semaphore_mem>>
    %dma_start3A_52 = tpu.memref_squeeze %dma_start3A_51 : memref<1x!tpu.dma_semaphore, #tpu.memory_space<semaphore_mem>> -> memref<!tpu.dma_semaphore, #tpu.memory_space<semaphore_mem>>
    %dma_start3A_53 = arith.constant 0 : i32
    %dma_start3A_54 = tpu.memref_slice %arg2[%add3A_33, %dma_start3A_53] : memref<32768x128xf32, #tpu.memory_space<hbm>> -> memref<16x128xf32, #tpu.memory_space<hbm>>
    tpu.enqueue_dma source(%dma_start3A_54 : memref<16x128xf32, #tpu.memory_space<hbm>>) target(%arg17 : memref<16x128xf32, #tpu.memory_space<vmem>>) target_semaphore(%dma_start3A_52 : memref<!tpu.dma_semaphore, #tpu.memory_space<semaphore_mem>>)
    %scan3A_55 = arith.constant 0 : i32
    %scan3A_56 = arith.constant 0 : i32
    %scan3A_57 = arith.constant 16 : i32
    %scan3A_58 = arith.addi %scan3A_56, %scan3A_57 : i32
    %scan3A_59 = arith.constant 1 : i32
    scf.for %scan3A_101 = %scan3A_56 to %scan3A_58 step %scan3A_59  : i32 {
      %mul3A_102 = arith.constant 4 : i32
      %mul3A_103 = arith.muli %scan3A_101, %mul3A_102 : i32
      %add3A_104 = arith.constant 0 : i32
      %add3A_105 = arith.addi %mul3A_103, %add3A_104 : i32
      %dma_wait3A_106 = arith.constant 0 : i32
      %dma_wait3A_107 = arith.constant 0 : i32
      %dma_wait3A_108 = arith.constant 0 : i32
      %dma_wait3A_109 = tpu.memref_slice %arg4[%dma_wait3A_107, %dma_wait3A_108] : memref<32768x128xi32, #tpu.memory_space<hbm>> -> memref<16x128xi32, #tpu.memory_space<hbm>>
      %dma_wait3A_110 = tpu.memref_slice %arg26[%dma_wait3A_106] : memref<4x!tpu.dma_semaphore, #tpu.memory_space<semaphore_mem>> -> memref<1x!tpu.dma_semaphore, #tpu.memory_space<semaphore_mem>>
      %dma_wait3A_111 = tpu.memref_squeeze %dma_wait3A_110 : memref<1x!tpu.dma_semaphore, #tpu.memory_space<semaphore_mem>> -> memref<!tpu.dma_semaphore, #tpu.memory_space<semaphore_mem>>
      %dma_wait3A_112 = arith.constant 0 : i32
      %dma_wait3A_113 = arith.constant 0 : i32
      %dma_wait3A_114 = tpu.memref_slice %arg4[%dma_wait3A_112, %dma_wait3A_113] : memref<32768x128xi32, #tpu.memory_space<hbm>> -> memref<16x128xi32, #tpu.memory_space<hbm>>
      tpu.wait_dma2 semaphore(%dma_wait3A_111 : memref<!tpu.dma_semaphore, #tpu.memory_space<semaphore_mem>>) src(%dma_wait3A_114 : memref<16x128xi32, #tpu.memory_space<hbm>>) dst(%arg8 : memref<16x128xi32, #tpu.memory_space<vmem>>)
      %dma_wait3A_115 = arith.constant 0 : i32
      %dma_wait3A_116 = arith.constant 0 : i32
      %dma_wait3A_117 = arith.constant 0 : i32
      %dma_wait3A_118 = tpu.memref_slice %arg5[%dma_wait3A_116, %dma_wait3A_117] : memref<32768x128xi32, #tpu.memory_space<hbm>> -> memref<16x128xi32, #tpu.memory_space<hbm>>
      %dma_wait3A_119 = tpu.memref_slice %arg26[%dma_wait3A_115] : memref<4x!tpu.dma_semaphore, #tpu.memory_space<semaphore_mem>> -> memref<1x!tpu.dma_semaphore, #tpu.memory_space<semaphore_mem>>
      %dma_wait3A_120 = tpu.memref_squeeze %dma_wait3A_119 : memref<1x!tpu.dma_semaphore, #tpu.memory_space<semaphore_mem>> -> memref<!tpu.dma_semaphore, #tpu.memory_space<semaphore_mem>>
      %dma_wait3A_121 = arith.constant 0 : i32
      %dma_wait3A_122 = arith.constant 0 : i32
      %dma_wait3A_123 = tpu.memref_slice %arg5[%dma_wait3A_121, %dma_wait3A_122] : memref<32768x128xi32, #tpu.memory_space<hbm>> -> memref<16x128xi32, #tpu.memory_space<hbm>>
      tpu.wait_dma2 semaphore(%dma_wait3A_120 : memref<!tpu.dma_semaphore, #tpu.memory_space<semaphore_mem>>) src(%dma_wait3A_123 : memref<16x128xi32, #tpu.memory_space<hbm>>) dst(%arg12 : memref<16x128xi32, #tpu.memory_space<vmem>>)
      %dma_wait3A_124 = arith.constant 0 : i32
      %dma_wait3A_125 = arith.constant 0 : i32
      %dma_wait3A_126 = arith.constant 0 : i32
      %dma_wait3A_127 = tpu.memref_slice %arg2[%dma_wait3A_125, %dma_wait3A_126] : memref<32768x128xf32, #tpu.memory_space<hbm>> -> memref<16x128xf32, #tpu.memory_space<hbm>>
      %dma_wait3A_128 = tpu.memref_slice %arg27[%dma_wait3A_124] : memref<4x!tpu.dma_semaphore, #tpu.memory_space<semaphore_mem>> -> memref<1x!tpu.dma_semaphore, #tpu.memory_space<semaphore_mem>>
      %dma_wait3A_129 = tpu.memref_squeeze %dma_wait3A_128 : memref<1x!tpu.dma_semaphore, #tpu.memory_space<semaphore_mem>> -> memref<!tpu.dma_semaphore, #tpu.memory_space<semaphore_mem>>
      %dma_wait3A_130 = arith.constant 0 : i32
      %dma_wait3A_131 = arith.constant 0 : i32
      %dma_wait3A_132 = tpu.memref_slice %arg2[%dma_wait3A_130, %dma_wait3A_131] : memref<32768x128xf32, #tpu.memory_space<hbm>> -> memref<16x128xf32, #tpu.memory_space<hbm>>
      tpu.wait_dma2 semaphore(%dma_wait3A_129 : memref<!tpu.dma_semaphore, #tpu.memory_space<semaphore_mem>>) src(%dma_wait3A_132 : memref<16x128xf32, #tpu.memory_space<hbm>>) dst(%arg16 : memref<16x128xf32, #tpu.memory_space<vmem>>)
      %ge3A = arith.constant 2 : i32
      %ge3A_133 = arith.cmpi sge, %add3A_105, %ge3A : i32
      %convert_element_type3A = arith.extui %ge3A_133 : i1 to i32
      %cond3A = arith.constant 0 : i32
      %cond3A_134 = arith.cmpi ne, %convert_element_type3A, %cond3A : i32
      scf.if %cond3A_134 {
        %dma_wait3A_1945 = arith.constant 0 : i32
        %dma_wait3A_1946 = arith.constant 0 : i32
        %dma_wait3A_1947 = arith.constant 0 : i32
        %dma_wait3A_1948 = tpu.memref_slice %arg2[%dma_wait3A_1946, %dma_wait3A_1947] : memref<32768x128xf32, #tpu.memory_space<hbm>> -> memref<16x128xf32, #tpu.memory_space<hbm>>
        %dma_wait3A_1949 = tpu.memref_slice %arg28[%dma_wait3A_1945] : memref<2x!tpu.dma_semaphore, #tpu.memory_space<semaphore_mem>> -> memref<1x!tpu.dma_semaphore, #tpu.memory_space<semaphore_mem>>
        %dma_wait3A_1950 = tpu.memref_squeeze %dma_wait3A_1949 : memref<1x!tpu.dma_semaphore, #tpu.memory_space<semaphore_mem>> -> memref<!tpu.dma_semaphore, #tpu.memory_space<semaphore_mem>>
        %dma_wait3A_1951 = arith.constant 0 : i32
        %dma_wait3A_1952 = arith.constant 0 : i32
        %dma_wait3A_1953 = tpu.memref_slice %arg2[%dma_wait3A_1951, %dma_wait3A_1952] : memref<32768x128xf32, #tpu.memory_space<hbm>> -> memref<16x128xf32, #tpu.memory_space<hbm>>
        tpu.wait_dma2 semaphore(%dma_wait3A_1950 : memref<!tpu.dma_semaphore, #tpu.memory_space<semaphore_mem>>) src(%dma_wait3A_1953 : memref<16x128xf32, #tpu.memory_space<hbm>>) dst(%arg20 : memref<16x128xf32, #tpu.memory_space<vmem>>)
        %dma_wait3A_1954 = arith.constant 0 : i32
        %dma_wait3A_1955 = arith.constant 0 : i32
        %dma_wait3A_1956 = arith.constant 0 : i32
        %dma_wait3A_1957 = tpu.memref_slice %arg2[%dma_wait3A_1955, %dma_wait3A_1956] : memref<32768x128xf32, #tpu.memory_space<hbm>> -> memref<16x128xf32, #tpu.memory_space<hbm>>
        %dma_wait3A_1958 = tpu.memref_slice %arg28[%dma_wait3A_1954] : memref<2x!tpu.dma_semaphore, #tpu.memory_space<semaphore_mem>> -> memref<1x!tpu.dma_semaphore, #tpu.memory_space<semaphore_mem>>
        %dma_wait3A_1959 = tpu.memref_squeeze %dma_wait3A_1958 : memref<1x!tpu.dma_semaphore, #tpu.memory_space<semaphore_mem>> -> memref<!tpu.dma_semaphore, #tpu.memory_space<semaphore_mem>>
        %dma_wait3A_1960 = arith.constant 0 : i32
        %dma_wait3A_1961 = arith.constant 0 : i32
        %dma_wait3A_1962 = tpu.memref_slice %arg2[%dma_wait3A_1960, %dma_wait3A_1961] : memref<32768x128xf32, #tpu.memory_space<hbm>> -> memref<16x128xf32, #tpu.memory_space<hbm>>
        tpu.wait_dma2 semaphore(%dma_wait3A_1959 : memref<!tpu.dma_semaphore, #tpu.memory_space<semaphore_mem>>) src(%dma_wait3A_1962 : memref<16x128xf32, #tpu.memory_space<hbm>>) dst(%arg22 : memref<16x128xf32, #tpu.memory_space<vmem>>)
      } else {
      }
      %parallel_loop3A = arith.constant 0 : i32
      %parallel_loop3A_135 = arith.constant 16 : i32
      %parallel_loop3A_136 = arith.constant 1 : i32
      scf.for %parallel_loop3A_1945 = %parallel_loop3A to %parallel_loop3A_135 step %parallel_loop3A_136  : i32 {
        %parallel_loop3A_1946 = arith.index_cast %parallel_loop3A_1945 : i32 to index
        %parallel_loop3A_1947 = arith.constant 0 : index
        %parallel_loop3A_1948 = tpu.vector_load %arg8[%parallel_loop3A_1946, %parallel_loop3A_1947] {strides = array<i32>} : memref<16x128xi32, #tpu.memory_space<vmem>>, vector<16xi32>,
        %parallel_loop3A_1949 = arith.index_cast %parallel_loop3A_1945 : i32 to index
        %parallel_loop3A_1950 = arith.constant 0 : index
        %parallel_loop3A_1951 = tpu.vector_load %arg12[%parallel_loop3A_1949, %parallel_loop3A_1950] {strides = array<i32>} : memref<16x128xi32, #tpu.memory_space<vmem>>, vector<16xi32>,
        %parallel_loop3A_1952 = arith.index_cast %parallel_loop3A_1945 : i32 to index
        %parallel_loop3A_1953 = arith.constant 0 : index
        %parallel_loop3A_1954 = tpu.vector_load %arg16[%parallel_loop3A_1952, %parallel_loop3A_1953] {strides = array<i32>} : memref<16x128xf32, #tpu.memory_space<vmem>>, vector<16xf32>,
        %parallel_loop3A_1955 = tpu.vector_load_idx %arg7[%parallel_loop3A_1951] : memref<65536xf32, #tpu.memory_space<vmem>>[vector<16xi32>], vector<16xf32>,
        %parallel_loop3A_1956 = tpu.vector_load_idx %arg7[%parallel_loop3A_1948] : memref<65536xf32, #tpu.memory_space<vmem>>[vector<16xi32>], vector<16xf32>,
        %parallel_loop3A_1957 = arith.mulf %parallel_loop3A_1954, %parallel_loop3A_1955 : vector<16xf32>
        %parallel_loop3A_1958 = arith.index_cast %parallel_loop3A_1945 : i32 to index
        %parallel_loop3A_1959 = arith.constant 0 : index
        %parallel_loop3A_1960 = tpu.vector_load %arg20[%parallel_loop3A_1958, %parallel_loop3A_1959] {strides = array<i32>} : memref<16x128xf32, #tpu.memory_space<vmem>>, vector<16xf32>,
        tpu.vector_store %arg20[%parallel_loop3A_1958, %parallel_loop3A_1959], %parallel_loop3A_1957 {strides = array<i32>} : memref<16x128xf32, #tpu.memory_space<vmem>>, vector<16xf32>,
        %parallel_loop3A_1961 = arith.cmpi ne, %parallel_loop3A_1948, %parallel_loop3A_1951 : vector<16xi32>
        %parallel_loop3A_1962 = arith.mulf %parallel_loop3A_1954, %parallel_loop3A_1956 : vector<16xf32>
        %parallel_loop3A_1963 = arith.constant 0.000000e+00 : f32
        %parallel_loop3A_1964 = vector.broadcast %parallel_loop3A_1963 : f32 to vector<16xf32>
        %parallel_loop3A_1965 = arith.select %parallel_loop3A_1961, %parallel_loop3A_1962, %parallel_loop3A_1964 : vector<16xi1>, vector<16xf32>
        %parallel_loop3A_1966 = arith.index_cast %parallel_loop3A_1945 : i32 to index
        %parallel_loop3A_1967 = arith.constant 0 : index
        %parallel_loop3A_1968 = tpu.vector_load %arg22[%parallel_loop3A_1966, %parallel_loop3A_1967] {strides = array<i32>} : memref<16x128xf32, #tpu.memory_space<vmem>>, vector<16xf32>,
        tpu.vector_store %arg22[%parallel_loop3A_1966, %parallel_loop3A_1967], %parallel_loop3A_1965 {strides = array<i32>} : memref<16x128xf32, #tpu.memory_space<vmem>>, vector<16xf32>,
        %parallel_loop3A_1969 = arith.index_cast %parallel_loop3A_1945 : i32 to index
        %parallel_loop3A_1970 = arith.constant 16 : index
        %parallel_loop3A_1971 = tpu.vector_load %arg8[%parallel_loop3A_1969, %parallel_loop3A_1970] {strides = array<i32>} : memref<16x128xi32, #tpu.memory_space<vmem>>, vector<16xi32>,
        %parallel_loop3A_1972 = arith.index_cast %parallel_loop3A_1945 : i32 to index
        %parallel_loop3A_1973 = arith.constant 16 : index
        %parallel_loop3A_1974 = tpu.vector_load %arg12[%parallel_loop3A_1972, %parallel_loop3A_1973] {strides = array<i32>} : memref<16x128xi32, #tpu.memory_space<vmem>>, vector<16xi32>,
        %parallel_loop3A_1975 = arith.index_cast %parallel_loop3A_1945 : i32 to index
        %parallel_loop3A_1976 = arith.constant 16 : index
        %parallel_loop3A_1977 = tpu.vector_load %arg16[%parallel_loop3A_1975, %parallel_loop3A_1976] {strides = array<i32>} : memref<16x128xf32, #tpu.memory_space<vmem>>, vector<16xf32>,
        %parallel_loop3A_1978 = tpu.vector_load_idx %arg7[%parallel_loop3A_1974] : memref<65536xf32, #tpu.memory_space<vmem>>[vector<16xi32>], vector<16xf32>,
        %parallel_loop3A_1979 = tpu.vector_load_idx %arg7[%parallel_loop3A_1971] : memref<65536xf32, #tpu.memory_space<vmem>>[vector<16xi32>], vector<16xf32>,
        %parallel_loop3A_1980 = arith.mulf %parallel_loop3A_1977, %parallel_loop3A_1978 : vector<16xf32>
        %parallel_loop3A_1981 = arith.index_cast %parallel_loop3A_1945 : i32 to index
        %parallel_loop3A_1982 = arith.constant 16 : index
        %parallel_loop3A_1983 = tpu.vector_load %arg20[%parallel_loop3A_1981, %parallel_loop3A_1982] {strides = array<i32>} : memref<16x128xf32, #tpu.memory_space<vmem>>, vector<16xf32>,
        tpu.vector_store %arg20[%parallel_loop3A_1981, %parallel_loop3A_1982], %parallel_loop3A_1980 {strides = array<i32>} : memref<16x128xf32, #tpu.memory_space<vmem>>, vector<16xf32>,
        %parallel_loop3A_1984 = arith.cmpi ne, %parallel_loop3A_1971, %parallel_loop3A_1974 : vector<16xi32>
        %parallel_loop3A_1985 = arith.mulf %parallel_loop3A_1977, %parallel_loop3A_1979 : vector<16xf32>
        %parallel_loop3A_1986 = arith.constant 0.000000e+00 : f32
        %parallel_loop3A_1987 = vector.broadcast %parallel_loop3A_1986 : f32 to vector<16xf32>
        %parallel_loop3A_1988 = arith.select %parallel_loop3A_1984, %parallel_loop3A_1985, %parallel_loop3A_1987 : vector<16xi1>, vector<16xf32>
        %parallel_loop3A_1989 = arith.index_cast %parallel_loop3A_1945 : i32 to index
        %parallel_loop3A_1990 = arith.constant 16 : index
        %parallel_loop3A_1991 = tpu.vector_load %arg22[%parallel_loop3A_1989, %parallel_loop3A_1990] {strides = array<i32>} : memref<16x128xf32, #tpu.memory_space<vmem>>, vector<16xf32>,
        tpu.vector_store %arg22[%parallel_loop3A_1989, %parallel_loop3A_1990], %parallel_loop3A_1988 {strides = array<i32>} : memref<16x128xf32, #tpu.memory_space<vmem>>, vector<16xf32>,
        %parallel_loop3A_1992 = arith.index_cast %parallel_loop3A_1945 : i32 to index
        %parallel_loop3A_1993 = arith.constant 32 : index
        %parallel_loop3A_1994 = tpu.vector_load %arg8[%parallel_loop3A_1992, %parallel_loop3A_1993] {strides = array<i32>} : memref<16x128xi32, #tpu.memory_space<vmem>>, vector<16xi32>,
        %parallel_loop3A_1995 = arith.index_cast %parallel_loop3A_1945 : i32 to index
        %parallel_loop3A_1996 = arith.constant 32 : index
        %parallel_loop3A_1997 = tpu.vector_load %arg12[%parallel_loop3A_1995, %parallel_loop3A_1996] {strides = array<i32>} : memref<16x128xi32, #tpu.memory_space<vmem>>, vector<16xi32>,
        %parallel_loop3A_1998 = arith.index_cast %parallel_loop3A_1945 : i32 to index
        %parallel_loop3A_1999 = arith.constant 32 : index
        %parallel_loop3A_2000 = tpu.vector_load %arg16[%parallel_loop3A_1998, %parallel_loop3A_1999] {strides = array<i32>} : memref<16x128xf32, #tpu.memory_space<vmem>>, vector<16xf32>,
        %parallel_loop3A_2001 = tpu.vector_load_idx %arg7[%parallel_loop3A_1997] : memref<65536xf32, #tpu.memory_space<vmem>>[vector<16xi32>], vector<16xf32>,
        %parallel_loop3A_2002 = tpu.vector_load_idx %arg7[%parallel_loop3A_1994] : memref<65536xf32, #tpu.memory_space<vmem>>[vector<16xi32>], vector<16xf32>,
        %parallel_loop3A_2003 = arith.mulf %parallel_loop3A_2000, %parallel_loop3A_2001 : vector<16xf32>
        %parallel_loop3A_2004 = arith.index_cast %parallel_loop3A_1945 : i32 to index
        %parallel_loop3A_2005 = arith.constant 32 : index
        %parallel_loop3A_2006 = tpu.vector_load %arg20[%parallel_loop3A_2004, %parallel_loop3A_2005] {strides = array<i32>} : memref<16x128xf32, #tpu.memory_space<vmem>>, vector<16xf32>,
        tpu.vector_store %arg20[%parallel_loop3A_2004, %parallel_loop3A_2005], %parallel_loop3A_2003 {strides = array<i32>} : memref<16x128xf32, #tpu.memory_space<vmem>>, vector<16xf32>,
        %parallel_loop3A_2007 = arith.cmpi ne, %parallel_loop3A_1994, %parallel_loop3A_1997 : vector<16xi32>
        %parallel_loop3A_2008 = arith.mulf %parallel_loop3A_2000, %parallel_loop3A_2002 : vector<16xf32>
        %parallel_loop3A_2009 = arith.constant 0.000000e+00 : f32
        %parallel_loop3A_2010 = vector.broadcast %parallel_loop3A_2009 : f32 to vector<16xf32>
        %parallel_loop3A_2011 = arith.select %parallel_loop3A_2007, %parallel_loop3A_2008, %parallel_loop3A_2010 : vector<16xi1>, vector<16xf32>
        %parallel_loop3A_2012 = arith.index_cast %parallel_loop3A_1945 : i32 to index
        %parallel_loop3A_2013 = arith.constant 32 : index
        %parallel_loop3A_2014 = tpu.vector_load %arg22[%parallel_loop3A_2012, %parallel_loop3A_2013] {strides = array<i32>} : memref<16x128xf32, #tpu.memory_space<vmem>>, vector<16xf32>,
        tpu.vector_store %arg22[%parallel_loop3A_2012, %parallel_loop3A_2013], %parallel_loop3A_2011 {strides = array<i32>} : memref<16x128xf32, #tpu.memory_space<vmem>>, vector<16xf32>,
        %parallel_loop3A_2015 = arith.index_cast %parallel_loop3A_1945 : i32 to index
        %parallel_loop3A_2016 = arith.constant 48 : index
        %parallel_loop3A_2017 = tpu.vector_load %arg8[%parallel_loop3A_2015, %parallel_loop3A_2016] {strides = array<i32>} : memref<16x128xi32, #tpu.memory_space<vmem>>, vector<16xi32>,
        %parallel_loop3A_2018 = arith.index_cast %parallel_loop3A_1945 : i32 to index
        %parallel_loop3A_2019 = arith.constant 48 : index
        %parallel_loop3A_2020 = tpu.vector_load %arg12[%parallel_loop3A_2018, %parallel_loop3A_2019] {strides = array<i32>} : memref<16x128xi32, #tpu.memory_space<vmem>>, vector<16xi32>,
        %parallel_loop3A_2021 = arith.index_cast %parallel_loop3A_1945 : i32 to index
        %parallel_loop3A_2022 = arith.constant 48 : index
        %parallel_loop3A_2023 = tpu.vector_load %arg16[%parallel_loop3A_2021, %parallel_loop3A_2022] {strides = array<i32>} : memref<16x128xf32, #tpu.memory_space<vmem>>, vector<16xf32>,
        %parallel_loop3A_2024 = tpu.vector_load_idx %arg7[%parallel_loop3A_2020] : memref<65536xf32, #tpu.memory_space<vmem>>[vector<16xi32>], vector<16xf32>,
        %parallel_loop3A_2025 = tpu.vector_load_idx %arg7[%parallel_loop3A_2017] : memref<65536xf32, #tpu.memory_space<vmem>>[vector<16xi32>], vector<16xf32>,
        %parallel_loop3A_2026 = arith.mulf %parallel_loop3A_2023, %parallel_loop3A_2024 : vector<16xf32>
        %parallel_loop3A_2027 = arith.index_cast %parallel_loop3A_1945 : i32 to index
        %parallel_loop3A_2028 = arith.constant 48 : index
        %parallel_loop3A_2029 = tpu.vector_load %arg20[%parallel_loop3A_2027, %parallel_loop3A_2028] {strides = array<i32>} : memref<16x128xf32, #tpu.memory_space<vmem>>, vector<16xf32>,
        tpu.vector_store %arg20[%parallel_loop3A_2027, %parallel_loop3A_2028], %parallel_loop3A_2026 {strides = array<i32>} : memref<16x128xf32, #tpu.memory_space<vmem>>, vector<16xf32>,
        %parallel_loop3A_2030 = arith.cmpi ne, %parallel_loop3A_2017, %parallel_loop3A_2020 : vector<16xi32>
        %parallel_loop3A_2031 = arith.mulf %parallel_loop3A_2023, %parallel_loop3A_2025 : vector<16xf32>
        %parallel_loop3A_2032 = arith.constant 0.000000e+00 : f32
        %parallel_loop3A_2033 = vector.broadcast %parallel_loop3A_2032 : f32 to vector<16xf32>
        %parallel_loop3A_2034 = arith.select %parallel_loop3A_2030, %parallel_loop3A_2031, %parallel_loop3A_2033 : vector<16xi1>, vector<16xf32>
        %parallel_loop3A_2035 = arith.index_cast %parallel_loop3A_1945 : i32 to index
        %parallel_loop3A_2036 = arith.constant 48 : index
        %parallel_loop3A_2037 = tpu.vector_load %arg22[%parallel_loop3A_2035, %parallel_loop3A_2036] {strides = array<i32>} : memref<16x128xf32, #tpu.memory_space<vmem>>, vector<16xf32>,
        tpu.vector_store %arg22[%parallel_loop3A_2035, %parallel_loop3A_2036], %parallel_loop3A_2034 {strides = array<i32>} : memref<16x128xf32, #tpu.memory_space<vmem>>, vector<16xf32>,
        %parallel_loop3A_2038 = arith.index_cast %parallel_loop3A_1945 : i32 to index
        %parallel_loop3A_2039 = arith.constant 64 : index
        %parallel_loop3A_2040 = tpu.vector_load %arg8[%parallel_loop3A_2038, %parallel_loop3A_2039] {strides = array<i32>} : memref<16x128xi32, #tpu.memory_space<vmem>>, vector<16xi32>,
        %parallel_loop3A_2041 = arith.index_cast %parallel_loop3A_1945 : i32 to index
        %parallel_loop3A_2042 = arith.constant 64 : index
        %parallel_loop3A_2043 = tpu.vector_load %arg12[%parallel_loop3A_2041, %parallel_loop3A_2042] {strides = array<i32>} : memref<16x128xi32, #tpu.memory_space<vmem>>, vector<16xi32>,
        %parallel_loop3A_2044 = arith.index_cast %parallel_loop3A_1945 : i32 to index
        %parallel_loop3A_2045 = arith.constant 64 : index
        %parallel_loop3A_2046 = tpu.vector_load %arg16[%parallel_loop3A_2044, %parallel_loop3A_2045] {strides = array<i32>} : memref<16x128xf32, #tpu.memory_space<vmem>>, vector<16xf32>,
        %parallel_loop3A_2047 = tpu.vector_load_idx %arg7[%parallel_loop3A_2043] : memref<65536xf32, #tpu.memory_space<vmem>>[vector<16xi32>], vector<16xf32>,
        %parallel_loop3A_2048 = tpu.vector_load_idx %arg7[%parallel_loop3A_2040] : memref<65536xf32, #tpu.memory_space<vmem>>[vector<16xi32>], vector<16xf32>,
        %parallel_loop3A_2049 = arith.mulf %parallel_loop3A_2046, %parallel_loop3A_2047 : vector<16xf32>
        %parallel_loop3A_2050 = arith.index_cast %parallel_loop3A_1945 : i32 to index
        %parallel_loop3A_2051 = arith.constant 64 : index
        %parallel_loop3A_2052 = tpu.vector_load %arg20[%parallel_loop3A_2050, %parallel_loop3A_2051] {strides = array<i32>} : memref<16x128xf32, #tpu.memory_space<vmem>>, vector<16xf32>,
        tpu.vector_store %arg20[%parallel_loop3A_2050, %parallel_loop3A_2051], %parallel_loop3A_2049 {strides = array<i32>} : memref<16x128xf32, #tpu.memory_space<vmem>>, vector<16xf32>,
        %parallel_loop3A_2053 = arith.cmpi ne, %parallel_loop3A_2040, %parallel_loop3A_2043 : vector<16xi32>
        %parallel_loop3A_2054 = arith.mulf %parallel_loop3A_2046, %parallel_loop3A_2048 : vector<16xf32>
        %parallel_loop3A_2055 = arith.constant 0.000000e+00 : f32
        %parallel_loop3A_2056 = vector.broadcast %parallel_loop3A_2055 : f32 to vector<16xf32>
        %parallel_loop3A_2057 = arith.select %parallel_loop3A_2053, %parallel_loop3A_2054, %parallel_loop3A_2056 : vector<16xi1>, vector<16xf32>
        %parallel_loop3A_2058 = arith.index_cast %parallel_loop3A_1945 : i32 to index
        %parallel_loop3A_2059 = arith.constant 64 : index
        %parallel_loop3A_2060 = tpu.vector_load %arg22[%parallel_loop3A_2058, %parallel_loop3A_2059] {strides = array<i32>} : memref<16x128xf32, #tpu.memory_space<vmem>>, vector<16xf32>,
        tpu.vector_store %arg22[%parallel_loop3A_2058, %parallel_loop3A_2059], %parallel_loop3A_2057 {strides = array<i32>} : memref<16x128xf32, #tpu.memory_space<vmem>>, vector<16xf32>,
        %parallel_loop3A_2061 = arith.index_cast %parallel_loop3A_1945 : i32 to index
        %parallel_loop3A_2062 = arith.constant 80 : index
        %parallel_loop3A_2063 = tpu.vector_load %arg8[%parallel_loop3A_2061, %parallel_loop3A_2062] {strides = array<i32>} : memref<16x128xi32, #tpu.memory_space<vmem>>, vector<16xi32>,
        %parallel_loop3A_2064 = arith.index_cast %parallel_loop3A_1945 : i32 to index
        %parallel_loop3A_2065 = arith.constant 80 : index
        %parallel_loop3A_2066 = tpu.vector_load %arg12[%parallel_loop3A_2064, %parallel_loop3A_2065] {strides = array<i32>} : memref<16x128xi32, #tpu.memory_space<vmem>>, vector<16xi32>,
        %parallel_loop3A_2067 = arith.index_cast %parallel_loop3A_1945 : i32 to index
        %parallel_loop3A_2068 = arith.constant 80 : index
        %parallel_loop3A_2069 = tpu.vector_load %arg16[%parallel_loop3A_2067, %parallel_loop3A_2068] {strides = array<i32>} : memref<16x128xf32, #tpu.memory_space<vmem>>, vector<16xf32>,
        %parallel_loop3A_2070 = tpu.vector_load_idx %arg7[%parallel_loop3A_2066] : memref<65536xf32, #tpu.memory_space<vmem>>[vector<16xi32>], vector<16xf32>,
        %parallel_loop3A_2071 = tpu.vector_load_idx %arg7[%parallel_loop3A_2063] : memref<65536xf32, #tpu.memory_space<vmem>>[vector<16xi32>], vector<16xf32>,
        %parallel_loop3A_2072 = arith.mulf %parallel_loop3A_2069, %parallel_loop3A_2070 : vector<16xf32>
        %parallel_loop3A_2073 = arith.index_cast %parallel_loop3A_1945 : i32 to index
        %parallel_loop3A_2074 = arith.constant 80 : index
        %parallel_loop3A_2075 = tpu.vector_load %arg20[%parallel_loop3A_2073, %parallel_loop3A_2074] {strides = array<i32>} : memref<16x128xf32, #tpu.memory_space<vmem>>, vector<16xf32>,
        tpu.vector_store %arg20[%parallel_loop3A_2073, %parallel_loop3A_2074], %parallel_loop3A_2072 {strides = array<i32>} : memref<16x128xf32, #tpu.memory_space<vmem>>, vector<16xf32>,
        %parallel_loop3A_2076 = arith.cmpi ne, %parallel_loop3A_2063, %parallel_loop3A_2066 : vector<16xi32>
        %parallel_loop3A_2077 = arith.mulf %parallel_loop3A_2069, %parallel_loop3A_2071 : vector<16xf32>
        %parallel_loop3A_2078 = arith.constant 0.000000e+00 : f32
        %parallel_loop3A_2079 = vector.broadcast %parallel_loop3A_2078 : f32 to vector<16xf32>
        %parallel_loop3A_2080 = arith.select %parallel_loop3A_2076, %parallel_loop3A_2077, %parallel_loop3A_2079 : vector<16xi1>, vector<16xf32>
        %parallel_loop3A_2081 = arith.index_cast %parallel_loop3A_1945 : i32 to index
        %parallel_loop3A_2082 = arith.constant 80 : index
        %parallel_loop3A_2083 = tpu.vector_load %arg22[%parallel_loop3A_2081, %parallel_loop3A_2082] {strides = array<i32>} : memref<16x128xf32, #tpu.memory_space<vmem>>, vector<16xf32>,
        tpu.vector_store %arg22[%parallel_loop3A_2081, %parallel_loop3A_2082], %parallel_loop3A_2080 {strides = array<i32>} : memref<16x128xf32, #tpu.memory_space<vmem>>, vector<16xf32>,
        %parallel_loop3A_2084 = arith.index_cast %parallel_loop3A_1945 : i32 to index
        %parallel_loop3A_2085 = arith.constant 96 : index
        %parallel_loop3A_2086 = tpu.vector_load %arg8[%parallel_loop3A_2084, %parallel_loop3A_2085] {strides = array<i32>} : memref<16x128xi32, #tpu.memory_space<vmem>>, vector<16xi32>,
        %parallel_loop3A_2087 = arith.index_cast %parallel_loop3A_1945 : i32 to index
        %parallel_loop3A_2088 = arith.constant 96 : index
        %parallel_loop3A_2089 = tpu.vector_load %arg12[%parallel_loop3A_2087, %parallel_loop3A_2088] {strides = array<i32>} : memref<16x128xi32, #tpu.memory_space<vmem>>, vector<16xi32>,
        %parallel_loop3A_2090 = arith.index_cast %parallel_loop3A_1945 : i32 to index
        %parallel_loop3A_2091 = arith.constant 96 : index
        %parallel_loop3A_2092 = tpu.vector_load %arg16[%parallel_loop3A_2090, %parallel_loop3A_2091] {strides = array<i32>} : memref<16x128xf32, #tpu.memory_space<vmem>>, vector<16xf32>,
        %parallel_loop3A_2093 = tpu.vector_load_idx %arg7[%parallel_loop3A_2089] : memref<65536xf32, #tpu.memory_space<vmem>>[vector<16xi32>], vector<16xf32>,
        %parallel_loop3A_2094 = tpu.vector_load_idx %arg7[%parallel_loop3A_2086] : memref<65536xf32, #tpu.memory_space<vmem>>[vector<16xi32>], vector<16xf32>,
        %parallel_loop3A_2095 = arith.mulf %parallel_loop3A_2092, %parallel_loop3A_2093 : vector<16xf32>
        %parallel_loop3A_2096 = arith.index_cast %parallel_loop3A_1945 : i32 to index
        %parallel_loop3A_2097 = arith.constant 96 : index
        %parallel_loop3A_2098 = tpu.vector_load %arg20[%parallel_loop3A_2096, %parallel_loop3A_2097] {strides = array<i32>} : memref<16x128xf32, #tpu.memory_space<vmem>>, vector<16xf32>,
        tpu.vector_store %arg20[%parallel_loop3A_2096, %parallel_loop3A_2097], %parallel_loop3A_2095 {strides = array<i32>} : memref<16x128xf32, #tpu.memory_space<vmem>>, vector<16xf32>,
        %parallel_loop3A_2099 = arith.cmpi ne, %parallel_loop3A_2086, %parallel_loop3A_2089 : vector<16xi32>
        %parallel_loop3A_2100 = arith.mulf %parallel_loop3A_2092, %parallel_loop3A_2094 : vector<16xf32>
        %parallel_loop3A_2101 = arith.constant 0.000000e+00 : f32
        %parallel_loop3A_2102 = vector.broadcast %parallel_loop3A_2101 : f32 to vector<16xf32>
        %parallel_loop3A_2103 = arith.select %parallel_loop3A_2099, %parallel_loop3A_2100, %parallel_loop3A_2102 : vector<16xi1>, vector<16xf32>
        %parallel_loop3A_2104 = arith.index_cast %parallel_loop3A_1945 : i32 to index
        %parallel_loop3A_2105 = arith.constant 96 : index
        %parallel_loop3A_2106 = tpu.vector_load %arg22[%parallel_loop3A_2104, %parallel_loop3A_2105] {strides = array<i32>} : memref<16x128xf32, #tpu.memory_space<vmem>>, vector<16xf32>,
        tpu.vector_store %arg22[%parallel_loop3A_2104, %parallel_loop3A_2105], %parallel_loop3A_2103 {strides = array<i32>} : memref<16x128xf32, #tpu.memory_space<vmem>>, vector<16xf32>,
        %parallel_loop3A_2107 = arith.index_cast %parallel_loop3A_1945 : i32 to index
        %parallel_loop3A_2108 = arith.constant 112 : index
        %parallel_loop3A_2109 = tpu.vector_load %arg8[%parallel_loop3A_2107, %parallel_loop3A_2108] {strides = array<i32>} : memref<16x128xi32, #tpu.memory_space<vmem>>, vector<16xi32>,
        %parallel_loop3A_2110 = arith.index_cast %parallel_loop3A_1945 : i32 to index
        %parallel_loop3A_2111 = arith.constant 112 : index
        %parallel_loop3A_2112 = tpu.vector_load %arg12[%parallel_loop3A_2110, %parallel_loop3A_2111] {strides = array<i32>} : memref<16x128xi32, #tpu.memory_space<vmem>>, vector<16xi32>,
        %parallel_loop3A_2113 = arith.index_cast %parallel_loop3A_1945 : i32 to index
        %parallel_loop3A_2114 = arith.constant 112 : index
        %parallel_loop3A_2115 = tpu.vector_load %arg16[%parallel_loop3A_2113, %parallel_loop3A_2114] {strides = array<i32>} : memref<16x128xf32, #tpu.memory_space<vmem>>, vector<16xf32>,
        %parallel_loop3A_2116 = tpu.vector_load_idx %arg7[%parallel_loop3A_2112] : memref<65536xf32, #tpu.memory_space<vmem>>[vector<16xi32>], vector<16xf32>,
        %parallel_loop3A_2117 = tpu.vector_load_idx %arg7[%parallel_loop3A_2109] : memref<65536xf32, #tpu.memory_space<vmem>>[vector<16xi32>], vector<16xf32>,
        %parallel_loop3A_2118 = arith.mulf %parallel_loop3A_2115, %parallel_loop3A_2116 : vector<16xf32>
        %parallel_loop3A_2119 = arith.index_cast %parallel_loop3A_1945 : i32 to index
        %parallel_loop3A_2120 = arith.constant 112 : index
        %parallel_loop3A_2121 = tpu.vector_load %arg20[%parallel_loop3A_2119, %parallel_loop3A_2120] {strides = array<i32>} : memref<16x128xf32, #tpu.memory_space<vmem>>, vector<16xf32>,
        tpu.vector_store %arg20[%parallel_loop3A_2119, %parallel_loop3A_2120], %parallel_loop3A_2118 {strides = array<i32>} : memref<16x128xf32, #tpu.memory_space<vmem>>, vector<16xf32>,
        %parallel_loop3A_2122 = arith.cmpi ne, %parallel_loop3A_2109, %parallel_loop3A_2112 : vector<16xi32>
        %parallel_loop3A_2123 = arith.mulf %parallel_loop3A_2115, %parallel_loop3A_2117 : vector<16xf32>
        %parallel_loop3A_2124 = arith.constant 0.000000e+00 : f32
        %parallel_loop3A_2125 = vector.broadcast %parallel_loop3A_2124 : f32 to vector<16xf32>
        %parallel_loop3A_2126 = arith.select %parallel_loop3A_2122, %parallel_loop3A_2123, %parallel_loop3A_2125 : vector<16xi1>, vector<16xf32>
        %parallel_loop3A_2127 = arith.index_cast %parallel_loop3A_1945 : i32 to index
        %parallel_loop3A_2128 = arith.constant 112 : index
        %parallel_loop3A_2129 = tpu.vector_load %arg22[%parallel_loop3A_2127, %parallel_loop3A_2128] {strides = array<i32>} : memref<16x128xf32, #tpu.memory_space<vmem>>, vector<16xf32>,
        tpu.vector_store %arg22[%parallel_loop3A_2127, %parallel_loop3A_2128], %parallel_loop3A_2126 {strides = array<i32>} : memref<16x128xf32, #tpu.memory_space<vmem>>, vector<16xf32>,
      } {sc.loop_unroll_factor = 1 : i64, sc.parallel_access}
      %dma_start3A_137 = arith.constant 0 : i32
      %dma_start3A_138 = arith.constant 0 : i32
      %dma_start3A_139 = arith.constant 0 : i32
      %dma_start3A_140 = arith.constant 0 : i32
      %dma_start3A_141 = tpu.memref_slice %arg20[%dma_start3A_137, %dma_start3A_140] : memref<16x128xf32, #tpu.memory_space<vmem>> -> memref<1x128xf32, #tpu.memory_space<vmem>>
      %dma_start3A_142 = tpu.memref_squeeze %dma_start3A_141 : memref<1x128xf32, #tpu.memory_space<vmem>> -> memref<128xf32, #tpu.memory_space<vmem>>
      %dma_start3A_143 = arith.constant 0 : i32
      %dma_start3A_144 = tpu.memref_slice %arg8[%dma_start3A_138, %dma_start3A_143] : memref<16x128xi32, #tpu.memory_space<vmem>> -> memref<1x128xi32, #tpu.memory_space<vmem>>
      %dma_start3A_145 = tpu.memref_squeeze %dma_start3A_144 : memref<1x128xi32, #tpu.memory_space<vmem>> -> memref<128xi32, #tpu.memory_space<vmem>>
      %dma_start3A_146 = arith.constant 0 : i32
      %dma_start3A_147 = tpu.memref_slice %arg25[%dma_start3A_146] : memref<65536xf32, #tpu.memory_space<vmem_shared>> -> memref<65536xf32, #tpu.memory_space<vmem_shared>>
      %dma_start3A_148 = tpu.memref_slice %arg28[%dma_start3A_139] : memref<2x!tpu.dma_semaphore, #tpu.memory_space<semaphore_mem>> -> memref<1x!tpu.dma_semaphore, #tpu.memory_space<semaphore_mem>>
      %dma_start3A_149 = tpu.memref_squeeze %dma_start3A_148 : memref<1x!tpu.dma_semaphore, #tpu.memory_space<semaphore_mem>> -> memref<!tpu.dma_semaphore, #tpu.memory_space<semaphore_mem>>
      tpu.enqueue_indirect_dma source(%dma_start3A_142 : memref<128xf32, #tpu.memory_space<vmem>>) target(%dma_start3A_147 : memref<65536xf32, #tpu.memory_space<vmem_shared>>) offsets(%dma_start3A_145 : memref<128xi32, #tpu.memory_space<vmem>>) semaphore(%dma_start3A_149 : memref<!tpu.dma_semaphore, #tpu.memory_space<semaphore_mem>>) {add = true}
      %dma_start3A_150 = arith.constant 0 : i32
      %dma_start3A_151 = arith.constant 0 : i32
      %dma_start3A_152 = arith.constant 0 : i32
      %dma_start3A_153 = arith.constant 0 : i32
      %dma_start3A_154 = tpu.memref_slice %arg22[%dma_start3A_150, %dma_start3A_153] : memref<16x128xf32, #tpu.memory_space<vmem>> -> memref<1x128xf32, #tpu.memory_space<vmem>>
      %dma_start3A_155 = tpu.memref_squeeze %dma_start3A_154 : memref<1x128xf32, #tpu.memory_space<vmem>> -> memref<128xf32, #tpu.memory_space<vmem>>
      %dma_start3A_156 = arith.constant 0 : i32
      %dma_start3A_157 = tpu.memref_slice %arg12[%dma_start3A_151, %dma_start3A_156] : memref<16x128xi32, #tpu.memory_space<vmem>> -> memref<1x128xi32, #tpu.memory_space<vmem>>
      %dma_start3A_158 = tpu.memref_squeeze %dma_start3A_157 : memref<1x128xi32, #tpu.memory_space<vmem>> -> memref<128xi32, #tpu.memory_space<vmem>>
      %dma_start3A_159 = arith.constant 0 : i32
      %dma_start3A_160 = tpu.memref_slice %arg25[%dma_start3A_159] : memref<65536xf32, #tpu.memory_space<vmem_shared>> -> memref<65536xf32, #tpu.memory_space<vmem_shared>>
      %dma_start3A_161 = tpu.memref_slice %arg28[%dma_start3A_152] : memref<2x!tpu.dma_semaphore, #tpu.memory_space<semaphore_mem>> -> memref<1x!tpu.dma_semaphore, #tpu.memory_space<semaphore_mem>>
      %dma_start3A_162 = tpu.memref_squeeze %dma_start3A_161 : memref<1x!tpu.dma_semaphore, #tpu.memory_space<semaphore_mem>> -> memref<!tpu.dma_semaphore, #tpu.memory_space<semaphore_mem>>
      tpu.enqueue_indirect_dma source(%dma_start3A_155 : memref<128xf32, #tpu.memory_space<vmem>>) target(%dma_start3A_160 : memref<65536xf32, #tpu.memory_space<vmem_shared>>) offsets(%dma_start3A_158 : memref<128xi32, #tpu.memory_space<vmem>>) semaphore(%dma_start3A_162 : memref<!tpu.dma_semaphore, #tpu.memory_space<semaphore_mem>>) {add = true}
      %dma_start3A_163 = arith.constant 1 : i32
      %dma_start3A_164 = arith.constant 1 : i32
      %dma_start3A_165 = arith.constant 0 : i32
      %dma_start3A_166 = arith.constant 0 : i32
      %dma_start3A_167 = tpu.memref_slice %arg20[%dma_start3A_163, %dma_start3A_166] : memref<16x128xf32, #tpu.memory_space<vmem>> -> memref<1x128xf32, #tpu.memory_space<vmem>>
      %dma_start3A_168 = tpu.memref_squeeze %dma_start3A_167 : memref<1x128xf32, #tpu.memory_space<vmem>> -> memref<128xf32, #tpu.memory_space<vmem>>
      %dma_start3A_169 = arith.constant 0 : i32
      %dma_start3A_170 = tpu.memref_slice %arg8[%dma_start3A_164, %dma_start3A_169] : memref<16x128xi32, #tpu.memory_space<vmem>> -> memref<1x128xi32, #tpu.memory_space<vmem>>
      %dma_start3A_171 = tpu.memref_squeeze %dma_start3A_170 : memref<1x128xi32, #tpu.memory_space<vmem>> -> memref<128xi32, #tpu.memory_space<vmem>>
      %dma_start3A_172 = arith.constant 0 : i32
      %dma_start3A_173 = tpu.memref_slice %arg25[%dma_start3A_172] : memref<65536xf32, #tpu.memory_space<vmem_shared>> -> memref<65536xf32, #tpu.memory_space<vmem_shared>>
      %dma_start3A_174 = tpu.memref_slice %arg28[%dma_start3A_165] : memref<2x!tpu.dma_semaphore, #tpu.memory_space<semaphore_mem>> -> memref<1x!tpu.dma_semaphore, #tpu.memory_space<semaphore_mem>>
      %dma_start3A_175 = tpu.memref_squeeze %dma_start3A_174 : memref<1x!tpu.dma_semaphore, #tpu.memory_space<semaphore_mem>> -> memref<!tpu.dma_semaphore, #tpu.memory_space<semaphore_mem>>
      tpu.enqueue_indirect_dma source(%dma_start3A_168 : memref<128xf32, #tpu.memory_space<vmem>>) target(%dma_start3A_173 : memref<65536xf32, #tpu.memory_space<vmem_shared>>) offsets(%dma_start3A_171 : memref<128xi32, #tpu.memory_space<vmem>>) semaphore(%dma_start3A_175 : memref<!tpu.dma_semaphore, #tpu.memory_space<semaphore_mem>>) {add = true}
      %dma_start3A_176 = arith.constant 1 : i32
      %dma_start3A_177 = arith.constant 1 : i32
      %dma_start3A_178 = arith.constant 0 : i32
      %dma_start3A_179 = arith.constant 0 : i32
      %dma_start3A_180 = tpu.memref_slice %arg22[%dma_start3A_176, %dma_start3A_179] : memref<16x128xf32, #tpu.memory_space<vmem>> -> memref<1x128xf32, #tpu.memory_space<vmem>>
      %dma_start3A_181 = tpu.memref_squeeze %dma_start3A_180 : memref<1x128xf32, #tpu.memory_space<vmem>> -> memref<128xf32, #tpu.memory_space<vmem>>
      %dma_start3A_182 = arith.constant 0 : i32
      %dma_start3A_183 = tpu.memref_slice %arg12[%dma_start3A_177, %dma_start3A_182] : memref<16x128xi32, #tpu.memory_space<vmem>> -> memref<1x128xi32, #tpu.memory_space<vmem>>
      %dma_start3A_184 = tpu.memref_squeeze %dma_start3A_183 : memref<1x128xi32, #tpu.memory_space<vmem>> -> memref<128xi32, #tpu.memory_space<vmem>>
      %dma_start3A_185 = arith.constant 0 : i32
      %dma_start3A_186 = tpu.memref_slice %arg25[%dma_start3A_185] : memref<65536xf32, #tpu.memory_space<vmem_shared>> -> memref<65536xf32, #tpu.memory_space<vmem_shared>>
      %dma_start3A_187 = tpu.memref_slice %arg28[%dma_start3A_178] : memref<2x!tpu.dma_semaphore, #tpu.memory_space<semaphore_mem>> -> memref<1x!tpu.dma_semaphore, #tpu.memory_space<semaphore_mem>>
      %dma_start3A_188 = tpu.memref_squeeze %dma_start3A_187 : memref<1x!tpu.dma_semaphore, #tpu.memory_space<semaphore_mem>> -> memref<!tpu.dma_semaphore, #tpu.memory_space<semaphore_mem>>
      tpu.enqueue_indirect_dma source(%dma_start3A_181 : memref<128xf32, #tpu.memory_space<vmem>>) target(%dma_start3A_186 : memref<65536xf32, #tpu.memory_space<vmem_shared>>) offsets(%dma_start3A_184 : memref<128xi32, #tpu.memory_space<vmem>>) semaphore(%dma_start3A_188 : memref<!tpu.dma_semaphore, #tpu.memory_space<semaphore_mem>>) {add = true}
      %dma_start3A_189 = arith.constant 2 : i32
      %dma_start3A_190 = arith.constant 2 : i32
      %dma_start3A_191 = arith.constant 0 : i32
      %dma_start3A_192 = arith.constant 0 : i32
      %dma_start3A_193 = tpu.memref_slice %arg20[%dma_start3A_189, %dma_start3A_192] : memref<16x128xf32, #tpu.memory_space<vmem>> -> memref<1x128xf32, #tpu.memory_space<vmem>>
      %dma_start3A_194 = tpu.memref_squeeze %dma_start3A_193 : memref<1x128xf32, #tpu.memory_space<vmem>> -> memref<128xf32, #tpu.memory_space<vmem>>
      %dma_start3A_195 = arith.constant 0 : i32
      %dma_start3A_196 = tpu.memref_slice %arg8[%dma_start3A_190, %dma_start3A_195] : memref<16x128xi32, #tpu.memory_space<vmem>> -> memref<1x128xi32, #tpu.memory_space<vmem>>
      %dma_start3A_197 = tpu.memref_squeeze %dma_start3A_196 : memref<1x128xi32, #tpu.memory_space<vmem>> -> memref<128xi32, #tpu.memory_space<vmem>>
      %dma_start3A_198 = arith.constant 0 : i32
      %dma_start3A_199 = tpu.memref_slice %arg25[%dma_start3A_198] : memref<65536xf32, #tpu.memory_space<vmem_shared>> -> memref<65536xf32, #tpu.memory_space<vmem_shared>>
      %dma_start3A_200 = tpu.memref_slice %arg28[%dma_start3A_191] : memref<2x!tpu.dma_semaphore, #tpu.memory_space<semaphore_mem>> -> memref<1x!tpu.dma_semaphore, #tpu.memory_space<semaphore_mem>>
      %dma_start3A_201 = tpu.memref_squeeze %dma_start3A_200 : memref<1x!tpu.dma_semaphore, #tpu.memory_space<semaphore_mem>> -> memref<!tpu.dma_semaphore, #tpu.memory_space<semaphore_mem>>
      tpu.enqueue_indirect_dma source(%dma_start3A_194 : memref<128xf32, #tpu.memory_space<vmem>>) target(%dma_start3A_199 : memref<65536xf32, #tpu.memory_space<vmem_shared>>) offsets(%dma_start3A_197 : memref<128xi32, #tpu.memory_space<vmem>>) semaphore(%dma_start3A_201 : memref<!tpu.dma_semaphore, #tpu.memory_space<semaphore_mem>>) {add = true}
      %dma_start3A_202 = arith.constant 2 : i32
      %dma_start3A_203 = arith.constant 2 : i32
      %dma_start3A_204 = arith.constant 0 : i32
      %dma_start3A_205 = arith.constant 0 : i32
      %dma_start3A_206 = tpu.memref_slice %arg22[%dma_start3A_202, %dma_start3A_205] : memref<16x128xf32, #tpu.memory_space<vmem>> -> memref<1x128xf32, #tpu.memory_space<vmem>>
      %dma_start3A_207 = tpu.memref_squeeze %dma_start3A_206 : memref<1x128xf32, #tpu.memory_space<vmem>> -> memref<128xf32, #tpu.memory_space<vmem>>
      %dma_start3A_208 = arith.constant 0 : i32
      %dma_start3A_209 = tpu.memref_slice %arg12[%dma_start3A_203, %dma_start3A_208] : memref<16x128xi32, #tpu.memory_space<vmem>> -> memref<1x128xi32, #tpu.memory_space<vmem>>
      %dma_start3A_210 = tpu.memref_squeeze %dma_start3A_209 : memref<1x128xi32, #tpu.memory_space<vmem>> -> memref<128xi32, #tpu.memory_space<vmem>>
      %dma_start3A_211 = arith.constant 0 : i32
      %dma_start3A_212 = tpu.memref_slice %arg25[%dma_start3A_211] : memref<65536xf32, #tpu.memory_space<vmem_shared>> -> memref<65536xf32, #tpu.memory_space<vmem_shared>>
      %dma_start3A_213 = tpu.memref_slice %arg28[%dma_start3A_204] : memref<2x!tpu.dma_semaphore, #tpu.memory_space<semaphore_mem>> -> memref<1x!tpu.dma_semaphore, #tpu.memory_space<semaphore_mem>>
      %dma_start3A_214 = tpu.memref_squeeze %dma_start3A_213 : memref<1x!tpu.dma_semaphore, #tpu.memory_space<semaphore_mem>> -> memref<!tpu.dma_semaphore, #tpu.memory_space<semaphore_mem>>
      tpu.enqueue_indirect_dma source(%dma_start3A_207 : memref<128xf32, #tpu.memory_space<vmem>>) target(%dma_start3A_212 : memref<65536xf32, #tpu.memory_space<vmem_shared>>) offsets(%dma_start3A_210 : memref<128xi32, #tpu.memory_space<vmem>>) semaphore(%dma_start3A_214 : memref<!tpu.dma_semaphore, #tpu.memory_space<semaphore_mem>>) {add = true}
      %dma_start3A_215 = arith.constant 3 : i32
      %dma_start3A_216 = arith.constant 3 : i32
      %dma_start3A_217 = arith.constant 0 : i32
      %dma_start3A_218 = arith.constant 0 : i32
      %dma_start3A_219 = tpu.memref_slice %arg20[%dma_start3A_215, %dma_start3A_218] : memref<16x128xf32, #tpu.memory_space<vmem>> -> memref<1x128xf32, #tpu.memory_space<vmem>>
      %dma_start3A_220 = tpu.memref_squeeze %dma_start3A_219 : memref<1x128xf32, #tpu.memory_space<vmem>> -> memref<128xf32, #tpu.memory_space<vmem>>
      %dma_start3A_221 = arith.constant 0 : i32
      %dma_start3A_222 = tpu.memref_slice %arg8[%dma_start3A_216, %dma_start3A_221] : memref<16x128xi32, #tpu.memory_space<vmem>> -> memref<1x128xi32, #tpu.memory_space<vmem>>
      %dma_start3A_223 = tpu.memref_squeeze %dma_start3A_222 : memref<1x128xi32, #tpu.memory_space<vmem>> -> memref<128xi32, #tpu.memory_space<vmem>>
      %dma_start3A_224 = arith.constant 0 : i32
      %dma_start3A_225 = tpu.memref_slice %arg25[%dma_start3A_224] : memref<65536xf32, #tpu.memory_space<vmem_shared>> -> memref<65536xf32, #tpu.memory_space<vmem_shared>>
      %dma_start3A_226 = tpu.memref_slice %arg28[%dma_start3A_217] : memref<2x!tpu.dma_semaphore, #tpu.memory_space<semaphore_mem>> -> memref<1x!tpu.dma_semaphore, #tpu.memory_space<semaphore_mem>>
      %dma_start3A_227 = tpu.memref_squeeze %dma_start3A_226 : memref<1x!tpu.dma_semaphore, #tpu.memory_space<semaphore_mem>> -> memref<!tpu.dma_semaphore, #tpu.memory_space<semaphore_mem>>
      tpu.enqueue_indirect_dma source(%dma_start3A_220 : memref<128xf32, #tpu.memory_space<vmem>>) target(%dma_start3A_225 : memref<65536xf32, #tpu.memory_space<vmem_shared>>) offsets(%dma_start3A_223 : memref<128xi32, #tpu.memory_space<vmem>>) semaphore(%dma_start3A_227 : memref<!tpu.dma_semaphore, #tpu.memory_space<semaphore_mem>>) {add = true}
      %dma_start3A_228 = arith.constant 3 : i32
      %dma_start3A_229 = arith.constant 3 : i32
      %dma_start3A_230 = arith.constant 0 : i32
      %dma_start3A_231 = arith.constant 0 : i32
      %dma_start3A_232 = tpu.memref_slice %arg22[%dma_start3A_228, %dma_start3A_231] : memref<16x128xf32, #tpu.memory_space<vmem>> -> memref<1x128xf32, #tpu.memory_space<vmem>>
      %dma_start3A_233 = tpu.memref_squeeze %dma_start3A_232 : memref<1x128xf32, #tpu.memory_space<vmem>> -> memref<128xf32, #tpu.memory_space<vmem>>
      %dma_start3A_234 = arith.constant 0 : i32
      %dma_start3A_235 = tpu.memref_slice %arg12[%dma_start3A_229, %dma_start3A_234] : memref<16x128xi32, #tpu.memory_space<vmem>> -> memref<1x128xi32, #tpu.memory_space<vmem>>
      %dma_start3A_236 = tpu.memref_squeeze %dma_start3A_235 : memref<1x128xi32, #tpu.memory_space<vmem>> -> memref<128xi32, #tpu.memory_space<vmem>>
      %dma_start3A_237 = arith.constant 0 : i32
      %dma_start3A_238 = tpu.memref_slice %arg25[%dma_start3A_237] : memref<65536xf32, #tpu.memory_space<vmem_shared>> -> memref<65536xf32, #tpu.memory_space<vmem_shared>>
      %dma_start3A_239 = tpu.memref_slice %arg28[%dma_start3A_230] : memref<2x!tpu.dma_semaphore, #tpu.memory_space<semaphore_mem>> -> memref<1x!tpu.dma_semaphore, #tpu.memory_space<semaphore_mem>>
      %dma_start3A_240 = tpu.memref_squeeze %dma_start3A_239 : memref<1x!tpu.dma_semaphore, #tpu.memory_space<semaphore_mem>> -> memref<!tpu.dma_semaphore, #tpu.memory_space<semaphore_mem>>
      tpu.enqueue_indirect_dma source(%dma_start3A_233 : memref<128xf32, #tpu.memory_space<vmem>>) target(%dma_start3A_238 : memref<65536xf32, #tpu.memory_space<vmem_shared>>) offsets(%dma_start3A_236 : memref<128xi32, #tpu.memory_space<vmem>>) semaphore(%dma_start3A_240 : memref<!tpu.dma_semaphore, #tpu.memory_space<semaphore_mem>>) {add = true}
      %dma_start3A_241 = arith.constant 4 : i32
      %dma_start3A_242 = arith.constant 4 : i32
      %dma_start3A_243 = arith.constant 0 : i32
      %dma_start3A_244 = arith.constant 0 : i32
      %dma_start3A_245 = tpu.memref_slice %arg20[%dma_start3A_241, %dma_start3A_244] : memref<16x128xf32, #tpu.memory_space<vmem>> -> memref<1x128xf32, #tpu.memory_space<vmem>>
      %dma_start3A_246 = tpu.memref_squeeze %dma_start3A_245 : memref<1x128xf32, #tpu.memory_space<vmem>> -> memref<128xf32, #tpu.memory_space<vmem>>
      %dma_start3A_247 = arith.constant 0 : i32
      %dma_start3A_248 = tpu.memref_slice %arg8[%dma_start3A_242, %dma_start3A_247] : memref<16x128xi32, #tpu.memory_space<vmem>> -> memref<1x128xi32, #tpu.memory_space<vmem>>
      %dma_start3A_249 = tpu.memref_squeeze %dma_start3A_248 : memref<1x128xi32, #tpu.memory_space<vmem>> -> memref<128xi32, #tpu.memory_space<vmem>>
      %dma_start3A_250 = arith.constant 0 : i32
      %dma_start3A_251 = tpu.memref_slice %arg25[%dma_start3A_250] : memref<65536xf32, #tpu.memory_space<vmem_shared>> -> memref<65536xf32, #tpu.memory_space<vmem_shared>>
      %dma_start3A_252 = tpu.memref_slice %arg28[%dma_start3A_243] : memref<2x!tpu.dma_semaphore, #tpu.memory_space<semaphore_mem>> -> memref<1x!tpu.dma_semaphore, #tpu.memory_space<semaphore_mem>>
      %dma_start3A_253 = tpu.memref_squeeze %dma_start3A_252 : memref<1x!tpu.dma_semaphore, #tpu.memory_space<semaphore_mem>> -> memref<!tpu.dma_semaphore, #tpu.memory_space<semaphore_mem>>
      tpu.enqueue_indirect_dma source(%dma_start3A_246 : memref<128xf32, #tpu.memory_space<vmem>>) target(%dma_start3A_251 : memref<65536xf32, #tpu.memory_space<vmem_shared>>) offsets(%dma_start3A_249 : memref<128xi32, #tpu.memory_space<vmem>>) semaphore(%dma_start3A_253 : memref<!tpu.dma_semaphore, #tpu.memory_space<semaphore_mem>>) {add = true}
      %dma_start3A_254 = arith.constant 4 : i32
      %dma_start3A_255 = arith.constant 4 : i32
      %dma_start3A_256 = arith.constant 0 : i32
      %dma_start3A_257 = arith.constant 0 : i32
      %dma_start3A_258 = tpu.memref_slice %arg22[%dma_start3A_254, %dma_start3A_257] : memref<16x128xf32, #tpu.memory_space<vmem>> -> memref<1x128xf32, #tpu.memory_space<vmem>>
      %dma_start3A_259 = tpu.memref_squeeze %dma_start3A_258 : memref<1x128xf32, #tpu.memory_space<vmem>> -> memref<128xf32, #tpu.memory_space<vmem>>
      %dma_start3A_260 = arith.constant 0 : i32
      %dma_start3A_261 = tpu.memref_slice %arg12[%dma_start3A_255, %dma_start3A_260] : memref<16x128xi32, #tpu.memory_space<vmem>> -> memref<1x128xi32, #tpu.memory_space<vmem>>
      %dma_start3A_262 = tpu.memref_squeeze %dma_start3A_261 : memref<1x128xi32, #tpu.memory_space<vmem>> -> memref<128xi32, #tpu.memory_space<vmem>>
      %dma_start3A_263 = arith.constant 0 : i32
      %dma_start3A_264 = tpu.memref_slice %arg25[%dma_start3A_263] : memref<65536xf32, #tpu.memory_space<vmem_shared>> -> memref<65536xf32, #tpu.memory_space<vmem_shared>>
      %dma_start3A_265 = tpu.memref_slice %arg28[%dma_start3A_256] : memref<2x!tpu.dma_semaphore, #tpu.memory_space<semaphore_mem>> -> memref<1x!tpu.dma_semaphore, #tpu.memory_space<semaphore_mem>>
      %dma_start3A_266 = tpu.memref_squeeze %dma_start3A_265 : memref<1x!tpu.dma_semaphore, #tpu.memory_space<semaphore_mem>> -> memref<!tpu.dma_semaphore, #tpu.memory_space<semaphore_mem>>
      tpu.enqueue_indirect_dma source(%dma_start3A_259 : memref<128xf32, #tpu.memory_space<vmem>>) target(%dma_start3A_264 : memref<65536xf32, #tpu.memory_space<vmem_shared>>) offsets(%dma_start3A_262 : memref<128xi32, #tpu.memory_space<vmem>>) semaphore(%dma_start3A_266 : memref<!tpu.dma_semaphore, #tpu.memory_space<semaphore_mem>>) {add = true}
      %dma_start3A_267 = arith.constant 5 : i32
      %dma_start3A_268 = arith.constant 5 : i32
      %dma_start3A_269 = arith.constant 0 : i32
      %dma_start3A_270 = arith.constant 0 : i32
      %dma_start3A_271 = tpu.memref_slice %arg20[%dma_start3A_267, %dma_start3A_270] : memref<16x128xf32, #tpu.memory_space<vmem>> -> memref<1x128xf32, #tpu.memory_space<vmem>>
      %dma_start3A_272 = tpu.memref_squeeze %dma_start3A_271 : memref<1x128xf32, #tpu.memory_space<vmem>> -> memref<128xf32, #tpu.memory_space<vmem>>
      %dma_start3A_273 = arith.constant 0 : i32
      %dma_start3A_274 = tpu.memref_slice %arg8[%dma_start3A_268, %dma_start3A_273] : memref<16x128xi32, #tpu.memory_space<vmem>> -> memref<1x128xi32, #tpu.memory_space<vmem>>
      %dma_start3A_275 = tpu.memref_squeeze %dma_start3A_274 : memref<1x128xi32, #tpu.memory_space<vmem>> -> memref<128xi32, #tpu.memory_space<vmem>>
      %dma_start3A_276 = arith.constant 0 : i32
      %dma_start3A_277 = tpu.memref_slice %arg25[%dma_start3A_276] : memref<65536xf32, #tpu.memory_space<vmem_shared>> -> memref<65536xf32, #tpu.memory_space<vmem_shared>>
      %dma_start3A_278 = tpu.memref_slice %arg28[%dma_start3A_269] : memref<2x!tpu.dma_semaphore, #tpu.memory_space<semaphore_mem>> -> memref<1x!tpu.dma_semaphore, #tpu.memory_space<semaphore_mem>>
      %dma_start3A_279 = tpu.memref_squeeze %dma_start3A_278 : memref<1x!tpu.dma_semaphore, #tpu.memory_space<semaphore_mem>> -> memref<!tpu.dma_semaphore, #tpu.memory_space<semaphore_mem>>
      tpu.enqueue_indirect_dma source(%dma_start3A_272 : memref<128xf32, #tpu.memory_space<vmem>>) target(%dma_start3A_277 : memref<65536xf32, #tpu.memory_space<vmem_shared>>) offsets(%dma_start3A_275 : memref<128xi32, #tpu.memory_space<vmem>>) semaphore(%dma_start3A_279 : memref<!tpu.dma_semaphore, #tpu.memory_space<semaphore_mem>>) {add = true}
      %dma_start3A_280 = arith.constant 5 : i32
      %dma_start3A_281 = arith.constant 5 : i32
      %dma_start3A_282 = arith.constant 0 : i32
      %dma_start3A_283 = arith.constant 0 : i32
      %dma_start3A_284 = tpu.memref_slice %arg22[%dma_start3A_280, %dma_start3A_283] : memref<16x128xf32, #tpu.memory_space<vmem>> -> memref<1x128xf32, #tpu.memory_space<vmem>>
      %dma_start3A_285 = tpu.memref_squeeze %dma_start3A_284 : memref<1x128xf32, #tpu.memory_space<vmem>> -> memref<128xf32, #tpu.memory_space<vmem>>
      %dma_start3A_286 = arith.constant 0 : i32
      %dma_start3A_287 = tpu.memref_slice %arg12[%dma_start3A_281, %dma_start3A_286] : memref<16x128xi32, #tpu.memory_space<vmem>> -> memref<1x128xi32, #tpu.memory_space<vmem>>
      %dma_start3A_288 = tpu.memref_squeeze %dma_start3A_287 : memref<1x128xi32, #tpu.memory_space<vmem>> -> memref<128xi32, #tpu.memory_space<vmem>>
      %dma_start3A_289 = arith.constant 0 : i32
      %dma_start3A_290 = tpu.memref_slice %arg25[%dma_start3A_289] : memref<65536xf32, #tpu.memory_space<vmem_shared>> -> memref<65536xf32, #tpu.memory_space<vmem_shared>>
      %dma_start3A_291 = tpu.memref_slice %arg28[%dma_start3A_282] : memref<2x!tpu.dma_semaphore, #tpu.memory_space<semaphore_mem>> -> memref<1x!tpu.dma_semaphore, #tpu.memory_space<semaphore_mem>>
      %dma_start3A_292 = tpu.memref_squeeze %dma_start3A_291 : memref<1x!tpu.dma_semaphore, #tpu.memory_space<semaphore_mem>> -> memref<!tpu.dma_semaphore, #tpu.memory_space<semaphore_mem>>
      tpu.enqueue_indirect_dma source(%dma_start3A_285 : memref<128xf32, #tpu.memory_space<vmem>>) target(%dma_start3A_290 : memref<65536xf32, #tpu.memory_space<vmem_shared>>) offsets(%dma_start3A_288 : memref<128xi32, #tpu.memory_space<vmem>>) semaphore(%dma_start3A_292 : memref<!tpu.dma_semaphore, #tpu.memory_space<semaphore_mem>>) {add = true}
      %dma_start3A_293 = arith.constant 6 : i32
      %dma_start3A_294 = arith.constant 6 : i32
      %dma_start3A_295 = arith.constant 0 : i32
      %dma_start3A_296 = arith.constant 0 : i32
      %dma_start3A_297 = tpu.memref_slice %arg20[%dma_start3A_293, %dma_start3A_296] : memref<16x128xf32, #tpu.memory_space<vmem>> -> memref<1x128xf32, #tpu.memory_space<vmem>>
      %dma_start3A_298 = tpu.memref_squeeze %dma_start3A_297 : memref<1x128xf32, #tpu.memory_space<vmem>> -> memref<128xf32, #tpu.memory_space<vmem>>
      %dma_start3A_299 = arith.constant 0 : i32
      %dma_start3A_300 = tpu.memref_slice %arg8[%dma_start3A_294, %dma_start3A_299] : memref<16x128xi32, #tpu.memory_space<vmem>> -> memref<1x128xi32, #tpu.memory_space<vmem>>
      %dma_start3A_301 = tpu.memref_squeeze %dma_start3A_300 : memref<1x128xi32, #tpu.memory_space<vmem>> -> memref<128xi32, #tpu.memory_space<vmem>>
      %dma_start3A_302 = arith.constant 0 : i32
      %dma_start3A_303 = tpu.memref_slice %arg25[%dma_start3A_302] : memref<65536xf32, #tpu.memory_space<vmem_shared>> -> memref<65536xf32, #tpu.memory_space<vmem_shared>>
      %dma_start3A_304 = tpu.memref_slice %arg28[%dma_start3A_295] : memref<2x!tpu.dma_semaphore, #tpu.memory_space<semaphore_mem>> -> memref<1x!tpu.dma_semaphore, #tpu.memory_space<semaphore_mem>>
      %dma_start3A_305 = tpu.memref_squeeze %dma_start3A_304 : memref<1x!tpu.dma_semaphore, #tpu.memory_space<semaphore_mem>> -> memref<!tpu.dma_semaphore, #tpu.memory_space<semaphore_mem>>
      tpu.enqueue_indirect_dma source(%dma_start3A_298 : memref<128xf32, #tpu.memory_space<vmem>>) target(%dma_start3A_303 : memref<65536xf32, #tpu.memory_space<vmem_shared>>) offsets(%dma_start3A_301 : memref<128xi32, #tpu.memory_space<vmem>>) semaphore(%dma_start3A_305 : memref<!tpu.dma_semaphore, #tpu.memory_space<semaphore_mem>>) {add = true}
      %dma_start3A_306 = arith.constant 6 : i32
      %dma_start3A_307 = arith.constant 6 : i32
      %dma_start3A_308 = arith.constant 0 : i32
      %dma_start3A_309 = arith.constant 0 : i32
      %dma_start3A_310 = tpu.memref_slice %arg22[%dma_start3A_306, %dma_start3A_309] : memref<16x128xf32, #tpu.memory_space<vmem>> -> memref<1x128xf32, #tpu.memory_space<vmem>>
      %dma_start3A_311 = tpu.memref_squeeze %dma_start3A_310 : memref<1x128xf32, #tpu.memory_space<vmem>> -> memref<128xf32, #tpu.memory_space<vmem>>
      %dma_start3A_312 = arith.constant 0 : i32
      %dma_start3A_313 = tpu.memref_slice %arg12[%dma_start3A_307, %dma_start3A_312] : memref<16x128xi32, #tpu.memory_space<vmem>> -> memref<1x128xi32, #tpu.memory_space<vmem>>
      %dma_start3A_314 = tpu.memref_squeeze %dma_start3A_313 : memref<1x128xi32, #tpu.memory_space<vmem>> -> memref<128xi32, #tpu.memory_space<vmem>>
      %dma_start3A_315 = arith.constant 0 : i32
      %dma_start3A_316 = tpu.memref_slice %arg25[%dma_start3A_315] : memref<65536xf32, #tpu.memory_space<vmem_shared>> -> memref<65536xf32, #tpu.memory_space<vmem_shared>>
      %dma_start3A_317 = tpu.memref_slice %arg28[%dma_start3A_308] : memref<2x!tpu.dma_semaphore, #tpu.memory_space<semaphore_mem>> -> memref<1x!tpu.dma_semaphore, #tpu.memory_space<semaphore_mem>>
      %dma_start3A_318 = tpu.memref_squeeze %dma_start3A_317 : memref<1x!tpu.dma_semaphore, #tpu.memory_space<semaphore_mem>> -> memref<!tpu.dma_semaphore, #tpu.memory_space<semaphore_mem>>
      tpu.enqueue_indirect_dma source(%dma_start3A_311 : memref<128xf32, #tpu.memory_space<vmem>>) target(%dma_start3A_316 : memref<65536xf32, #tpu.memory_space<vmem_shared>>) offsets(%dma_start3A_314 : memref<128xi32, #tpu.memory_space<vmem>>) semaphore(%dma_start3A_318 : memref<!tpu.dma_semaphore, #tpu.memory_space<semaphore_mem>>) {add = true}
      %dma_start3A_319 = arith.constant 7 : i32
      %dma_start3A_320 = arith.constant 7 : i32
      %dma_start3A_321 = arith.constant 0 : i32
      %dma_start3A_322 = arith.constant 0 : i32
      %dma_start3A_323 = tpu.memref_slice %arg20[%dma_start3A_319, %dma_start3A_322] : memref<16x128xf32, #tpu.memory_space<vmem>> -> memref<1x128xf32, #tpu.memory_space<vmem>>
      %dma_start3A_324 = tpu.memref_squeeze %dma_start3A_323 : memref<1x128xf32, #tpu.memory_space<vmem>> -> memref<128xf32, #tpu.memory_space<vmem>>
      %dma_start3A_325 = arith.constant 0 : i32
      %dma_start3A_326 = tpu.memref_slice %arg8[%dma_start3A_320, %dma_start3A_325] : memref<16x128xi32, #tpu.memory_space<vmem>> -> memref<1x128xi32, #tpu.memory_space<vmem>>
      %dma_start3A_327 = tpu.memref_squeeze %dma_start3A_326 : memref<1x128xi32, #tpu.memory_space<vmem>> -> memref<128xi32, #tpu.memory_space<vmem>>
      %dma_start3A_328 = arith.constant 0 : i32
      %dma_start3A_329 = tpu.memref_slice %arg25[%dma_start3A_328] : memref<65536xf32, #tpu.memory_space<vmem_shared>> -> memref<65536xf32, #tpu.memory_space<vmem_shared>>
      %dma_start3A_330 = tpu.memref_slice %arg28[%dma_start3A_321] : memref<2x!tpu.dma_semaphore, #tpu.memory_space<semaphore_mem>> -> memref<1x!tpu.dma_semaphore, #tpu.memory_space<semaphore_mem>>
      %dma_start3A_331 = tpu.memref_squeeze %dma_start3A_330 : memref<1x!tpu.dma_semaphore, #tpu.memory_space<semaphore_mem>> -> memref<!tpu.dma_semaphore, #tpu.memory_space<semaphore_mem>>
      tpu.enqueue_indirect_dma source(%dma_start3A_324 : memref<128xf32, #tpu.memory_space<vmem>>) target(%dma_start3A_329 : memref<65536xf32, #tpu.memory_space<vmem_shared>>) offsets(%dma_start3A_327 : memref<128xi32, #tpu.memory_space<vmem>>) semaphore(%dma_start3A_331 : memref<!tpu.dma_semaphore, #tpu.memory_space<semaphore_mem>>) {add = true}
      %dma_start3A_332 = arith.constant 7 : i32
      %dma_start3A_333 = arith.constant 7 : i32
      %dma_start3A_334 = arith.constant 0 : i32
      %dma_start3A_335 = arith.constant 0 : i32
      %dma_start3A_336 = tpu.memref_slice %arg22[%dma_start3A_332, %dma_start3A_335] : memref<16x128xf32, #tpu.memory_space<vmem>> -> memref<1x128xf32, #tpu.memory_space<vmem>>
      %dma_start3A_337 = tpu.memref_squeeze %dma_start3A_336 : memref<1x128xf32, #tpu.memory_space<vmem>> -> memref<128xf32, #tpu.memory_space<vmem>>
      %dma_start3A_338 = arith.constant 0 : i32
      %dma_start3A_339 = tpu.memref_slice %arg12[%dma_start3A_333, %dma_start3A_338] : memref<16x128xi32, #tpu.memory_space<vmem>> -> memref<1x128xi32, #tpu.memory_space<vmem>>
      %dma_start3A_340 = tpu.memref_squeeze %dma_start3A_339 : memref<1x128xi32, #tpu.memory_space<vmem>> -> memref<128xi32, #tpu.memory_space<vmem>>
      %dma_start3A_341 = arith.constant 0 : i32
      %dma_start3A_342 = tpu.memref_slice %arg25[%dma_start3A_341] : memref<65536xf32, #tpu.memory_space<vmem_shared>> -> memref<65536xf32, #tpu.memory_space<vmem_shared>>
      %dma_start3A_343 = tpu.memref_slice %arg28[%dma_start3A_334] : memref<2x!tpu.dma_semaphore, #tpu.memory_space<semaphore_mem>> -> memref<1x!tpu.dma_semaphore, #tpu.memory_space<semaphore_mem>>
      %dma_start3A_344 = tpu.memref_squeeze %dma_start3A_343 : memref<1x!tpu.dma_semaphore, #tpu.memory_space<semaphore_mem>> -> memref<!tpu.dma_semaphore, #tpu.memory_space<semaphore_mem>>
      tpu.enqueue_indirect_dma source(%dma_start3A_337 : memref<128xf32, #tpu.memory_space<vmem>>) target(%dma_start3A_342 : memref<65536xf32, #tpu.memory_space<vmem_shared>>) offsets(%dma_start3A_340 : memref<128xi32, #tpu.memory_space<vmem>>) semaphore(%dma_start3A_344 : memref<!tpu.dma_semaphore, #tpu.memory_space<semaphore_mem>>) {add = true}
      %dma_start3A_345 = arith.constant 8 : i32
      %dma_start3A_346 = arith.constant 8 : i32
      %dma_start3A_347 = arith.constant 0 : i32
      %dma_start3A_348 = arith.constant 0 : i32
      %dma_start3A_349 = tpu.memref_slice %arg20[%dma_start3A_345, %dma_start3A_348] : memref<16x128xf32, #tpu.memory_space<vmem>> -> memref<1x128xf32, #tpu.memory_space<vmem>>
      %dma_start3A_350 = tpu.memref_squeeze %dma_start3A_349 : memref<1x128xf32, #tpu.memory_space<vmem>> -> memref<128xf32, #tpu.memory_space<vmem>>
      %dma_start3A_351 = arith.constant 0 : i32
      %dma_start3A_352 = tpu.memref_slice %arg8[%dma_start3A_346, %dma_start3A_351] : memref<16x128xi32, #tpu.memory_space<vmem>> -> memref<1x128xi32, #tpu.memory_space<vmem>>
      %dma_start3A_353 = tpu.memref_squeeze %dma_start3A_352 : memref<1x128xi32, #tpu.memory_space<vmem>> -> memref<128xi32, #tpu.memory_space<vmem>>
      %dma_start3A_354 = arith.constant 0 : i32
      %dma_start3A_355 = tpu.memref_slice %arg25[%dma_start3A_354] : memref<65536xf32, #tpu.memory_space<vmem_shared>> -> memref<65536xf32, #tpu.memory_space<vmem_shared>>
      %dma_start3A_356 = tpu.memref_slice %arg28[%dma_start3A_347] : memref<2x!tpu.dma_semaphore, #tpu.memory_space<semaphore_mem>> -> memref<1x!tpu.dma_semaphore, #tpu.memory_space<semaphore_mem>>
      %dma_start3A_357 = tpu.memref_squeeze %dma_start3A_356 : memref<1x!tpu.dma_semaphore, #tpu.memory_space<semaphore_mem>> -> memref<!tpu.dma_semaphore, #tpu.memory_space<semaphore_mem>>
      tpu.enqueue_indirect_dma source(%dma_start3A_350 : memref<128xf32, #tpu.memory_space<vmem>>) target(%dma_start3A_355 : memref<65536xf32, #tpu.memory_space<vmem_shared>>) offsets(%dma_start3A_353 : memref<128xi32, #tpu.memory_space<vmem>>) semaphore(%dma_start3A_357 : memref<!tpu.dma_semaphore, #tpu.memory_space<semaphore_mem>>) {add = true}
      %dma_start3A_358 = arith.constant 8 : i32
      %dma_start3A_359 = arith.constant 8 : i32
      %dma_start3A_360 = arith.constant 0 : i32
      %dma_start3A_361 = arith.constant 0 : i32
      %dma_start3A_362 = tpu.memref_slice %arg22[%dma_start3A_358, %dma_start3A_361] : memref<16x128xf32, #tpu.memory_space<vmem>> -> memref<1x128xf32, #tpu.memory_space<vmem>>
      %dma_start3A_363 = tpu.memref_squeeze %dma_start3A_362 : memref<1x128xf32, #tpu.memory_space<vmem>> -> memref<128xf32, #tpu.memory_space<vmem>>
      %dma_start3A_364 = arith.constant 0 : i32
      %dma_start3A_365 = tpu.memref_slice %arg12[%dma_start3A_359, %dma_start3A_364] : memref<16x128xi32, #tpu.memory_space<vmem>> -> memref<1x128xi32, #tpu.memory_space<vmem>>
      %dma_start3A_366 = tpu.memref_squeeze %dma_start3A_365 : memref<1x128xi32, #tpu.memory_space<vmem>> -> memref<128xi32, #tpu.memory_space<vmem>>
      %dma_start3A_367 = arith.constant 0 : i32
      %dma_start3A_368 = tpu.memref_slice %arg25[%dma_start3A_367] : memref<65536xf32, #tpu.memory_space<vmem_shared>> -> memref<65536xf32, #tpu.memory_space<vmem_shared>>
      %dma_start3A_369 = tpu.memref_slice %arg28[%dma_start3A_360] : memref<2x!tpu.dma_semaphore, #tpu.memory_space<semaphore_mem>> -> memref<1x!tpu.dma_semaphore, #tpu.memory_space<semaphore_mem>>
      %dma_start3A_370 = tpu.memref_squeeze %dma_start3A_369 : memref<1x!tpu.dma_semaphore, #tpu.memory_space<semaphore_mem>> -> memref<!tpu.dma_semaphore, #tpu.memory_space<semaphore_mem>>
      tpu.enqueue_indirect_dma source(%dma_start3A_363 : memref<128xf32, #tpu.memory_space<vmem>>) target(%dma_start3A_368 : memref<65536xf32, #tpu.memory_space<vmem_shared>>) offsets(%dma_start3A_366 : memref<128xi32, #tpu.memory_space<vmem>>) semaphore(%dma_start3A_370 : memref<!tpu.dma_semaphore, #tpu.memory_space<semaphore_mem>>) {add = true}
      %dma_start3A_371 = arith.constant 9 : i32
      %dma_start3A_372 = arith.constant 9 : i32
      %dma_start3A_373 = arith.constant 0 : i32
      %dma_start3A_374 = arith.constant 0 : i32
      %dma_start3A_375 = tpu.memref_slice %arg20[%dma_start3A_371, %dma_start3A_374] : memref<16x128xf32, #tpu.memory_space<vmem>> -> memref<1x128xf32, #tpu.memory_space<vmem>>
      %dma_start3A_376 = tpu.memref_squeeze %dma_start3A_375 : memref<1x128xf32, #tpu.memory_space<vmem>> -> memref<128xf32, #tpu.memory_space<vmem>>
      %dma_start3A_377 = arith.constant 0 : i32
      %dma_start3A_378 = tpu.memref_slice %arg8[%dma_start3A_372, %dma_start3A_377] : memref<16x128xi32, #tpu.memory_space<vmem>> -> memref<1x128xi32, #tpu.memory_space<vmem>>
      %dma_start3A_379 = tpu.memref_squeeze %dma_start3A_378 : memref<1x128xi32, #tpu.memory_space<vmem>> -> memref<128xi32, #tpu.memory_space<vmem>>
      %dma_start3A_380 = arith.constant 0 : i32
      %dma_start3A_381 = tpu.memref_slice %arg25[%dma_start3A_380] : memref<65536xf32, #tpu.memory_space<vmem_shared>> -> memref<65536xf32, #tpu.memory_space<vmem_shared>>
      %dma_start3A_382 = tpu.memref_slice %arg28[%dma_start3A_373] : memref<2x!tpu.dma_semaphore, #tpu.memory_space<semaphore_mem>> -> memref<1x!tpu.dma_semaphore, #tpu.memory_space<semaphore_mem>>
      %dma_start3A_383 = tpu.memref_squeeze %dma_start3A_382 : memref<1x!tpu.dma_semaphore, #tpu.memory_space<semaphore_mem>> -> memref<!tpu.dma_semaphore, #tpu.memory_space<semaphore_mem>>
      tpu.enqueue_indirect_dma source(%dma_start3A_376 : memref<128xf32, #tpu.memory_space<vmem>>) target(%dma_start3A_381 : memref<65536xf32, #tpu.memory_space<vmem_shared>>) offsets(%dma_start3A_379 : memref<128xi32, #tpu.memory_space<vmem>>) semaphore(%dma_start3A_383 : memref<!tpu.dma_semaphore, #tpu.memory_space<semaphore_mem>>) {add = true}
      %dma_start3A_384 = arith.constant 9 : i32
      %dma_start3A_385 = arith.constant 9 : i32
      %dma_start3A_386 = arith.constant 0 : i32
      %dma_start3A_387 = arith.constant 0 : i32
      %dma_start3A_388 = tpu.memref_slice %arg22[%dma_start3A_384, %dma_start3A_387] : memref<16x128xf32, #tpu.memory_space<vmem>> -> memref<1x128xf32, #tpu.memory_space<vmem>>
      %dma_start3A_389 = tpu.memref_squeeze %dma_start3A_388 : memref<1x128xf32, #tpu.memory_space<vmem>> -> memref<128xf32, #tpu.memory_space<vmem>>
      %dma_start3A_390 = arith.constant 0 : i32
      %dma_start3A_391 = tpu.memref_slice %arg12[%dma_start3A_385, %dma_start3A_390] : memref<16x128xi32, #tpu.memory_space<vmem>> -> memref<1x128xi32, #tpu.memory_space<vmem>>
      %dma_start3A_392 = tpu.memref_squeeze %dma_start3A_391 : memref<1x128xi32, #tpu.memory_space<vmem>> -> memref<128xi32, #tpu.memory_space<vmem>>
      %dma_start3A_393 = arith.constant 0 : i32
      %dma_start3A_394 = tpu.memref_slice %arg25[%dma_start3A_393] : memref<65536xf32, #tpu.memory_space<vmem_shared>> -> memref<65536xf32, #tpu.memory_space<vmem_shared>>
      %dma_start3A_395 = tpu.memref_slice %arg28[%dma_start3A_386] : memref<2x!tpu.dma_semaphore, #tpu.memory_space<semaphore_mem>> -> memref<1x!tpu.dma_semaphore, #tpu.memory_space<semaphore_mem>>
      %dma_start3A_396 = tpu.memref_squeeze %dma_start3A_395 : memref<1x!tpu.dma_semaphore, #tpu.memory_space<semaphore_mem>> -> memref<!tpu.dma_semaphore, #tpu.memory_space<semaphore_mem>>
      tpu.enqueue_indirect_dma source(%dma_start3A_389 : memref<128xf32, #tpu.memory_space<vmem>>) target(%dma_start3A_394 : memref<65536xf32, #tpu.memory_space<vmem_shared>>) offsets(%dma_start3A_392 : memref<128xi32, #tpu.memory_space<vmem>>) semaphore(%dma_start3A_396 : memref<!tpu.dma_semaphore, #tpu.memory_space<semaphore_mem>>) {add = true}
      %dma_start3A_397 = arith.constant 10 : i32
      %dma_start3A_398 = arith.constant 10 : i32
      %dma_start3A_399 = arith.constant 0 : i32
      %dma_start3A_400 = arith.constant 0 : i32
      %dma_start3A_401 = tpu.memref_slice %arg20[%dma_start3A_397, %dma_start3A_400] : memref<16x128xf32, #tpu.memory_space<vmem>> -> memref<1x128xf32, #tpu.memory_space<vmem>>
      %dma_start3A_402 = tpu.memref_squeeze %dma_start3A_401 : memref<1x128xf32, #tpu.memory_space<vmem>> -> memref<128xf32, #tpu.memory_space<vmem>>
      %dma_start3A_403 = arith.constant 0 : i32
      %dma_start3A_404 = tpu.memref_slice %arg8[%dma_start3A_398, %dma_start3A_403] : memref<16x128xi32, #tpu.memory_space<vmem>> -> memref<1x128xi32, #tpu.memory_space<vmem>>
      %dma_start3A_405 = tpu.memref_squeeze %dma_start3A_404 : memref<1x128xi32, #tpu.memory_space<vmem>> -> memref<128xi32, #tpu.memory_space<vmem>>
      %dma_start3A_406 = arith.constant 0 : i32
      %dma_start3A_407 = tpu.memref_slice %arg25[%dma_start3A_406] : memref<65536xf32, #tpu.memory_space<vmem_shared>> -> memref<65536xf32, #tpu.memory_space<vmem_shared>>
      %dma_start3A_408 = tpu.memref_slice %arg28[%dma_start3A_399] : memref<2x!tpu.dma_semaphore, #tpu.memory_space<semaphore_mem>> -> memref<1x!tpu.dma_semaphore, #tpu.memory_space<semaphore_mem>>
      %dma_start3A_409 = tpu.memref_squeeze %dma_start3A_408 : memref<1x!tpu.dma_semaphore, #tpu.memory_space<semaphore_mem>> -> memref<!tpu.dma_semaphore, #tpu.memory_space<semaphore_mem>>
      tpu.enqueue_indirect_dma source(%dma_start3A_402 : memref<128xf32, #tpu.memory_space<vmem>>) target(%dma_start3A_407 : memref<65536xf32, #tpu.memory_space<vmem_shared>>) offsets(%dma_start3A_405 : memref<128xi32, #tpu.memory_space<vmem>>) semaphore(%dma_start3A_409 : memref<!tpu.dma_semaphore, #tpu.memory_space<semaphore_mem>>) {add = true}
      %dma_start3A_410 = arith.constant 10 : i32
      %dma_start3A_411 = arith.constant 10 : i32
      %dma_start3A_412 = arith.constant 0 : i32
      %dma_start3A_413 = arith.constant 0 : i32
      %dma_start3A_414 = tpu.memref_slice %arg22[%dma_start3A_410, %dma_start3A_413] : memref<16x128xf32, #tpu.memory_space<vmem>> -> memref<1x128xf32, #tpu.memory_space<vmem>>
      %dma_start3A_415 = tpu.memref_squeeze %dma_start3A_414 : memref<1x128xf32, #tpu.memory_space<vmem>> -> memref<128xf32, #tpu.memory_space<vmem>>
      %dma_start3A_416 = arith.constant 0 : i32
      %dma_start3A_417 = tpu.memref_slice %arg12[%dma_start3A_411, %dma_start3A_416] : memref<16x128xi32, #tpu.memory_space<vmem>> -> memref<1x128xi32, #tpu.memory_space<vmem>>
      %dma_start3A_418 = tpu.memref_squeeze %dma_start3A_417 : memref<1x128xi32, #tpu.memory_space<vmem>> -> memref<128xi32, #tpu.memory_space<vmem>>
      %dma_start3A_419 = arith.constant 0 : i32
      %dma_start3A_420 = tpu.memref_slice %arg25[%dma_start3A_419] : memref<65536xf32, #tpu.memory_space<vmem_shared>> -> memref<65536xf32, #tpu.memory_space<vmem_shared>>
      %dma_start3A_421 = tpu.memref_slice %arg28[%dma_start3A_412] : memref<2x!tpu.dma_semaphore, #tpu.memory_space<semaphore_mem>> -> memref<1x!tpu.dma_semaphore, #tpu.memory_space<semaphore_mem>>
      %dma_start3A_422 = tpu.memref_squeeze %dma_start3A_421 : memref<1x!tpu.dma_semaphore, #tpu.memory_space<semaphore_mem>> -> memref<!tpu.dma_semaphore, #tpu.memory_space<semaphore_mem>>
      tpu.enqueue_indirect_dma source(%dma_start3A_415 : memref<128xf32, #tpu.memory_space<vmem>>) target(%dma_start3A_420 : memref<65536xf32, #tpu.memory_space<vmem_shared>>) offsets(%dma_start3A_418 : memref<128xi32, #tpu.memory_space<vmem>>) semaphore(%dma_start3A_422 : memref<!tpu.dma_semaphore, #tpu.memory_space<semaphore_mem>>) {add = true}
      %dma_start3A_423 = arith.constant 11 : i32
      %dma_start3A_424 = arith.constant 11 : i32
      %dma_start3A_425 = arith.constant 0 : i32
      %dma_start3A_426 = arith.constant 0 : i32
      %dma_start3A_427 = tpu.memref_slice %arg20[%dma_start3A_423, %dma_start3A_426] : memref<16x128xf32, #tpu.memory_space<vmem>> -> memref<1x128xf32, #tpu.memory_space<vmem>>
      %dma_start3A_428 = tpu.memref_squeeze %dma_start3A_427 : memref<1x128xf32, #tpu.memory_space<vmem>> -> memref<128xf32, #tpu.memory_space<vmem>>
      %dma_start3A_429 = arith.constant 0 : i32
      %dma_start3A_430 = tpu.memref_slice %arg8[%dma_start3A_424, %dma_start3A_429] : memref<16x128xi32, #tpu.memory_space<vmem>> -> memref<1x128xi32, #tpu.memory_space<vmem>>
      %dma_start3A_431 = tpu.memref_squeeze %dma_start3A_430 : memref<1x128xi32, #tpu.memory_space<vmem>> -> memref<128xi32, #tpu.memory_space<vmem>>
      %dma_start3A_432 = arith.constant 0 : i32
      %dma_start3A_433 = tpu.memref_slice %arg25[%dma_start3A_432] : memref<65536xf32, #tpu.memory_space<vmem_shared>> -> memref<65536xf32, #tpu.memory_space<vmem_shared>>
      %dma_start3A_434 = tpu.memref_slice %arg28[%dma_start3A_425] : memref<2x!tpu.dma_semaphore, #tpu.memory_space<semaphore_mem>> -> memref<1x!tpu.dma_semaphore, #tpu.memory_space<semaphore_mem>>
      %dma_start3A_435 = tpu.memref_squeeze %dma_start3A_434 : memref<1x!tpu.dma_semaphore, #tpu.memory_space<semaphore_mem>> -> memref<!tpu.dma_semaphore, #tpu.memory_space<semaphore_mem>>
      tpu.enqueue_indirect_dma source(%dma_start3A_428 : memref<128xf32, #tpu.memory_space<vmem>>) target(%dma_start3A_433 : memref<65536xf32, #tpu.memory_space<vmem_shared>>) offsets(%dma_start3A_431 : memref<128xi32, #tpu.memory_space<vmem>>) semaphore(%dma_start3A_435 : memref<!tpu.dma_semaphore, #tpu.memory_space<semaphore_mem>>) {add = true}
      %dma_start3A_436 = arith.constant 11 : i32
      %dma_start3A_437 = arith.constant 11 : i32
      %dma_start3A_438 = arith.constant 0 : i32
      %dma_start3A_439 = arith.constant 0 : i32
      %dma_start3A_440 = tpu.memref_slice %arg22[%dma_start3A_436, %dma_start3A_439] : memref<16x128xf32, #tpu.memory_space<vmem>> -> memref<1x128xf32, #tpu.memory_space<vmem>>
      %dma_start3A_441 = tpu.memref_squeeze %dma_start3A_440 : memref<1x128xf32, #tpu.memory_space<vmem>> -> memref<128xf32, #tpu.memory_space<vmem>>
      %dma_start3A_442 = arith.constant 0 : i32
      %dma_start3A_443 = tpu.memref_slice %arg12[%dma_start3A_437, %dma_start3A_442] : memref<16x128xi32, #tpu.memory_space<vmem>> -> memref<1x128xi32, #tpu.memory_space<vmem>>
      %dma_start3A_444 = tpu.memref_squeeze %dma_start3A_443 : memref<1x128xi32, #tpu.memory_space<vmem>> -> memref<128xi32, #tpu.memory_space<vmem>>
      %dma_start3A_445 = arith.constant 0 : i32
      %dma_start3A_446 = tpu.memref_slice %arg25[%dma_start3A_445] : memref<65536xf32, #tpu.memory_space<vmem_shared>> -> memref<65536xf32, #tpu.memory_space<vmem_shared>>
      %dma_start3A_447 = tpu.memref_slice %arg28[%dma_start3A_438] : memref<2x!tpu.dma_semaphore, #tpu.memory_space<semaphore_mem>> -> memref<1x!tpu.dma_semaphore, #tpu.memory_space<semaphore_mem>>
      %dma_start3A_448 = tpu.memref_squeeze %dma_start3A_447 : memref<1x!tpu.dma_semaphore, #tpu.memory_space<semaphore_mem>> -> memref<!tpu.dma_semaphore, #tpu.memory_space<semaphore_mem>>
      tpu.enqueue_indirect_dma source(%dma_start3A_441 : memref<128xf32, #tpu.memory_space<vmem>>) target(%dma_start3A_446 : memref<65536xf32, #tpu.memory_space<vmem_shared>>) offsets(%dma_start3A_444 : memref<128xi32, #tpu.memory_space<vmem>>) semaphore(%dma_start3A_448 : memref<!tpu.dma_semaphore, #tpu.memory_space<semaphore_mem>>) {add = true}
      %dma_start3A_449 = arith.constant 12 : i32
      %dma_start3A_450 = arith.constant 12 : i32
      %dma_start3A_451 = arith.constant 0 : i32
      %dma_start3A_452 = arith.constant 0 : i32
      %dma_start3A_453 = tpu.memref_slice %arg20[%dma_start3A_449, %dma_start3A_452] : memref<16x128xf32, #tpu.memory_space<vmem>> -> memref<1x128xf32, #tpu.memory_space<vmem>>
      %dma_start3A_454 = tpu.memref_squeeze %dma_start3A_453 : memref<1x128xf32, #tpu.memory_space<vmem>> -> memref<128xf32, #tpu.memory_space<vmem>>
      %dma_start3A_455 = arith.constant 0 : i32
      %dma_start3A_456 = tpu.memref_slice %arg8[%dma_start3A_450, %dma_start3A_455] : memref<16x128xi32, #tpu.memory_space<vmem>> -> memref<1x128xi32, #tpu.memory_space<vmem>>
      %dma_start3A_457 = tpu.memref_squeeze %dma_start3A_456 : memref<1x128xi32, #tpu.memory_space<vmem>> -> memref<128xi32, #tpu.memory_space<vmem>>
      %dma_start3A_458 = arith.constant 0 : i32
      %dma_start3A_459 = tpu.memref_slice %arg25[%dma_start3A_458] : memref<65536xf32, #tpu.memory_space<vmem_shared>> -> memref<65536xf32, #tpu.memory_space<vmem_shared>>
      %dma_start3A_460 = tpu.memref_slice %arg28[%dma_start3A_451] : memref<2x!tpu.dma_semaphore, #tpu.memory_space<semaphore_mem>> -> memref<1x!tpu.dma_semaphore, #tpu.memory_space<semaphore_mem>>
      %dma_start3A_461 = tpu.memref_squeeze %dma_start3A_460 : memref<1x!tpu.dma_semaphore, #tpu.memory_space<semaphore_mem>> -> memref<!tpu.dma_semaphore, #tpu.memory_space<semaphore_mem>>
      tpu.enqueue_indirect_dma source(%dma_start3A_454 : memref<128xf32, #tpu.memory_space<vmem>>) target(%dma_start3A_459 : memref<65536xf32, #tpu.memory_space<vmem_shared>>) offsets(%dma_start3A_457 : memref<128xi32, #tpu.memory_space<vmem>>) semaphore(%dma_start3A_461 : memref<!tpu.dma_semaphore, #tpu.memory_space<semaphore_mem>>) {add = true}
      %dma_start3A_462 = arith.constant 12 : i32
      %dma_start3A_463 = arith.constant 12 : i32
      %dma_start3A_464 = arith.constant 0 : i32
      %dma_start3A_465 = arith.constant 0 : i32
      %dma_start3A_466 = tpu.memref_slice %arg22[%dma_start3A_462, %dma_start3A_465] : memref<16x128xf32, #tpu.memory_space<vmem>> -> memref<1x128xf32, #tpu.memory_space<vmem>>
      %dma_start3A_467 = tpu.memref_squeeze %dma_start3A_466 : memref<1x128xf32, #tpu.memory_space<vmem>> -> memref<128xf32, #tpu.memory_space<vmem>>
      %dma_start3A_468 = arith.constant 0 : i32
      %dma_start3A_469 = tpu.memref_slice %arg12[%dma_start3A_463, %dma_start3A_468] : memref<16x128xi32, #tpu.memory_space<vmem>> -> memref<1x128xi32, #tpu.memory_space<vmem>>
      %dma_start3A_470 = tpu.memref_squeeze %dma_start3A_469 : memref<1x128xi32, #tpu.memory_space<vmem>> -> memref<128xi32, #tpu.memory_space<vmem>>
      %dma_start3A_471 = arith.constant 0 : i32
      %dma_start3A_472 = tpu.memref_slice %arg25[%dma_start3A_471] : memref<65536xf32, #tpu.memory_space<vmem_shared>> -> memref<65536xf32, #tpu.memory_space<vmem_shared>>
      %dma_start3A_473 = tpu.memref_slice %arg28[%dma_start3A_464] : memref<2x!tpu.dma_semaphore, #tpu.memory_space<semaphore_mem>> -> memref<1x!tpu.dma_semaphore, #tpu.memory_space<semaphore_mem>>
      %dma_start3A_474 = tpu.memref_squeeze %dma_start3A_473 : memref<1x!tpu.dma_semaphore, #tpu.memory_space<semaphore_mem>> -> memref<!tpu.dma_semaphore, #tpu.memory_space<semaphore_mem>>
      tpu.enqueue_indirect_dma source(%dma_start3A_467 : memref<128xf32, #tpu.memory_space<vmem>>) target(%dma_start3A_472 : memref<65536xf32, #tpu.memory_space<vmem_shared>>) offsets(%dma_start3A_470 : memref<128xi32, #tpu.memory_space<vmem>>) semaphore(%dma_start3A_474 : memref<!tpu.dma_semaphore, #tpu.memory_space<semaphore_mem>>) {add = true}
      %dma_start3A_475 = arith.constant 13 : i32
      %dma_start3A_476 = arith.constant 13 : i32
      %dma_start3A_477 = arith.constant 0 : i32
      %dma_start3A_478 = arith.constant 0 : i32
      %dma_start3A_479 = tpu.memref_slice %arg20[%dma_start3A_475, %dma_start3A_478] : memref<16x128xf32, #tpu.memory_space<vmem>> -> memref<1x128xf32, #tpu.memory_space<vmem>>
      %dma_start3A_480 = tpu.memref_squeeze %dma_start3A_479 : memref<1x128xf32, #tpu.memory_space<vmem>> -> memref<128xf32, #tpu.memory_space<vmem>>
      %dma_start3A_481 = arith.constant 0 : i32
      %dma_start3A_482 = tpu.memref_slice %arg8[%dma_start3A_476, %dma_start3A_481] : memref<16x128xi32, #tpu.memory_space<vmem>> -> memref<1x128xi32, #tpu.memory_space<vmem>>
      %dma_start3A_483 = tpu.memref_squeeze %dma_start3A_482 : memref<1x128xi32, #tpu.memory_space<vmem>> -> memref<128xi32, #tpu.memory_space<vmem>>
      %dma_start3A_484 = arith.constant 0 : i32
      %dma_start3A_485 = tpu.memref_slice %arg25[%dma_start3A_484] : memref<65536xf32, #tpu.memory_space<vmem_shared>> -> memref<65536xf32, #tpu.memory_space<vmem_shared>>
      %dma_start3A_486 = tpu.memref_slice %arg28[%dma_start3A_477] : memref<2x!tpu.dma_semaphore, #tpu.memory_space<semaphore_mem>> -> memref<1x!tpu.dma_semaphore, #tpu.memory_space<semaphore_mem>>
      %dma_start3A_487 = tpu.memref_squeeze %dma_start3A_486 : memref<1x!tpu.dma_semaphore, #tpu.memory_space<semaphore_mem>> -> memref<!tpu.dma_semaphore, #tpu.memory_space<semaphore_mem>>
      tpu.enqueue_indirect_dma source(%dma_start3A_480 : memref<128xf32, #tpu.memory_space<vmem>>) target(%dma_start3A_485 : memref<65536xf32, #tpu.memory_space<vmem_shared>>) offsets(%dma_start3A_483 : memref<128xi32, #tpu.memory_space<vmem>>) semaphore(%dma_start3A_487 : memref<!tpu.dma_semaphore, #tpu.memory_space<semaphore_mem>>) {add = true}
      %dma_start3A_488 = arith.constant 13 : i32
      %dma_start3A_489 = arith.constant 13 : i32
      %dma_start3A_490 = arith.constant 0 : i32
      %dma_start3A_491 = arith.constant 0 : i32
      %dma_start3A_492 = tpu.memref_slice %arg22[%dma_start3A_488, %dma_start3A_491] : memref<16x128xf32, #tpu.memory_space<vmem>> -> memref<1x128xf32, #tpu.memory_space<vmem>>
      %dma_start3A_493 = tpu.memref_squeeze %dma_start3A_492 : memref<1x128xf32, #tpu.memory_space<vmem>> -> memref<128xf32, #tpu.memory_space<vmem>>
      %dma_start3A_494 = arith.constant 0 : i32
      %dma_start3A_495 = tpu.memref_slice %arg12[%dma_start3A_489, %dma_start3A_494] : memref<16x128xi32, #tpu.memory_space<vmem>> -> memref<1x128xi32, #tpu.memory_space<vmem>>
      %dma_start3A_496 = tpu.memref_squeeze %dma_start3A_495 : memref<1x128xi32, #tpu.memory_space<vmem>> -> memref<128xi32, #tpu.memory_space<vmem>>
      %dma_start3A_497 = arith.constant 0 : i32
      %dma_start3A_498 = tpu.memref_slice %arg25[%dma_start3A_497] : memref<65536xf32, #tpu.memory_space<vmem_shared>> -> memref<65536xf32, #tpu.memory_space<vmem_shared>>
      %dma_start3A_499 = tpu.memref_slice %arg28[%dma_start3A_490] : memref<2x!tpu.dma_semaphore, #tpu.memory_space<semaphore_mem>> -> memref<1x!tpu.dma_semaphore, #tpu.memory_space<semaphore_mem>>
      %dma_start3A_500 = tpu.memref_squeeze %dma_start3A_499 : memref<1x!tpu.dma_semaphore, #tpu.memory_space<semaphore_mem>> -> memref<!tpu.dma_semaphore, #tpu.memory_space<semaphore_mem>>
      tpu.enqueue_indirect_dma source(%dma_start3A_493 : memref<128xf32, #tpu.memory_space<vmem>>) target(%dma_start3A_498 : memref<65536xf32, #tpu.memory_space<vmem_shared>>) offsets(%dma_start3A_496 : memref<128xi32, #tpu.memory_space<vmem>>) semaphore(%dma_start3A_500 : memref<!tpu.dma_semaphore, #tpu.memory_space<semaphore_mem>>) {add = true}
      %dma_start3A_501 = arith.constant 14 : i32
      %dma_start3A_502 = arith.constant 14 : i32
      %dma_start3A_503 = arith.constant 0 : i32
      %dma_start3A_504 = arith.constant 0 : i32
      %dma_start3A_505 = tpu.memref_slice %arg20[%dma_start3A_501, %dma_start3A_504] : memref<16x128xf32, #tpu.memory_space<vmem>> -> memref<1x128xf32, #tpu.memory_space<vmem>>
      %dma_start3A_506 = tpu.memref_squeeze %dma_start3A_505 : memref<1x128xf32, #tpu.memory_space<vmem>> -> memref<128xf32, #tpu.memory_space<vmem>>
      %dma_start3A_507 = arith.constant 0 : i32
      %dma_start3A_508 = tpu.memref_slice %arg8[%dma_start3A_502, %dma_start3A_507] : memref<16x128xi32, #tpu.memory_space<vmem>> -> memref<1x128xi32, #tpu.memory_space<vmem>>
      %dma_start3A_509 = tpu.memref_squeeze %dma_start3A_508 : memref<1x128xi32, #tpu.memory_space<vmem>> -> memref<128xi32, #tpu.memory_space<vmem>>
      %dma_start3A_510 = arith.constant 0 : i32
      %dma_start3A_511 = tpu.memref_slice %arg25[%dma_start3A_510] : memref<65536xf32, #tpu.memory_space<vmem_shared>> -> memref<65536xf32, #tpu.memory_space<vmem_shared>>
      %dma_start3A_512 = tpu.memref_slice %arg28[%dma_start3A_503] : memref<2x!tpu.dma_semaphore, #tpu.memory_space<semaphore_mem>> -> memref<1x!tpu.dma_semaphore, #tpu.memory_space<semaphore_mem>>
      %dma_start3A_513 = tpu.memref_squeeze %dma_start3A_512 : memref<1x!tpu.dma_semaphore, #tpu.memory_space<semaphore_mem>> -> memref<!tpu.dma_semaphore, #tpu.memory_space<semaphore_mem>>
      tpu.enqueue_indirect_dma source(%dma_start3A_506 : memref<128xf32, #tpu.memory_space<vmem>>) target(%dma_start3A_511 : memref<65536xf32, #tpu.memory_space<vmem_shared>>) offsets(%dma_start3A_509 : memref<128xi32, #tpu.memory_space<vmem>>) semaphore(%dma_start3A_513 : memref<!tpu.dma_semaphore, #tpu.memory_space<semaphore_mem>>) {add = true}
      %dma_start3A_514 = arith.constant 14 : i32
      %dma_start3A_515 = arith.constant 14 : i32
      %dma_start3A_516 = arith.constant 0 : i32
      %dma_start3A_517 = arith.constant 0 : i32
      %dma_start3A_518 = tpu.memref_slice %arg22[%dma_start3A_514, %dma_start3A_517] : memref<16x128xf32, #tpu.memory_space<vmem>> -> memref<1x128xf32, #tpu.memory_space<vmem>>
      %dma_start3A_519 = tpu.memref_squeeze %dma_start3A_518 : memref<1x128xf32, #tpu.memory_space<vmem>> -> memref<128xf32, #tpu.memory_space<vmem>>
      %dma_start3A_520 = arith.constant 0 : i32
      %dma_start3A_521 = tpu.memref_slice %arg12[%dma_start3A_515, %dma_start3A_520] : memref<16x128xi32, #tpu.memory_space<vmem>> -> memref<1x128xi32, #tpu.memory_space<vmem>>
      %dma_start3A_522 = tpu.memref_squeeze %dma_start3A_521 : memref<1x128xi32, #tpu.memory_space<vmem>> -> memref<128xi32, #tpu.memory_space<vmem>>
      %dma_start3A_523 = arith.constant 0 : i32
      %dma_start3A_524 = tpu.memref_slice %arg25[%dma_start3A_523] : memref<65536xf32, #tpu.memory_space<vmem_shared>> -> memref<65536xf32, #tpu.memory_space<vmem_shared>>
      %dma_start3A_525 = tpu.memref_slice %arg28[%dma_start3A_516] : memref<2x!tpu.dma_semaphore, #tpu.memory_space<semaphore_mem>> -> memref<1x!tpu.dma_semaphore, #tpu.memory_space<semaphore_mem>>
      %dma_start3A_526 = tpu.memref_squeeze %dma_start3A_525 : memref<1x!tpu.dma_semaphore, #tpu.memory_space<semaphore_mem>> -> memref<!tpu.dma_semaphore, #tpu.memory_space<semaphore_mem>>
      tpu.enqueue_indirect_dma source(%dma_start3A_519 : memref<128xf32, #tpu.memory_space<vmem>>) target(%dma_start3A_524 : memref<65536xf32, #tpu.memory_space<vmem_shared>>) offsets(%dma_start3A_522 : memref<128xi32, #tpu.memory_space<vmem>>) semaphore(%dma_start3A_526 : memref<!tpu.dma_semaphore, #tpu.memory_space<semaphore_mem>>) {add = true}
      %dma_start3A_527 = arith.constant 15 : i32
      %dma_start3A_528 = arith.constant 15 : i32
      %dma_start3A_529 = arith.constant 0 : i32
      %dma_start3A_530 = arith.constant 0 : i32
      %dma_start3A_531 = tpu.memref_slice %arg20[%dma_start3A_527, %dma_start3A_530] : memref<16x128xf32, #tpu.memory_space<vmem>> -> memref<1x128xf32, #tpu.memory_space<vmem>>
      %dma_start3A_532 = tpu.memref_squeeze %dma_start3A_531 : memref<1x128xf32, #tpu.memory_space<vmem>> -> memref<128xf32, #tpu.memory_space<vmem>>
      %dma_start3A_533 = arith.constant 0 : i32
      %dma_start3A_534 = tpu.memref_slice %arg8[%dma_start3A_528, %dma_start3A_533] : memref<16x128xi32, #tpu.memory_space<vmem>> -> memref<1x128xi32, #tpu.memory_space<vmem>>
      %dma_start3A_535 = tpu.memref_squeeze %dma_start3A_534 : memref<1x128xi32, #tpu.memory_space<vmem>> -> memref<128xi32, #tpu.memory_space<vmem>>
      %dma_start3A_536 = arith.constant 0 : i32
      %dma_start3A_537 = tpu.memref_slice %arg25[%dma_start3A_536] : memref<65536xf32, #tpu.memory_space<vmem_shared>> -> memref<65536xf32, #tpu.memory_space<vmem_shared>>
      %dma_start3A_538 = tpu.memref_slice %arg28[%dma_start3A_529] : memref<2x!tpu.dma_semaphore, #tpu.memory_space<semaphore_mem>> -> memref<1x!tpu.dma_semaphore, #tpu.memory_space<semaphore_mem>>
      %dma_start3A_539 = tpu.memref_squeeze %dma_start3A_538 : memref<1x!tpu.dma_semaphore, #tpu.memory_space<semaphore_mem>> -> memref<!tpu.dma_semaphore, #tpu.memory_space<semaphore_mem>>
      tpu.enqueue_indirect_dma source(%dma_start3A_532 : memref<128xf32, #tpu.memory_space<vmem>>) target(%dma_start3A_537 : memref<65536xf32, #tpu.memory_space<vmem_shared>>) offsets(%dma_start3A_535 : memref<128xi32, #tpu.memory_space<vmem>>) semaphore(%dma_start3A_539 : memref<!tpu.dma_semaphore, #tpu.memory_space<semaphore_mem>>) {add = true}
      %dma_start3A_540 = arith.constant 15 : i32
      %dma_start3A_541 = arith.constant 15 : i32
      %dma_start3A_542 = arith.constant 0 : i32
      %dma_start3A_543 = arith.constant 0 : i32
      %dma_start3A_544 = tpu.memref_slice %arg22[%dma_start3A_540, %dma_start3A_543] : memref<16x128xf32, #tpu.memory_space<vmem>> -> memref<1x128xf32, #tpu.memory_space<vmem>>
      %dma_start3A_545 = tpu.memref_squeeze %dma_start3A_544 : memref<1x128xf32, #tpu.memory_space<vmem>> -> memref<128xf32, #tpu.memory_space<vmem>>
      %dma_start3A_546 = arith.constant 0 : i32
      %dma_start3A_547 = tpu.memref_slice %arg12[%dma_start3A_541, %dma_start3A_546] : memref<16x128xi32, #tpu.memory_space<vmem>> -> memref<1x128xi32, #tpu.memory_space<vmem>>
      %dma_start3A_548 = tpu.memref_squeeze %dma_start3A_547 : memref<1x128xi32, #tpu.memory_space<vmem>> -> memref<128xi32, #tpu.memory_space<vmem>>
      %dma_start3A_549 = arith.constant 0 : i32
      %dma_start3A_550 = tpu.memref_slice %arg25[%dma_start3A_549] : memref<65536xf32, #tpu.memory_space<vmem_shared>> -> memref<65536xf32, #tpu.memory_space<vmem_shared>>
      %dma_start3A_551 = tpu.memref_slice %arg28[%dma_start3A_542] : memref<2x!tpu.dma_semaphore, #tpu.memory_space<semaphore_mem>> -> memref<1x!tpu.dma_semaphore, #tpu.memory_space<semaphore_mem>>
      %dma_start3A_552 = tpu.memref_squeeze %dma_start3A_551 : memref<1x!tpu.dma_semaphore, #tpu.memory_space<semaphore_mem>> -> memref<!tpu.dma_semaphore, #tpu.memory_space<semaphore_mem>>
      tpu.enqueue_indirect_dma source(%dma_start3A_545 : memref<128xf32, #tpu.memory_space<vmem>>) target(%dma_start3A_550 : memref<65536xf32, #tpu.memory_space<vmem_shared>>) offsets(%dma_start3A_548 : memref<128xi32, #tpu.memory_space<vmem>>) semaphore(%dma_start3A_552 : memref<!tpu.dma_semaphore, #tpu.memory_space<semaphore_mem>>) {add = true}
      %add3A_553 = arith.constant 2 : i32
      %add3A_554 = arith.addi %add3A_105, %add3A_553 : i32
      %lt3A = arith.constant 64 : i32
      %lt3A_555 = arith.cmpi slt, %add3A_554, %lt3A : i32
      %convert_element_type3A_556 = arith.extui %lt3A_555 : i1 to i32
      %cond3A_557 = arith.constant 0 : i32
      %cond3A_558 = arith.cmpi ne, %convert_element_type3A_556, %cond3A_557 : i32
      scf.if %cond3A_558 {
        %add3A_1945 = arith.constant 2 : i32
        %add3A_1946 = arith.addi %add3A_105, %add3A_1945 : i32
        %mul3A_1947 = arith.constant 16 : i32
        %mul3A_1948 = arith.muli %add3A_1946, %mul3A_1947 : i32
        %add3A_1949 = arith.addi %mul3A_2, %mul3A_1948 : i32
        %dma_start3A_1950 = arith.constant 2 : i32
        %dma_start3A_1951 = arith.constant 0 : i32
        %dma_start3A_1952 = tpu.memref_slice %arg4[%add3A_1949, %dma_start3A_1951] : memref<32768x128xi32, #tpu.memory_space<hbm>> -> memref<16x128xi32, #tpu.memory_space<hbm>>
        %dma_start3A_1953 = tpu.memref_slice %arg26[%dma_start3A_1950] : memref<4x!tpu.dma_semaphore, #tpu.memory_space<semaphore_mem>> -> memref<1x!tpu.dma_semaphore, #tpu.memory_space<semaphore_mem>>
        %dma_start3A_1954 = tpu.memref_squeeze %dma_start3A_1953 : memref<1x!tpu.dma_semaphore, #tpu.memory_space<semaphore_mem>> -> memref<!tpu.dma_semaphore, #tpu.memory_space<semaphore_mem>>
        %dma_start3A_1955 = arith.constant 0 : i32
        %dma_start3A_1956 = tpu.memref_slice %arg4[%add3A_1949, %dma_start3A_1955] : memref<32768x128xi32, #tpu.memory_space<hbm>> -> memref<16x128xi32, #tpu.memory_space<hbm>>
        tpu.enqueue_dma source(%dma_start3A_1956 : memref<16x128xi32, #tpu.memory_space<hbm>>) target(%arg10 : memref<16x128xi32, #tpu.memory_space<vmem>>) target_semaphore(%dma_start3A_1954 : memref<!tpu.dma_semaphore, #tpu.memory_space<semaphore_mem>>)
        %dma_start3A_1957 = arith.constant 2 : i32
        %dma_start3A_1958 = arith.constant 0 : i32
        %dma_start3A_1959 = tpu.memref_slice %arg5[%add3A_1949, %dma_start3A_1958] : memref<32768x128xi32, #tpu.memory_space<hbm>> -> memref<16x128xi32, #tpu.memory_space<hbm>>
        %dma_start3A_1960 = tpu.memref_slice %arg26[%dma_start3A_1957] : memref<4x!tpu.dma_semaphore, #tpu.memory_space<semaphore_mem>> -> memref<1x!tpu.dma_semaphore, #tpu.memory_space<semaphore_mem>>
        %dma_start3A_1961 = tpu.memref_squeeze %dma_start3A_1960 : memref<1x!tpu.dma_semaphore, #tpu.memory_space<semaphore_mem>> -> memref<!tpu.dma_semaphore, #tpu.memory_space<semaphore_mem>>
        %dma_start3A_1962 = arith.constant 0 : i32
        %dma_start3A_1963 = tpu.memref_slice %arg5[%add3A_1949, %dma_start3A_1962] : memref<32768x128xi32, #tpu.memory_space<hbm>> -> memref<16x128xi32, #tpu.memory_space<hbm>>
        tpu.enqueue_dma source(%dma_start3A_1963 : memref<16x128xi32, #tpu.memory_space<hbm>>) target(%arg14 : memref<16x128xi32, #tpu.memory_space<vmem>>) target_semaphore(%dma_start3A_1961 : memref<!tpu.dma_semaphore, #tpu.memory_space<semaphore_mem>>)
        %dma_start3A_1964 = arith.constant 2 : i32
        %dma_start3A_1965 = arith.constant 0 : i32
        %dma_start3A_1966 = tpu.memref_slice %arg2[%add3A_1949, %dma_start3A_1965] : memref<32768x128xf32, #tpu.memory_space<hbm>> -> memref<16x128xf32, #tpu.memory_space<hbm>>
        %dma_start3A_1967 = tpu.memref_slice %arg27[%dma_start3A_1964] : memref<4x!tpu.dma_semaphore, #tpu.memory_space<semaphore_mem>> -> memref<1x!tpu.dma_semaphore, #tpu.memory_space<semaphore_mem>>
        %dma_start3A_1968 = tpu.memref_squeeze %dma_start3A_1967 : memref<1x!tpu.dma_semaphore, #tpu.memory_space<semaphore_mem>> -> memref<!tpu.dma_semaphore, #tpu.memory_space<semaphore_mem>>
        %dma_start3A_1969 = arith.constant 0 : i32
        %dma_start3A_1970 = tpu.memref_slice %arg2[%add3A_1949, %dma_start3A_1969] : memref<32768x128xf32, #tpu.memory_space<hbm>> -> memref<16x128xf32, #tpu.memory_space<hbm>>
        tpu.enqueue_dma source(%dma_start3A_1970 : memref<16x128xf32, #tpu.memory_space<hbm>>) target(%arg18 : memref<16x128xf32, #tpu.memory_space<vmem>>) target_semaphore(%dma_start3A_1968 : memref<!tpu.dma_semaphore, #tpu.memory_space<semaphore_mem>>)
      } else {
      }
      %mul3A_559 = arith.constant 4 : i32
      %mul3A_560 = arith.muli %scan3A_101, %mul3A_559 : i32
      %add3A_561 = arith.constant 1 : i32
      %add3A_562 = arith.addi %mul3A_560, %add3A_561 : i32
      %dma_wait3A_563 = arith.constant 1 : i32
      %dma_wait3A_564 = arith.constant 0 : i32
      %dma_wait3A_565 = arith.constant 0 : i32
      %dma_wait3A_566 = tpu.memref_slice %arg4[%dma_wait3A_564, %dma_wait3A_565] : memref<32768x128xi32, #tpu.memory_space<hbm>> -> memref<16x128xi32, #tpu.memory_space<hbm>>
      %dma_wait3A_567 = tpu.memref_slice %arg26[%dma_wait3A_563] : memref<4x!tpu.dma_semaphore, #tpu.memory_space<semaphore_mem>> -> memref<1x!tpu.dma_semaphore, #tpu.memory_space<semaphore_mem>>
      %dma_wait3A_568 = tpu.memref_squeeze %dma_wait3A_567 : memref<1x!tpu.dma_semaphore, #tpu.memory_space<semaphore_mem>> -> memref<!tpu.dma_semaphore, #tpu.memory_space<semaphore_mem>>
      %dma_wait3A_569 = arith.constant 0 : i32
      %dma_wait3A_570 = arith.constant 0 : i32
      %dma_wait3A_571 = tpu.memref_slice %arg4[%dma_wait3A_569, %dma_wait3A_570] : memref<32768x128xi32, #tpu.memory_space<hbm>> -> memref<16x128xi32, #tpu.memory_space<hbm>>
      tpu.wait_dma2 semaphore(%dma_wait3A_568 : memref<!tpu.dma_semaphore, #tpu.memory_space<semaphore_mem>>) src(%dma_wait3A_571 : memref<16x128xi32, #tpu.memory_space<hbm>>) dst(%arg9 : memref<16x128xi32, #tpu.memory_space<vmem>>)
      %dma_wait3A_572 = arith.constant 1 : i32
      %dma_wait3A_573 = arith.constant 0 : i32
      %dma_wait3A_574 = arith.constant 0 : i32
      %dma_wait3A_575 = tpu.memref_slice %arg5[%dma_wait3A_573, %dma_wait3A_574] : memref<32768x128xi32, #tpu.memory_space<hbm>> -> memref<16x128xi32, #tpu.memory_space<hbm>>
      %dma_wait3A_576 = tpu.memref_slice %arg26[%dma_wait3A_572] : memref<4x!tpu.dma_semaphore, #tpu.memory_space<semaphore_mem>> -> memref<1x!tpu.dma_semaphore, #tpu.memory_space<semaphore_mem>>
      %dma_wait3A_577 = tpu.memref_squeeze %dma_wait3A_576 : memref<1x!tpu.dma_semaphore, #tpu.memory_space<semaphore_mem>> -> memref<!tpu.dma_semaphore, #tpu.memory_space<semaphore_mem>>
      %dma_wait3A_578 = arith.constant 0 : i32
      %dma_wait3A_579 = arith.constant 0 : i32
      %dma_wait3A_580 = tpu.memref_slice %arg5[%dma_wait3A_578, %dma_wait3A_579] : memref<32768x128xi32, #tpu.memory_space<hbm>> -> memref<16x128xi32, #tpu.memory_space<hbm>>
      tpu.wait_dma2 semaphore(%dma_wait3A_577 : memref<!tpu.dma_semaphore, #tpu.memory_space<semaphore_mem>>) src(%dma_wait3A_580 : memref<16x128xi32, #tpu.memory_space<hbm>>) dst(%arg13 : memref<16x128xi32, #tpu.memory_space<vmem>>)
      %dma_wait3A_581 = arith.constant 1 : i32
      %dma_wait3A_582 = arith.constant 0 : i32
      %dma_wait3A_583 = arith.constant 0 : i32
      %dma_wait3A_584 = tpu.memref_slice %arg2[%dma_wait3A_582, %dma_wait3A_583] : memref<32768x128xf32, #tpu.memory_space<hbm>> -> memref<16x128xf32, #tpu.memory_space<hbm>>
      %dma_wait3A_585 = tpu.memref_slice %arg27[%dma_wait3A_581] : memref<4x!tpu.dma_semaphore, #tpu.memory_space<semaphore_mem>> -> memref<1x!tpu.dma_semaphore, #tpu.memory_space<semaphore_mem>>
      %dma_wait3A_586 = tpu.memref_squeeze %dma_wait3A_585 : memref<1x!tpu.dma_semaphore, #tpu.memory_space<semaphore_mem>> -> memref<!tpu.dma_semaphore, #tpu.memory_space<semaphore_mem>>
      %dma_wait3A_587 = arith.constant 0 : i32
      %dma_wait3A_588 = arith.constant 0 : i32
      %dma_wait3A_589 = tpu.memref_slice %arg2[%dma_wait3A_587, %dma_wait3A_588] : memref<32768x128xf32, #tpu.memory_space<hbm>> -> memref<16x128xf32, #tpu.memory_space<hbm>>
      tpu.wait_dma2 semaphore(%dma_wait3A_586 : memref<!tpu.dma_semaphore, #tpu.memory_space<semaphore_mem>>) src(%dma_wait3A_589 : memref<16x128xf32, #tpu.memory_space<hbm>>) dst(%arg17 : memref<16x128xf32, #tpu.memory_space<vmem>>)
      %ge3A_590 = arith.constant 2 : i32
      %ge3A_591 = arith.cmpi sge, %add3A_562, %ge3A_590 : i32
      %convert_element_type3A_592 = arith.extui %ge3A_591 : i1 to i32
      %cond3A_593 = arith.constant 0 : i32
      %cond3A_594 = arith.cmpi ne, %convert_element_type3A_592, %cond3A_593 : i32
      scf.if %cond3A_594 {
        %dma_wait3A_1945 = arith.constant 1 : i32
        %dma_wait3A_1946 = arith.constant 0 : i32
        %dma_wait3A_1947 = arith.constant 0 : i32
        %dma_wait3A_1948 = tpu.memref_slice %arg2[%dma_wait3A_1946, %dma_wait3A_1947] : memref<32768x128xf32, #tpu.memory_space<hbm>> -> memref<16x128xf32, #tpu.memory_space<hbm>>
        %dma_wait3A_1949 = tpu.memref_slice %arg28[%dma_wait3A_1945] : memref<2x!tpu.dma_semaphore, #tpu.memory_space<semaphore_mem>> -> memref<1x!tpu.dma_semaphore, #tpu.memory_space<semaphore_mem>>
        %dma_wait3A_1950 = tpu.memref_squeeze %dma_wait3A_1949 : memref<1x!tpu.dma_semaphore, #tpu.memory_space<semaphore_mem>> -> memref<!tpu.dma_semaphore, #tpu.memory_space<semaphore_mem>>
        %dma_wait3A_1951 = arith.constant 0 : i32
        %dma_wait3A_1952 = arith.constant 0 : i32
        %dma_wait3A_1953 = tpu.memref_slice %arg2[%dma_wait3A_1951, %dma_wait3A_1952] : memref<32768x128xf32, #tpu.memory_space<hbm>> -> memref<16x128xf32, #tpu.memory_space<hbm>>
        tpu.wait_dma2 semaphore(%dma_wait3A_1950 : memref<!tpu.dma_semaphore, #tpu.memory_space<semaphore_mem>>) src(%dma_wait3A_1953 : memref<16x128xf32, #tpu.memory_space<hbm>>) dst(%arg21 : memref<16x128xf32, #tpu.memory_space<vmem>>)
        %dma_wait3A_1954 = arith.constant 1 : i32
        %dma_wait3A_1955 = arith.constant 0 : i32
        %dma_wait3A_1956 = arith.constant 0 : i32
        %dma_wait3A_1957 = tpu.memref_slice %arg2[%dma_wait3A_1955, %dma_wait3A_1956] : memref<32768x128xf32, #tpu.memory_space<hbm>> -> memref<16x128xf32, #tpu.memory_space<hbm>>
        %dma_wait3A_1958 = tpu.memref_slice %arg28[%dma_wait3A_1954] : memref<2x!tpu.dma_semaphore, #tpu.memory_space<semaphore_mem>> -> memref<1x!tpu.dma_semaphore, #tpu.memory_space<semaphore_mem>>
        %dma_wait3A_1959 = tpu.memref_squeeze %dma_wait3A_1958 : memref<1x!tpu.dma_semaphore, #tpu.memory_space<semaphore_mem>> -> memref<!tpu.dma_semaphore, #tpu.memory_space<semaphore_mem>>
        %dma_wait3A_1960 = arith.constant 0 : i32
        %dma_wait3A_1961 = arith.constant 0 : i32
        %dma_wait3A_1962 = tpu.memref_slice %arg2[%dma_wait3A_1960, %dma_wait3A_1961] : memref<32768x128xf32, #tpu.memory_space<hbm>> -> memref<16x128xf32, #tpu.memory_space<hbm>>
        tpu.wait_dma2 semaphore(%dma_wait3A_1959 : memref<!tpu.dma_semaphore, #tpu.memory_space<semaphore_mem>>) src(%dma_wait3A_1962 : memref<16x128xf32, #tpu.memory_space<hbm>>) dst(%arg23 : memref<16x128xf32, #tpu.memory_space<vmem>>)
      } else {
      }
      %parallel_loop3A_595 = arith.constant 0 : i32
      %parallel_loop3A_596 = arith.constant 16 : i32
      %parallel_loop3A_597 = arith.constant 1 : i32
      scf.for %parallel_loop3A_1945 = %parallel_loop3A_595 to %parallel_loop3A_596 step %parallel_loop3A_597  : i32 {
        %parallel_loop3A_1946 = arith.index_cast %parallel_loop3A_1945 : i32 to index
        %parallel_loop3A_1947 = arith.constant 0 : index
        %parallel_loop3A_1948 = tpu.vector_load %arg9[%parallel_loop3A_1946, %parallel_loop3A_1947] {strides = array<i32>} : memref<16x128xi32, #tpu.memory_space<vmem>>, vector<16xi32>,
        %parallel_loop3A_1949 = arith.index_cast %parallel_loop3A_1945 : i32 to index
        %parallel_loop3A_1950 = arith.constant 0 : index
        %parallel_loop3A_1951 = tpu.vector_load %arg13[%parallel_loop3A_1949, %parallel_loop3A_1950] {strides = array<i32>} : memref<16x128xi32, #tpu.memory_space<vmem>>, vector<16xi32>,
        %parallel_loop3A_1952 = arith.index_cast %parallel_loop3A_1945 : i32 to index
        %parallel_loop3A_1953 = arith.constant 0 : index
        %parallel_loop3A_1954 = tpu.vector_load %arg17[%parallel_loop3A_1952, %parallel_loop3A_1953] {strides = array<i32>} : memref<16x128xf32, #tpu.memory_space<vmem>>, vector<16xf32>,
        %parallel_loop3A_1955 = tpu.vector_load_idx %arg7[%parallel_loop3A_1951] : memref<65536xf32, #tpu.memory_space<vmem>>[vector<16xi32>], vector<16xf32>,
        %parallel_loop3A_1956 = tpu.vector_load_idx %arg7[%parallel_loop3A_1948] : memref<65536xf32, #tpu.memory_space<vmem>>[vector<16xi32>], vector<16xf32>,
        %parallel_loop3A_1957 = arith.mulf %parallel_loop3A_1954, %parallel_loop3A_1955 : vector<16xf32>
        %parallel_loop3A_1958 = arith.index_cast %parallel_loop3A_1945 : i32 to index
        %parallel_loop3A_1959 = arith.constant 0 : index
        %parallel_loop3A_1960 = tpu.vector_load %arg21[%parallel_loop3A_1958, %parallel_loop3A_1959] {strides = array<i32>} : memref<16x128xf32, #tpu.memory_space<vmem>>, vector<16xf32>,
        tpu.vector_store %arg21[%parallel_loop3A_1958, %parallel_loop3A_1959], %parallel_loop3A_1957 {strides = array<i32>} : memref<16x128xf32, #tpu.memory_space<vmem>>, vector<16xf32>,
        %parallel_loop3A_1961 = arith.cmpi ne, %parallel_loop3A_1948, %parallel_loop3A_1951 : vector<16xi32>
        %parallel_loop3A_1962 = arith.mulf %parallel_loop3A_1954, %parallel_loop3A_1956 : vector<16xf32>
        %parallel_loop3A_1963 = arith.constant 0.000000e+00 : f32
        %parallel_loop3A_1964 = vector.broadcast %parallel_loop3A_1963 : f32 to vector<16xf32>
        %parallel_loop3A_1965 = arith.select %parallel_loop3A_1961, %parallel_loop3A_1962, %parallel_loop3A_1964 : vector<16xi1>, vector<16xf32>
        %parallel_loop3A_1966 = arith.index_cast %parallel_loop3A_1945 : i32 to index
        %parallel_loop3A_1967 = arith.constant 0 : index
        %parallel_loop3A_1968 = tpu.vector_load %arg23[%parallel_loop3A_1966, %parallel_loop3A_1967] {strides = array<i32>} : memref<16x128xf32, #tpu.memory_space<vmem>>, vector<16xf32>,
        tpu.vector_store %arg23[%parallel_loop3A_1966, %parallel_loop3A_1967], %parallel_loop3A_1965 {strides = array<i32>} : memref<16x128xf32, #tpu.memory_space<vmem>>, vector<16xf32>,
        %parallel_loop3A_1969 = arith.index_cast %parallel_loop3A_1945 : i32 to index
        %parallel_loop3A_1970 = arith.constant 16 : index
        %parallel_loop3A_1971 = tpu.vector_load %arg9[%parallel_loop3A_1969, %parallel_loop3A_1970] {strides = array<i32>} : memref<16x128xi32, #tpu.memory_space<vmem>>, vector<16xi32>,
        %parallel_loop3A_1972 = arith.index_cast %parallel_loop3A_1945 : i32 to index
        %parallel_loop3A_1973 = arith.constant 16 : index
        %parallel_loop3A_1974 = tpu.vector_load %arg13[%parallel_loop3A_1972, %parallel_loop3A_1973] {strides = array<i32>} : memref<16x128xi32, #tpu.memory_space<vmem>>, vector<16xi32>,
        %parallel_loop3A_1975 = arith.index_cast %parallel_loop3A_1945 : i32 to index
        %parallel_loop3A_1976 = arith.constant 16 : index
        %parallel_loop3A_1977 = tpu.vector_load %arg17[%parallel_loop3A_1975, %parallel_loop3A_1976] {strides = array<i32>} : memref<16x128xf32, #tpu.memory_space<vmem>>, vector<16xf32>,
        %parallel_loop3A_1978 = tpu.vector_load_idx %arg7[%parallel_loop3A_1974] : memref<65536xf32, #tpu.memory_space<vmem>>[vector<16xi32>], vector<16xf32>,
        %parallel_loop3A_1979 = tpu.vector_load_idx %arg7[%parallel_loop3A_1971] : memref<65536xf32, #tpu.memory_space<vmem>>[vector<16xi32>], vector<16xf32>,
        %parallel_loop3A_1980 = arith.mulf %parallel_loop3A_1977, %parallel_loop3A_1978 : vector<16xf32>
        %parallel_loop3A_1981 = arith.index_cast %parallel_loop3A_1945 : i32 to index
        %parallel_loop3A_1982 = arith.constant 16 : index
        %parallel_loop3A_1983 = tpu.vector_load %arg21[%parallel_loop3A_1981, %parallel_loop3A_1982] {strides = array<i32>} : memref<16x128xf32, #tpu.memory_space<vmem>>, vector<16xf32>,
        tpu.vector_store %arg21[%parallel_loop3A_1981, %parallel_loop3A_1982], %parallel_loop3A_1980 {strides = array<i32>} : memref<16x128xf32, #tpu.memory_space<vmem>>, vector<16xf32>,
        %parallel_loop3A_1984 = arith.cmpi ne, %parallel_loop3A_1971, %parallel_loop3A_1974 : vector<16xi32>
        %parallel_loop3A_1985 = arith.mulf %parallel_loop3A_1977, %parallel_loop3A_1979 : vector<16xf32>
        %parallel_loop3A_1986 = arith.constant 0.000000e+00 : f32
        %parallel_loop3A_1987 = vector.broadcast %parallel_loop3A_1986 : f32 to vector<16xf32>
        %parallel_loop3A_1988 = arith.select %parallel_loop3A_1984, %parallel_loop3A_1985, %parallel_loop3A_1987 : vector<16xi1>, vector<16xf32>
        %parallel_loop3A_1989 = arith.index_cast %parallel_loop3A_1945 : i32 to index
        %parallel_loop3A_1990 = arith.constant 16 : index
        %parallel_loop3A_1991 = tpu.vector_load %arg23[%parallel_loop3A_1989, %parallel_loop3A_1990] {strides = array<i32>} : memref<16x128xf32, #tpu.memory_space<vmem>>, vector<16xf32>,
        tpu.vector_store %arg23[%parallel_loop3A_1989, %parallel_loop3A_1990], %parallel_loop3A_1988 {strides = array<i32>} : memref<16x128xf32, #tpu.memory_space<vmem>>, vector<16xf32>,
        %parallel_loop3A_1992 = arith.index_cast %parallel_loop3A_1945 : i32 to index
        %parallel_loop3A_1993 = arith.constant 32 : index
        %parallel_loop3A_1994 = tpu.vector_load %arg9[%parallel_loop3A_1992, %parallel_loop3A_1993] {strides = array<i32>} : memref<16x128xi32, #tpu.memory_space<vmem>>, vector<16xi32>,
        %parallel_loop3A_1995 = arith.index_cast %parallel_loop3A_1945 : i32 to index
        %parallel_loop3A_1996 = arith.constant 32 : index
        %parallel_loop3A_1997 = tpu.vector_load %arg13[%parallel_loop3A_1995, %parallel_loop3A_1996] {strides = array<i32>} : memref<16x128xi32, #tpu.memory_space<vmem>>, vector<16xi32>,
        %parallel_loop3A_1998 = arith.index_cast %parallel_loop3A_1945 : i32 to index
        %parallel_loop3A_1999 = arith.constant 32 : index
        %parallel_loop3A_2000 = tpu.vector_load %arg17[%parallel_loop3A_1998, %parallel_loop3A_1999] {strides = array<i32>} : memref<16x128xf32, #tpu.memory_space<vmem>>, vector<16xf32>,
        %parallel_loop3A_2001 = tpu.vector_load_idx %arg7[%parallel_loop3A_1997] : memref<65536xf32, #tpu.memory_space<vmem>>[vector<16xi32>], vector<16xf32>,
        %parallel_loop3A_2002 = tpu.vector_load_idx %arg7[%parallel_loop3A_1994] : memref<65536xf32, #tpu.memory_space<vmem>>[vector<16xi32>], vector<16xf32>,
        %parallel_loop3A_2003 = arith.mulf %parallel_loop3A_2000, %parallel_loop3A_2001 : vector<16xf32>
        %parallel_loop3A_2004 = arith.index_cast %parallel_loop3A_1945 : i32 to index
        %parallel_loop3A_2005 = arith.constant 32 : index
        %parallel_loop3A_2006 = tpu.vector_load %arg21[%parallel_loop3A_2004, %parallel_loop3A_2005] {strides = array<i32>} : memref<16x128xf32, #tpu.memory_space<vmem>>, vector<16xf32>,
        tpu.vector_store %arg21[%parallel_loop3A_2004, %parallel_loop3A_2005], %parallel_loop3A_2003 {strides = array<i32>} : memref<16x128xf32, #tpu.memory_space<vmem>>, vector<16xf32>,
        %parallel_loop3A_2007 = arith.cmpi ne, %parallel_loop3A_1994, %parallel_loop3A_1997 : vector<16xi32>
        %parallel_loop3A_2008 = arith.mulf %parallel_loop3A_2000, %parallel_loop3A_2002 : vector<16xf32>
        %parallel_loop3A_2009 = arith.constant 0.000000e+00 : f32
        %parallel_loop3A_2010 = vector.broadcast %parallel_loop3A_2009 : f32 to vector<16xf32>
        %parallel_loop3A_2011 = arith.select %parallel_loop3A_2007, %parallel_loop3A_2008, %parallel_loop3A_2010 : vector<16xi1>, vector<16xf32>
        %parallel_loop3A_2012 = arith.index_cast %parallel_loop3A_1945 : i32 to index
        %parallel_loop3A_2013 = arith.constant 32 : index
        %parallel_loop3A_2014 = tpu.vector_load %arg23[%parallel_loop3A_2012, %parallel_loop3A_2013] {strides = array<i32>} : memref<16x128xf32, #tpu.memory_space<vmem>>, vector<16xf32>,
        tpu.vector_store %arg23[%parallel_loop3A_2012, %parallel_loop3A_2013], %parallel_loop3A_2011 {strides = array<i32>} : memref<16x128xf32, #tpu.memory_space<vmem>>, vector<16xf32>,
        %parallel_loop3A_2015 = arith.index_cast %parallel_loop3A_1945 : i32 to index
        %parallel_loop3A_2016 = arith.constant 48 : index
        %parallel_loop3A_2017 = tpu.vector_load %arg9[%parallel_loop3A_2015, %parallel_loop3A_2016] {strides = array<i32>} : memref<16x128xi32, #tpu.memory_space<vmem>>, vector<16xi32>,
        %parallel_loop3A_2018 = arith.index_cast %parallel_loop3A_1945 : i32 to index
        %parallel_loop3A_2019 = arith.constant 48 : index
        %parallel_loop3A_2020 = tpu.vector_load %arg13[%parallel_loop3A_2018, %parallel_loop3A_2019] {strides = array<i32>} : memref<16x128xi32, #tpu.memory_space<vmem>>, vector<16xi32>,
        %parallel_loop3A_2021 = arith.index_cast %parallel_loop3A_1945 : i32 to index
        %parallel_loop3A_2022 = arith.constant 48 : index
        %parallel_loop3A_2023 = tpu.vector_load %arg17[%parallel_loop3A_2021, %parallel_loop3A_2022] {strides = array<i32>} : memref<16x128xf32, #tpu.memory_space<vmem>>, vector<16xf32>,
        %parallel_loop3A_2024 = tpu.vector_load_idx %arg7[%parallel_loop3A_2020] : memref<65536xf32, #tpu.memory_space<vmem>>[vector<16xi32>], vector<16xf32>,
        %parallel_loop3A_2025 = tpu.vector_load_idx %arg7[%parallel_loop3A_2017] : memref<65536xf32, #tpu.memory_space<vmem>>[vector<16xi32>], vector<16xf32>,
        %parallel_loop3A_2026 = arith.mulf %parallel_loop3A_2023, %parallel_loop3A_2024 : vector<16xf32>
        %parallel_loop3A_2027 = arith.index_cast %parallel_loop3A_1945 : i32 to index
        %parallel_loop3A_2028 = arith.constant 48 : index
        %parallel_loop3A_2029 = tpu.vector_load %arg21[%parallel_loop3A_2027, %parallel_loop3A_2028] {strides = array<i32>} : memref<16x128xf32, #tpu.memory_space<vmem>>, vector<16xf32>,
        tpu.vector_store %arg21[%parallel_loop3A_2027, %parallel_loop3A_2028], %parallel_loop3A_2026 {strides = array<i32>} : memref<16x128xf32, #tpu.memory_space<vmem>>, vector<16xf32>,
        %parallel_loop3A_2030 = arith.cmpi ne, %parallel_loop3A_2017, %parallel_loop3A_2020 : vector<16xi32>
        %parallel_loop3A_2031 = arith.mulf %parallel_loop3A_2023, %parallel_loop3A_2025 : vector<16xf32>
        %parallel_loop3A_2032 = arith.constant 0.000000e+00 : f32
        %parallel_loop3A_2033 = vector.broadcast %parallel_loop3A_2032 : f32 to vector<16xf32>
        %parallel_loop3A_2034 = arith.select %parallel_loop3A_2030, %parallel_loop3A_2031, %parallel_loop3A_2033 : vector<16xi1>, vector<16xf32>
        %parallel_loop3A_2035 = arith.index_cast %parallel_loop3A_1945 : i32 to index
        %parallel_loop3A_2036 = arith.constant 48 : index
        %parallel_loop3A_2037 = tpu.vector_load %arg23[%parallel_loop3A_2035, %parallel_loop3A_2036] {strides = array<i32>} : memref<16x128xf32, #tpu.memory_space<vmem>>, vector<16xf32>,
        tpu.vector_store %arg23[%parallel_loop3A_2035, %parallel_loop3A_2036], %parallel_loop3A_2034 {strides = array<i32>} : memref<16x128xf32, #tpu.memory_space<vmem>>, vector<16xf32>,
        %parallel_loop3A_2038 = arith.index_cast %parallel_loop3A_1945 : i32 to index
        %parallel_loop3A_2039 = arith.constant 64 : index
        %parallel_loop3A_2040 = tpu.vector_load %arg9[%parallel_loop3A_2038, %parallel_loop3A_2039] {strides = array<i32>} : memref<16x128xi32, #tpu.memory_space<vmem>>, vector<16xi32>,
        %parallel_loop3A_2041 = arith.index_cast %parallel_loop3A_1945 : i32 to index
        %parallel_loop3A_2042 = arith.constant 64 : index
        %parallel_loop3A_2043 = tpu.vector_load %arg13[%parallel_loop3A_2041, %parallel_loop3A_2042] {strides = array<i32>} : memref<16x128xi32, #tpu.memory_space<vmem>>, vector<16xi32>,
        %parallel_loop3A_2044 = arith.index_cast %parallel_loop3A_1945 : i32 to index
        %parallel_loop3A_2045 = arith.constant 64 : index
        %parallel_loop3A_2046 = tpu.vector_load %arg17[%parallel_loop3A_2044, %parallel_loop3A_2045] {strides = array<i32>} : memref<16x128xf32, #tpu.memory_space<vmem>>, vector<16xf32>,
        %parallel_loop3A_2047 = tpu.vector_load_idx %arg7[%parallel_loop3A_2043] : memref<65536xf32, #tpu.memory_space<vmem>>[vector<16xi32>], vector<16xf32>,
        %parallel_loop3A_2048 = tpu.vector_load_idx %arg7[%parallel_loop3A_2040] : memref<65536xf32, #tpu.memory_space<vmem>>[vector<16xi32>], vector<16xf32>,
        %parallel_loop3A_2049 = arith.mulf %parallel_loop3A_2046, %parallel_loop3A_2047 : vector<16xf32>
        %parallel_loop3A_2050 = arith.index_cast %parallel_loop3A_1945 : i32 to index
        %parallel_loop3A_2051 = arith.constant 64 : index
        %parallel_loop3A_2052 = tpu.vector_load %arg21[%parallel_loop3A_2050, %parallel_loop3A_2051] {strides = array<i32>} : memref<16x128xf32, #tpu.memory_space<vmem>>, vector<16xf32>,
        tpu.vector_store %arg21[%parallel_loop3A_2050, %parallel_loop3A_2051], %parallel_loop3A_2049 {strides = array<i32>} : memref<16x128xf32, #tpu.memory_space<vmem>>, vector<16xf32>,
        %parallel_loop3A_2053 = arith.cmpi ne, %parallel_loop3A_2040, %parallel_loop3A_2043 : vector<16xi32>
        %parallel_loop3A_2054 = arith.mulf %parallel_loop3A_2046, %parallel_loop3A_2048 : vector<16xf32>
        %parallel_loop3A_2055 = arith.constant 0.000000e+00 : f32
        %parallel_loop3A_2056 = vector.broadcast %parallel_loop3A_2055 : f32 to vector<16xf32>
        %parallel_loop3A_2057 = arith.select %parallel_loop3A_2053, %parallel_loop3A_2054, %parallel_loop3A_2056 : vector<16xi1>, vector<16xf32>
        %parallel_loop3A_2058 = arith.index_cast %parallel_loop3A_1945 : i32 to index
        %parallel_loop3A_2059 = arith.constant 64 : index
        %parallel_loop3A_2060 = tpu.vector_load %arg23[%parallel_loop3A_2058, %parallel_loop3A_2059] {strides = array<i32>} : memref<16x128xf32, #tpu.memory_space<vmem>>, vector<16xf32>,
        tpu.vector_store %arg23[%parallel_loop3A_2058, %parallel_loop3A_2059], %parallel_loop3A_2057 {strides = array<i32>} : memref<16x128xf32, #tpu.memory_space<vmem>>, vector<16xf32>,
        %parallel_loop3A_2061 = arith.index_cast %parallel_loop3A_1945 : i32 to index
        %parallel_loop3A_2062 = arith.constant 80 : index
        %parallel_loop3A_2063 = tpu.vector_load %arg9[%parallel_loop3A_2061, %parallel_loop3A_2062] {strides = array<i32>} : memref<16x128xi32, #tpu.memory_space<vmem>>, vector<16xi32>,
        %parallel_loop3A_2064 = arith.index_cast %parallel_loop3A_1945 : i32 to index
        %parallel_loop3A_2065 = arith.constant 80 : index
        %parallel_loop3A_2066 = tpu.vector_load %arg13[%parallel_loop3A_2064, %parallel_loop3A_2065] {strides = array<i32>} : memref<16x128xi32, #tpu.memory_space<vmem>>, vector<16xi32>,
        %parallel_loop3A_2067 = arith.index_cast %parallel_loop3A_1945 : i32 to index
        %parallel_loop3A_2068 = arith.constant 80 : index
        %parallel_loop3A_2069 = tpu.vector_load %arg17[%parallel_loop3A_2067, %parallel_loop3A_2068] {strides = array<i32>} : memref<16x128xf32, #tpu.memory_space<vmem>>, vector<16xf32>,
        %parallel_loop3A_2070 = tpu.vector_load_idx %arg7[%parallel_loop3A_2066] : memref<65536xf32, #tpu.memory_space<vmem>>[vector<16xi32>], vector<16xf32>,
        %parallel_loop3A_2071 = tpu.vector_load_idx %arg7[%parallel_loop3A_2063] : memref<65536xf32, #tpu.memory_space<vmem>>[vector<16xi32>], vector<16xf32>,
        %parallel_loop3A_2072 = arith.mulf %parallel_loop3A_2069, %parallel_loop3A_2070 : vector<16xf32>
        %parallel_loop3A_2073 = arith.index_cast %parallel_loop3A_1945 : i32 to index
        %parallel_loop3A_2074 = arith.constant 80 : index
        %parallel_loop3A_2075 = tpu.vector_load %arg21[%parallel_loop3A_2073, %parallel_loop3A_2074] {strides = array<i32>} : memref<16x128xf32, #tpu.memory_space<vmem>>, vector<16xf32>,
        tpu.vector_store %arg21[%parallel_loop3A_2073, %parallel_loop3A_2074], %parallel_loop3A_2072 {strides = array<i32>} : memref<16x128xf32, #tpu.memory_space<vmem>>, vector<16xf32>,
        %parallel_loop3A_2076 = arith.cmpi ne, %parallel_loop3A_2063, %parallel_loop3A_2066 : vector<16xi32>
        %parallel_loop3A_2077 = arith.mulf %parallel_loop3A_2069, %parallel_loop3A_2071 : vector<16xf32>
        %parallel_loop3A_2078 = arith.constant 0.000000e+00 : f32
        %parallel_loop3A_2079 = vector.broadcast %parallel_loop3A_2078 : f32 to vector<16xf32>
        %parallel_loop3A_2080 = arith.select %parallel_loop3A_2076, %parallel_loop3A_2077, %parallel_loop3A_2079 : vector<16xi1>, vector<16xf32>
        %parallel_loop3A_2081 = arith.index_cast %parallel_loop3A_1945 : i32 to index
        %parallel_loop3A_2082 = arith.constant 80 : index
        %parallel_loop3A_2083 = tpu.vector_load %arg23[%parallel_loop3A_2081, %parallel_loop3A_2082] {strides = array<i32>} : memref<16x128xf32, #tpu.memory_space<vmem>>, vector<16xf32>,
        tpu.vector_store %arg23[%parallel_loop3A_2081, %parallel_loop3A_2082], %parallel_loop3A_2080 {strides = array<i32>} : memref<16x128xf32, #tpu.memory_space<vmem>>, vector<16xf32>,
        %parallel_loop3A_2084 = arith.index_cast %parallel_loop3A_1945 : i32 to index
        %parallel_loop3A_2085 = arith.constant 96 : index
        %parallel_loop3A_2086 = tpu.vector_load %arg9[%parallel_loop3A_2084, %parallel_loop3A_2085] {strides = array<i32>} : memref<16x128xi32, #tpu.memory_space<vmem>>, vector<16xi32>,
        %parallel_loop3A_2087 = arith.index_cast %parallel_loop3A_1945 : i32 to index
        %parallel_loop3A_2088 = arith.constant 96 : index
        %parallel_loop3A_2089 = tpu.vector_load %arg13[%parallel_loop3A_2087, %parallel_loop3A_2088] {strides = array<i32>} : memref<16x128xi32, #tpu.memory_space<vmem>>, vector<16xi32>,
        %parallel_loop3A_2090 = arith.index_cast %parallel_loop3A_1945 : i32 to index
        %parallel_loop3A_2091 = arith.constant 96 : index
        %parallel_loop3A_2092 = tpu.vector_load %arg17[%parallel_loop3A_2090, %parallel_loop3A_2091] {strides = array<i32>} : memref<16x128xf32, #tpu.memory_space<vmem>>, vector<16xf32>,
        %parallel_loop3A_2093 = tpu.vector_load_idx %arg7[%parallel_loop3A_2089] : memref<65536xf32, #tpu.memory_space<vmem>>[vector<16xi32>], vector<16xf32>,
        %parallel_loop3A_2094 = tpu.vector_load_idx %arg7[%parallel_loop3A_2086] : memref<65536xf32, #tpu.memory_space<vmem>>[vector<16xi32>], vector<16xf32>,
        %parallel_loop3A_2095 = arith.mulf %parallel_loop3A_2092, %parallel_loop3A_2093 : vector<16xf32>
        %parallel_loop3A_2096 = arith.index_cast %parallel_loop3A_1945 : i32 to index
        %parallel_loop3A_2097 = arith.constant 96 : index
        %parallel_loop3A_2098 = tpu.vector_load %arg21[%parallel_loop3A_2096, %parallel_loop3A_2097] {strides = array<i32>} : memref<16x128xf32, #tpu.memory_space<vmem>>, vector<16xf32>,
        tpu.vector_store %arg21[%parallel_loop3A_2096, %parallel_loop3A_2097], %parallel_loop3A_2095 {strides = array<i32>} : memref<16x128xf32, #tpu.memory_space<vmem>>, vector<16xf32>,
        %parallel_loop3A_2099 = arith.cmpi ne, %parallel_loop3A_2086, %parallel_loop3A_2089 : vector<16xi32>
        %parallel_loop3A_2100 = arith.mulf %parallel_loop3A_2092, %parallel_loop3A_2094 : vector<16xf32>
        %parallel_loop3A_2101 = arith.constant 0.000000e+00 : f32
        %parallel_loop3A_2102 = vector.broadcast %parallel_loop3A_2101 : f32 to vector<16xf32>
        %parallel_loop3A_2103 = arith.select %parallel_loop3A_2099, %parallel_loop3A_2100, %parallel_loop3A_2102 : vector<16xi1>, vector<16xf32>
        %parallel_loop3A_2104 = arith.index_cast %parallel_loop3A_1945 : i32 to index
        %parallel_loop3A_2105 = arith.constant 96 : index
        %parallel_loop3A_2106 = tpu.vector_load %arg23[%parallel_loop3A_2104, %parallel_loop3A_2105] {strides = array<i32>} : memref<16x128xf32, #tpu.memory_space<vmem>>, vector<16xf32>,
        tpu.vector_store %arg23[%parallel_loop3A_2104, %parallel_loop3A_2105], %parallel_loop3A_2103 {strides = array<i32>} : memref<16x128xf32, #tpu.memory_space<vmem>>, vector<16xf32>,
        %parallel_loop3A_2107 = arith.index_cast %parallel_loop3A_1945 : i32 to index
        %parallel_loop3A_2108 = arith.constant 112 : index
        %parallel_loop3A_2109 = tpu.vector_load %arg9[%parallel_loop3A_2107, %parallel_loop3A_2108] {strides = array<i32>} : memref<16x128xi32, #tpu.memory_space<vmem>>, vector<16xi32>,
        %parallel_loop3A_2110 = arith.index_cast %parallel_loop3A_1945 : i32 to index
        %parallel_loop3A_2111 = arith.constant 112 : index
        %parallel_loop3A_2112 = tpu.vector_load %arg13[%parallel_loop3A_2110, %parallel_loop3A_2111] {strides = array<i32>} : memref<16x128xi32, #tpu.memory_space<vmem>>, vector<16xi32>,
        %parallel_loop3A_2113 = arith.index_cast %parallel_loop3A_1945 : i32 to index
        %parallel_loop3A_2114 = arith.constant 112 : index
        %parallel_loop3A_2115 = tpu.vector_load %arg17[%parallel_loop3A_2113, %parallel_loop3A_2114] {strides = array<i32>} : memref<16x128xf32, #tpu.memory_space<vmem>>, vector<16xf32>,
        %parallel_loop3A_2116 = tpu.vector_load_idx %arg7[%parallel_loop3A_2112] : memref<65536xf32, #tpu.memory_space<vmem>>[vector<16xi32>], vector<16xf32>,
        %parallel_loop3A_2117 = tpu.vector_load_idx %arg7[%parallel_loop3A_2109] : memref<65536xf32, #tpu.memory_space<vmem>>[vector<16xi32>], vector<16xf32>,
        %parallel_loop3A_2118 = arith.mulf %parallel_loop3A_2115, %parallel_loop3A_2116 : vector<16xf32>
        %parallel_loop3A_2119 = arith.index_cast %parallel_loop3A_1945 : i32 to index
        %parallel_loop3A_2120 = arith.constant 112 : index
        %parallel_loop3A_2121 = tpu.vector_load %arg21[%parallel_loop3A_2119, %parallel_loop3A_2120] {strides = array<i32>} : memref<16x128xf32, #tpu.memory_space<vmem>>, vector<16xf32>,
        tpu.vector_store %arg21[%parallel_loop3A_2119, %parallel_loop3A_2120], %parallel_loop3A_2118 {strides = array<i32>} : memref<16x128xf32, #tpu.memory_space<vmem>>, vector<16xf32>,
        %parallel_loop3A_2122 = arith.cmpi ne, %parallel_loop3A_2109, %parallel_loop3A_2112 : vector<16xi32>
        %parallel_loop3A_2123 = arith.mulf %parallel_loop3A_2115, %parallel_loop3A_2117 : vector<16xf32>
        %parallel_loop3A_2124 = arith.constant 0.000000e+00 : f32
        %parallel_loop3A_2125 = vector.broadcast %parallel_loop3A_2124 : f32 to vector<16xf32>
        %parallel_loop3A_2126 = arith.select %parallel_loop3A_2122, %parallel_loop3A_2123, %parallel_loop3A_2125 : vector<16xi1>, vector<16xf32>
        %parallel_loop3A_2127 = arith.index_cast %parallel_loop3A_1945 : i32 to index
        %parallel_loop3A_2128 = arith.constant 112 : index
        %parallel_loop3A_2129 = tpu.vector_load %arg23[%parallel_loop3A_2127, %parallel_loop3A_2128] {strides = array<i32>} : memref<16x128xf32, #tpu.memory_space<vmem>>, vector<16xf32>,
        tpu.vector_store %arg23[%parallel_loop3A_2127, %parallel_loop3A_2128], %parallel_loop3A_2126 {strides = array<i32>} : memref<16x128xf32, #tpu.memory_space<vmem>>, vector<16xf32>,
      } {sc.loop_unroll_factor = 1 : i64, sc.parallel_access}
      %dma_start3A_598 = arith.constant 0 : i32
      %dma_start3A_599 = arith.constant 0 : i32
      %dma_start3A_600 = arith.constant 1 : i32
      %dma_start3A_601 = arith.constant 0 : i32
      %dma_start3A_602 = tpu.memref_slice %arg21[%dma_start3A_598, %dma_start3A_601] : memref<16x128xf32, #tpu.memory_space<vmem>> -> memref<1x128xf32, #tpu.memory_space<vmem>>
      %dma_start3A_603 = tpu.memref_squeeze %dma_start3A_602 : memref<1x128xf32, #tpu.memory_space<vmem>> -> memref<128xf32, #tpu.memory_space<vmem>>
      %dma_start3A_604 = arith.constant 0 : i32
      %dma_start3A_605 = tpu.memref_slice %arg9[%dma_start3A_599, %dma_start3A_604] : memref<16x128xi32, #tpu.memory_space<vmem>> -> memref<1x128xi32, #tpu.memory_space<vmem>>
      %dma_start3A_606 = tpu.memref_squeeze %dma_start3A_605 : memref<1x128xi32, #tpu.memory_space<vmem>> -> memref<128xi32, #tpu.memory_space<vmem>>
      %dma_start3A_607 = arith.constant 0 : i32
      %dma_start3A_608 = tpu.memref_slice %arg25[%dma_start3A_607] : memref<65536xf32, #tpu.memory_space<vmem_shared>> -> memref<65536xf32, #tpu.memory_space<vmem_shared>>
      %dma_start3A_609 = tpu.memref_slice %arg28[%dma_start3A_600] : memref<2x!tpu.dma_semaphore, #tpu.memory_space<semaphore_mem>> -> memref<1x!tpu.dma_semaphore, #tpu.memory_space<semaphore_mem>>
      %dma_start3A_610 = tpu.memref_squeeze %dma_start3A_609 : memref<1x!tpu.dma_semaphore, #tpu.memory_space<semaphore_mem>> -> memref<!tpu.dma_semaphore, #tpu.memory_space<semaphore_mem>>
      tpu.enqueue_indirect_dma source(%dma_start3A_603 : memref<128xf32, #tpu.memory_space<vmem>>) target(%dma_start3A_608 : memref<65536xf32, #tpu.memory_space<vmem_shared>>) offsets(%dma_start3A_606 : memref<128xi32, #tpu.memory_space<vmem>>) semaphore(%dma_start3A_610 : memref<!tpu.dma_semaphore, #tpu.memory_space<semaphore_mem>>) {add = true}
      %dma_start3A_611 = arith.constant 0 : i32
      %dma_start3A_612 = arith.constant 0 : i32
      %dma_start3A_613 = arith.constant 1 : i32
      %dma_start3A_614 = arith.constant 0 : i32
      %dma_start3A_615 = tpu.memref_slice %arg23[%dma_start3A_611, %dma_start3A_614] : memref<16x128xf32, #tpu.memory_space<vmem>> -> memref<1x128xf32, #tpu.memory_space<vmem>>
      %dma_start3A_616 = tpu.memref_squeeze %dma_start3A_615 : memref<1x128xf32, #tpu.memory_space<vmem>> -> memref<128xf32, #tpu.memory_space<vmem>>
      %dma_start3A_617 = arith.constant 0 : i32
      %dma_start3A_618 = tpu.memref_slice %arg13[%dma_start3A_612, %dma_start3A_617] : memref<16x128xi32, #tpu.memory_space<vmem>> -> memref<1x128xi32, #tpu.memory_space<vmem>>
      %dma_start3A_619 = tpu.memref_squeeze %dma_start3A_618 : memref<1x128xi32, #tpu.memory_space<vmem>> -> memref<128xi32, #tpu.memory_space<vmem>>
      %dma_start3A_620 = arith.constant 0 : i32
      %dma_start3A_621 = tpu.memref_slice %arg25[%dma_start3A_620] : memref<65536xf32, #tpu.memory_space<vmem_shared>> -> memref<65536xf32, #tpu.memory_space<vmem_shared>>
      %dma_start3A_622 = tpu.memref_slice %arg28[%dma_start3A_613] : memref<2x!tpu.dma_semaphore, #tpu.memory_space<semaphore_mem>> -> memref<1x!tpu.dma_semaphore, #tpu.memory_space<semaphore_mem>>
      %dma_start3A_623 = tpu.memref_squeeze %dma_start3A_622 : memref<1x!tpu.dma_semaphore, #tpu.memory_space<semaphore_mem>> -> memref<!tpu.dma_semaphore, #tpu.memory_space<semaphore_mem>>
      tpu.enqueue_indirect_dma source(%dma_start3A_616 : memref<128xf32, #tpu.memory_space<vmem>>) target(%dma_start3A_621 : memref<65536xf32, #tpu.memory_space<vmem_shared>>) offsets(%dma_start3A_619 : memref<128xi32, #tpu.memory_space<vmem>>) semaphore(%dma_start3A_623 : memref<!tpu.dma_semaphore, #tpu.memory_space<semaphore_mem>>) {add = true}
      %dma_start3A_624 = arith.constant 1 : i32
      %dma_start3A_625 = arith.constant 1 : i32
      %dma_start3A_626 = arith.constant 1 : i32
      %dma_start3A_627 = arith.constant 0 : i32
      %dma_start3A_628 = tpu.memref_slice %arg21[%dma_start3A_624, %dma_start3A_627] : memref<16x128xf32, #tpu.memory_space<vmem>> -> memref<1x128xf32, #tpu.memory_space<vmem>>
      %dma_start3A_629 = tpu.memref_squeeze %dma_start3A_628 : memref<1x128xf32, #tpu.memory_space<vmem>> -> memref<128xf32, #tpu.memory_space<vmem>>
      %dma_start3A_630 = arith.constant 0 : i32
      %dma_start3A_631 = tpu.memref_slice %arg9[%dma_start3A_625, %dma_start3A_630] : memref<16x128xi32, #tpu.memory_space<vmem>> -> memref<1x128xi32, #tpu.memory_space<vmem>>
      %dma_start3A_632 = tpu.memref_squeeze %dma_start3A_631 : memref<1x128xi32, #tpu.memory_space<vmem>> -> memref<128xi32, #tpu.memory_space<vmem>>
      %dma_start3A_633 = arith.constant 0 : i32
      %dma_start3A_634 = tpu.memref_slice %arg25[%dma_start3A_633] : memref<65536xf32, #tpu.memory_space<vmem_shared>> -> memref<65536xf32, #tpu.memory_space<vmem_shared>>
      %dma_start3A_635 = tpu.memref_slice %arg28[%dma_start3A_626] : memref<2x!tpu.dma_semaphore, #tpu.memory_space<semaphore_mem>> -> memref<1x!tpu.dma_semaphore, #tpu.memory_space<semaphore_mem>>
      %dma_start3A_636 = tpu.memref_squeeze %dma_start3A_635 : memref<1x!tpu.dma_semaphore, #tpu.memory_space<semaphore_mem>> -> memref<!tpu.dma_semaphore, #tpu.memory_space<semaphore_mem>>
      tpu.enqueue_indirect_dma source(%dma_start3A_629 : memref<128xf32, #tpu.memory_space<vmem>>) target(%dma_start3A_634 : memref<65536xf32, #tpu.memory_space<vmem_shared>>) offsets(%dma_start3A_632 : memref<128xi32, #tpu.memory_space<vmem>>) semaphore(%dma_start3A_636 : memref<!tpu.dma_semaphore, #tpu.memory_space<semaphore_mem>>) {add = true}
      %dma_start3A_637 = arith.constant 1 : i32
      %dma_start3A_638 = arith.constant 1 : i32
      %dma_start3A_639 = arith.constant 1 : i32
      %dma_start3A_640 = arith.constant 0 : i32
      %dma_start3A_641 = tpu.memref_slice %arg23[%dma_start3A_637, %dma_start3A_640] : memref<16x128xf32, #tpu.memory_space<vmem>> -> memref<1x128xf32, #tpu.memory_space<vmem>>
      %dma_start3A_642 = tpu.memref_squeeze %dma_start3A_641 : memref<1x128xf32, #tpu.memory_space<vmem>> -> memref<128xf32, #tpu.memory_space<vmem>>
      %dma_start3A_643 = arith.constant 0 : i32
      %dma_start3A_644 = tpu.memref_slice %arg13[%dma_start3A_638, %dma_start3A_643] : memref<16x128xi32, #tpu.memory_space<vmem>> -> memref<1x128xi32, #tpu.memory_space<vmem>>
      %dma_start3A_645 = tpu.memref_squeeze %dma_start3A_644 : memref<1x128xi32, #tpu.memory_space<vmem>> -> memref<128xi32, #tpu.memory_space<vmem>>
      %dma_start3A_646 = arith.constant 0 : i32
      %dma_start3A_647 = tpu.memref_slice %arg25[%dma_start3A_646] : memref<65536xf32, #tpu.memory_space<vmem_shared>> -> memref<65536xf32, #tpu.memory_space<vmem_shared>>
      %dma_start3A_648 = tpu.memref_slice %arg28[%dma_start3A_639] : memref<2x!tpu.dma_semaphore, #tpu.memory_space<semaphore_mem>> -> memref<1x!tpu.dma_semaphore, #tpu.memory_space<semaphore_mem>>
      %dma_start3A_649 = tpu.memref_squeeze %dma_start3A_648 : memref<1x!tpu.dma_semaphore, #tpu.memory_space<semaphore_mem>> -> memref<!tpu.dma_semaphore, #tpu.memory_space<semaphore_mem>>
      tpu.enqueue_indirect_dma source(%dma_start3A_642 : memref<128xf32, #tpu.memory_space<vmem>>) target(%dma_start3A_647 : memref<65536xf32, #tpu.memory_space<vmem_shared>>) offsets(%dma_start3A_645 : memref<128xi32, #tpu.memory_space<vmem>>) semaphore(%dma_start3A_649 : memref<!tpu.dma_semaphore, #tpu.memory_space<semaphore_mem>>) {add = true}
      %dma_start3A_650 = arith.constant 2 : i32
      %dma_start3A_651 = arith.constant 2 : i32
      %dma_start3A_652 = arith.constant 1 : i32
      %dma_start3A_653 = arith.constant 0 : i32
      %dma_start3A_654 = tpu.memref_slice %arg21[%dma_start3A_650, %dma_start3A_653] : memref<16x128xf32, #tpu.memory_space<vmem>> -> memref<1x128xf32, #tpu.memory_space<vmem>>
      %dma_start3A_655 = tpu.memref_squeeze %dma_start3A_654 : memref<1x128xf32, #tpu.memory_space<vmem>> -> memref<128xf32, #tpu.memory_space<vmem>>
      %dma_start3A_656 = arith.constant 0 : i32
      %dma_start3A_657 = tpu.memref_slice %arg9[%dma_start3A_651, %dma_start3A_656] : memref<16x128xi32, #tpu.memory_space<vmem>> -> memref<1x128xi32, #tpu.memory_space<vmem>>
      %dma_start3A_658 = tpu.memref_squeeze %dma_start3A_657 : memref<1x128xi32, #tpu.memory_space<vmem>> -> memref<128xi32, #tpu.memory_space<vmem>>
      %dma_start3A_659 = arith.constant 0 : i32
      %dma_start3A_660 = tpu.memref_slice %arg25[%dma_start3A_659] : memref<65536xf32, #tpu.memory_space<vmem_shared>> -> memref<65536xf32, #tpu.memory_space<vmem_shared>>
      %dma_start3A_661 = tpu.memref_slice %arg28[%dma_start3A_652] : memref<2x!tpu.dma_semaphore, #tpu.memory_space<semaphore_mem>> -> memref<1x!tpu.dma_semaphore, #tpu.memory_space<semaphore_mem>>
      %dma_start3A_662 = tpu.memref_squeeze %dma_start3A_661 : memref<1x!tpu.dma_semaphore, #tpu.memory_space<semaphore_mem>> -> memref<!tpu.dma_semaphore, #tpu.memory_space<semaphore_mem>>
      tpu.enqueue_indirect_dma source(%dma_start3A_655 : memref<128xf32, #tpu.memory_space<vmem>>) target(%dma_start3A_660 : memref<65536xf32, #tpu.memory_space<vmem_shared>>) offsets(%dma_start3A_658 : memref<128xi32, #tpu.memory_space<vmem>>) semaphore(%dma_start3A_662 : memref<!tpu.dma_semaphore, #tpu.memory_space<semaphore_mem>>) {add = true}
      %dma_start3A_663 = arith.constant 2 : i32
      %dma_start3A_664 = arith.constant 2 : i32
      %dma_start3A_665 = arith.constant 1 : i32
      %dma_start3A_666 = arith.constant 0 : i32
      %dma_start3A_667 = tpu.memref_slice %arg23[%dma_start3A_663, %dma_start3A_666] : memref<16x128xf32, #tpu.memory_space<vmem>> -> memref<1x128xf32, #tpu.memory_space<vmem>>
      %dma_start3A_668 = tpu.memref_squeeze %dma_start3A_667 : memref<1x128xf32, #tpu.memory_space<vmem>> -> memref<128xf32, #tpu.memory_space<vmem>>
      %dma_start3A_669 = arith.constant 0 : i32
      %dma_start3A_670 = tpu.memref_slice %arg13[%dma_start3A_664, %dma_start3A_669] : memref<16x128xi32, #tpu.memory_space<vmem>> -> memref<1x128xi32, #tpu.memory_space<vmem>>
      %dma_start3A_671 = tpu.memref_squeeze %dma_start3A_670 : memref<1x128xi32, #tpu.memory_space<vmem>> -> memref<128xi32, #tpu.memory_space<vmem>>
      %dma_start3A_672 = arith.constant 0 : i32
      %dma_start3A_673 = tpu.memref_slice %arg25[%dma_start3A_672] : memref<65536xf32, #tpu.memory_space<vmem_shared>> -> memref<65536xf32, #tpu.memory_space<vmem_shared>>
      %dma_start3A_674 = tpu.memref_slice %arg28[%dma_start3A_665] : memref<2x!tpu.dma_semaphore, #tpu.memory_space<semaphore_mem>> -> memref<1x!tpu.dma_semaphore, #tpu.memory_space<semaphore_mem>>
      %dma_start3A_675 = tpu.memref_squeeze %dma_start3A_674 : memref<1x!tpu.dma_semaphore, #tpu.memory_space<semaphore_mem>> -> memref<!tpu.dma_semaphore, #tpu.memory_space<semaphore_mem>>
      tpu.enqueue_indirect_dma source(%dma_start3A_668 : memref<128xf32, #tpu.memory_space<vmem>>) target(%dma_start3A_673 : memref<65536xf32, #tpu.memory_space<vmem_shared>>) offsets(%dma_start3A_671 : memref<128xi32, #tpu.memory_space<vmem>>) semaphore(%dma_start3A_675 : memref<!tpu.dma_semaphore, #tpu.memory_space<semaphore_mem>>) {add = true}
      %dma_start3A_676 = arith.constant 3 : i32
      %dma_start3A_677 = arith.constant 3 : i32
      %dma_start3A_678 = arith.constant 1 : i32
      %dma_start3A_679 = arith.constant 0 : i32
      %dma_start3A_680 = tpu.memref_slice %arg21[%dma_start3A_676, %dma_start3A_679] : memref<16x128xf32, #tpu.memory_space<vmem>> -> memref<1x128xf32, #tpu.memory_space<vmem>>
      %dma_start3A_681 = tpu.memref_squeeze %dma_start3A_680 : memref<1x128xf32, #tpu.memory_space<vmem>> -> memref<128xf32, #tpu.memory_space<vmem>>
      %dma_start3A_682 = arith.constant 0 : i32
      %dma_start3A_683 = tpu.memref_slice %arg9[%dma_start3A_677, %dma_start3A_682] : memref<16x128xi32, #tpu.memory_space<vmem>> -> memref<1x128xi32, #tpu.memory_space<vmem>>
      %dma_start3A_684 = tpu.memref_squeeze %dma_start3A_683 : memref<1x128xi32, #tpu.memory_space<vmem>> -> memref<128xi32, #tpu.memory_space<vmem>>
      %dma_start3A_685 = arith.constant 0 : i32
      %dma_start3A_686 = tpu.memref_slice %arg25[%dma_start3A_685] : memref<65536xf32, #tpu.memory_space<vmem_shared>> -> memref<65536xf32, #tpu.memory_space<vmem_shared>>
      %dma_start3A_687 = tpu.memref_slice %arg28[%dma_start3A_678] : memref<2x!tpu.dma_semaphore, #tpu.memory_space<semaphore_mem>> -> memref<1x!tpu.dma_semaphore, #tpu.memory_space<semaphore_mem>>
      %dma_start3A_688 = tpu.memref_squeeze %dma_start3A_687 : memref<1x!tpu.dma_semaphore, #tpu.memory_space<semaphore_mem>> -> memref<!tpu.dma_semaphore, #tpu.memory_space<semaphore_mem>>
      tpu.enqueue_indirect_dma source(%dma_start3A_681 : memref<128xf32, #tpu.memory_space<vmem>>) target(%dma_start3A_686 : memref<65536xf32, #tpu.memory_space<vmem_shared>>) offsets(%dma_start3A_684 : memref<128xi32, #tpu.memory_space<vmem>>) semaphore(%dma_start3A_688 : memref<!tpu.dma_semaphore, #tpu.memory_space<semaphore_mem>>) {add = true}
      %dma_start3A_689 = arith.constant 3 : i32
      %dma_start3A_690 = arith.constant 3 : i32
      %dma_start3A_691 = arith.constant 1 : i32
      %dma_start3A_692 = arith.constant 0 : i32
      %dma_start3A_693 = tpu.memref_slice %arg23[%dma_start3A_689, %dma_start3A_692] : memref<16x128xf32, #tpu.memory_space<vmem>> -> memref<1x128xf32, #tpu.memory_space<vmem>>
      %dma_start3A_694 = tpu.memref_squeeze %dma_start3A_693 : memref<1x128xf32, #tpu.memory_space<vmem>> -> memref<128xf32, #tpu.memory_space<vmem>>
      %dma_start3A_695 = arith.constant 0 : i32
      %dma_start3A_696 = tpu.memref_slice %arg13[%dma_start3A_690, %dma_start3A_695] : memref<16x128xi32, #tpu.memory_space<vmem>> -> memref<1x128xi32, #tpu.memory_space<vmem>>
      %dma_start3A_697 = tpu.memref_squeeze %dma_start3A_696 : memref<1x128xi32, #tpu.memory_space<vmem>> -> memref<128xi32, #tpu.memory_space<vmem>>
      %dma_start3A_698 = arith.constant 0 : i32
      %dma_start3A_699 = tpu.memref_slice %arg25[%dma_start3A_698] : memref<65536xf32, #tpu.memory_space<vmem_shared>> -> memref<65536xf32, #tpu.memory_space<vmem_shared>>
      %dma_start3A_700 = tpu.memref_slice %arg28[%dma_start3A_691] : memref<2x!tpu.dma_semaphore, #tpu.memory_space<semaphore_mem>> -> memref<1x!tpu.dma_semaphore, #tpu.memory_space<semaphore_mem>>
      %dma_start3A_701 = tpu.memref_squeeze %dma_start3A_700 : memref<1x!tpu.dma_semaphore, #tpu.memory_space<semaphore_mem>> -> memref<!tpu.dma_semaphore, #tpu.memory_space<semaphore_mem>>
      tpu.enqueue_indirect_dma source(%dma_start3A_694 : memref<128xf32, #tpu.memory_space<vmem>>) target(%dma_start3A_699 : memref<65536xf32, #tpu.memory_space<vmem_shared>>) offsets(%dma_start3A_697 : memref<128xi32, #tpu.memory_space<vmem>>) semaphore(%dma_start3A_701 : memref<!tpu.dma_semaphore, #tpu.memory_space<semaphore_mem>>) {add = true}
      %dma_start3A_702 = arith.constant 4 : i32
      %dma_start3A_703 = arith.constant 4 : i32
      %dma_start3A_704 = arith.constant 1 : i32
      %dma_start3A_705 = arith.constant 0 : i32
      %dma_start3A_706 = tpu.memref_slice %arg21[%dma_start3A_702, %dma_start3A_705] : memref<16x128xf32, #tpu.memory_space<vmem>> -> memref<1x128xf32, #tpu.memory_space<vmem>>
      %dma_start3A_707 = tpu.memref_squeeze %dma_start3A_706 : memref<1x128xf32, #tpu.memory_space<vmem>> -> memref<128xf32, #tpu.memory_space<vmem>>
      %dma_start3A_708 = arith.constant 0 : i32
      %dma_start3A_709 = tpu.memref_slice %arg9[%dma_start3A_703, %dma_start3A_708] : memref<16x128xi32, #tpu.memory_space<vmem>> -> memref<1x128xi32, #tpu.memory_space<vmem>>
      %dma_start3A_710 = tpu.memref_squeeze %dma_start3A_709 : memref<1x128xi32, #tpu.memory_space<vmem>> -> memref<128xi32, #tpu.memory_space<vmem>>
      %dma_start3A_711 = arith.constant 0 : i32
      %dma_start3A_712 = tpu.memref_slice %arg25[%dma_start3A_711] : memref<65536xf32, #tpu.memory_space<vmem_shared>> -> memref<65536xf32, #tpu.memory_space<vmem_shared>>
      %dma_start3A_713 = tpu.memref_slice %arg28[%dma_start3A_704] : memref<2x!tpu.dma_semaphore, #tpu.memory_space<semaphore_mem>> -> memref<1x!tpu.dma_semaphore, #tpu.memory_space<semaphore_mem>>
      %dma_start3A_714 = tpu.memref_squeeze %dma_start3A_713 : memref<1x!tpu.dma_semaphore, #tpu.memory_space<semaphore_mem>> -> memref<!tpu.dma_semaphore, #tpu.memory_space<semaphore_mem>>
      tpu.enqueue_indirect_dma source(%dma_start3A_707 : memref<128xf32, #tpu.memory_space<vmem>>) target(%dma_start3A_712 : memref<65536xf32, #tpu.memory_space<vmem_shared>>) offsets(%dma_start3A_710 : memref<128xi32, #tpu.memory_space<vmem>>) semaphore(%dma_start3A_714 : memref<!tpu.dma_semaphore, #tpu.memory_space<semaphore_mem>>) {add = true}
      %dma_start3A_715 = arith.constant 4 : i32
      %dma_start3A_716 = arith.constant 4 : i32
      %dma_start3A_717 = arith.constant 1 : i32
      %dma_start3A_718 = arith.constant 0 : i32
      %dma_start3A_719 = tpu.memref_slice %arg23[%dma_start3A_715, %dma_start3A_718] : memref<16x128xf32, #tpu.memory_space<vmem>> -> memref<1x128xf32, #tpu.memory_space<vmem>>
      %dma_start3A_720 = tpu.memref_squeeze %dma_start3A_719 : memref<1x128xf32, #tpu.memory_space<vmem>> -> memref<128xf32, #tpu.memory_space<vmem>>
      %dma_start3A_721 = arith.constant 0 : i32
      %dma_start3A_722 = tpu.memref_slice %arg13[%dma_start3A_716, %dma_start3A_721] : memref<16x128xi32, #tpu.memory_space<vmem>> -> memref<1x128xi32, #tpu.memory_space<vmem>>
      %dma_start3A_723 = tpu.memref_squeeze %dma_start3A_722 : memref<1x128xi32, #tpu.memory_space<vmem>> -> memref<128xi32, #tpu.memory_space<vmem>>
      %dma_start3A_724 = arith.constant 0 : i32
      %dma_start3A_725 = tpu.memref_slice %arg25[%dma_start3A_724] : memref<65536xf32, #tpu.memory_space<vmem_shared>> -> memref<65536xf32, #tpu.memory_space<vmem_shared>>
      %dma_start3A_726 = tpu.memref_slice %arg28[%dma_start3A_717] : memref<2x!tpu.dma_semaphore, #tpu.memory_space<semaphore_mem>> -> memref<1x!tpu.dma_semaphore, #tpu.memory_space<semaphore_mem>>
      %dma_start3A_727 = tpu.memref_squeeze %dma_start3A_726 : memref<1x!tpu.dma_semaphore, #tpu.memory_space<semaphore_mem>> -> memref<!tpu.dma_semaphore, #tpu.memory_space<semaphore_mem>>
      tpu.enqueue_indirect_dma source(%dma_start3A_720 : memref<128xf32, #tpu.memory_space<vmem>>) target(%dma_start3A_725 : memref<65536xf32, #tpu.memory_space<vmem_shared>>) offsets(%dma_start3A_723 : memref<128xi32, #tpu.memory_space<vmem>>) semaphore(%dma_start3A_727 : memref<!tpu.dma_semaphore, #tpu.memory_space<semaphore_mem>>) {add = true}
      %dma_start3A_728 = arith.constant 5 : i32
      %dma_start3A_729 = arith.constant 5 : i32
      %dma_start3A_730 = arith.constant 1 : i32
      %dma_start3A_731 = arith.constant 0 : i32
      %dma_start3A_732 = tpu.memref_slice %arg21[%dma_start3A_728, %dma_start3A_731] : memref<16x128xf32, #tpu.memory_space<vmem>> -> memref<1x128xf32, #tpu.memory_space<vmem>>
      %dma_start3A_733 = tpu.memref_squeeze %dma_start3A_732 : memref<1x128xf32, #tpu.memory_space<vmem>> -> memref<128xf32, #tpu.memory_space<vmem>>
      %dma_start3A_734 = arith.constant 0 : i32
      %dma_start3A_735 = tpu.memref_slice %arg9[%dma_start3A_729, %dma_start3A_734] : memref<16x128xi32, #tpu.memory_space<vmem>> -> memref<1x128xi32, #tpu.memory_space<vmem>>
      %dma_start3A_736 = tpu.memref_squeeze %dma_start3A_735 : memref<1x128xi32, #tpu.memory_space<vmem>> -> memref<128xi32, #tpu.memory_space<vmem>>
      %dma_start3A_737 = arith.constant 0 : i32
      %dma_start3A_738 = tpu.memref_slice %arg25[%dma_start3A_737] : memref<65536xf32, #tpu.memory_space<vmem_shared>> -> memref<65536xf32, #tpu.memory_space<vmem_shared>>
      %dma_start3A_739 = tpu.memref_slice %arg28[%dma_start3A_730] : memref<2x!tpu.dma_semaphore, #tpu.memory_space<semaphore_mem>> -> memref<1x!tpu.dma_semaphore, #tpu.memory_space<semaphore_mem>>
      %dma_start3A_740 = tpu.memref_squeeze %dma_start3A_739 : memref<1x!tpu.dma_semaphore, #tpu.memory_space<semaphore_mem>> -> memref<!tpu.dma_semaphore, #tpu.memory_space<semaphore_mem>>
      tpu.enqueue_indirect_dma source(%dma_start3A_733 : memref<128xf32, #tpu.memory_space<vmem>>) target(%dma_start3A_738 : memref<65536xf32, #tpu.memory_space<vmem_shared>>) offsets(%dma_start3A_736 : memref<128xi32, #tpu.memory_space<vmem>>) semaphore(%dma_start3A_740 : memref<!tpu.dma_semaphore, #tpu.memory_space<semaphore_mem>>) {add = true}
      %dma_start3A_741 = arith.constant 5 : i32
      %dma_start3A_742 = arith.constant 5 : i32
      %dma_start3A_743 = arith.constant 1 : i32
      %dma_start3A_744 = arith.constant 0 : i32
      %dma_start3A_745 = tpu.memref_slice %arg23[%dma_start3A_741, %dma_start3A_744] : memref<16x128xf32, #tpu.memory_space<vmem>> -> memref<1x128xf32, #tpu.memory_space<vmem>>
      %dma_start3A_746 = tpu.memref_squeeze %dma_start3A_745 : memref<1x128xf32, #tpu.memory_space<vmem>> -> memref<128xf32, #tpu.memory_space<vmem>>
      %dma_start3A_747 = arith.constant 0 : i32
      %dma_start3A_748 = tpu.memref_slice %arg13[%dma_start3A_742, %dma_start3A_747] : memref<16x128xi32, #tpu.memory_space<vmem>> -> memref<1x128xi32, #tpu.memory_space<vmem>>
      %dma_start3A_749 = tpu.memref_squeeze %dma_start3A_748 : memref<1x128xi32, #tpu.memory_space<vmem>> -> memref<128xi32, #tpu.memory_space<vmem>>
      %dma_start3A_750 = arith.constant 0 : i32
      %dma_start3A_751 = tpu.memref_slice %arg25[%dma_start3A_750] : memref<65536xf32, #tpu.memory_space<vmem_shared>> -> memref<65536xf32, #tpu.memory_space<vmem_shared>>
      %dma_start3A_752 = tpu.memref_slice %arg28[%dma_start3A_743] : memref<2x!tpu.dma_semaphore, #tpu.memory_space<semaphore_mem>> -> memref<1x!tpu.dma_semaphore, #tpu.memory_space<semaphore_mem>>
      %dma_start3A_753 = tpu.memref_squeeze %dma_start3A_752 : memref<1x!tpu.dma_semaphore, #tpu.memory_space<semaphore_mem>> -> memref<!tpu.dma_semaphore, #tpu.memory_space<semaphore_mem>>
      tpu.enqueue_indirect_dma source(%dma_start3A_746 : memref<128xf32, #tpu.memory_space<vmem>>) target(%dma_start3A_751 : memref<65536xf32, #tpu.memory_space<vmem_shared>>) offsets(%dma_start3A_749 : memref<128xi32, #tpu.memory_space<vmem>>) semaphore(%dma_start3A_753 : memref<!tpu.dma_semaphore, #tpu.memory_space<semaphore_mem>>) {add = true}
      %dma_start3A_754 = arith.constant 6 : i32
      %dma_start3A_755 = arith.constant 6 : i32
      %dma_start3A_756 = arith.constant 1 : i32
      %dma_start3A_757 = arith.constant 0 : i32
      %dma_start3A_758 = tpu.memref_slice %arg21[%dma_start3A_754, %dma_start3A_757] : memref<16x128xf32, #tpu.memory_space<vmem>> -> memref<1x128xf32, #tpu.memory_space<vmem>>
      %dma_start3A_759 = tpu.memref_squeeze %dma_start3A_758 : memref<1x128xf32, #tpu.memory_space<vmem>> -> memref<128xf32, #tpu.memory_space<vmem>>
      %dma_start3A_760 = arith.constant 0 : i32
      %dma_start3A_761 = tpu.memref_slice %arg9[%dma_start3A_755, %dma_start3A_760] : memref<16x128xi32, #tpu.memory_space<vmem>> -> memref<1x128xi32, #tpu.memory_space<vmem>>
      %dma_start3A_762 = tpu.memref_squeeze %dma_start3A_761 : memref<1x128xi32, #tpu.memory_space<vmem>> -> memref<128xi32, #tpu.memory_space<vmem>>
      %dma_start3A_763 = arith.constant 0 : i32
      %dma_start3A_764 = tpu.memref_slice %arg25[%dma_start3A_763] : memref<65536xf32, #tpu.memory_space<vmem_shared>> -> memref<65536xf32, #tpu.memory_space<vmem_shared>>
      %dma_start3A_765 = tpu.memref_slice %arg28[%dma_start3A_756] : memref<2x!tpu.dma_semaphore, #tpu.memory_space<semaphore_mem>> -> memref<1x!tpu.dma_semaphore, #tpu.memory_space<semaphore_mem>>
      %dma_start3A_766 = tpu.memref_squeeze %dma_start3A_765 : memref<1x!tpu.dma_semaphore, #tpu.memory_space<semaphore_mem>> -> memref<!tpu.dma_semaphore, #tpu.memory_space<semaphore_mem>>
      tpu.enqueue_indirect_dma source(%dma_start3A_759 : memref<128xf32, #tpu.memory_space<vmem>>) target(%dma_start3A_764 : memref<65536xf32, #tpu.memory_space<vmem_shared>>) offsets(%dma_start3A_762 : memref<128xi32, #tpu.memory_space<vmem>>) semaphore(%dma_start3A_766 : memref<!tpu.dma_semaphore, #tpu.memory_space<semaphore_mem>>) {add = true}
      %dma_start3A_767 = arith.constant 6 : i32
      %dma_start3A_768 = arith.constant 6 : i32
      %dma_start3A_769 = arith.constant 1 : i32
      %dma_start3A_770 = arith.constant 0 : i32
      %dma_start3A_771 = tpu.memref_slice %arg23[%dma_start3A_767, %dma_start3A_770] : memref<16x128xf32, #tpu.memory_space<vmem>> -> memref<1x128xf32, #tpu.memory_space<vmem>>
      %dma_start3A_772 = tpu.memref_squeeze %dma_start3A_771 : memref<1x128xf32, #tpu.memory_space<vmem>> -> memref<128xf32, #tpu.memory_space<vmem>>
      %dma_start3A_773 = arith.constant 0 : i32
      %dma_start3A_774 = tpu.memref_slice %arg13[%dma_start3A_768, %dma_start3A_773] : memref<16x128xi32, #tpu.memory_space<vmem>> -> memref<1x128xi32, #tpu.memory_space<vmem>>
      %dma_start3A_775 = tpu.memref_squeeze %dma_start3A_774 : memref<1x128xi32, #tpu.memory_space<vmem>> -> memref<128xi32, #tpu.memory_space<vmem>>
      %dma_start3A_776 = arith.constant 0 : i32
      %dma_start3A_777 = tpu.memref_slice %arg25[%dma_start3A_776] : memref<65536xf32, #tpu.memory_space<vmem_shared>> -> memref<65536xf32, #tpu.memory_space<vmem_shared>>
      %dma_start3A_778 = tpu.memref_slice %arg28[%dma_start3A_769] : memref<2x!tpu.dma_semaphore, #tpu.memory_space<semaphore_mem>> -> memref<1x!tpu.dma_semaphore, #tpu.memory_space<semaphore_mem>>
      %dma_start3A_779 = tpu.memref_squeeze %dma_start3A_778 : memref<1x!tpu.dma_semaphore, #tpu.memory_space<semaphore_mem>> -> memref<!tpu.dma_semaphore, #tpu.memory_space<semaphore_mem>>
      tpu.enqueue_indirect_dma source(%dma_start3A_772 : memref<128xf32, #tpu.memory_space<vmem>>) target(%dma_start3A_777 : memref<65536xf32, #tpu.memory_space<vmem_shared>>) offsets(%dma_start3A_775 : memref<128xi32, #tpu.memory_space<vmem>>) semaphore(%dma_start3A_779 : memref<!tpu.dma_semaphore, #tpu.memory_space<semaphore_mem>>) {add = true}
      %dma_start3A_780 = arith.constant 7 : i32
      %dma_start3A_781 = arith.constant 7 : i32
      %dma_start3A_782 = arith.constant 1 : i32
      %dma_start3A_783 = arith.constant 0 : i32
      %dma_start3A_784 = tpu.memref_slice %arg21[%dma_start3A_780, %dma_start3A_783] : memref<16x128xf32, #tpu.memory_space<vmem>> -> memref<1x128xf32, #tpu.memory_space<vmem>>
      %dma_start3A_785 = tpu.memref_squeeze %dma_start3A_784 : memref<1x128xf32, #tpu.memory_space<vmem>> -> memref<128xf32, #tpu.memory_space<vmem>>
      %dma_start3A_786 = arith.constant 0 : i32
      %dma_start3A_787 = tpu.memref_slice %arg9[%dma_start3A_781, %dma_start3A_786] : memref<16x128xi32, #tpu.memory_space<vmem>> -> memref<1x128xi32, #tpu.memory_space<vmem>>
      %dma_start3A_788 = tpu.memref_squeeze %dma_start3A_787 : memref<1x128xi32, #tpu.memory_space<vmem>> -> memref<128xi32, #tpu.memory_space<vmem>>
      %dma_start3A_789 = arith.constant 0 : i32
      %dma_start3A_790 = tpu.memref_slice %arg25[%dma_start3A_789] : memref<65536xf32, #tpu.memory_space<vmem_shared>> -> memref<65536xf32, #tpu.memory_space<vmem_shared>>
      %dma_start3A_791 = tpu.memref_slice %arg28[%dma_start3A_782] : memref<2x!tpu.dma_semaphore, #tpu.memory_space<semaphore_mem>> -> memref<1x!tpu.dma_semaphore, #tpu.memory_space<semaphore_mem>>
      %dma_start3A_792 = tpu.memref_squeeze %dma_start3A_791 : memref<1x!tpu.dma_semaphore, #tpu.memory_space<semaphore_mem>> -> memref<!tpu.dma_semaphore, #tpu.memory_space<semaphore_mem>>
      tpu.enqueue_indirect_dma source(%dma_start3A_785 : memref<128xf32, #tpu.memory_space<vmem>>) target(%dma_start3A_790 : memref<65536xf32, #tpu.memory_space<vmem_shared>>) offsets(%dma_start3A_788 : memref<128xi32, #tpu.memory_space<vmem>>) semaphore(%dma_start3A_792 : memref<!tpu.dma_semaphore, #tpu.memory_space<semaphore_mem>>) {add = true}
      %dma_start3A_793 = arith.constant 7 : i32
      %dma_start3A_794 = arith.constant 7 : i32
      %dma_start3A_795 = arith.constant 1 : i32
      %dma_start3A_796 = arith.constant 0 : i32
      %dma_start3A_797 = tpu.memref_slice %arg23[%dma_start3A_793, %dma_start3A_796] : memref<16x128xf32, #tpu.memory_space<vmem>> -> memref<1x128xf32, #tpu.memory_space<vmem>>
      %dma_start3A_798 = tpu.memref_squeeze %dma_start3A_797 : memref<1x128xf32, #tpu.memory_space<vmem>> -> memref<128xf32, #tpu.memory_space<vmem>>
      %dma_start3A_799 = arith.constant 0 : i32
      %dma_start3A_800 = tpu.memref_slice %arg13[%dma_start3A_794, %dma_start3A_799] : memref<16x128xi32, #tpu.memory_space<vmem>> -> memref<1x128xi32, #tpu.memory_space<vmem>>
      %dma_start3A_801 = tpu.memref_squeeze %dma_start3A_800 : memref<1x128xi32, #tpu.memory_space<vmem>> -> memref<128xi32, #tpu.memory_space<vmem>>
      %dma_start3A_802 = arith.constant 0 : i32
      %dma_start3A_803 = tpu.memref_slice %arg25[%dma_start3A_802] : memref<65536xf32, #tpu.memory_space<vmem_shared>> -> memref<65536xf32, #tpu.memory_space<vmem_shared>>
      %dma_start3A_804 = tpu.memref_slice %arg28[%dma_start3A_795] : memref<2x!tpu.dma_semaphore, #tpu.memory_space<semaphore_mem>> -> memref<1x!tpu.dma_semaphore, #tpu.memory_space<semaphore_mem>>
      %dma_start3A_805 = tpu.memref_squeeze %dma_start3A_804 : memref<1x!tpu.dma_semaphore, #tpu.memory_space<semaphore_mem>> -> memref<!tpu.dma_semaphore, #tpu.memory_space<semaphore_mem>>
      tpu.enqueue_indirect_dma source(%dma_start3A_798 : memref<128xf32, #tpu.memory_space<vmem>>) target(%dma_start3A_803 : memref<65536xf32, #tpu.memory_space<vmem_shared>>) offsets(%dma_start3A_801 : memref<128xi32, #tpu.memory_space<vmem>>) semaphore(%dma_start3A_805 : memref<!tpu.dma_semaphore, #tpu.memory_space<semaphore_mem>>) {add = true}
      %dma_start3A_806 = arith.constant 8 : i32
      %dma_start3A_807 = arith.constant 8 : i32
      %dma_start3A_808 = arith.constant 1 : i32
      %dma_start3A_809 = arith.constant 0 : i32
      %dma_start3A_810 = tpu.memref_slice %arg21[%dma_start3A_806, %dma_start3A_809] : memref<16x128xf32, #tpu.memory_space<vmem>> -> memref<1x128xf32, #tpu.memory_space<vmem>>
      %dma_start3A_811 = tpu.memref_squeeze %dma_start3A_810 : memref<1x128xf32, #tpu.memory_space<vmem>> -> memref<128xf32, #tpu.memory_space<vmem>>
      %dma_start3A_812 = arith.constant 0 : i32
      %dma_start3A_813 = tpu.memref_slice %arg9[%dma_start3A_807, %dma_start3A_812] : memref<16x128xi32, #tpu.memory_space<vmem>> -> memref<1x128xi32, #tpu.memory_space<vmem>>
      %dma_start3A_814 = tpu.memref_squeeze %dma_start3A_813 : memref<1x128xi32, #tpu.memory_space<vmem>> -> memref<128xi32, #tpu.memory_space<vmem>>
      %dma_start3A_815 = arith.constant 0 : i32
      %dma_start3A_816 = tpu.memref_slice %arg25[%dma_start3A_815] : memref<65536xf32, #tpu.memory_space<vmem_shared>> -> memref<65536xf32, #tpu.memory_space<vmem_shared>>
      %dma_start3A_817 = tpu.memref_slice %arg28[%dma_start3A_808] : memref<2x!tpu.dma_semaphore, #tpu.memory_space<semaphore_mem>> -> memref<1x!tpu.dma_semaphore, #tpu.memory_space<semaphore_mem>>
      %dma_start3A_818 = tpu.memref_squeeze %dma_start3A_817 : memref<1x!tpu.dma_semaphore, #tpu.memory_space<semaphore_mem>> -> memref<!tpu.dma_semaphore, #tpu.memory_space<semaphore_mem>>
      tpu.enqueue_indirect_dma source(%dma_start3A_811 : memref<128xf32, #tpu.memory_space<vmem>>) target(%dma_start3A_816 : memref<65536xf32, #tpu.memory_space<vmem_shared>>) offsets(%dma_start3A_814 : memref<128xi32, #tpu.memory_space<vmem>>) semaphore(%dma_start3A_818 : memref<!tpu.dma_semaphore, #tpu.memory_space<semaphore_mem>>) {add = true}
      %dma_start3A_819 = arith.constant 8 : i32
      %dma_start3A_820 = arith.constant 8 : i32
      %dma_start3A_821 = arith.constant 1 : i32
      %dma_start3A_822 = arith.constant 0 : i32
      %dma_start3A_823 = tpu.memref_slice %arg23[%dma_start3A_819, %dma_start3A_822] : memref<16x128xf32, #tpu.memory_space<vmem>> -> memref<1x128xf32, #tpu.memory_space<vmem>>
      %dma_start3A_824 = tpu.memref_squeeze %dma_start3A_823 : memref<1x128xf32, #tpu.memory_space<vmem>> -> memref<128xf32, #tpu.memory_space<vmem>>
      %dma_start3A_825 = arith.constant 0 : i32
      %dma_start3A_826 = tpu.memref_slice %arg13[%dma_start3A_820, %dma_start3A_825] : memref<16x128xi32, #tpu.memory_space<vmem>> -> memref<1x128xi32, #tpu.memory_space<vmem>>
      %dma_start3A_827 = tpu.memref_squeeze %dma_start3A_826 : memref<1x128xi32, #tpu.memory_space<vmem>> -> memref<128xi32, #tpu.memory_space<vmem>>
      %dma_start3A_828 = arith.constant 0 : i32
      %dma_start3A_829 = tpu.memref_slice %arg25[%dma_start3A_828] : memref<65536xf32, #tpu.memory_space<vmem_shared>> -> memref<65536xf32, #tpu.memory_space<vmem_shared>>
      %dma_start3A_830 = tpu.memref_slice %arg28[%dma_start3A_821] : memref<2x!tpu.dma_semaphore, #tpu.memory_space<semaphore_mem>> -> memref<1x!tpu.dma_semaphore, #tpu.memory_space<semaphore_mem>>
      %dma_start3A_831 = tpu.memref_squeeze %dma_start3A_830 : memref<1x!tpu.dma_semaphore, #tpu.memory_space<semaphore_mem>> -> memref<!tpu.dma_semaphore, #tpu.memory_space<semaphore_mem>>
      tpu.enqueue_indirect_dma source(%dma_start3A_824 : memref<128xf32, #tpu.memory_space<vmem>>) target(%dma_start3A_829 : memref<65536xf32, #tpu.memory_space<vmem_shared>>) offsets(%dma_start3A_827 : memref<128xi32, #tpu.memory_space<vmem>>) semaphore(%dma_start3A_831 : memref<!tpu.dma_semaphore, #tpu.memory_space<semaphore_mem>>) {add = true}
      %dma_start3A_832 = arith.constant 9 : i32
      %dma_start3A_833 = arith.constant 9 : i32
      %dma_start3A_834 = arith.constant 1 : i32
      %dma_start3A_835 = arith.constant 0 : i32
      %dma_start3A_836 = tpu.memref_slice %arg21[%dma_start3A_832, %dma_start3A_835] : memref<16x128xf32, #tpu.memory_space<vmem>> -> memref<1x128xf32, #tpu.memory_space<vmem>>
      %dma_start3A_837 = tpu.memref_squeeze %dma_start3A_836 : memref<1x128xf32, #tpu.memory_space<vmem>> -> memref<128xf32, #tpu.memory_space<vmem>>
      %dma_start3A_838 = arith.constant 0 : i32
      %dma_start3A_839 = tpu.memref_slice %arg9[%dma_start3A_833, %dma_start3A_838] : memref<16x128xi32, #tpu.memory_space<vmem>> -> memref<1x128xi32, #tpu.memory_space<vmem>>
      %dma_start3A_840 = tpu.memref_squeeze %dma_start3A_839 : memref<1x128xi32, #tpu.memory_space<vmem>> -> memref<128xi32, #tpu.memory_space<vmem>>
      %dma_start3A_841 = arith.constant 0 : i32
      %dma_start3A_842 = tpu.memref_slice %arg25[%dma_start3A_841] : memref<65536xf32, #tpu.memory_space<vmem_shared>> -> memref<65536xf32, #tpu.memory_space<vmem_shared>>
      %dma_start3A_843 = tpu.memref_slice %arg28[%dma_start3A_834] : memref<2x!tpu.dma_semaphore, #tpu.memory_space<semaphore_mem>> -> memref<1x!tpu.dma_semaphore, #tpu.memory_space<semaphore_mem>>
      %dma_start3A_844 = tpu.memref_squeeze %dma_start3A_843 : memref<1x!tpu.dma_semaphore, #tpu.memory_space<semaphore_mem>> -> memref<!tpu.dma_semaphore, #tpu.memory_space<semaphore_mem>>
      tpu.enqueue_indirect_dma source(%dma_start3A_837 : memref<128xf32, #tpu.memory_space<vmem>>) target(%dma_start3A_842 : memref<65536xf32, #tpu.memory_space<vmem_shared>>) offsets(%dma_start3A_840 : memref<128xi32, #tpu.memory_space<vmem>>) semaphore(%dma_start3A_844 : memref<!tpu.dma_semaphore, #tpu.memory_space<semaphore_mem>>) {add = true}
      %dma_start3A_845 = arith.constant 9 : i32
      %dma_start3A_846 = arith.constant 9 : i32
      %dma_start3A_847 = arith.constant 1 : i32
      %dma_start3A_848 = arith.constant 0 : i32
      %dma_start3A_849 = tpu.memref_slice %arg23[%dma_start3A_845, %dma_start3A_848] : memref<16x128xf32, #tpu.memory_space<vmem>> -> memref<1x128xf32, #tpu.memory_space<vmem>>
      %dma_start3A_850 = tpu.memref_squeeze %dma_start3A_849 : memref<1x128xf32, #tpu.memory_space<vmem>> -> memref<128xf32, #tpu.memory_space<vmem>>
      %dma_start3A_851 = arith.constant 0 : i32
      %dma_start3A_852 = tpu.memref_slice %arg13[%dma_start3A_846, %dma_start3A_851] : memref<16x128xi32, #tpu.memory_space<vmem>> -> memref<1x128xi32, #tpu.memory_space<vmem>>
      %dma_start3A_853 = tpu.memref_squeeze %dma_start3A_852 : memref<1x128xi32, #tpu.memory_space<vmem>> -> memref<128xi32, #tpu.memory_space<vmem>>
      %dma_start3A_854 = arith.constant 0 : i32
      %dma_start3A_855 = tpu.memref_slice %arg25[%dma_start3A_854] : memref<65536xf32, #tpu.memory_space<vmem_shared>> -> memref<65536xf32, #tpu.memory_space<vmem_shared>>
      %dma_start3A_856 = tpu.memref_slice %arg28[%dma_start3A_847] : memref<2x!tpu.dma_semaphore, #tpu.memory_space<semaphore_mem>> -> memref<1x!tpu.dma_semaphore, #tpu.memory_space<semaphore_mem>>
      %dma_start3A_857 = tpu.memref_squeeze %dma_start3A_856 : memref<1x!tpu.dma_semaphore, #tpu.memory_space<semaphore_mem>> -> memref<!tpu.dma_semaphore, #tpu.memory_space<semaphore_mem>>
      tpu.enqueue_indirect_dma source(%dma_start3A_850 : memref<128xf32, #tpu.memory_space<vmem>>) target(%dma_start3A_855 : memref<65536xf32, #tpu.memory_space<vmem_shared>>) offsets(%dma_start3A_853 : memref<128xi32, #tpu.memory_space<vmem>>) semaphore(%dma_start3A_857 : memref<!tpu.dma_semaphore, #tpu.memory_space<semaphore_mem>>) {add = true}
      %dma_start3A_858 = arith.constant 10 : i32
      %dma_start3A_859 = arith.constant 10 : i32
      %dma_start3A_860 = arith.constant 1 : i32
      %dma_start3A_861 = arith.constant 0 : i32
      %dma_start3A_862 = tpu.memref_slice %arg21[%dma_start3A_858, %dma_start3A_861] : memref<16x128xf32, #tpu.memory_space<vmem>> -> memref<1x128xf32, #tpu.memory_space<vmem>>
      %dma_start3A_863 = tpu.memref_squeeze %dma_start3A_862 : memref<1x128xf32, #tpu.memory_space<vmem>> -> memref<128xf32, #tpu.memory_space<vmem>>
      %dma_start3A_864 = arith.constant 0 : i32
      %dma_start3A_865 = tpu.memref_slice %arg9[%dma_start3A_859, %dma_start3A_864] : memref<16x128xi32, #tpu.memory_space<vmem>> -> memref<1x128xi32, #tpu.memory_space<vmem>>
      %dma_start3A_866 = tpu.memref_squeeze %dma_start3A_865 : memref<1x128xi32, #tpu.memory_space<vmem>> -> memref<128xi32, #tpu.memory_space<vmem>>
      %dma_start3A_867 = arith.constant 0 : i32
      %dma_start3A_868 = tpu.memref_slice %arg25[%dma_start3A_867] : memref<65536xf32, #tpu.memory_space<vmem_shared>> -> memref<65536xf32, #tpu.memory_space<vmem_shared>>
      %dma_start3A_869 = tpu.memref_slice %arg28[%dma_start3A_860] : memref<2x!tpu.dma_semaphore, #tpu.memory_space<semaphore_mem>> -> memref<1x!tpu.dma_semaphore, #tpu.memory_space<semaphore_mem>>
      %dma_start3A_870 = tpu.memref_squeeze %dma_start3A_869 : memref<1x!tpu.dma_semaphore, #tpu.memory_space<semaphore_mem>> -> memref<!tpu.dma_semaphore, #tpu.memory_space<semaphore_mem>>
      tpu.enqueue_indirect_dma source(%dma_start3A_863 : memref<128xf32, #tpu.memory_space<vmem>>) target(%dma_start3A_868 : memref<65536xf32, #tpu.memory_space<vmem_shared>>) offsets(%dma_start3A_866 : memref<128xi32, #tpu.memory_space<vmem>>) semaphore(%dma_start3A_870 : memref<!tpu.dma_semaphore, #tpu.memory_space<semaphore_mem>>) {add = true}
      %dma_start3A_871 = arith.constant 10 : i32
      %dma_start3A_872 = arith.constant 10 : i32
      %dma_start3A_873 = arith.constant 1 : i32
      %dma_start3A_874 = arith.constant 0 : i32
      %dma_start3A_875 = tpu.memref_slice %arg23[%dma_start3A_871, %dma_start3A_874] : memref<16x128xf32, #tpu.memory_space<vmem>> -> memref<1x128xf32, #tpu.memory_space<vmem>>
      %dma_start3A_876 = tpu.memref_squeeze %dma_start3A_875 : memref<1x128xf32, #tpu.memory_space<vmem>> -> memref<128xf32, #tpu.memory_space<vmem>>
      %dma_start3A_877 = arith.constant 0 : i32
      %dma_start3A_878 = tpu.memref_slice %arg13[%dma_start3A_872, %dma_start3A_877] : memref<16x128xi32, #tpu.memory_space<vmem>> -> memref<1x128xi32, #tpu.memory_space<vmem>>
      %dma_start3A_879 = tpu.memref_squeeze %dma_start3A_878 : memref<1x128xi32, #tpu.memory_space<vmem>> -> memref<128xi32, #tpu.memory_space<vmem>>
      %dma_start3A_880 = arith.constant 0 : i32
      %dma_start3A_881 = tpu.memref_slice %arg25[%dma_start3A_880] : memref<65536xf32, #tpu.memory_space<vmem_shared>> -> memref<65536xf32, #tpu.memory_space<vmem_shared>>
      %dma_start3A_882 = tpu.memref_slice %arg28[%dma_start3A_873] : memref<2x!tpu.dma_semaphore, #tpu.memory_space<semaphore_mem>> -> memref<1x!tpu.dma_semaphore, #tpu.memory_space<semaphore_mem>>
      %dma_start3A_883 = tpu.memref_squeeze %dma_start3A_882 : memref<1x!tpu.dma_semaphore, #tpu.memory_space<semaphore_mem>> -> memref<!tpu.dma_semaphore, #tpu.memory_space<semaphore_mem>>
      tpu.enqueue_indirect_dma source(%dma_start3A_876 : memref<128xf32, #tpu.memory_space<vmem>>) target(%dma_start3A_881 : memref<65536xf32, #tpu.memory_space<vmem_shared>>) offsets(%dma_start3A_879 : memref<128xi32, #tpu.memory_space<vmem>>) semaphore(%dma_start3A_883 : memref<!tpu.dma_semaphore, #tpu.memory_space<semaphore_mem>>) {add = true}
      %dma_start3A_884 = arith.constant 11 : i32
      %dma_start3A_885 = arith.constant 11 : i32
      %dma_start3A_886 = arith.constant 1 : i32
      %dma_start3A_887 = arith.constant 0 : i32
      %dma_start3A_888 = tpu.memref_slice %arg21[%dma_start3A_884, %dma_start3A_887] : memref<16x128xf32, #tpu.memory_space<vmem>> -> memref<1x128xf32, #tpu.memory_space<vmem>>
      %dma_start3A_889 = tpu.memref_squeeze %dma_start3A_888 : memref<1x128xf32, #tpu.memory_space<vmem>> -> memref<128xf32, #tpu.memory_space<vmem>>
      %dma_start3A_890 = arith.constant 0 : i32
      %dma_start3A_891 = tpu.memref_slice %arg9[%dma_start3A_885, %dma_start3A_890] : memref<16x128xi32, #tpu.memory_space<vmem>> -> memref<1x128xi32, #tpu.memory_space<vmem>>
      %dma_start3A_892 = tpu.memref_squeeze %dma_start3A_891 : memref<1x128xi32, #tpu.memory_space<vmem>> -> memref<128xi32, #tpu.memory_space<vmem>>
      %dma_start3A_893 = arith.constant 0 : i32
      %dma_start3A_894 = tpu.memref_slice %arg25[%dma_start3A_893] : memref<65536xf32, #tpu.memory_space<vmem_shared>> -> memref<65536xf32, #tpu.memory_space<vmem_shared>>
      %dma_start3A_895 = tpu.memref_slice %arg28[%dma_start3A_886] : memref<2x!tpu.dma_semaphore, #tpu.memory_space<semaphore_mem>> -> memref<1x!tpu.dma_semaphore, #tpu.memory_space<semaphore_mem>>
      %dma_start3A_896 = tpu.memref_squeeze %dma_start3A_895 : memref<1x!tpu.dma_semaphore, #tpu.memory_space<semaphore_mem>> -> memref<!tpu.dma_semaphore, #tpu.memory_space<semaphore_mem>>
      tpu.enqueue_indirect_dma source(%dma_start3A_889 : memref<128xf32, #tpu.memory_space<vmem>>) target(%dma_start3A_894 : memref<65536xf32, #tpu.memory_space<vmem_shared>>) offsets(%dma_start3A_892 : memref<128xi32, #tpu.memory_space<vmem>>) semaphore(%dma_start3A_896 : memref<!tpu.dma_semaphore, #tpu.memory_space<semaphore_mem>>) {add = true}
      %dma_start3A_897 = arith.constant 11 : i32
      %dma_start3A_898 = arith.constant 11 : i32
      %dma_start3A_899 = arith.constant 1 : i32
      %dma_start3A_900 = arith.constant 0 : i32
      %dma_start3A_901 = tpu.memref_slice %arg23[%dma_start3A_897, %dma_start3A_900] : memref<16x128xf32, #tpu.memory_space<vmem>> -> memref<1x128xf32, #tpu.memory_space<vmem>>
      %dma_start3A_902 = tpu.memref_squeeze %dma_start3A_901 : memref<1x128xf32, #tpu.memory_space<vmem>> -> memref<128xf32, #tpu.memory_space<vmem>>
      %dma_start3A_903 = arith.constant 0 : i32
      %dma_start3A_904 = tpu.memref_slice %arg13[%dma_start3A_898, %dma_start3A_903] : memref<16x128xi32, #tpu.memory_space<vmem>> -> memref<1x128xi32, #tpu.memory_space<vmem>>
      %dma_start3A_905 = tpu.memref_squeeze %dma_start3A_904 : memref<1x128xi32, #tpu.memory_space<vmem>> -> memref<128xi32, #tpu.memory_space<vmem>>
      %dma_start3A_906 = arith.constant 0 : i32
      %dma_start3A_907 = tpu.memref_slice %arg25[%dma_start3A_906] : memref<65536xf32, #tpu.memory_space<vmem_shared>> -> memref<65536xf32, #tpu.memory_space<vmem_shared>>
      %dma_start3A_908 = tpu.memref_slice %arg28[%dma_start3A_899] : memref<2x!tpu.dma_semaphore, #tpu.memory_space<semaphore_mem>> -> memref<1x!tpu.dma_semaphore, #tpu.memory_space<semaphore_mem>>
      %dma_start3A_909 = tpu.memref_squeeze %dma_start3A_908 : memref<1x!tpu.dma_semaphore, #tpu.memory_space<semaphore_mem>> -> memref<!tpu.dma_semaphore, #tpu.memory_space<semaphore_mem>>
      tpu.enqueue_indirect_dma source(%dma_start3A_902 : memref<128xf32, #tpu.memory_space<vmem>>) target(%dma_start3A_907 : memref<65536xf32, #tpu.memory_space<vmem_shared>>) offsets(%dma_start3A_905 : memref<128xi32, #tpu.memory_space<vmem>>) semaphore(%dma_start3A_909 : memref<!tpu.dma_semaphore, #tpu.memory_space<semaphore_mem>>) {add = true}
      %dma_start3A_910 = arith.constant 12 : i32
      %dma_start3A_911 = arith.constant 12 : i32
      %dma_start3A_912 = arith.constant 1 : i32
      %dma_start3A_913 = arith.constant 0 : i32
      %dma_start3A_914 = tpu.memref_slice %arg21[%dma_start3A_910, %dma_start3A_913] : memref<16x128xf32, #tpu.memory_space<vmem>> -> memref<1x128xf32, #tpu.memory_space<vmem>>
      %dma_start3A_915 = tpu.memref_squeeze %dma_start3A_914 : memref<1x128xf32, #tpu.memory_space<vmem>> -> memref<128xf32, #tpu.memory_space<vmem>>
      %dma_start3A_916 = arith.constant 0 : i32
      %dma_start3A_917 = tpu.memref_slice %arg9[%dma_start3A_911, %dma_start3A_916] : memref<16x128xi32, #tpu.memory_space<vmem>> -> memref<1x128xi32, #tpu.memory_space<vmem>>
      %dma_start3A_918 = tpu.memref_squeeze %dma_start3A_917 : memref<1x128xi32, #tpu.memory_space<vmem>> -> memref<128xi32, #tpu.memory_space<vmem>>
      %dma_start3A_919 = arith.constant 0 : i32
      %dma_start3A_920 = tpu.memref_slice %arg25[%dma_start3A_919] : memref<65536xf32, #tpu.memory_space<vmem_shared>> -> memref<65536xf32, #tpu.memory_space<vmem_shared>>
      %dma_start3A_921 = tpu.memref_slice %arg28[%dma_start3A_912] : memref<2x!tpu.dma_semaphore, #tpu.memory_space<semaphore_mem>> -> memref<1x!tpu.dma_semaphore, #tpu.memory_space<semaphore_mem>>
      %dma_start3A_922 = tpu.memref_squeeze %dma_start3A_921 : memref<1x!tpu.dma_semaphore, #tpu.memory_space<semaphore_mem>> -> memref<!tpu.dma_semaphore, #tpu.memory_space<semaphore_mem>>
      tpu.enqueue_indirect_dma source(%dma_start3A_915 : memref<128xf32, #tpu.memory_space<vmem>>) target(%dma_start3A_920 : memref<65536xf32, #tpu.memory_space<vmem_shared>>) offsets(%dma_start3A_918 : memref<128xi32, #tpu.memory_space<vmem>>) semaphore(%dma_start3A_922 : memref<!tpu.dma_semaphore, #tpu.memory_space<semaphore_mem>>) {add = true}
      %dma_start3A_923 = arith.constant 12 : i32
      %dma_start3A_924 = arith.constant 12 : i32
      %dma_start3A_925 = arith.constant 1 : i32
      %dma_start3A_926 = arith.constant 0 : i32
      %dma_start3A_927 = tpu.memref_slice %arg23[%dma_start3A_923, %dma_start3A_926] : memref<16x128xf32, #tpu.memory_space<vmem>> -> memref<1x128xf32, #tpu.memory_space<vmem>>
      %dma_start3A_928 = tpu.memref_squeeze %dma_start3A_927 : memref<1x128xf32, #tpu.memory_space<vmem>> -> memref<128xf32, #tpu.memory_space<vmem>>
      %dma_start3A_929 = arith.constant 0 : i32
      %dma_start3A_930 = tpu.memref_slice %arg13[%dma_start3A_924, %dma_start3A_929] : memref<16x128xi32, #tpu.memory_space<vmem>> -> memref<1x128xi32, #tpu.memory_space<vmem>>
      %dma_start3A_931 = tpu.memref_squeeze %dma_start3A_930 : memref<1x128xi32, #tpu.memory_space<vmem>> -> memref<128xi32, #tpu.memory_space<vmem>>
      %dma_start3A_932 = arith.constant 0 : i32
      %dma_start3A_933 = tpu.memref_slice %arg25[%dma_start3A_932] : memref<65536xf32, #tpu.memory_space<vmem_shared>> -> memref<65536xf32, #tpu.memory_space<vmem_shared>>
      %dma_start3A_934 = tpu.memref_slice %arg28[%dma_start3A_925] : memref<2x!tpu.dma_semaphore, #tpu.memory_space<semaphore_mem>> -> memref<1x!tpu.dma_semaphore, #tpu.memory_space<semaphore_mem>>
      %dma_start3A_935 = tpu.memref_squeeze %dma_start3A_934 : memref<1x!tpu.dma_semaphore, #tpu.memory_space<semaphore_mem>> -> memref<!tpu.dma_semaphore, #tpu.memory_space<semaphore_mem>>
      tpu.enqueue_indirect_dma source(%dma_start3A_928 : memref<128xf32, #tpu.memory_space<vmem>>) target(%dma_start3A_933 : memref<65536xf32, #tpu.memory_space<vmem_shared>>) offsets(%dma_start3A_931 : memref<128xi32, #tpu.memory_space<vmem>>) semaphore(%dma_start3A_935 : memref<!tpu.dma_semaphore, #tpu.memory_space<semaphore_mem>>) {add = true}
      %dma_start3A_936 = arith.constant 13 : i32
      %dma_start3A_937 = arith.constant 13 : i32
      %dma_start3A_938 = arith.constant 1 : i32
      %dma_start3A_939 = arith.constant 0 : i32
      %dma_start3A_940 = tpu.memref_slice %arg21[%dma_start3A_936, %dma_start3A_939] : memref<16x128xf32, #tpu.memory_space<vmem>> -> memref<1x128xf32, #tpu.memory_space<vmem>>
      %dma_start3A_941 = tpu.memref_squeeze %dma_start3A_940 : memref<1x128xf32, #tpu.memory_space<vmem>> -> memref<128xf32, #tpu.memory_space<vmem>>
      %dma_start3A_942 = arith.constant 0 : i32
      %dma_start3A_943 = tpu.memref_slice %arg9[%dma_start3A_937, %dma_start3A_942] : memref<16x128xi32, #tpu.memory_space<vmem>> -> memref<1x128xi32, #tpu.memory_space<vmem>>
      %dma_start3A_944 = tpu.memref_squeeze %dma_start3A_943 : memref<1x128xi32, #tpu.memory_space<vmem>> -> memref<128xi32, #tpu.memory_space<vmem>>
      %dma_start3A_945 = arith.constant 0 : i32
      %dma_start3A_946 = tpu.memref_slice %arg25[%dma_start3A_945] : memref<65536xf32, #tpu.memory_space<vmem_shared>> -> memref<65536xf32, #tpu.memory_space<vmem_shared>>
      %dma_start3A_947 = tpu.memref_slice %arg28[%dma_start3A_938] : memref<2x!tpu.dma_semaphore, #tpu.memory_space<semaphore_mem>> -> memref<1x!tpu.dma_semaphore, #tpu.memory_space<semaphore_mem>>
      %dma_start3A_948 = tpu.memref_squeeze %dma_start3A_947 : memref<1x!tpu.dma_semaphore, #tpu.memory_space<semaphore_mem>> -> memref<!tpu.dma_semaphore, #tpu.memory_space<semaphore_mem>>
      tpu.enqueue_indirect_dma source(%dma_start3A_941 : memref<128xf32, #tpu.memory_space<vmem>>) target(%dma_start3A_946 : memref<65536xf32, #tpu.memory_space<vmem_shared>>) offsets(%dma_start3A_944 : memref<128xi32, #tpu.memory_space<vmem>>) semaphore(%dma_start3A_948 : memref<!tpu.dma_semaphore, #tpu.memory_space<semaphore_mem>>) {add = true}
      %dma_start3A_949 = arith.constant 13 : i32
      %dma_start3A_950 = arith.constant 13 : i32
      %dma_start3A_951 = arith.constant 1 : i32
      %dma_start3A_952 = arith.constant 0 : i32
      %dma_start3A_953 = tpu.memref_slice %arg23[%dma_start3A_949, %dma_start3A_952] : memref<16x128xf32, #tpu.memory_space<vmem>> -> memref<1x128xf32, #tpu.memory_space<vmem>>
      %dma_start3A_954 = tpu.memref_squeeze %dma_start3A_953 : memref<1x128xf32, #tpu.memory_space<vmem>> -> memref<128xf32, #tpu.memory_space<vmem>>
      %dma_start3A_955 = arith.constant 0 : i32
      %dma_start3A_956 = tpu.memref_slice %arg13[%dma_start3A_950, %dma_start3A_955] : memref<16x128xi32, #tpu.memory_space<vmem>> -> memref<1x128xi32, #tpu.memory_space<vmem>>
      %dma_start3A_957 = tpu.memref_squeeze %dma_start3A_956 : memref<1x128xi32, #tpu.memory_space<vmem>> -> memref<128xi32, #tpu.memory_space<vmem>>
      %dma_start3A_958 = arith.constant 0 : i32
      %dma_start3A_959 = tpu.memref_slice %arg25[%dma_start3A_958] : memref<65536xf32, #tpu.memory_space<vmem_shared>> -> memref<65536xf32, #tpu.memory_space<vmem_shared>>
      %dma_start3A_960 = tpu.memref_slice %arg28[%dma_start3A_951] : memref<2x!tpu.dma_semaphore, #tpu.memory_space<semaphore_mem>> -> memref<1x!tpu.dma_semaphore, #tpu.memory_space<semaphore_mem>>
      %dma_start3A_961 = tpu.memref_squeeze %dma_start3A_960 : memref<1x!tpu.dma_semaphore, #tpu.memory_space<semaphore_mem>> -> memref<!tpu.dma_semaphore, #tpu.memory_space<semaphore_mem>>
      tpu.enqueue_indirect_dma source(%dma_start3A_954 : memref<128xf32, #tpu.memory_space<vmem>>) target(%dma_start3A_959 : memref<65536xf32, #tpu.memory_space<vmem_shared>>) offsets(%dma_start3A_957 : memref<128xi32, #tpu.memory_space<vmem>>) semaphore(%dma_start3A_961 : memref<!tpu.dma_semaphore, #tpu.memory_space<semaphore_mem>>) {add = true}
      %dma_start3A_962 = arith.constant 14 : i32
      %dma_start3A_963 = arith.constant 14 : i32
      %dma_start3A_964 = arith.constant 1 : i32
      %dma_start3A_965 = arith.constant 0 : i32
      %dma_start3A_966 = tpu.memref_slice %arg21[%dma_start3A_962, %dma_start3A_965] : memref<16x128xf32, #tpu.memory_space<vmem>> -> memref<1x128xf32, #tpu.memory_space<vmem>>
      %dma_start3A_967 = tpu.memref_squeeze %dma_start3A_966 : memref<1x128xf32, #tpu.memory_space<vmem>> -> memref<128xf32, #tpu.memory_space<vmem>>
      %dma_start3A_968 = arith.constant 0 : i32
      %dma_start3A_969 = tpu.memref_slice %arg9[%dma_start3A_963, %dma_start3A_968] : memref<16x128xi32, #tpu.memory_space<vmem>> -> memref<1x128xi32, #tpu.memory_space<vmem>>
      %dma_start3A_970 = tpu.memref_squeeze %dma_start3A_969 : memref<1x128xi32, #tpu.memory_space<vmem>> -> memref<128xi32, #tpu.memory_space<vmem>>
      %dma_start3A_971 = arith.constant 0 : i32
      %dma_start3A_972 = tpu.memref_slice %arg25[%dma_start3A_971] : memref<65536xf32, #tpu.memory_space<vmem_shared>> -> memref<65536xf32, #tpu.memory_space<vmem_shared>>
      %dma_start3A_973 = tpu.memref_slice %arg28[%dma_start3A_964] : memref<2x!tpu.dma_semaphore, #tpu.memory_space<semaphore_mem>> -> memref<1x!tpu.dma_semaphore, #tpu.memory_space<semaphore_mem>>
      %dma_start3A_974 = tpu.memref_squeeze %dma_start3A_973 : memref<1x!tpu.dma_semaphore, #tpu.memory_space<semaphore_mem>> -> memref<!tpu.dma_semaphore, #tpu.memory_space<semaphore_mem>>
      tpu.enqueue_indirect_dma source(%dma_start3A_967 : memref<128xf32, #tpu.memory_space<vmem>>) target(%dma_start3A_972 : memref<65536xf32, #tpu.memory_space<vmem_shared>>) offsets(%dma_start3A_970 : memref<128xi32, #tpu.memory_space<vmem>>) semaphore(%dma_start3A_974 : memref<!tpu.dma_semaphore, #tpu.memory_space<semaphore_mem>>) {add = true}
      %dma_start3A_975 = arith.constant 14 : i32
      %dma_start3A_976 = arith.constant 14 : i32
      %dma_start3A_977 = arith.constant 1 : i32
      %dma_start3A_978 = arith.constant 0 : i32
      %dma_start3A_979 = tpu.memref_slice %arg23[%dma_start3A_975, %dma_start3A_978] : memref<16x128xf32, #tpu.memory_space<vmem>> -> memref<1x128xf32, #tpu.memory_space<vmem>>
      %dma_start3A_980 = tpu.memref_squeeze %dma_start3A_979 : memref<1x128xf32, #tpu.memory_space<vmem>> -> memref<128xf32, #tpu.memory_space<vmem>>
      %dma_start3A_981 = arith.constant 0 : i32
      %dma_start3A_982 = tpu.memref_slice %arg13[%dma_start3A_976, %dma_start3A_981] : memref<16x128xi32, #tpu.memory_space<vmem>> -> memref<1x128xi32, #tpu.memory_space<vmem>>
      %dma_start3A_983 = tpu.memref_squeeze %dma_start3A_982 : memref<1x128xi32, #tpu.memory_space<vmem>> -> memref<128xi32, #tpu.memory_space<vmem>>
      %dma_start3A_984 = arith.constant 0 : i32
      %dma_start3A_985 = tpu.memref_slice %arg25[%dma_start3A_984] : memref<65536xf32, #tpu.memory_space<vmem_shared>> -> memref<65536xf32, #tpu.memory_space<vmem_shared>>
      %dma_start3A_986 = tpu.memref_slice %arg28[%dma_start3A_977] : memref<2x!tpu.dma_semaphore, #tpu.memory_space<semaphore_mem>> -> memref<1x!tpu.dma_semaphore, #tpu.memory_space<semaphore_mem>>
      %dma_start3A_987 = tpu.memref_squeeze %dma_start3A_986 : memref<1x!tpu.dma_semaphore, #tpu.memory_space<semaphore_mem>> -> memref<!tpu.dma_semaphore, #tpu.memory_space<semaphore_mem>>
      tpu.enqueue_indirect_dma source(%dma_start3A_980 : memref<128xf32, #tpu.memory_space<vmem>>) target(%dma_start3A_985 : memref<65536xf32, #tpu.memory_space<vmem_shared>>) offsets(%dma_start3A_983 : memref<128xi32, #tpu.memory_space<vmem>>) semaphore(%dma_start3A_987 : memref<!tpu.dma_semaphore, #tpu.memory_space<semaphore_mem>>) {add = true}
      %dma_start3A_988 = arith.constant 15 : i32
      %dma_start3A_989 = arith.constant 15 : i32
      %dma_start3A_990 = arith.constant 1 : i32
      %dma_start3A_991 = arith.constant 0 : i32
      %dma_start3A_992 = tpu.memref_slice %arg21[%dma_start3A_988, %dma_start3A_991] : memref<16x128xf32, #tpu.memory_space<vmem>> -> memref<1x128xf32, #tpu.memory_space<vmem>>
      %dma_start3A_993 = tpu.memref_squeeze %dma_start3A_992 : memref<1x128xf32, #tpu.memory_space<vmem>> -> memref<128xf32, #tpu.memory_space<vmem>>
      %dma_start3A_994 = arith.constant 0 : i32
      %dma_start3A_995 = tpu.memref_slice %arg9[%dma_start3A_989, %dma_start3A_994] : memref<16x128xi32, #tpu.memory_space<vmem>> -> memref<1x128xi32, #tpu.memory_space<vmem>>
      %dma_start3A_996 = tpu.memref_squeeze %dma_start3A_995 : memref<1x128xi32, #tpu.memory_space<vmem>> -> memref<128xi32, #tpu.memory_space<vmem>>
      %dma_start3A_997 = arith.constant 0 : i32
      %dma_start3A_998 = tpu.memref_slice %arg25[%dma_start3A_997] : memref<65536xf32, #tpu.memory_space<vmem_shared>> -> memref<65536xf32, #tpu.memory_space<vmem_shared>>
      %dma_start3A_999 = tpu.memref_slice %arg28[%dma_start3A_990] : memref<2x!tpu.dma_semaphore, #tpu.memory_space<semaphore_mem>> -> memref<1x!tpu.dma_semaphore, #tpu.memory_space<semaphore_mem>>
      %dma_start3A_1000 = tpu.memref_squeeze %dma_start3A_999 : memref<1x!tpu.dma_semaphore, #tpu.memory_space<semaphore_mem>> -> memref<!tpu.dma_semaphore, #tpu.memory_space<semaphore_mem>>
      tpu.enqueue_indirect_dma source(%dma_start3A_993 : memref<128xf32, #tpu.memory_space<vmem>>) target(%dma_start3A_998 : memref<65536xf32, #tpu.memory_space<vmem_shared>>) offsets(%dma_start3A_996 : memref<128xi32, #tpu.memory_space<vmem>>) semaphore(%dma_start3A_1000 : memref<!tpu.dma_semaphore, #tpu.memory_space<semaphore_mem>>) {add = true}
      %dma_start3A_1001 = arith.constant 15 : i32
      %dma_start3A_1002 = arith.constant 15 : i32
      %dma_start3A_1003 = arith.constant 1 : i32
      %dma_start3A_1004 = arith.constant 0 : i32
      %dma_start3A_1005 = tpu.memref_slice %arg23[%dma_start3A_1001, %dma_start3A_1004] : memref<16x128xf32, #tpu.memory_space<vmem>> -> memref<1x128xf32, #tpu.memory_space<vmem>>
      %dma_start3A_1006 = tpu.memref_squeeze %dma_start3A_1005 : memref<1x128xf32, #tpu.memory_space<vmem>> -> memref<128xf32, #tpu.memory_space<vmem>>
      %dma_start3A_1007 = arith.constant 0 : i32
      %dma_start3A_1008 = tpu.memref_slice %arg13[%dma_start3A_1002, %dma_start3A_1007] : memref<16x128xi32, #tpu.memory_space<vmem>> -> memref<1x128xi32, #tpu.memory_space<vmem>>
      %dma_start3A_1009 = tpu.memref_squeeze %dma_start3A_1008 : memref<1x128xi32, #tpu.memory_space<vmem>> -> memref<128xi32, #tpu.memory_space<vmem>>
      %dma_start3A_1010 = arith.constant 0 : i32
      %dma_start3A_1011 = tpu.memref_slice %arg25[%dma_start3A_1010] : memref<65536xf32, #tpu.memory_space<vmem_shared>> -> memref<65536xf32, #tpu.memory_space<vmem_shared>>
      %dma_start3A_1012 = tpu.memref_slice %arg28[%dma_start3A_1003] : memref<2x!tpu.dma_semaphore, #tpu.memory_space<semaphore_mem>> -> memref<1x!tpu.dma_semaphore, #tpu.memory_space<semaphore_mem>>
      %dma_start3A_1013 = tpu.memref_squeeze %dma_start3A_1012 : memref<1x!tpu.dma_semaphore, #tpu.memory_space<semaphore_mem>> -> memref<!tpu.dma_semaphore, #tpu.memory_space<semaphore_mem>>
      tpu.enqueue_indirect_dma source(%dma_start3A_1006 : memref<128xf32, #tpu.memory_space<vmem>>) target(%dma_start3A_1011 : memref<65536xf32, #tpu.memory_space<vmem_shared>>) offsets(%dma_start3A_1009 : memref<128xi32, #tpu.memory_space<vmem>>) semaphore(%dma_start3A_1013 : memref<!tpu.dma_semaphore, #tpu.memory_space<semaphore_mem>>) {add = true}
      %add3A_1014 = arith.constant 2 : i32
      %add3A_1015 = arith.addi %add3A_562, %add3A_1014 : i32
      %lt3A_1016 = arith.constant 64 : i32
      %lt3A_1017 = arith.cmpi slt, %add3A_1015, %lt3A_1016 : i32
      %convert_element_type3A_1018 = arith.extui %lt3A_1017 : i1 to i32
      %cond3A_1019 = arith.constant 0 : i32
      %cond3A_1020 = arith.cmpi ne, %convert_element_type3A_1018, %cond3A_1019 : i32
      scf.if %cond3A_1020 {
        %add3A_1945 = arith.constant 2 : i32
        %add3A_1946 = arith.addi %add3A_562, %add3A_1945 : i32
        %mul3A_1947 = arith.constant 16 : i32
        %mul3A_1948 = arith.muli %add3A_1946, %mul3A_1947 : i32
        %add3A_1949 = arith.addi %mul3A_2, %mul3A_1948 : i32
        %dma_start3A_1950 = arith.constant 3 : i32
        %dma_start3A_1951 = arith.constant 0 : i32
        %dma_start3A_1952 = tpu.memref_slice %arg4[%add3A_1949, %dma_start3A_1951] : memref<32768x128xi32, #tpu.memory_space<hbm>> -> memref<16x128xi32, #tpu.memory_space<hbm>>
        %dma_start3A_1953 = tpu.memref_slice %arg26[%dma_start3A_1950] : memref<4x!tpu.dma_semaphore, #tpu.memory_space<semaphore_mem>> -> memref<1x!tpu.dma_semaphore, #tpu.memory_space<semaphore_mem>>
        %dma_start3A_1954 = tpu.memref_squeeze %dma_start3A_1953 : memref<1x!tpu.dma_semaphore, #tpu.memory_space<semaphore_mem>> -> memref<!tpu.dma_semaphore, #tpu.memory_space<semaphore_mem>>
        %dma_start3A_1955 = arith.constant 0 : i32
        %dma_start3A_1956 = tpu.memref_slice %arg4[%add3A_1949, %dma_start3A_1955] : memref<32768x128xi32, #tpu.memory_space<hbm>> -> memref<16x128xi32, #tpu.memory_space<hbm>>
        tpu.enqueue_dma source(%dma_start3A_1956 : memref<16x128xi32, #tpu.memory_space<hbm>>) target(%arg11 : memref<16x128xi32, #tpu.memory_space<vmem>>) target_semaphore(%dma_start3A_1954 : memref<!tpu.dma_semaphore, #tpu.memory_space<semaphore_mem>>)
        %dma_start3A_1957 = arith.constant 3 : i32
        %dma_start3A_1958 = arith.constant 0 : i32
        %dma_start3A_1959 = tpu.memref_slice %arg5[%add3A_1949, %dma_start3A_1958] : memref<32768x128xi32, #tpu.memory_space<hbm>> -> memref<16x128xi32, #tpu.memory_space<hbm>>
        %dma_start3A_1960 = tpu.memref_slice %arg26[%dma_start3A_1957] : memref<4x!tpu.dma_semaphore, #tpu.memory_space<semaphore_mem>> -> memref<1x!tpu.dma_semaphore, #tpu.memory_space<semaphore_mem>>
        %dma_start3A_1961 = tpu.memref_squeeze %dma_start3A_1960 : memref<1x!tpu.dma_semaphore, #tpu.memory_space<semaphore_mem>> -> memref<!tpu.dma_semaphore, #tpu.memory_space<semaphore_mem>>
        %dma_start3A_1962 = arith.constant 0 : i32
        %dma_start3A_1963 = tpu.memref_slice %arg5[%add3A_1949, %dma_start3A_1962] : memref<32768x128xi32, #tpu.memory_space<hbm>> -> memref<16x128xi32, #tpu.memory_space<hbm>>
        tpu.enqueue_dma source(%dma_start3A_1963 : memref<16x128xi32, #tpu.memory_space<hbm>>) target(%arg15 : memref<16x128xi32, #tpu.memory_space<vmem>>) target_semaphore(%dma_start3A_1961 : memref<!tpu.dma_semaphore, #tpu.memory_space<semaphore_mem>>)
        %dma_start3A_1964 = arith.constant 3 : i32
        %dma_start3A_1965 = arith.constant 0 : i32
        %dma_start3A_1966 = tpu.memref_slice %arg2[%add3A_1949, %dma_start3A_1965] : memref<32768x128xf32, #tpu.memory_space<hbm>> -> memref<16x128xf32, #tpu.memory_space<hbm>>
        %dma_start3A_1967 = tpu.memref_slice %arg27[%dma_start3A_1964] : memref<4x!tpu.dma_semaphore, #tpu.memory_space<semaphore_mem>> -> memref<1x!tpu.dma_semaphore, #tpu.memory_space<semaphore_mem>>
        %dma_start3A_1968 = tpu.memref_squeeze %dma_start3A_1967 : memref<1x!tpu.dma_semaphore, #tpu.memory_space<semaphore_mem>> -> memref<!tpu.dma_semaphore, #tpu.memory_space<semaphore_mem>>
        %dma_start3A_1969 = arith.constant 0 : i32
        %dma_start3A_1970 = tpu.memref_slice %arg2[%add3A_1949, %dma_start3A_1969] : memref<32768x128xf32, #tpu.memory_space<hbm>> -> memref<16x128xf32, #tpu.memory_space<hbm>>
        tpu.enqueue_dma source(%dma_start3A_1970 : memref<16x128xf32, #tpu.memory_space<hbm>>) target(%arg19 : memref<16x128xf32, #tpu.memory_space<vmem>>) target_semaphore(%dma_start3A_1968 : memref<!tpu.dma_semaphore, #tpu.memory_space<semaphore_mem>>)
      } else {
      }
      %mul3A_1021 = arith.constant 4 : i32
      %mul3A_1022 = arith.muli %scan3A_101, %mul3A_1021 : i32
      %add3A_1023 = arith.constant 2 : i32
      %add3A_1024 = arith.addi %mul3A_1022, %add3A_1023 : i32
      %dma_wait3A_1025 = arith.constant 2 : i32
      %dma_wait3A_1026 = arith.constant 0 : i32
      %dma_wait3A_1027 = arith.constant 0 : i32
      %dma_wait3A_1028 = tpu.memref_slice %arg4[%dma_wait3A_1026, %dma_wait3A_1027] : memref<32768x128xi32, #tpu.memory_space<hbm>> -> memref<16x128xi32, #tpu.memory_space<hbm>>
      %dma_wait3A_1029 = tpu.memref_slice %arg26[%dma_wait3A_1025] : memref<4x!tpu.dma_semaphore, #tpu.memory_space<semaphore_mem>> -> memref<1x!tpu.dma_semaphore, #tpu.memory_space<semaphore_mem>>
      %dma_wait3A_1030 = tpu.memref_squeeze %dma_wait3A_1029 : memref<1x!tpu.dma_semaphore, #tpu.memory_space<semaphore_mem>> -> memref<!tpu.dma_semaphore, #tpu.memory_space<semaphore_mem>>
      %dma_wait3A_1031 = arith.constant 0 : i32
      %dma_wait3A_1032 = arith.constant 0 : i32
      %dma_wait3A_1033 = tpu.memref_slice %arg4[%dma_wait3A_1031, %dma_wait3A_1032] : memref<32768x128xi32, #tpu.memory_space<hbm>> -> memref<16x128xi32, #tpu.memory_space<hbm>>
      tpu.wait_dma2 semaphore(%dma_wait3A_1030 : memref<!tpu.dma_semaphore, #tpu.memory_space<semaphore_mem>>) src(%dma_wait3A_1033 : memref<16x128xi32, #tpu.memory_space<hbm>>) dst(%arg10 : memref<16x128xi32, #tpu.memory_space<vmem>>)
      %dma_wait3A_1034 = arith.constant 2 : i32
      %dma_wait3A_1035 = arith.constant 0 : i32
      %dma_wait3A_1036 = arith.constant 0 : i32
      %dma_wait3A_1037 = tpu.memref_slice %arg5[%dma_wait3A_1035, %dma_wait3A_1036] : memref<32768x128xi32, #tpu.memory_space<hbm>> -> memref<16x128xi32, #tpu.memory_space<hbm>>
      %dma_wait3A_1038 = tpu.memref_slice %arg26[%dma_wait3A_1034] : memref<4x!tpu.dma_semaphore, #tpu.memory_space<semaphore_mem>> -> memref<1x!tpu.dma_semaphore, #tpu.memory_space<semaphore_mem>>
      %dma_wait3A_1039 = tpu.memref_squeeze %dma_wait3A_1038 : memref<1x!tpu.dma_semaphore, #tpu.memory_space<semaphore_mem>> -> memref<!tpu.dma_semaphore, #tpu.memory_space<semaphore_mem>>
      %dma_wait3A_1040 = arith.constant 0 : i32
      %dma_wait3A_1041 = arith.constant 0 : i32
      %dma_wait3A_1042 = tpu.memref_slice %arg5[%dma_wait3A_1040, %dma_wait3A_1041] : memref<32768x128xi32, #tpu.memory_space<hbm>> -> memref<16x128xi32, #tpu.memory_space<hbm>>
      tpu.wait_dma2 semaphore(%dma_wait3A_1039 : memref<!tpu.dma_semaphore, #tpu.memory_space<semaphore_mem>>) src(%dma_wait3A_1042 : memref<16x128xi32, #tpu.memory_space<hbm>>) dst(%arg14 : memref<16x128xi32, #tpu.memory_space<vmem>>)
      %dma_wait3A_1043 = arith.constant 2 : i32
      %dma_wait3A_1044 = arith.constant 0 : i32
      %dma_wait3A_1045 = arith.constant 0 : i32
      %dma_wait3A_1046 = tpu.memref_slice %arg2[%dma_wait3A_1044, %dma_wait3A_1045] : memref<32768x128xf32, #tpu.memory_space<hbm>> -> memref<16x128xf32, #tpu.memory_space<hbm>>
      %dma_wait3A_1047 = tpu.memref_slice %arg27[%dma_wait3A_1043] : memref<4x!tpu.dma_semaphore, #tpu.memory_space<semaphore_mem>> -> memref<1x!tpu.dma_semaphore, #tpu.memory_space<semaphore_mem>>
      %dma_wait3A_1048 = tpu.memref_squeeze %dma_wait3A_1047 : memref<1x!tpu.dma_semaphore, #tpu.memory_space<semaphore_mem>> -> memref<!tpu.dma_semaphore, #tpu.memory_space<semaphore_mem>>
      %dma_wait3A_1049 = arith.constant 0 : i32
      %dma_wait3A_1050 = arith.constant 0 : i32
      %dma_wait3A_1051 = tpu.memref_slice %arg2[%dma_wait3A_1049, %dma_wait3A_1050] : memref<32768x128xf32, #tpu.memory_space<hbm>> -> memref<16x128xf32, #tpu.memory_space<hbm>>
      tpu.wait_dma2 semaphore(%dma_wait3A_1048 : memref<!tpu.dma_semaphore, #tpu.memory_space<semaphore_mem>>) src(%dma_wait3A_1051 : memref<16x128xf32, #tpu.memory_space<hbm>>) dst(%arg18 : memref<16x128xf32, #tpu.memory_space<vmem>>)
      %ge3A_1052 = arith.constant 2 : i32
      %ge3A_1053 = arith.cmpi sge, %add3A_1024, %ge3A_1052 : i32
      %convert_element_type3A_1054 = arith.extui %ge3A_1053 : i1 to i32
      %cond3A_1055 = arith.constant 0 : i32
      %cond3A_1056 = arith.cmpi ne, %convert_element_type3A_1054, %cond3A_1055 : i32
      scf.if %cond3A_1056 {
        %dma_wait3A_1945 = arith.constant 0 : i32
        %dma_wait3A_1946 = arith.constant 0 : i32
        %dma_wait3A_1947 = arith.constant 0 : i32
        %dma_wait3A_1948 = tpu.memref_slice %arg2[%dma_wait3A_1946, %dma_wait3A_1947] : memref<32768x128xf32, #tpu.memory_space<hbm>> -> memref<16x128xf32, #tpu.memory_space<hbm>>
        %dma_wait3A_1949 = tpu.memref_slice %arg28[%dma_wait3A_1945] : memref<2x!tpu.dma_semaphore, #tpu.memory_space<semaphore_mem>> -> memref<1x!tpu.dma_semaphore, #tpu.memory_space<semaphore_mem>>
        %dma_wait3A_1950 = tpu.memref_squeeze %dma_wait3A_1949 : memref<1x!tpu.dma_semaphore, #tpu.memory_space<semaphore_mem>> -> memref<!tpu.dma_semaphore, #tpu.memory_space<semaphore_mem>>
        %dma_wait3A_1951 = arith.constant 0 : i32
        %dma_wait3A_1952 = arith.constant 0 : i32
        %dma_wait3A_1953 = tpu.memref_slice %arg2[%dma_wait3A_1951, %dma_wait3A_1952] : memref<32768x128xf32, #tpu.memory_space<hbm>> -> memref<16x128xf32, #tpu.memory_space<hbm>>
        tpu.wait_dma2 semaphore(%dma_wait3A_1950 : memref<!tpu.dma_semaphore, #tpu.memory_space<semaphore_mem>>) src(%dma_wait3A_1953 : memref<16x128xf32, #tpu.memory_space<hbm>>) dst(%arg20 : memref<16x128xf32, #tpu.memory_space<vmem>>)
        %dma_wait3A_1954 = arith.constant 0 : i32
        %dma_wait3A_1955 = arith.constant 0 : i32
        %dma_wait3A_1956 = arith.constant 0 : i32
        %dma_wait3A_1957 = tpu.memref_slice %arg2[%dma_wait3A_1955, %dma_wait3A_1956] : memref<32768x128xf32, #tpu.memory_space<hbm>> -> memref<16x128xf32, #tpu.memory_space<hbm>>
        %dma_wait3A_1958 = tpu.memref_slice %arg28[%dma_wait3A_1954] : memref<2x!tpu.dma_semaphore, #tpu.memory_space<semaphore_mem>> -> memref<1x!tpu.dma_semaphore, #tpu.memory_space<semaphore_mem>>
        %dma_wait3A_1959 = tpu.memref_squeeze %dma_wait3A_1958 : memref<1x!tpu.dma_semaphore, #tpu.memory_space<semaphore_mem>> -> memref<!tpu.dma_semaphore, #tpu.memory_space<semaphore_mem>>
        %dma_wait3A_1960 = arith.constant 0 : i32
        %dma_wait3A_1961 = arith.constant 0 : i32
        %dma_wait3A_1962 = tpu.memref_slice %arg2[%dma_wait3A_1960, %dma_wait3A_1961] : memref<32768x128xf32, #tpu.memory_space<hbm>> -> memref<16x128xf32, #tpu.memory_space<hbm>>
        tpu.wait_dma2 semaphore(%dma_wait3A_1959 : memref<!tpu.dma_semaphore, #tpu.memory_space<semaphore_mem>>) src(%dma_wait3A_1962 : memref<16x128xf32, #tpu.memory_space<hbm>>) dst(%arg22 : memref<16x128xf32, #tpu.memory_space<vmem>>)
      } else {
      }
      %parallel_loop3A_1057 = arith.constant 0 : i32
      %parallel_loop3A_1058 = arith.constant 16 : i32
      %parallel_loop3A_1059 = arith.constant 1 : i32
      scf.for %parallel_loop3A_1945 = %parallel_loop3A_1057 to %parallel_loop3A_1058 step %parallel_loop3A_1059  : i32 {
        %parallel_loop3A_1946 = arith.index_cast %parallel_loop3A_1945 : i32 to index
        %parallel_loop3A_1947 = arith.constant 0 : index
        %parallel_loop3A_1948 = tpu.vector_load %arg10[%parallel_loop3A_1946, %parallel_loop3A_1947] {strides = array<i32>} : memref<16x128xi32, #tpu.memory_space<vmem>>, vector<16xi32>,
        %parallel_loop3A_1949 = arith.index_cast %parallel_loop3A_1945 : i32 to index
        %parallel_loop3A_1950 = arith.constant 0 : index
        %parallel_loop3A_1951 = tpu.vector_load %arg14[%parallel_loop3A_1949, %parallel_loop3A_1950] {strides = array<i32>} : memref<16x128xi32, #tpu.memory_space<vmem>>, vector<16xi32>,
        %parallel_loop3A_1952 = arith.index_cast %parallel_loop3A_1945 : i32 to index
        %parallel_loop3A_1953 = arith.constant 0 : index
        %parallel_loop3A_1954 = tpu.vector_load %arg18[%parallel_loop3A_1952, %parallel_loop3A_1953] {strides = array<i32>} : memref<16x128xf32, #tpu.memory_space<vmem>>, vector<16xf32>,
        %parallel_loop3A_1955 = tpu.vector_load_idx %arg7[%parallel_loop3A_1951] : memref<65536xf32, #tpu.memory_space<vmem>>[vector<16xi32>], vector<16xf32>,
        %parallel_loop3A_1956 = tpu.vector_load_idx %arg7[%parallel_loop3A_1948] : memref<65536xf32, #tpu.memory_space<vmem>>[vector<16xi32>], vector<16xf32>,
        %parallel_loop3A_1957 = arith.mulf %parallel_loop3A_1954, %parallel_loop3A_1955 : vector<16xf32>
        %parallel_loop3A_1958 = arith.index_cast %parallel_loop3A_1945 : i32 to index
        %parallel_loop3A_1959 = arith.constant 0 : index
        %parallel_loop3A_1960 = tpu.vector_load %arg20[%parallel_loop3A_1958, %parallel_loop3A_1959] {strides = array<i32>} : memref<16x128xf32, #tpu.memory_space<vmem>>, vector<16xf32>,
        tpu.vector_store %arg20[%parallel_loop3A_1958, %parallel_loop3A_1959], %parallel_loop3A_1957 {strides = array<i32>} : memref<16x128xf32, #tpu.memory_space<vmem>>, vector<16xf32>,
        %parallel_loop3A_1961 = arith.cmpi ne, %parallel_loop3A_1948, %parallel_loop3A_1951 : vector<16xi32>
        %parallel_loop3A_1962 = arith.mulf %parallel_loop3A_1954, %parallel_loop3A_1956 : vector<16xf32>
        %parallel_loop3A_1963 = arith.constant 0.000000e+00 : f32
        %parallel_loop3A_1964 = vector.broadcast %parallel_loop3A_1963 : f32 to vector<16xf32>
        %parallel_loop3A_1965 = arith.select %parallel_loop3A_1961, %parallel_loop3A_1962, %parallel_loop3A_1964 : vector<16xi1>, vector<16xf32>
        %parallel_loop3A_1966 = arith.index_cast %parallel_loop3A_1945 : i32 to index
        %parallel_loop3A_1967 = arith.constant 0 : index
        %parallel_loop3A_1968 = tpu.vector_load %arg22[%parallel_loop3A_1966, %parallel_loop3A_1967] {strides = array<i32>} : memref<16x128xf32, #tpu.memory_space<vmem>>, vector<16xf32>,
        tpu.vector_store %arg22[%parallel_loop3A_1966, %parallel_loop3A_1967], %parallel_loop3A_1965 {strides = array<i32>} : memref<16x128xf32, #tpu.memory_space<vmem>>, vector<16xf32>,
        %parallel_loop3A_1969 = arith.index_cast %parallel_loop3A_1945 : i32 to index
        %parallel_loop3A_1970 = arith.constant 16 : index
        %parallel_loop3A_1971 = tpu.vector_load %arg10[%parallel_loop3A_1969, %parallel_loop3A_1970] {strides = array<i32>} : memref<16x128xi32, #tpu.memory_space<vmem>>, vector<16xi32>,
        %parallel_loop3A_1972 = arith.index_cast %parallel_loop3A_1945 : i32 to index
        %parallel_loop3A_1973 = arith.constant 16 : index
        %parallel_loop3A_1974 = tpu.vector_load %arg14[%parallel_loop3A_1972, %parallel_loop3A_1973] {strides = array<i32>} : memref<16x128xi32, #tpu.memory_space<vmem>>, vector<16xi32>,
        %parallel_loop3A_1975 = arith.index_cast %parallel_loop3A_1945 : i32 to index
        %parallel_loop3A_1976 = arith.constant 16 : index
        %parallel_loop3A_1977 = tpu.vector_load %arg18[%parallel_loop3A_1975, %parallel_loop3A_1976] {strides = array<i32>} : memref<16x128xf32, #tpu.memory_space<vmem>>, vector<16xf32>,
        %parallel_loop3A_1978 = tpu.vector_load_idx %arg7[%parallel_loop3A_1974] : memref<65536xf32, #tpu.memory_space<vmem>>[vector<16xi32>], vector<16xf32>,
        %parallel_loop3A_1979 = tpu.vector_load_idx %arg7[%parallel_loop3A_1971] : memref<65536xf32, #tpu.memory_space<vmem>>[vector<16xi32>], vector<16xf32>,
        %parallel_loop3A_1980 = arith.mulf %parallel_loop3A_1977, %parallel_loop3A_1978 : vector<16xf32>
        %parallel_loop3A_1981 = arith.index_cast %parallel_loop3A_1945 : i32 to index
        %parallel_loop3A_1982 = arith.constant 16 : index
        %parallel_loop3A_1983 = tpu.vector_load %arg20[%parallel_loop3A_1981, %parallel_loop3A_1982] {strides = array<i32>} : memref<16x128xf32, #tpu.memory_space<vmem>>, vector<16xf32>,
        tpu.vector_store %arg20[%parallel_loop3A_1981, %parallel_loop3A_1982], %parallel_loop3A_1980 {strides = array<i32>} : memref<16x128xf32, #tpu.memory_space<vmem>>, vector<16xf32>,
        %parallel_loop3A_1984 = arith.cmpi ne, %parallel_loop3A_1971, %parallel_loop3A_1974 : vector<16xi32>
        %parallel_loop3A_1985 = arith.mulf %parallel_loop3A_1977, %parallel_loop3A_1979 : vector<16xf32>
        %parallel_loop3A_1986 = arith.constant 0.000000e+00 : f32
        %parallel_loop3A_1987 = vector.broadcast %parallel_loop3A_1986 : f32 to vector<16xf32>
        %parallel_loop3A_1988 = arith.select %parallel_loop3A_1984, %parallel_loop3A_1985, %parallel_loop3A_1987 : vector<16xi1>, vector<16xf32>
        %parallel_loop3A_1989 = arith.index_cast %parallel_loop3A_1945 : i32 to index
        %parallel_loop3A_1990 = arith.constant 16 : index
        %parallel_loop3A_1991 = tpu.vector_load %arg22[%parallel_loop3A_1989, %parallel_loop3A_1990] {strides = array<i32>} : memref<16x128xf32, #tpu.memory_space<vmem>>, vector<16xf32>,
        tpu.vector_store %arg22[%parallel_loop3A_1989, %parallel_loop3A_1990], %parallel_loop3A_1988 {strides = array<i32>} : memref<16x128xf32, #tpu.memory_space<vmem>>, vector<16xf32>,
        %parallel_loop3A_1992 = arith.index_cast %parallel_loop3A_1945 : i32 to index
        %parallel_loop3A_1993 = arith.constant 32 : index
        %parallel_loop3A_1994 = tpu.vector_load %arg10[%parallel_loop3A_1992, %parallel_loop3A_1993] {strides = array<i32>} : memref<16x128xi32, #tpu.memory_space<vmem>>, vector<16xi32>,
        %parallel_loop3A_1995 = arith.index_cast %parallel_loop3A_1945 : i32 to index
        %parallel_loop3A_1996 = arith.constant 32 : index
        %parallel_loop3A_1997 = tpu.vector_load %arg14[%parallel_loop3A_1995, %parallel_loop3A_1996] {strides = array<i32>} : memref<16x128xi32, #tpu.memory_space<vmem>>, vector<16xi32>,
        %parallel_loop3A_1998 = arith.index_cast %parallel_loop3A_1945 : i32 to index
        %parallel_loop3A_1999 = arith.constant 32 : index
        %parallel_loop3A_2000 = tpu.vector_load %arg18[%parallel_loop3A_1998, %parallel_loop3A_1999] {strides = array<i32>} : memref<16x128xf32, #tpu.memory_space<vmem>>, vector<16xf32>,
        %parallel_loop3A_2001 = tpu.vector_load_idx %arg7[%parallel_loop3A_1997] : memref<65536xf32, #tpu.memory_space<vmem>>[vector<16xi32>], vector<16xf32>,
        %parallel_loop3A_2002 = tpu.vector_load_idx %arg7[%parallel_loop3A_1994] : memref<65536xf32, #tpu.memory_space<vmem>>[vector<16xi32>], vector<16xf32>,
        %parallel_loop3A_2003 = arith.mulf %parallel_loop3A_2000, %parallel_loop3A_2001 : vector<16xf32>
        %parallel_loop3A_2004 = arith.index_cast %parallel_loop3A_1945 : i32 to index
        %parallel_loop3A_2005 = arith.constant 32 : index
        %parallel_loop3A_2006 = tpu.vector_load %arg20[%parallel_loop3A_2004, %parallel_loop3A_2005] {strides = array<i32>} : memref<16x128xf32, #tpu.memory_space<vmem>>, vector<16xf32>,
        tpu.vector_store %arg20[%parallel_loop3A_2004, %parallel_loop3A_2005], %parallel_loop3A_2003 {strides = array<i32>} : memref<16x128xf32, #tpu.memory_space<vmem>>, vector<16xf32>,
        %parallel_loop3A_2007 = arith.cmpi ne, %parallel_loop3A_1994, %parallel_loop3A_1997 : vector<16xi32>
        %parallel_loop3A_2008 = arith.mulf %parallel_loop3A_2000, %parallel_loop3A_2002 : vector<16xf32>
        %parallel_loop3A_2009 = arith.constant 0.000000e+00 : f32
        %parallel_loop3A_2010 = vector.broadcast %parallel_loop3A_2009 : f32 to vector<16xf32>
        %parallel_loop3A_2011 = arith.select %parallel_loop3A_2007, %parallel_loop3A_2008, %parallel_loop3A_2010 : vector<16xi1>, vector<16xf32>
        %parallel_loop3A_2012 = arith.index_cast %parallel_loop3A_1945 : i32 to index
        %parallel_loop3A_2013 = arith.constant 32 : index
        %parallel_loop3A_2014 = tpu.vector_load %arg22[%parallel_loop3A_2012, %parallel_loop3A_2013] {strides = array<i32>} : memref<16x128xf32, #tpu.memory_space<vmem>>, vector<16xf32>,
        tpu.vector_store %arg22[%parallel_loop3A_2012, %parallel_loop3A_2013], %parallel_loop3A_2011 {strides = array<i32>} : memref<16x128xf32, #tpu.memory_space<vmem>>, vector<16xf32>,
        %parallel_loop3A_2015 = arith.index_cast %parallel_loop3A_1945 : i32 to index
        %parallel_loop3A_2016 = arith.constant 48 : index
        %parallel_loop3A_2017 = tpu.vector_load %arg10[%parallel_loop3A_2015, %parallel_loop3A_2016] {strides = array<i32>} : memref<16x128xi32, #tpu.memory_space<vmem>>, vector<16xi32>,
        %parallel_loop3A_2018 = arith.index_cast %parallel_loop3A_1945 : i32 to index
        %parallel_loop3A_2019 = arith.constant 48 : index
        %parallel_loop3A_2020 = tpu.vector_load %arg14[%parallel_loop3A_2018, %parallel_loop3A_2019] {strides = array<i32>} : memref<16x128xi32, #tpu.memory_space<vmem>>, vector<16xi32>,
        %parallel_loop3A_2021 = arith.index_cast %parallel_loop3A_1945 : i32 to index
        %parallel_loop3A_2022 = arith.constant 48 : index
        %parallel_loop3A_2023 = tpu.vector_load %arg18[%parallel_loop3A_2021, %parallel_loop3A_2022] {strides = array<i32>} : memref<16x128xf32, #tpu.memory_space<vmem>>, vector<16xf32>,
        %parallel_loop3A_2024 = tpu.vector_load_idx %arg7[%parallel_loop3A_2020] : memref<65536xf32, #tpu.memory_space<vmem>>[vector<16xi32>], vector<16xf32>,
        %parallel_loop3A_2025 = tpu.vector_load_idx %arg7[%parallel_loop3A_2017] : memref<65536xf32, #tpu.memory_space<vmem>>[vector<16xi32>], vector<16xf32>,
        %parallel_loop3A_2026 = arith.mulf %parallel_loop3A_2023, %parallel_loop3A_2024 : vector<16xf32>
        %parallel_loop3A_2027 = arith.index_cast %parallel_loop3A_1945 : i32 to index
        %parallel_loop3A_2028 = arith.constant 48 : index
        %parallel_loop3A_2029 = tpu.vector_load %arg20[%parallel_loop3A_2027, %parallel_loop3A_2028] {strides = array<i32>} : memref<16x128xf32, #tpu.memory_space<vmem>>, vector<16xf32>,
        tpu.vector_store %arg20[%parallel_loop3A_2027, %parallel_loop3A_2028], %parallel_loop3A_2026 {strides = array<i32>} : memref<16x128xf32, #tpu.memory_space<vmem>>, vector<16xf32>,
        %parallel_loop3A_2030 = arith.cmpi ne, %parallel_loop3A_2017, %parallel_loop3A_2020 : vector<16xi32>
        %parallel_loop3A_2031 = arith.mulf %parallel_loop3A_2023, %parallel_loop3A_2025 : vector<16xf32>
        %parallel_loop3A_2032 = arith.constant 0.000000e+00 : f32
        %parallel_loop3A_2033 = vector.broadcast %parallel_loop3A_2032 : f32 to vector<16xf32>
        %parallel_loop3A_2034 = arith.select %parallel_loop3A_2030, %parallel_loop3A_2031, %parallel_loop3A_2033 : vector<16xi1>, vector<16xf32>
        %parallel_loop3A_2035 = arith.index_cast %parallel_loop3A_1945 : i32 to index
        %parallel_loop3A_2036 = arith.constant 48 : index
        %parallel_loop3A_2037 = tpu.vector_load %arg22[%parallel_loop3A_2035, %parallel_loop3A_2036] {strides = array<i32>} : memref<16x128xf32, #tpu.memory_space<vmem>>, vector<16xf32>,
        tpu.vector_store %arg22[%parallel_loop3A_2035, %parallel_loop3A_2036], %parallel_loop3A_2034 {strides = array<i32>} : memref<16x128xf32, #tpu.memory_space<vmem>>, vector<16xf32>,
        %parallel_loop3A_2038 = arith.index_cast %parallel_loop3A_1945 : i32 to index
        %parallel_loop3A_2039 = arith.constant 64 : index
        %parallel_loop3A_2040 = tpu.vector_load %arg10[%parallel_loop3A_2038, %parallel_loop3A_2039] {strides = array<i32>} : memref<16x128xi32, #tpu.memory_space<vmem>>, vector<16xi32>,
        %parallel_loop3A_2041 = arith.index_cast %parallel_loop3A_1945 : i32 to index
        %parallel_loop3A_2042 = arith.constant 64 : index
        %parallel_loop3A_2043 = tpu.vector_load %arg14[%parallel_loop3A_2041, %parallel_loop3A_2042] {strides = array<i32>} : memref<16x128xi32, #tpu.memory_space<vmem>>, vector<16xi32>,
        %parallel_loop3A_2044 = arith.index_cast %parallel_loop3A_1945 : i32 to index
        %parallel_loop3A_2045 = arith.constant 64 : index
        %parallel_loop3A_2046 = tpu.vector_load %arg18[%parallel_loop3A_2044, %parallel_loop3A_2045] {strides = array<i32>} : memref<16x128xf32, #tpu.memory_space<vmem>>, vector<16xf32>,
        %parallel_loop3A_2047 = tpu.vector_load_idx %arg7[%parallel_loop3A_2043] : memref<65536xf32, #tpu.memory_space<vmem>>[vector<16xi32>], vector<16xf32>,
        %parallel_loop3A_2048 = tpu.vector_load_idx %arg7[%parallel_loop3A_2040] : memref<65536xf32, #tpu.memory_space<vmem>>[vector<16xi32>], vector<16xf32>,
        %parallel_loop3A_2049 = arith.mulf %parallel_loop3A_2046, %parallel_loop3A_2047 : vector<16xf32>
        %parallel_loop3A_2050 = arith.index_cast %parallel_loop3A_1945 : i32 to index
        %parallel_loop3A_2051 = arith.constant 64 : index
        %parallel_loop3A_2052 = tpu.vector_load %arg20[%parallel_loop3A_2050, %parallel_loop3A_2051] {strides = array<i32>} : memref<16x128xf32, #tpu.memory_space<vmem>>, vector<16xf32>,
        tpu.vector_store %arg20[%parallel_loop3A_2050, %parallel_loop3A_2051], %parallel_loop3A_2049 {strides = array<i32>} : memref<16x128xf32, #tpu.memory_space<vmem>>, vector<16xf32>,
        %parallel_loop3A_2053 = arith.cmpi ne, %parallel_loop3A_2040, %parallel_loop3A_2043 : vector<16xi32>
        %parallel_loop3A_2054 = arith.mulf %parallel_loop3A_2046, %parallel_loop3A_2048 : vector<16xf32>
        %parallel_loop3A_2055 = arith.constant 0.000000e+00 : f32
        %parallel_loop3A_2056 = vector.broadcast %parallel_loop3A_2055 : f32 to vector<16xf32>
        %parallel_loop3A_2057 = arith.select %parallel_loop3A_2053, %parallel_loop3A_2054, %parallel_loop3A_2056 : vector<16xi1>, vector<16xf32>
        %parallel_loop3A_2058 = arith.index_cast %parallel_loop3A_1945 : i32 to index
        %parallel_loop3A_2059 = arith.constant 64 : index
        %parallel_loop3A_2060 = tpu.vector_load %arg22[%parallel_loop3A_2058, %parallel_loop3A_2059] {strides = array<i32>} : memref<16x128xf32, #tpu.memory_space<vmem>>, vector<16xf32>,
        tpu.vector_store %arg22[%parallel_loop3A_2058, %parallel_loop3A_2059], %parallel_loop3A_2057 {strides = array<i32>} : memref<16x128xf32, #tpu.memory_space<vmem>>, vector<16xf32>,
        %parallel_loop3A_2061 = arith.index_cast %parallel_loop3A_1945 : i32 to index
        %parallel_loop3A_2062 = arith.constant 80 : index
        %parallel_loop3A_2063 = tpu.vector_load %arg10[%parallel_loop3A_2061, %parallel_loop3A_2062] {strides = array<i32>} : memref<16x128xi32, #tpu.memory_space<vmem>>, vector<16xi32>,
        %parallel_loop3A_2064 = arith.index_cast %parallel_loop3A_1945 : i32 to index
        %parallel_loop3A_2065 = arith.constant 80 : index
        %parallel_loop3A_2066 = tpu.vector_load %arg14[%parallel_loop3A_2064, %parallel_loop3A_2065] {strides = array<i32>} : memref<16x128xi32, #tpu.memory_space<vmem>>, vector<16xi32>,
        %parallel_loop3A_2067 = arith.index_cast %parallel_loop3A_1945 : i32 to index
        %parallel_loop3A_2068 = arith.constant 80 : index
        %parallel_loop3A_2069 = tpu.vector_load %arg18[%parallel_loop3A_2067, %parallel_loop3A_2068] {strides = array<i32>} : memref<16x128xf32, #tpu.memory_space<vmem>>, vector<16xf32>,
        %parallel_loop3A_2070 = tpu.vector_load_idx %arg7[%parallel_loop3A_2066] : memref<65536xf32, #tpu.memory_space<vmem>>[vector<16xi32>], vector<16xf32>,
        %parallel_loop3A_2071 = tpu.vector_load_idx %arg7[%parallel_loop3A_2063] : memref<65536xf32, #tpu.memory_space<vmem>>[vector<16xi32>], vector<16xf32>,
        %parallel_loop3A_2072 = arith.mulf %parallel_loop3A_2069, %parallel_loop3A_2070 : vector<16xf32>
        %parallel_loop3A_2073 = arith.index_cast %parallel_loop3A_1945 : i32 to index
        %parallel_loop3A_2074 = arith.constant 80 : index
        %parallel_loop3A_2075 = tpu.vector_load %arg20[%parallel_loop3A_2073, %parallel_loop3A_2074] {strides = array<i32>} : memref<16x128xf32, #tpu.memory_space<vmem>>, vector<16xf32>,
        tpu.vector_store %arg20[%parallel_loop3A_2073, %parallel_loop3A_2074], %parallel_loop3A_2072 {strides = array<i32>} : memref<16x128xf32, #tpu.memory_space<vmem>>, vector<16xf32>,
        %parallel_loop3A_2076 = arith.cmpi ne, %parallel_loop3A_2063, %parallel_loop3A_2066 : vector<16xi32>
        %parallel_loop3A_2077 = arith.mulf %parallel_loop3A_2069, %parallel_loop3A_2071 : vector<16xf32>
        %parallel_loop3A_2078 = arith.constant 0.000000e+00 : f32
        %parallel_loop3A_2079 = vector.broadcast %parallel_loop3A_2078 : f32 to vector<16xf32>
        %parallel_loop3A_2080 = arith.select %parallel_loop3A_2076, %parallel_loop3A_2077, %parallel_loop3A_2079 : vector<16xi1>, vector<16xf32>
        %parallel_loop3A_2081 = arith.index_cast %parallel_loop3A_1945 : i32 to index
        %parallel_loop3A_2082 = arith.constant 80 : index
        %parallel_loop3A_2083 = tpu.vector_load %arg22[%parallel_loop3A_2081, %parallel_loop3A_2082] {strides = array<i32>} : memref<16x128xf32, #tpu.memory_space<vmem>>, vector<16xf32>,
        tpu.vector_store %arg22[%parallel_loop3A_2081, %parallel_loop3A_2082], %parallel_loop3A_2080 {strides = array<i32>} : memref<16x128xf32, #tpu.memory_space<vmem>>, vector<16xf32>,
        %parallel_loop3A_2084 = arith.index_cast %parallel_loop3A_1945 : i32 to index
        %parallel_loop3A_2085 = arith.constant 96 : index
        %parallel_loop3A_2086 = tpu.vector_load %arg10[%parallel_loop3A_2084, %parallel_loop3A_2085] {strides = array<i32>} : memref<16x128xi32, #tpu.memory_space<vmem>>, vector<16xi32>,
        %parallel_loop3A_2087 = arith.index_cast %parallel_loop3A_1945 : i32 to index
        %parallel_loop3A_2088 = arith.constant 96 : index
        %parallel_loop3A_2089 = tpu.vector_load %arg14[%parallel_loop3A_2087, %parallel_loop3A_2088] {strides = array<i32>} : memref<16x128xi32, #tpu.memory_space<vmem>>, vector<16xi32>,
        %parallel_loop3A_2090 = arith.index_cast %parallel_loop3A_1945 : i32 to index
        %parallel_loop3A_2091 = arith.constant 96 : index
        %parallel_loop3A_2092 = tpu.vector_load %arg18[%parallel_loop3A_2090, %parallel_loop3A_2091] {strides = array<i32>} : memref<16x128xf32, #tpu.memory_space<vmem>>, vector<16xf32>,
        %parallel_loop3A_2093 = tpu.vector_load_idx %arg7[%parallel_loop3A_2089] : memref<65536xf32, #tpu.memory_space<vmem>>[vector<16xi32>], vector<16xf32>,
        %parallel_loop3A_2094 = tpu.vector_load_idx %arg7[%parallel_loop3A_2086] : memref<65536xf32, #tpu.memory_space<vmem>>[vector<16xi32>], vector<16xf32>,
        %parallel_loop3A_2095 = arith.mulf %parallel_loop3A_2092, %parallel_loop3A_2093 : vector<16xf32>
        %parallel_loop3A_2096 = arith.index_cast %parallel_loop3A_1945 : i32 to index
        %parallel_loop3A_2097 = arith.constant 96 : index
        %parallel_loop3A_2098 = tpu.vector_load %arg20[%parallel_loop3A_2096, %parallel_loop3A_2097] {strides = array<i32>} : memref<16x128xf32, #tpu.memory_space<vmem>>, vector<16xf32>,
        tpu.vector_store %arg20[%parallel_loop3A_2096, %parallel_loop3A_2097], %parallel_loop3A_2095 {strides = array<i32>} : memref<16x128xf32, #tpu.memory_space<vmem>>, vector<16xf32>,
        %parallel_loop3A_2099 = arith.cmpi ne, %parallel_loop3A_2086, %parallel_loop3A_2089 : vector<16xi32>
        %parallel_loop3A_2100 = arith.mulf %parallel_loop3A_2092, %parallel_loop3A_2094 : vector<16xf32>
        %parallel_loop3A_2101 = arith.constant 0.000000e+00 : f32
        %parallel_loop3A_2102 = vector.broadcast %parallel_loop3A_2101 : f32 to vector<16xf32>
        %parallel_loop3A_2103 = arith.select %parallel_loop3A_2099, %parallel_loop3A_2100, %parallel_loop3A_2102 : vector<16xi1>, vector<16xf32>
        %parallel_loop3A_2104 = arith.index_cast %parallel_loop3A_1945 : i32 to index
        %parallel_loop3A_2105 = arith.constant 96 : index
        %parallel_loop3A_2106 = tpu.vector_load %arg22[%parallel_loop3A_2104, %parallel_loop3A_2105] {strides = array<i32>} : memref<16x128xf32, #tpu.memory_space<vmem>>, vector<16xf32>,
        tpu.vector_store %arg22[%parallel_loop3A_2104, %parallel_loop3A_2105], %parallel_loop3A_2103 {strides = array<i32>} : memref<16x128xf32, #tpu.memory_space<vmem>>, vector<16xf32>,
        %parallel_loop3A_2107 = arith.index_cast %parallel_loop3A_1945 : i32 to index
        %parallel_loop3A_2108 = arith.constant 112 : index
        %parallel_loop3A_2109 = tpu.vector_load %arg10[%parallel_loop3A_2107, %parallel_loop3A_2108] {strides = array<i32>} : memref<16x128xi32, #tpu.memory_space<vmem>>, vector<16xi32>,
        %parallel_loop3A_2110 = arith.index_cast %parallel_loop3A_1945 : i32 to index
        %parallel_loop3A_2111 = arith.constant 112 : index
        %parallel_loop3A_2112 = tpu.vector_load %arg14[%parallel_loop3A_2110, %parallel_loop3A_2111] {strides = array<i32>} : memref<16x128xi32, #tpu.memory_space<vmem>>, vector<16xi32>,
        %parallel_loop3A_2113 = arith.index_cast %parallel_loop3A_1945 : i32 to index
        %parallel_loop3A_2114 = arith.constant 112 : index
        %parallel_loop3A_2115 = tpu.vector_load %arg18[%parallel_loop3A_2113, %parallel_loop3A_2114] {strides = array<i32>} : memref<16x128xf32, #tpu.memory_space<vmem>>, vector<16xf32>,
        %parallel_loop3A_2116 = tpu.vector_load_idx %arg7[%parallel_loop3A_2112] : memref<65536xf32, #tpu.memory_space<vmem>>[vector<16xi32>], vector<16xf32>,
        %parallel_loop3A_2117 = tpu.vector_load_idx %arg7[%parallel_loop3A_2109] : memref<65536xf32, #tpu.memory_space<vmem>>[vector<16xi32>], vector<16xf32>,
        %parallel_loop3A_2118 = arith.mulf %parallel_loop3A_2115, %parallel_loop3A_2116 : vector<16xf32>
        %parallel_loop3A_2119 = arith.index_cast %parallel_loop3A_1945 : i32 to index
        %parallel_loop3A_2120 = arith.constant 112 : index
        %parallel_loop3A_2121 = tpu.vector_load %arg20[%parallel_loop3A_2119, %parallel_loop3A_2120] {strides = array<i32>} : memref<16x128xf32, #tpu.memory_space<vmem>>, vector<16xf32>,
        tpu.vector_store %arg20[%parallel_loop3A_2119, %parallel_loop3A_2120], %parallel_loop3A_2118 {strides = array<i32>} : memref<16x128xf32, #tpu.memory_space<vmem>>, vector<16xf32>,
        %parallel_loop3A_2122 = arith.cmpi ne, %parallel_loop3A_2109, %parallel_loop3A_2112 : vector<16xi32>
        %parallel_loop3A_2123 = arith.mulf %parallel_loop3A_2115, %parallel_loop3A_2117 : vector<16xf32>
        %parallel_loop3A_2124 = arith.constant 0.000000e+00 : f32
        %parallel_loop3A_2125 = vector.broadcast %parallel_loop3A_2124 : f32 to vector<16xf32>
        %parallel_loop3A_2126 = arith.select %parallel_loop3A_2122, %parallel_loop3A_2123, %parallel_loop3A_2125 : vector<16xi1>, vector<16xf32>
        %parallel_loop3A_2127 = arith.index_cast %parallel_loop3A_1945 : i32 to index
        %parallel_loop3A_2128 = arith.constant 112 : index
        %parallel_loop3A_2129 = tpu.vector_load %arg22[%parallel_loop3A_2127, %parallel_loop3A_2128] {strides = array<i32>} : memref<16x128xf32, #tpu.memory_space<vmem>>, vector<16xf32>,
        tpu.vector_store %arg22[%parallel_loop3A_2127, %parallel_loop3A_2128], %parallel_loop3A_2126 {strides = array<i32>} : memref<16x128xf32, #tpu.memory_space<vmem>>, vector<16xf32>,
      } {sc.loop_unroll_factor = 1 : i64, sc.parallel_access}
      %dma_start3A_1060 = arith.constant 0 : i32
      %dma_start3A_1061 = arith.constant 0 : i32
      %dma_start3A_1062 = arith.constant 0 : i32
      %dma_start3A_1063 = arith.constant 0 : i32
      %dma_start3A_1064 = tpu.memref_slice %arg20[%dma_start3A_1060, %dma_start3A_1063] : memref<16x128xf32, #tpu.memory_space<vmem>> -> memref<1x128xf32, #tpu.memory_space<vmem>>
      %dma_start3A_1065 = tpu.memref_squeeze %dma_start3A_1064 : memref<1x128xf32, #tpu.memory_space<vmem>> -> memref<128xf32, #tpu.memory_space<vmem>>
      %dma_start3A_1066 = arith.constant 0 : i32
      %dma_start3A_1067 = tpu.memref_slice %arg10[%dma_start3A_1061, %dma_start3A_1066] : memref<16x128xi32, #tpu.memory_space<vmem>> -> memref<1x128xi32, #tpu.memory_space<vmem>>
      %dma_start3A_1068 = tpu.memref_squeeze %dma_start3A_1067 : memref<1x128xi32, #tpu.memory_space<vmem>> -> memref<128xi32, #tpu.memory_space<vmem>>
      %dma_start3A_1069 = arith.constant 0 : i32
      %dma_start3A_1070 = tpu.memref_slice %arg25[%dma_start3A_1069] : memref<65536xf32, #tpu.memory_space<vmem_shared>> -> memref<65536xf32, #tpu.memory_space<vmem_shared>>
      %dma_start3A_1071 = tpu.memref_slice %arg28[%dma_start3A_1062] : memref<2x!tpu.dma_semaphore, #tpu.memory_space<semaphore_mem>> -> memref<1x!tpu.dma_semaphore, #tpu.memory_space<semaphore_mem>>
      %dma_start3A_1072 = tpu.memref_squeeze %dma_start3A_1071 : memref<1x!tpu.dma_semaphore, #tpu.memory_space<semaphore_mem>> -> memref<!tpu.dma_semaphore, #tpu.memory_space<semaphore_mem>>
      tpu.enqueue_indirect_dma source(%dma_start3A_1065 : memref<128xf32, #tpu.memory_space<vmem>>) target(%dma_start3A_1070 : memref<65536xf32, #tpu.memory_space<vmem_shared>>) offsets(%dma_start3A_1068 : memref<128xi32, #tpu.memory_space<vmem>>) semaphore(%dma_start3A_1072 : memref<!tpu.dma_semaphore, #tpu.memory_space<semaphore_mem>>) {add = true}
      %dma_start3A_1073 = arith.constant 0 : i32
      %dma_start3A_1074 = arith.constant 0 : i32
      %dma_start3A_1075 = arith.constant 0 : i32
      %dma_start3A_1076 = arith.constant 0 : i32
      %dma_start3A_1077 = tpu.memref_slice %arg22[%dma_start3A_1073, %dma_start3A_1076] : memref<16x128xf32, #tpu.memory_space<vmem>> -> memref<1x128xf32, #tpu.memory_space<vmem>>
      %dma_start3A_1078 = tpu.memref_squeeze %dma_start3A_1077 : memref<1x128xf32, #tpu.memory_space<vmem>> -> memref<128xf32, #tpu.memory_space<vmem>>
      %dma_start3A_1079 = arith.constant 0 : i32
      %dma_start3A_1080 = tpu.memref_slice %arg14[%dma_start3A_1074, %dma_start3A_1079] : memref<16x128xi32, #tpu.memory_space<vmem>> -> memref<1x128xi32, #tpu.memory_space<vmem>>
      %dma_start3A_1081 = tpu.memref_squeeze %dma_start3A_1080 : memref<1x128xi32, #tpu.memory_space<vmem>> -> memref<128xi32, #tpu.memory_space<vmem>>
      %dma_start3A_1082 = arith.constant 0 : i32
      %dma_start3A_1083 = tpu.memref_slice %arg25[%dma_start3A_1082] : memref<65536xf32, #tpu.memory_space<vmem_shared>> -> memref<65536xf32, #tpu.memory_space<vmem_shared>>
      %dma_start3A_1084 = tpu.memref_slice %arg28[%dma_start3A_1075] : memref<2x!tpu.dma_semaphore, #tpu.memory_space<semaphore_mem>> -> memref<1x!tpu.dma_semaphore, #tpu.memory_space<semaphore_mem>>
      %dma_start3A_1085 = tpu.memref_squeeze %dma_start3A_1084 : memref<1x!tpu.dma_semaphore, #tpu.memory_space<semaphore_mem>> -> memref<!tpu.dma_semaphore, #tpu.memory_space<semaphore_mem>>
      tpu.enqueue_indirect_dma source(%dma_start3A_1078 : memref<128xf32, #tpu.memory_space<vmem>>) target(%dma_start3A_1083 : memref<65536xf32, #tpu.memory_space<vmem_shared>>) offsets(%dma_start3A_1081 : memref<128xi32, #tpu.memory_space<vmem>>) semaphore(%dma_start3A_1085 : memref<!tpu.dma_semaphore, #tpu.memory_space<semaphore_mem>>) {add = true}
      %dma_start3A_1086 = arith.constant 1 : i32
      %dma_start3A_1087 = arith.constant 1 : i32
      %dma_start3A_1088 = arith.constant 0 : i32
      %dma_start3A_1089 = arith.constant 0 : i32
      %dma_start3A_1090 = tpu.memref_slice %arg20[%dma_start3A_1086, %dma_start3A_1089] : memref<16x128xf32, #tpu.memory_space<vmem>> -> memref<1x128xf32, #tpu.memory_space<vmem>>
      %dma_start3A_1091 = tpu.memref_squeeze %dma_start3A_1090 : memref<1x128xf32, #tpu.memory_space<vmem>> -> memref<128xf32, #tpu.memory_space<vmem>>
      %dma_start3A_1092 = arith.constant 0 : i32
      %dma_start3A_1093 = tpu.memref_slice %arg10[%dma_start3A_1087, %dma_start3A_1092] : memref<16x128xi32, #tpu.memory_space<vmem>> -> memref<1x128xi32, #tpu.memory_space<vmem>>
      %dma_start3A_1094 = tpu.memref_squeeze %dma_start3A_1093 : memref<1x128xi32, #tpu.memory_space<vmem>> -> memref<128xi32, #tpu.memory_space<vmem>>
      %dma_start3A_1095 = arith.constant 0 : i32
      %dma_start3A_1096 = tpu.memref_slice %arg25[%dma_start3A_1095] : memref<65536xf32, #tpu.memory_space<vmem_shared>> -> memref<65536xf32, #tpu.memory_space<vmem_shared>>
      %dma_start3A_1097 = tpu.memref_slice %arg28[%dma_start3A_1088] : memref<2x!tpu.dma_semaphore, #tpu.memory_space<semaphore_mem>> -> memref<1x!tpu.dma_semaphore, #tpu.memory_space<semaphore_mem>>
      %dma_start3A_1098 = tpu.memref_squeeze %dma_start3A_1097 : memref<1x!tpu.dma_semaphore, #tpu.memory_space<semaphore_mem>> -> memref<!tpu.dma_semaphore, #tpu.memory_space<semaphore_mem>>
      tpu.enqueue_indirect_dma source(%dma_start3A_1091 : memref<128xf32, #tpu.memory_space<vmem>>) target(%dma_start3A_1096 : memref<65536xf32, #tpu.memory_space<vmem_shared>>) offsets(%dma_start3A_1094 : memref<128xi32, #tpu.memory_space<vmem>>) semaphore(%dma_start3A_1098 : memref<!tpu.dma_semaphore, #tpu.memory_space<semaphore_mem>>) {add = true}
      %dma_start3A_1099 = arith.constant 1 : i32
      %dma_start3A_1100 = arith.constant 1 : i32
      %dma_start3A_1101 = arith.constant 0 : i32
      %dma_start3A_1102 = arith.constant 0 : i32
      %dma_start3A_1103 = tpu.memref_slice %arg22[%dma_start3A_1099, %dma_start3A_1102] : memref<16x128xf32, #tpu.memory_space<vmem>> -> memref<1x128xf32, #tpu.memory_space<vmem>>
      %dma_start3A_1104 = tpu.memref_squeeze %dma_start3A_1103 : memref<1x128xf32, #tpu.memory_space<vmem>> -> memref<128xf32, #tpu.memory_space<vmem>>
      %dma_start3A_1105 = arith.constant 0 : i32
      %dma_start3A_1106 = tpu.memref_slice %arg14[%dma_start3A_1100, %dma_start3A_1105] : memref<16x128xi32, #tpu.memory_space<vmem>> -> memref<1x128xi32, #tpu.memory_space<vmem>>
      %dma_start3A_1107 = tpu.memref_squeeze %dma_start3A_1106 : memref<1x128xi32, #tpu.memory_space<vmem>> -> memref<128xi32, #tpu.memory_space<vmem>>
      %dma_start3A_1108 = arith.constant 0 : i32
      %dma_start3A_1109 = tpu.memref_slice %arg25[%dma_start3A_1108] : memref<65536xf32, #tpu.memory_space<vmem_shared>> -> memref<65536xf32, #tpu.memory_space<vmem_shared>>
      %dma_start3A_1110 = tpu.memref_slice %arg28[%dma_start3A_1101] : memref<2x!tpu.dma_semaphore, #tpu.memory_space<semaphore_mem>> -> memref<1x!tpu.dma_semaphore, #tpu.memory_space<semaphore_mem>>
      %dma_start3A_1111 = tpu.memref_squeeze %dma_start3A_1110 : memref<1x!tpu.dma_semaphore, #tpu.memory_space<semaphore_mem>> -> memref<!tpu.dma_semaphore, #tpu.memory_space<semaphore_mem>>
      tpu.enqueue_indirect_dma source(%dma_start3A_1104 : memref<128xf32, #tpu.memory_space<vmem>>) target(%dma_start3A_1109 : memref<65536xf32, #tpu.memory_space<vmem_shared>>) offsets(%dma_start3A_1107 : memref<128xi32, #tpu.memory_space<vmem>>) semaphore(%dma_start3A_1111 : memref<!tpu.dma_semaphore, #tpu.memory_space<semaphore_mem>>) {add = true}
      %dma_start3A_1112 = arith.constant 2 : i32
      %dma_start3A_1113 = arith.constant 2 : i32
      %dma_start3A_1114 = arith.constant 0 : i32
      %dma_start3A_1115 = arith.constant 0 : i32
      %dma_start3A_1116 = tpu.memref_slice %arg20[%dma_start3A_1112, %dma_start3A_1115] : memref<16x128xf32, #tpu.memory_space<vmem>> -> memref<1x128xf32, #tpu.memory_space<vmem>>
      %dma_start3A_1117 = tpu.memref_squeeze %dma_start3A_1116 : memref<1x128xf32, #tpu.memory_space<vmem>> -> memref<128xf32, #tpu.memory_space<vmem>>
      %dma_start3A_1118 = arith.constant 0 : i32
      %dma_start3A_1119 = tpu.memref_slice %arg10[%dma_start3A_1113, %dma_start3A_1118] : memref<16x128xi32, #tpu.memory_space<vmem>> -> memref<1x128xi32, #tpu.memory_space<vmem>>
      %dma_start3A_1120 = tpu.memref_squeeze %dma_start3A_1119 : memref<1x128xi32, #tpu.memory_space<vmem>> -> memref<128xi32, #tpu.memory_space<vmem>>
      %dma_start3A_1121 = arith.constant 0 : i32
      %dma_start3A_1122 = tpu.memref_slice %arg25[%dma_start3A_1121] : memref<65536xf32, #tpu.memory_space<vmem_shared>> -> memref<65536xf32, #tpu.memory_space<vmem_shared>>
      %dma_start3A_1123 = tpu.memref_slice %arg28[%dma_start3A_1114] : memref<2x!tpu.dma_semaphore, #tpu.memory_space<semaphore_mem>> -> memref<1x!tpu.dma_semaphore, #tpu.memory_space<semaphore_mem>>
      %dma_start3A_1124 = tpu.memref_squeeze %dma_start3A_1123 : memref<1x!tpu.dma_semaphore, #tpu.memory_space<semaphore_mem>> -> memref<!tpu.dma_semaphore, #tpu.memory_space<semaphore_mem>>
      tpu.enqueue_indirect_dma source(%dma_start3A_1117 : memref<128xf32, #tpu.memory_space<vmem>>) target(%dma_start3A_1122 : memref<65536xf32, #tpu.memory_space<vmem_shared>>) offsets(%dma_start3A_1120 : memref<128xi32, #tpu.memory_space<vmem>>) semaphore(%dma_start3A_1124 : memref<!tpu.dma_semaphore, #tpu.memory_space<semaphore_mem>>) {add = true}
      %dma_start3A_1125 = arith.constant 2 : i32
      %dma_start3A_1126 = arith.constant 2 : i32
      %dma_start3A_1127 = arith.constant 0 : i32
      %dma_start3A_1128 = arith.constant 0 : i32
      %dma_start3A_1129 = tpu.memref_slice %arg22[%dma_start3A_1125, %dma_start3A_1128] : memref<16x128xf32, #tpu.memory_space<vmem>> -> memref<1x128xf32, #tpu.memory_space<vmem>>
      %dma_start3A_1130 = tpu.memref_squeeze %dma_start3A_1129 : memref<1x128xf32, #tpu.memory_space<vmem>> -> memref<128xf32, #tpu.memory_space<vmem>>
      %dma_start3A_1131 = arith.constant 0 : i32
      %dma_start3A_1132 = tpu.memref_slice %arg14[%dma_start3A_1126, %dma_start3A_1131] : memref<16x128xi32, #tpu.memory_space<vmem>> -> memref<1x128xi32, #tpu.memory_space<vmem>>
      %dma_start3A_1133 = tpu.memref_squeeze %dma_start3A_1132 : memref<1x128xi32, #tpu.memory_space<vmem>> -> memref<128xi32, #tpu.memory_space<vmem>>
      %dma_start3A_1134 = arith.constant 0 : i32
      %dma_start3A_1135 = tpu.memref_slice %arg25[%dma_start3A_1134] : memref<65536xf32, #tpu.memory_space<vmem_shared>> -> memref<65536xf32, #tpu.memory_space<vmem_shared>>
      %dma_start3A_1136 = tpu.memref_slice %arg28[%dma_start3A_1127] : memref<2x!tpu.dma_semaphore, #tpu.memory_space<semaphore_mem>> -> memref<1x!tpu.dma_semaphore, #tpu.memory_space<semaphore_mem>>
      %dma_start3A_1137 = tpu.memref_squeeze %dma_start3A_1136 : memref<1x!tpu.dma_semaphore, #tpu.memory_space<semaphore_mem>> -> memref<!tpu.dma_semaphore, #tpu.memory_space<semaphore_mem>>
      tpu.enqueue_indirect_dma source(%dma_start3A_1130 : memref<128xf32, #tpu.memory_space<vmem>>) target(%dma_start3A_1135 : memref<65536xf32, #tpu.memory_space<vmem_shared>>) offsets(%dma_start3A_1133 : memref<128xi32, #tpu.memory_space<vmem>>) semaphore(%dma_start3A_1137 : memref<!tpu.dma_semaphore, #tpu.memory_space<semaphore_mem>>) {add = true}
      %dma_start3A_1138 = arith.constant 3 : i32
      %dma_start3A_1139 = arith.constant 3 : i32
      %dma_start3A_1140 = arith.constant 0 : i32
      %dma_start3A_1141 = arith.constant 0 : i32
      %dma_start3A_1142 = tpu.memref_slice %arg20[%dma_start3A_1138, %dma_start3A_1141] : memref<16x128xf32, #tpu.memory_space<vmem>> -> memref<1x128xf32, #tpu.memory_space<vmem>>
      %dma_start3A_1143 = tpu.memref_squeeze %dma_start3A_1142 : memref<1x128xf32, #tpu.memory_space<vmem>> -> memref<128xf32, #tpu.memory_space<vmem>>
      %dma_start3A_1144 = arith.constant 0 : i32
      %dma_start3A_1145 = tpu.memref_slice %arg10[%dma_start3A_1139, %dma_start3A_1144] : memref<16x128xi32, #tpu.memory_space<vmem>> -> memref<1x128xi32, #tpu.memory_space<vmem>>
      %dma_start3A_1146 = tpu.memref_squeeze %dma_start3A_1145 : memref<1x128xi32, #tpu.memory_space<vmem>> -> memref<128xi32, #tpu.memory_space<vmem>>
      %dma_start3A_1147 = arith.constant 0 : i32
      %dma_start3A_1148 = tpu.memref_slice %arg25[%dma_start3A_1147] : memref<65536xf32, #tpu.memory_space<vmem_shared>> -> memref<65536xf32, #tpu.memory_space<vmem_shared>>
      %dma_start3A_1149 = tpu.memref_slice %arg28[%dma_start3A_1140] : memref<2x!tpu.dma_semaphore, #tpu.memory_space<semaphore_mem>> -> memref<1x!tpu.dma_semaphore, #tpu.memory_space<semaphore_mem>>
      %dma_start3A_1150 = tpu.memref_squeeze %dma_start3A_1149 : memref<1x!tpu.dma_semaphore, #tpu.memory_space<semaphore_mem>> -> memref<!tpu.dma_semaphore, #tpu.memory_space<semaphore_mem>>
      tpu.enqueue_indirect_dma source(%dma_start3A_1143 : memref<128xf32, #tpu.memory_space<vmem>>) target(%dma_start3A_1148 : memref<65536xf32, #tpu.memory_space<vmem_shared>>) offsets(%dma_start3A_1146 : memref<128xi32, #tpu.memory_space<vmem>>) semaphore(%dma_start3A_1150 : memref<!tpu.dma_semaphore, #tpu.memory_space<semaphore_mem>>) {add = true}
      %dma_start3A_1151 = arith.constant 3 : i32
      %dma_start3A_1152 = arith.constant 3 : i32
      %dma_start3A_1153 = arith.constant 0 : i32
      %dma_start3A_1154 = arith.constant 0 : i32
      %dma_start3A_1155 = tpu.memref_slice %arg22[%dma_start3A_1151, %dma_start3A_1154] : memref<16x128xf32, #tpu.memory_space<vmem>> -> memref<1x128xf32, #tpu.memory_space<vmem>>
      %dma_start3A_1156 = tpu.memref_squeeze %dma_start3A_1155 : memref<1x128xf32, #tpu.memory_space<vmem>> -> memref<128xf32, #tpu.memory_space<vmem>>
      %dma_start3A_1157 = arith.constant 0 : i32
      %dma_start3A_1158 = tpu.memref_slice %arg14[%dma_start3A_1152, %dma_start3A_1157] : memref<16x128xi32, #tpu.memory_space<vmem>> -> memref<1x128xi32, #tpu.memory_space<vmem>>
      %dma_start3A_1159 = tpu.memref_squeeze %dma_start3A_1158 : memref<1x128xi32, #tpu.memory_space<vmem>> -> memref<128xi32, #tpu.memory_space<vmem>>
      %dma_start3A_1160 = arith.constant 0 : i32
      %dma_start3A_1161 = tpu.memref_slice %arg25[%dma_start3A_1160] : memref<65536xf32, #tpu.memory_space<vmem_shared>> -> memref<65536xf32, #tpu.memory_space<vmem_shared>>
      %dma_start3A_1162 = tpu.memref_slice %arg28[%dma_start3A_1153] : memref<2x!tpu.dma_semaphore, #tpu.memory_space<semaphore_mem>> -> memref<1x!tpu.dma_semaphore, #tpu.memory_space<semaphore_mem>>
      %dma_start3A_1163 = tpu.memref_squeeze %dma_start3A_1162 : memref<1x!tpu.dma_semaphore, #tpu.memory_space<semaphore_mem>> -> memref<!tpu.dma_semaphore, #tpu.memory_space<semaphore_mem>>
      tpu.enqueue_indirect_dma source(%dma_start3A_1156 : memref<128xf32, #tpu.memory_space<vmem>>) target(%dma_start3A_1161 : memref<65536xf32, #tpu.memory_space<vmem_shared>>) offsets(%dma_start3A_1159 : memref<128xi32, #tpu.memory_space<vmem>>) semaphore(%dma_start3A_1163 : memref<!tpu.dma_semaphore, #tpu.memory_space<semaphore_mem>>) {add = true}
      %dma_start3A_1164 = arith.constant 4 : i32
      %dma_start3A_1165 = arith.constant 4 : i32
      %dma_start3A_1166 = arith.constant 0 : i32
      %dma_start3A_1167 = arith.constant 0 : i32
      %dma_start3A_1168 = tpu.memref_slice %arg20[%dma_start3A_1164, %dma_start3A_1167] : memref<16x128xf32, #tpu.memory_space<vmem>> -> memref<1x128xf32, #tpu.memory_space<vmem>>
      %dma_start3A_1169 = tpu.memref_squeeze %dma_start3A_1168 : memref<1x128xf32, #tpu.memory_space<vmem>> -> memref<128xf32, #tpu.memory_space<vmem>>
      %dma_start3A_1170 = arith.constant 0 : i32
      %dma_start3A_1171 = tpu.memref_slice %arg10[%dma_start3A_1165, %dma_start3A_1170] : memref<16x128xi32, #tpu.memory_space<vmem>> -> memref<1x128xi32, #tpu.memory_space<vmem>>
      %dma_start3A_1172 = tpu.memref_squeeze %dma_start3A_1171 : memref<1x128xi32, #tpu.memory_space<vmem>> -> memref<128xi32, #tpu.memory_space<vmem>>
      %dma_start3A_1173 = arith.constant 0 : i32
      %dma_start3A_1174 = tpu.memref_slice %arg25[%dma_start3A_1173] : memref<65536xf32, #tpu.memory_space<vmem_shared>> -> memref<65536xf32, #tpu.memory_space<vmem_shared>>
      %dma_start3A_1175 = tpu.memref_slice %arg28[%dma_start3A_1166] : memref<2x!tpu.dma_semaphore, #tpu.memory_space<semaphore_mem>> -> memref<1x!tpu.dma_semaphore, #tpu.memory_space<semaphore_mem>>
      %dma_start3A_1176 = tpu.memref_squeeze %dma_start3A_1175 : memref<1x!tpu.dma_semaphore, #tpu.memory_space<semaphore_mem>> -> memref<!tpu.dma_semaphore, #tpu.memory_space<semaphore_mem>>
      tpu.enqueue_indirect_dma source(%dma_start3A_1169 : memref<128xf32, #tpu.memory_space<vmem>>) target(%dma_start3A_1174 : memref<65536xf32, #tpu.memory_space<vmem_shared>>) offsets(%dma_start3A_1172 : memref<128xi32, #tpu.memory_space<vmem>>) semaphore(%dma_start3A_1176 : memref<!tpu.dma_semaphore, #tpu.memory_space<semaphore_mem>>) {add = true}
      %dma_start3A_1177 = arith.constant 4 : i32
      %dma_start3A_1178 = arith.constant 4 : i32
      %dma_start3A_1179 = arith.constant 0 : i32
      %dma_start3A_1180 = arith.constant 0 : i32
      %dma_start3A_1181 = tpu.memref_slice %arg22[%dma_start3A_1177, %dma_start3A_1180] : memref<16x128xf32, #tpu.memory_space<vmem>> -> memref<1x128xf32, #tpu.memory_space<vmem>>
      %dma_start3A_1182 = tpu.memref_squeeze %dma_start3A_1181 : memref<1x128xf32, #tpu.memory_space<vmem>> -> memref<128xf32, #tpu.memory_space<vmem>>
      %dma_start3A_1183 = arith.constant 0 : i32
      %dma_start3A_1184 = tpu.memref_slice %arg14[%dma_start3A_1178, %dma_start3A_1183] : memref<16x128xi32, #tpu.memory_space<vmem>> -> memref<1x128xi32, #tpu.memory_space<vmem>>
      %dma_start3A_1185 = tpu.memref_squeeze %dma_start3A_1184 : memref<1x128xi32, #tpu.memory_space<vmem>> -> memref<128xi32, #tpu.memory_space<vmem>>
      %dma_start3A_1186 = arith.constant 0 : i32
      %dma_start3A_1187 = tpu.memref_slice %arg25[%dma_start3A_1186] : memref<65536xf32, #tpu.memory_space<vmem_shared>> -> memref<65536xf32, #tpu.memory_space<vmem_shared>>
      %dma_start3A_1188 = tpu.memref_slice %arg28[%dma_start3A_1179] : memref<2x!tpu.dma_semaphore, #tpu.memory_space<semaphore_mem>> -> memref<1x!tpu.dma_semaphore, #tpu.memory_space<semaphore_mem>>
      %dma_start3A_1189 = tpu.memref_squeeze %dma_start3A_1188 : memref<1x!tpu.dma_semaphore, #tpu.memory_space<semaphore_mem>> -> memref<!tpu.dma_semaphore, #tpu.memory_space<semaphore_mem>>
      tpu.enqueue_indirect_dma source(%dma_start3A_1182 : memref<128xf32, #tpu.memory_space<vmem>>) target(%dma_start3A_1187 : memref<65536xf32, #tpu.memory_space<vmem_shared>>) offsets(%dma_start3A_1185 : memref<128xi32, #tpu.memory_space<vmem>>) semaphore(%dma_start3A_1189 : memref<!tpu.dma_semaphore, #tpu.memory_space<semaphore_mem>>) {add = true}
      %dma_start3A_1190 = arith.constant 5 : i32
      %dma_start3A_1191 = arith.constant 5 : i32
      %dma_start3A_1192 = arith.constant 0 : i32
      %dma_start3A_1193 = arith.constant 0 : i32
      %dma_start3A_1194 = tpu.memref_slice %arg20[%dma_start3A_1190, %dma_start3A_1193] : memref<16x128xf32, #tpu.memory_space<vmem>> -> memref<1x128xf32, #tpu.memory_space<vmem>>
      %dma_start3A_1195 = tpu.memref_squeeze %dma_start3A_1194 : memref<1x128xf32, #tpu.memory_space<vmem>> -> memref<128xf32, #tpu.memory_space<vmem>>
      %dma_start3A_1196 = arith.constant 0 : i32
      %dma_start3A_1197 = tpu.memref_slice %arg10[%dma_start3A_1191, %dma_start3A_1196] : memref<16x128xi32, #tpu.memory_space<vmem>> -> memref<1x128xi32, #tpu.memory_space<vmem>>
      %dma_start3A_1198 = tpu.memref_squeeze %dma_start3A_1197 : memref<1x128xi32, #tpu.memory_space<vmem>> -> memref<128xi32, #tpu.memory_space<vmem>>
      %dma_start3A_1199 = arith.constant 0 : i32
      %dma_start3A_1200 = tpu.memref_slice %arg25[%dma_start3A_1199] : memref<65536xf32, #tpu.memory_space<vmem_shared>> -> memref<65536xf32, #tpu.memory_space<vmem_shared>>
      %dma_start3A_1201 = tpu.memref_slice %arg28[%dma_start3A_1192] : memref<2x!tpu.dma_semaphore, #tpu.memory_space<semaphore_mem>> -> memref<1x!tpu.dma_semaphore, #tpu.memory_space<semaphore_mem>>
      %dma_start3A_1202 = tpu.memref_squeeze %dma_start3A_1201 : memref<1x!tpu.dma_semaphore, #tpu.memory_space<semaphore_mem>> -> memref<!tpu.dma_semaphore, #tpu.memory_space<semaphore_mem>>
      tpu.enqueue_indirect_dma source(%dma_start3A_1195 : memref<128xf32, #tpu.memory_space<vmem>>) target(%dma_start3A_1200 : memref<65536xf32, #tpu.memory_space<vmem_shared>>) offsets(%dma_start3A_1198 : memref<128xi32, #tpu.memory_space<vmem>>) semaphore(%dma_start3A_1202 : memref<!tpu.dma_semaphore, #tpu.memory_space<semaphore_mem>>) {add = true}
      %dma_start3A_1203 = arith.constant 5 : i32
      %dma_start3A_1204 = arith.constant 5 : i32
      %dma_start3A_1205 = arith.constant 0 : i32
      %dma_start3A_1206 = arith.constant 0 : i32
      %dma_start3A_1207 = tpu.memref_slice %arg22[%dma_start3A_1203, %dma_start3A_1206] : memref<16x128xf32, #tpu.memory_space<vmem>> -> memref<1x128xf32, #tpu.memory_space<vmem>>
      %dma_start3A_1208 = tpu.memref_squeeze %dma_start3A_1207 : memref<1x128xf32, #tpu.memory_space<vmem>> -> memref<128xf32, #tpu.memory_space<vmem>>
      %dma_start3A_1209 = arith.constant 0 : i32
      %dma_start3A_1210 = tpu.memref_slice %arg14[%dma_start3A_1204, %dma_start3A_1209] : memref<16x128xi32, #tpu.memory_space<vmem>> -> memref<1x128xi32, #tpu.memory_space<vmem>>
      %dma_start3A_1211 = tpu.memref_squeeze %dma_start3A_1210 : memref<1x128xi32, #tpu.memory_space<vmem>> -> memref<128xi32, #tpu.memory_space<vmem>>
      %dma_start3A_1212 = arith.constant 0 : i32
      %dma_start3A_1213 = tpu.memref_slice %arg25[%dma_start3A_1212] : memref<65536xf32, #tpu.memory_space<vmem_shared>> -> memref<65536xf32, #tpu.memory_space<vmem_shared>>
      %dma_start3A_1214 = tpu.memref_slice %arg28[%dma_start3A_1205] : memref<2x!tpu.dma_semaphore, #tpu.memory_space<semaphore_mem>> -> memref<1x!tpu.dma_semaphore, #tpu.memory_space<semaphore_mem>>
      %dma_start3A_1215 = tpu.memref_squeeze %dma_start3A_1214 : memref<1x!tpu.dma_semaphore, #tpu.memory_space<semaphore_mem>> -> memref<!tpu.dma_semaphore, #tpu.memory_space<semaphore_mem>>
      tpu.enqueue_indirect_dma source(%dma_start3A_1208 : memref<128xf32, #tpu.memory_space<vmem>>) target(%dma_start3A_1213 : memref<65536xf32, #tpu.memory_space<vmem_shared>>) offsets(%dma_start3A_1211 : memref<128xi32, #tpu.memory_space<vmem>>) semaphore(%dma_start3A_1215 : memref<!tpu.dma_semaphore, #tpu.memory_space<semaphore_mem>>) {add = true}
      %dma_start3A_1216 = arith.constant 6 : i32
      %dma_start3A_1217 = arith.constant 6 : i32
      %dma_start3A_1218 = arith.constant 0 : i32
      %dma_start3A_1219 = arith.constant 0 : i32
      %dma_start3A_1220 = tpu.memref_slice %arg20[%dma_start3A_1216, %dma_start3A_1219] : memref<16x128xf32, #tpu.memory_space<vmem>> -> memref<1x128xf32, #tpu.memory_space<vmem>>
      %dma_start3A_1221 = tpu.memref_squeeze %dma_start3A_1220 : memref<1x128xf32, #tpu.memory_space<vmem>> -> memref<128xf32, #tpu.memory_space<vmem>>
      %dma_start3A_1222 = arith.constant 0 : i32
      %dma_start3A_1223 = tpu.memref_slice %arg10[%dma_start3A_1217, %dma_start3A_1222] : memref<16x128xi32, #tpu.memory_space<vmem>> -> memref<1x128xi32, #tpu.memory_space<vmem>>
      %dma_start3A_1224 = tpu.memref_squeeze %dma_start3A_1223 : memref<1x128xi32, #tpu.memory_space<vmem>> -> memref<128xi32, #tpu.memory_space<vmem>>
      %dma_start3A_1225 = arith.constant 0 : i32
      %dma_start3A_1226 = tpu.memref_slice %arg25[%dma_start3A_1225] : memref<65536xf32, #tpu.memory_space<vmem_shared>> -> memref<65536xf32, #tpu.memory_space<vmem_shared>>
      %dma_start3A_1227 = tpu.memref_slice %arg28[%dma_start3A_1218] : memref<2x!tpu.dma_semaphore, #tpu.memory_space<semaphore_mem>> -> memref<1x!tpu.dma_semaphore, #tpu.memory_space<semaphore_mem>>
      %dma_start3A_1228 = tpu.memref_squeeze %dma_start3A_1227 : memref<1x!tpu.dma_semaphore, #tpu.memory_space<semaphore_mem>> -> memref<!tpu.dma_semaphore, #tpu.memory_space<semaphore_mem>>
      tpu.enqueue_indirect_dma source(%dma_start3A_1221 : memref<128xf32, #tpu.memory_space<vmem>>) target(%dma_start3A_1226 : memref<65536xf32, #tpu.memory_space<vmem_shared>>) offsets(%dma_start3A_1224 : memref<128xi32, #tpu.memory_space<vmem>>) semaphore(%dma_start3A_1228 : memref<!tpu.dma_semaphore, #tpu.memory_space<semaphore_mem>>) {add = true}
      %dma_start3A_1229 = arith.constant 6 : i32
      %dma_start3A_1230 = arith.constant 6 : i32
      %dma_start3A_1231 = arith.constant 0 : i32
      %dma_start3A_1232 = arith.constant 0 : i32
      %dma_start3A_1233 = tpu.memref_slice %arg22[%dma_start3A_1229, %dma_start3A_1232] : memref<16x128xf32, #tpu.memory_space<vmem>> -> memref<1x128xf32, #tpu.memory_space<vmem>>
      %dma_start3A_1234 = tpu.memref_squeeze %dma_start3A_1233 : memref<1x128xf32, #tpu.memory_space<vmem>> -> memref<128xf32, #tpu.memory_space<vmem>>
      %dma_start3A_1235 = arith.constant 0 : i32
      %dma_start3A_1236 = tpu.memref_slice %arg14[%dma_start3A_1230, %dma_start3A_1235] : memref<16x128xi32, #tpu.memory_space<vmem>> -> memref<1x128xi32, #tpu.memory_space<vmem>>
      %dma_start3A_1237 = tpu.memref_squeeze %dma_start3A_1236 : memref<1x128xi32, #tpu.memory_space<vmem>> -> memref<128xi32, #tpu.memory_space<vmem>>
      %dma_start3A_1238 = arith.constant 0 : i32
      %dma_start3A_1239 = tpu.memref_slice %arg25[%dma_start3A_1238] : memref<65536xf32, #tpu.memory_space<vmem_shared>> -> memref<65536xf32, #tpu.memory_space<vmem_shared>>
      %dma_start3A_1240 = tpu.memref_slice %arg28[%dma_start3A_1231] : memref<2x!tpu.dma_semaphore, #tpu.memory_space<semaphore_mem>> -> memref<1x!tpu.dma_semaphore, #tpu.memory_space<semaphore_mem>>
      %dma_start3A_1241 = tpu.memref_squeeze %dma_start3A_1240 : memref<1x!tpu.dma_semaphore, #tpu.memory_space<semaphore_mem>> -> memref<!tpu.dma_semaphore, #tpu.memory_space<semaphore_mem>>
      tpu.enqueue_indirect_dma source(%dma_start3A_1234 : memref<128xf32, #tpu.memory_space<vmem>>) target(%dma_start3A_1239 : memref<65536xf32, #tpu.memory_space<vmem_shared>>) offsets(%dma_start3A_1237 : memref<128xi32, #tpu.memory_space<vmem>>) semaphore(%dma_start3A_1241 : memref<!tpu.dma_semaphore, #tpu.memory_space<semaphore_mem>>) {add = true}
      %dma_start3A_1242 = arith.constant 7 : i32
      %dma_start3A_1243 = arith.constant 7 : i32
      %dma_start3A_1244 = arith.constant 0 : i32
      %dma_start3A_1245 = arith.constant 0 : i32
      %dma_start3A_1246 = tpu.memref_slice %arg20[%dma_start3A_1242, %dma_start3A_1245] : memref<16x128xf32, #tpu.memory_space<vmem>> -> memref<1x128xf32, #tpu.memory_space<vmem>>
      %dma_start3A_1247 = tpu.memref_squeeze %dma_start3A_1246 : memref<1x128xf32, #tpu.memory_space<vmem>> -> memref<128xf32, #tpu.memory_space<vmem>>
      %dma_start3A_1248 = arith.constant 0 : i32
      %dma_start3A_1249 = tpu.memref_slice %arg10[%dma_start3A_1243, %dma_start3A_1248] : memref<16x128xi32, #tpu.memory_space<vmem>> -> memref<1x128xi32, #tpu.memory_space<vmem>>
      %dma_start3A_1250 = tpu.memref_squeeze %dma_start3A_1249 : memref<1x128xi32, #tpu.memory_space<vmem>> -> memref<128xi32, #tpu.memory_space<vmem>>
      %dma_start3A_1251 = arith.constant 0 : i32
      %dma_start3A_1252 = tpu.memref_slice %arg25[%dma_start3A_1251] : memref<65536xf32, #tpu.memory_space<vmem_shared>> -> memref<65536xf32, #tpu.memory_space<vmem_shared>>
      %dma_start3A_1253 = tpu.memref_slice %arg28[%dma_start3A_1244] : memref<2x!tpu.dma_semaphore, #tpu.memory_space<semaphore_mem>> -> memref<1x!tpu.dma_semaphore, #tpu.memory_space<semaphore_mem>>
      %dma_start3A_1254 = tpu.memref_squeeze %dma_start3A_1253 : memref<1x!tpu.dma_semaphore, #tpu.memory_space<semaphore_mem>> -> memref<!tpu.dma_semaphore, #tpu.memory_space<semaphore_mem>>
      tpu.enqueue_indirect_dma source(%dma_start3A_1247 : memref<128xf32, #tpu.memory_space<vmem>>) target(%dma_start3A_1252 : memref<65536xf32, #tpu.memory_space<vmem_shared>>) offsets(%dma_start3A_1250 : memref<128xi32, #tpu.memory_space<vmem>>) semaphore(%dma_start3A_1254 : memref<!tpu.dma_semaphore, #tpu.memory_space<semaphore_mem>>) {add = true}
      %dma_start3A_1255 = arith.constant 7 : i32
      %dma_start3A_1256 = arith.constant 7 : i32
      %dma_start3A_1257 = arith.constant 0 : i32
      %dma_start3A_1258 = arith.constant 0 : i32
      %dma_start3A_1259 = tpu.memref_slice %arg22[%dma_start3A_1255, %dma_start3A_1258] : memref<16x128xf32, #tpu.memory_space<vmem>> -> memref<1x128xf32, #tpu.memory_space<vmem>>
      %dma_start3A_1260 = tpu.memref_squeeze %dma_start3A_1259 : memref<1x128xf32, #tpu.memory_space<vmem>> -> memref<128xf32, #tpu.memory_space<vmem>>
      %dma_start3A_1261 = arith.constant 0 : i32
      %dma_start3A_1262 = tpu.memref_slice %arg14[%dma_start3A_1256, %dma_start3A_1261] : memref<16x128xi32, #tpu.memory_space<vmem>> -> memref<1x128xi32, #tpu.memory_space<vmem>>
      %dma_start3A_1263 = tpu.memref_squeeze %dma_start3A_1262 : memref<1x128xi32, #tpu.memory_space<vmem>> -> memref<128xi32, #tpu.memory_space<vmem>>
      %dma_start3A_1264 = arith.constant 0 : i32
      %dma_start3A_1265 = tpu.memref_slice %arg25[%dma_start3A_1264] : memref<65536xf32, #tpu.memory_space<vmem_shared>> -> memref<65536xf32, #tpu.memory_space<vmem_shared>>
      %dma_start3A_1266 = tpu.memref_slice %arg28[%dma_start3A_1257] : memref<2x!tpu.dma_semaphore, #tpu.memory_space<semaphore_mem>> -> memref<1x!tpu.dma_semaphore, #tpu.memory_space<semaphore_mem>>
      %dma_start3A_1267 = tpu.memref_squeeze %dma_start3A_1266 : memref<1x!tpu.dma_semaphore, #tpu.memory_space<semaphore_mem>> -> memref<!tpu.dma_semaphore, #tpu.memory_space<semaphore_mem>>
      tpu.enqueue_indirect_dma source(%dma_start3A_1260 : memref<128xf32, #tpu.memory_space<vmem>>) target(%dma_start3A_1265 : memref<65536xf32, #tpu.memory_space<vmem_shared>>) offsets(%dma_start3A_1263 : memref<128xi32, #tpu.memory_space<vmem>>) semaphore(%dma_start3A_1267 : memref<!tpu.dma_semaphore, #tpu.memory_space<semaphore_mem>>) {add = true}
      %dma_start3A_1268 = arith.constant 8 : i32
      %dma_start3A_1269 = arith.constant 8 : i32
      %dma_start3A_1270 = arith.constant 0 : i32
      %dma_start3A_1271 = arith.constant 0 : i32
      %dma_start3A_1272 = tpu.memref_slice %arg20[%dma_start3A_1268, %dma_start3A_1271] : memref<16x128xf32, #tpu.memory_space<vmem>> -> memref<1x128xf32, #tpu.memory_space<vmem>>
      %dma_start3A_1273 = tpu.memref_squeeze %dma_start3A_1272 : memref<1x128xf32, #tpu.memory_space<vmem>> -> memref<128xf32, #tpu.memory_space<vmem>>
      %dma_start3A_1274 = arith.constant 0 : i32
      %dma_start3A_1275 = tpu.memref_slice %arg10[%dma_start3A_1269, %dma_start3A_1274] : memref<16x128xi32, #tpu.memory_space<vmem>> -> memref<1x128xi32, #tpu.memory_space<vmem>>
      %dma_start3A_1276 = tpu.memref_squeeze %dma_start3A_1275 : memref<1x128xi32, #tpu.memory_space<vmem>> -> memref<128xi32, #tpu.memory_space<vmem>>
      %dma_start3A_1277 = arith.constant 0 : i32
      %dma_start3A_1278 = tpu.memref_slice %arg25[%dma_start3A_1277] : memref<65536xf32, #tpu.memory_space<vmem_shared>> -> memref<65536xf32, #tpu.memory_space<vmem_shared>>
      %dma_start3A_1279 = tpu.memref_slice %arg28[%dma_start3A_1270] : memref<2x!tpu.dma_semaphore, #tpu.memory_space<semaphore_mem>> -> memref<1x!tpu.dma_semaphore, #tpu.memory_space<semaphore_mem>>
      %dma_start3A_1280 = tpu.memref_squeeze %dma_start3A_1279 : memref<1x!tpu.dma_semaphore, #tpu.memory_space<semaphore_mem>> -> memref<!tpu.dma_semaphore, #tpu.memory_space<semaphore_mem>>
      tpu.enqueue_indirect_dma source(%dma_start3A_1273 : memref<128xf32, #tpu.memory_space<vmem>>) target(%dma_start3A_1278 : memref<65536xf32, #tpu.memory_space<vmem_shared>>) offsets(%dma_start3A_1276 : memref<128xi32, #tpu.memory_space<vmem>>) semaphore(%dma_start3A_1280 : memref<!tpu.dma_semaphore, #tpu.memory_space<semaphore_mem>>) {add = true}
      %dma_start3A_1281 = arith.constant 8 : i32
      %dma_start3A_1282 = arith.constant 8 : i32
      %dma_start3A_1283 = arith.constant 0 : i32
      %dma_start3A_1284 = arith.constant 0 : i32
      %dma_start3A_1285 = tpu.memref_slice %arg22[%dma_start3A_1281, %dma_start3A_1284] : memref<16x128xf32, #tpu.memory_space<vmem>> -> memref<1x128xf32, #tpu.memory_space<vmem>>
      %dma_start3A_1286 = tpu.memref_squeeze %dma_start3A_1285 : memref<1x128xf32, #tpu.memory_space<vmem>> -> memref<128xf32, #tpu.memory_space<vmem>>
      %dma_start3A_1287 = arith.constant 0 : i32
      %dma_start3A_1288 = tpu.memref_slice %arg14[%dma_start3A_1282, %dma_start3A_1287] : memref<16x128xi32, #tpu.memory_space<vmem>> -> memref<1x128xi32, #tpu.memory_space<vmem>>
      %dma_start3A_1289 = tpu.memref_squeeze %dma_start3A_1288 : memref<1x128xi32, #tpu.memory_space<vmem>> -> memref<128xi32, #tpu.memory_space<vmem>>
      %dma_start3A_1290 = arith.constant 0 : i32
      %dma_start3A_1291 = tpu.memref_slice %arg25[%dma_start3A_1290] : memref<65536xf32, #tpu.memory_space<vmem_shared>> -> memref<65536xf32, #tpu.memory_space<vmem_shared>>
      %dma_start3A_1292 = tpu.memref_slice %arg28[%dma_start3A_1283] : memref<2x!tpu.dma_semaphore, #tpu.memory_space<semaphore_mem>> -> memref<1x!tpu.dma_semaphore, #tpu.memory_space<semaphore_mem>>
      %dma_start3A_1293 = tpu.memref_squeeze %dma_start3A_1292 : memref<1x!tpu.dma_semaphore, #tpu.memory_space<semaphore_mem>> -> memref<!tpu.dma_semaphore, #tpu.memory_space<semaphore_mem>>
      tpu.enqueue_indirect_dma source(%dma_start3A_1286 : memref<128xf32, #tpu.memory_space<vmem>>) target(%dma_start3A_1291 : memref<65536xf32, #tpu.memory_space<vmem_shared>>) offsets(%dma_start3A_1289 : memref<128xi32, #tpu.memory_space<vmem>>) semaphore(%dma_start3A_1293 : memref<!tpu.dma_semaphore, #tpu.memory_space<semaphore_mem>>) {add = true}
      %dma_start3A_1294 = arith.constant 9 : i32
      %dma_start3A_1295 = arith.constant 9 : i32
      %dma_start3A_1296 = arith.constant 0 : i32
      %dma_start3A_1297 = arith.constant 0 : i32
      %dma_start3A_1298 = tpu.memref_slice %arg20[%dma_start3A_1294, %dma_start3A_1297] : memref<16x128xf32, #tpu.memory_space<vmem>> -> memref<1x128xf32, #tpu.memory_space<vmem>>
      %dma_start3A_1299 = tpu.memref_squeeze %dma_start3A_1298 : memref<1x128xf32, #tpu.memory_space<vmem>> -> memref<128xf32, #tpu.memory_space<vmem>>
      %dma_start3A_1300 = arith.constant 0 : i32
      %dma_start3A_1301 = tpu.memref_slice %arg10[%dma_start3A_1295, %dma_start3A_1300] : memref<16x128xi32, #tpu.memory_space<vmem>> -> memref<1x128xi32, #tpu.memory_space<vmem>>
      %dma_start3A_1302 = tpu.memref_squeeze %dma_start3A_1301 : memref<1x128xi32, #tpu.memory_space<vmem>> -> memref<128xi32, #tpu.memory_space<vmem>>
      %dma_start3A_1303 = arith.constant 0 : i32
      %dma_start3A_1304 = tpu.memref_slice %arg25[%dma_start3A_1303] : memref<65536xf32, #tpu.memory_space<vmem_shared>> -> memref<65536xf32, #tpu.memory_space<vmem_shared>>
      %dma_start3A_1305 = tpu.memref_slice %arg28[%dma_start3A_1296] : memref<2x!tpu.dma_semaphore, #tpu.memory_space<semaphore_mem>> -> memref<1x!tpu.dma_semaphore, #tpu.memory_space<semaphore_mem>>
      %dma_start3A_1306 = tpu.memref_squeeze %dma_start3A_1305 : memref<1x!tpu.dma_semaphore, #tpu.memory_space<semaphore_mem>> -> memref<!tpu.dma_semaphore, #tpu.memory_space<semaphore_mem>>
      tpu.enqueue_indirect_dma source(%dma_start3A_1299 : memref<128xf32, #tpu.memory_space<vmem>>) target(%dma_start3A_1304 : memref<65536xf32, #tpu.memory_space<vmem_shared>>) offsets(%dma_start3A_1302 : memref<128xi32, #tpu.memory_space<vmem>>) semaphore(%dma_start3A_1306 : memref<!tpu.dma_semaphore, #tpu.memory_space<semaphore_mem>>) {add = true}
      %dma_start3A_1307 = arith.constant 9 : i32
      %dma_start3A_1308 = arith.constant 9 : i32
      %dma_start3A_1309 = arith.constant 0 : i32
      %dma_start3A_1310 = arith.constant 0 : i32
      %dma_start3A_1311 = tpu.memref_slice %arg22[%dma_start3A_1307, %dma_start3A_1310] : memref<16x128xf32, #tpu.memory_space<vmem>> -> memref<1x128xf32, #tpu.memory_space<vmem>>
      %dma_start3A_1312 = tpu.memref_squeeze %dma_start3A_1311 : memref<1x128xf32, #tpu.memory_space<vmem>> -> memref<128xf32, #tpu.memory_space<vmem>>
      %dma_start3A_1313 = arith.constant 0 : i32
      %dma_start3A_1314 = tpu.memref_slice %arg14[%dma_start3A_1308, %dma_start3A_1313] : memref<16x128xi32, #tpu.memory_space<vmem>> -> memref<1x128xi32, #tpu.memory_space<vmem>>
      %dma_start3A_1315 = tpu.memref_squeeze %dma_start3A_1314 : memref<1x128xi32, #tpu.memory_space<vmem>> -> memref<128xi32, #tpu.memory_space<vmem>>
      %dma_start3A_1316 = arith.constant 0 : i32
      %dma_start3A_1317 = tpu.memref_slice %arg25[%dma_start3A_1316] : memref<65536xf32, #tpu.memory_space<vmem_shared>> -> memref<65536xf32, #tpu.memory_space<vmem_shared>>
      %dma_start3A_1318 = tpu.memref_slice %arg28[%dma_start3A_1309] : memref<2x!tpu.dma_semaphore, #tpu.memory_space<semaphore_mem>> -> memref<1x!tpu.dma_semaphore, #tpu.memory_space<semaphore_mem>>
      %dma_start3A_1319 = tpu.memref_squeeze %dma_start3A_1318 : memref<1x!tpu.dma_semaphore, #tpu.memory_space<semaphore_mem>> -> memref<!tpu.dma_semaphore, #tpu.memory_space<semaphore_mem>>
      tpu.enqueue_indirect_dma source(%dma_start3A_1312 : memref<128xf32, #tpu.memory_space<vmem>>) target(%dma_start3A_1317 : memref<65536xf32, #tpu.memory_space<vmem_shared>>) offsets(%dma_start3A_1315 : memref<128xi32, #tpu.memory_space<vmem>>) semaphore(%dma_start3A_1319 : memref<!tpu.dma_semaphore, #tpu.memory_space<semaphore_mem>>) {add = true}
      %dma_start3A_1320 = arith.constant 10 : i32
      %dma_start3A_1321 = arith.constant 10 : i32
      %dma_start3A_1322 = arith.constant 0 : i32
      %dma_start3A_1323 = arith.constant 0 : i32
      %dma_start3A_1324 = tpu.memref_slice %arg20[%dma_start3A_1320, %dma_start3A_1323] : memref<16x128xf32, #tpu.memory_space<vmem>> -> memref<1x128xf32, #tpu.memory_space<vmem>>
      %dma_start3A_1325 = tpu.memref_squeeze %dma_start3A_1324 : memref<1x128xf32, #tpu.memory_space<vmem>> -> memref<128xf32, #tpu.memory_space<vmem>>
      %dma_start3A_1326 = arith.constant 0 : i32
      %dma_start3A_1327 = tpu.memref_slice %arg10[%dma_start3A_1321, %dma_start3A_1326] : memref<16x128xi32, #tpu.memory_space<vmem>> -> memref<1x128xi32, #tpu.memory_space<vmem>>
      %dma_start3A_1328 = tpu.memref_squeeze %dma_start3A_1327 : memref<1x128xi32, #tpu.memory_space<vmem>> -> memref<128xi32, #tpu.memory_space<vmem>>
      %dma_start3A_1329 = arith.constant 0 : i32
      %dma_start3A_1330 = tpu.memref_slice %arg25[%dma_start3A_1329] : memref<65536xf32, #tpu.memory_space<vmem_shared>> -> memref<65536xf32, #tpu.memory_space<vmem_shared>>
      %dma_start3A_1331 = tpu.memref_slice %arg28[%dma_start3A_1322] : memref<2x!tpu.dma_semaphore, #tpu.memory_space<semaphore_mem>> -> memref<1x!tpu.dma_semaphore, #tpu.memory_space<semaphore_mem>>
      %dma_start3A_1332 = tpu.memref_squeeze %dma_start3A_1331 : memref<1x!tpu.dma_semaphore, #tpu.memory_space<semaphore_mem>> -> memref<!tpu.dma_semaphore, #tpu.memory_space<semaphore_mem>>
      tpu.enqueue_indirect_dma source(%dma_start3A_1325 : memref<128xf32, #tpu.memory_space<vmem>>) target(%dma_start3A_1330 : memref<65536xf32, #tpu.memory_space<vmem_shared>>) offsets(%dma_start3A_1328 : memref<128xi32, #tpu.memory_space<vmem>>) semaphore(%dma_start3A_1332 : memref<!tpu.dma_semaphore, #tpu.memory_space<semaphore_mem>>) {add = true}
      %dma_start3A_1333 = arith.constant 10 : i32
      %dma_start3A_1334 = arith.constant 10 : i32
      %dma_start3A_1335 = arith.constant 0 : i32
      %dma_start3A_1336 = arith.constant 0 : i32
      %dma_start3A_1337 = tpu.memref_slice %arg22[%dma_start3A_1333, %dma_start3A_1336] : memref<16x128xf32, #tpu.memory_space<vmem>> -> memref<1x128xf32, #tpu.memory_space<vmem>>
      %dma_start3A_1338 = tpu.memref_squeeze %dma_start3A_1337 : memref<1x128xf32, #tpu.memory_space<vmem>> -> memref<128xf32, #tpu.memory_space<vmem>>
      %dma_start3A_1339 = arith.constant 0 : i32
      %dma_start3A_1340 = tpu.memref_slice %arg14[%dma_start3A_1334, %dma_start3A_1339] : memref<16x128xi32, #tpu.memory_space<vmem>> -> memref<1x128xi32, #tpu.memory_space<vmem>>
      %dma_start3A_1341 = tpu.memref_squeeze %dma_start3A_1340 : memref<1x128xi32, #tpu.memory_space<vmem>> -> memref<128xi32, #tpu.memory_space<vmem>>
      %dma_start3A_1342 = arith.constant 0 : i32
      %dma_start3A_1343 = tpu.memref_slice %arg25[%dma_start3A_1342] : memref<65536xf32, #tpu.memory_space<vmem_shared>> -> memref<65536xf32, #tpu.memory_space<vmem_shared>>
      %dma_start3A_1344 = tpu.memref_slice %arg28[%dma_start3A_1335] : memref<2x!tpu.dma_semaphore, #tpu.memory_space<semaphore_mem>> -> memref<1x!tpu.dma_semaphore, #tpu.memory_space<semaphore_mem>>
      %dma_start3A_1345 = tpu.memref_squeeze %dma_start3A_1344 : memref<1x!tpu.dma_semaphore, #tpu.memory_space<semaphore_mem>> -> memref<!tpu.dma_semaphore, #tpu.memory_space<semaphore_mem>>
      tpu.enqueue_indirect_dma source(%dma_start3A_1338 : memref<128xf32, #tpu.memory_space<vmem>>) target(%dma_start3A_1343 : memref<65536xf32, #tpu.memory_space<vmem_shared>>) offsets(%dma_start3A_1341 : memref<128xi32, #tpu.memory_space<vmem>>) semaphore(%dma_start3A_1345 : memref<!tpu.dma_semaphore, #tpu.memory_space<semaphore_mem>>) {add = true}
      %dma_start3A_1346 = arith.constant 11 : i32
      %dma_start3A_1347 = arith.constant 11 : i32
      %dma_start3A_1348 = arith.constant 0 : i32
      %dma_start3A_1349 = arith.constant 0 : i32
      %dma_start3A_1350 = tpu.memref_slice %arg20[%dma_start3A_1346, %dma_start3A_1349] : memref<16x128xf32, #tpu.memory_space<vmem>> -> memref<1x128xf32, #tpu.memory_space<vmem>>
      %dma_start3A_1351 = tpu.memref_squeeze %dma_start3A_1350 : memref<1x128xf32, #tpu.memory_space<vmem>> -> memref<128xf32, #tpu.memory_space<vmem>>
      %dma_start3A_1352 = arith.constant 0 : i32
      %dma_start3A_1353 = tpu.memref_slice %arg10[%dma_start3A_1347, %dma_start3A_1352] : memref<16x128xi32, #tpu.memory_space<vmem>> -> memref<1x128xi32, #tpu.memory_space<vmem>>
      %dma_start3A_1354 = tpu.memref_squeeze %dma_start3A_1353 : memref<1x128xi32, #tpu.memory_space<vmem>> -> memref<128xi32, #tpu.memory_space<vmem>>
      %dma_start3A_1355 = arith.constant 0 : i32
      %dma_start3A_1356 = tpu.memref_slice %arg25[%dma_start3A_1355] : memref<65536xf32, #tpu.memory_space<vmem_shared>> -> memref<65536xf32, #tpu.memory_space<vmem_shared>>
      %dma_start3A_1357 = tpu.memref_slice %arg28[%dma_start3A_1348] : memref<2x!tpu.dma_semaphore, #tpu.memory_space<semaphore_mem>> -> memref<1x!tpu.dma_semaphore, #tpu.memory_space<semaphore_mem>>
      %dma_start3A_1358 = tpu.memref_squeeze %dma_start3A_1357 : memref<1x!tpu.dma_semaphore, #tpu.memory_space<semaphore_mem>> -> memref<!tpu.dma_semaphore, #tpu.memory_space<semaphore_mem>>
      tpu.enqueue_indirect_dma source(%dma_start3A_1351 : memref<128xf32, #tpu.memory_space<vmem>>) target(%dma_start3A_1356 : memref<65536xf32, #tpu.memory_space<vmem_shared>>) offsets(%dma_start3A_1354 : memref<128xi32, #tpu.memory_space<vmem>>) semaphore(%dma_start3A_1358 : memref<!tpu.dma_semaphore, #tpu.memory_space<semaphore_mem>>) {add = true}
      %dma_start3A_1359 = arith.constant 11 : i32
      %dma_start3A_1360 = arith.constant 11 : i32
      %dma_start3A_1361 = arith.constant 0 : i32
      %dma_start3A_1362 = arith.constant 0 : i32
      %dma_start3A_1363 = tpu.memref_slice %arg22[%dma_start3A_1359, %dma_start3A_1362] : memref<16x128xf32, #tpu.memory_space<vmem>> -> memref<1x128xf32, #tpu.memory_space<vmem>>
      %dma_start3A_1364 = tpu.memref_squeeze %dma_start3A_1363 : memref<1x128xf32, #tpu.memory_space<vmem>> -> memref<128xf32, #tpu.memory_space<vmem>>
      %dma_start3A_1365 = arith.constant 0 : i32
      %dma_start3A_1366 = tpu.memref_slice %arg14[%dma_start3A_1360, %dma_start3A_1365] : memref<16x128xi32, #tpu.memory_space<vmem>> -> memref<1x128xi32, #tpu.memory_space<vmem>>
      %dma_start3A_1367 = tpu.memref_squeeze %dma_start3A_1366 : memref<1x128xi32, #tpu.memory_space<vmem>> -> memref<128xi32, #tpu.memory_space<vmem>>
      %dma_start3A_1368 = arith.constant 0 : i32
      %dma_start3A_1369 = tpu.memref_slice %arg25[%dma_start3A_1368] : memref<65536xf32, #tpu.memory_space<vmem_shared>> -> memref<65536xf32, #tpu.memory_space<vmem_shared>>
      %dma_start3A_1370 = tpu.memref_slice %arg28[%dma_start3A_1361] : memref<2x!tpu.dma_semaphore, #tpu.memory_space<semaphore_mem>> -> memref<1x!tpu.dma_semaphore, #tpu.memory_space<semaphore_mem>>
      %dma_start3A_1371 = tpu.memref_squeeze %dma_start3A_1370 : memref<1x!tpu.dma_semaphore, #tpu.memory_space<semaphore_mem>> -> memref<!tpu.dma_semaphore, #tpu.memory_space<semaphore_mem>>
      tpu.enqueue_indirect_dma source(%dma_start3A_1364 : memref<128xf32, #tpu.memory_space<vmem>>) target(%dma_start3A_1369 : memref<65536xf32, #tpu.memory_space<vmem_shared>>) offsets(%dma_start3A_1367 : memref<128xi32, #tpu.memory_space<vmem>>) semaphore(%dma_start3A_1371 : memref<!tpu.dma_semaphore, #tpu.memory_space<semaphore_mem>>) {add = true}
      %dma_start3A_1372 = arith.constant 12 : i32
      %dma_start3A_1373 = arith.constant 12 : i32
      %dma_start3A_1374 = arith.constant 0 : i32
      %dma_start3A_1375 = arith.constant 0 : i32
      %dma_start3A_1376 = tpu.memref_slice %arg20[%dma_start3A_1372, %dma_start3A_1375] : memref<16x128xf32, #tpu.memory_space<vmem>> -> memref<1x128xf32, #tpu.memory_space<vmem>>
      %dma_start3A_1377 = tpu.memref_squeeze %dma_start3A_1376 : memref<1x128xf32, #tpu.memory_space<vmem>> -> memref<128xf32, #tpu.memory_space<vmem>>
      %dma_start3A_1378 = arith.constant 0 : i32
      %dma_start3A_1379 = tpu.memref_slice %arg10[%dma_start3A_1373, %dma_start3A_1378] : memref<16x128xi32, #tpu.memory_space<vmem>> -> memref<1x128xi32, #tpu.memory_space<vmem>>
      %dma_start3A_1380 = tpu.memref_squeeze %dma_start3A_1379 : memref<1x128xi32, #tpu.memory_space<vmem>> -> memref<128xi32, #tpu.memory_space<vmem>>
      %dma_start3A_1381 = arith.constant 0 : i32
      %dma_start3A_1382 = tpu.memref_slice %arg25[%dma_start3A_1381] : memref<65536xf32, #tpu.memory_space<vmem_shared>> -> memref<65536xf32, #tpu.memory_space<vmem_shared>>
      %dma_start3A_1383 = tpu.memref_slice %arg28[%dma_start3A_1374] : memref<2x!tpu.dma_semaphore, #tpu.memory_space<semaphore_mem>> -> memref<1x!tpu.dma_semaphore, #tpu.memory_space<semaphore_mem>>
      %dma_start3A_1384 = tpu.memref_squeeze %dma_start3A_1383 : memref<1x!tpu.dma_semaphore, #tpu.memory_space<semaphore_mem>> -> memref<!tpu.dma_semaphore, #tpu.memory_space<semaphore_mem>>
      tpu.enqueue_indirect_dma source(%dma_start3A_1377 : memref<128xf32, #tpu.memory_space<vmem>>) target(%dma_start3A_1382 : memref<65536xf32, #tpu.memory_space<vmem_shared>>) offsets(%dma_start3A_1380 : memref<128xi32, #tpu.memory_space<vmem>>) semaphore(%dma_start3A_1384 : memref<!tpu.dma_semaphore, #tpu.memory_space<semaphore_mem>>) {add = true}
      %dma_start3A_1385 = arith.constant 12 : i32
      %dma_start3A_1386 = arith.constant 12 : i32
      %dma_start3A_1387 = arith.constant 0 : i32
      %dma_start3A_1388 = arith.constant 0 : i32
      %dma_start3A_1389 = tpu.memref_slice %arg22[%dma_start3A_1385, %dma_start3A_1388] : memref<16x128xf32, #tpu.memory_space<vmem>> -> memref<1x128xf32, #tpu.memory_space<vmem>>
      %dma_start3A_1390 = tpu.memref_squeeze %dma_start3A_1389 : memref<1x128xf32, #tpu.memory_space<vmem>> -> memref<128xf32, #tpu.memory_space<vmem>>
      %dma_start3A_1391 = arith.constant 0 : i32
      %dma_start3A_1392 = tpu.memref_slice %arg14[%dma_start3A_1386, %dma_start3A_1391] : memref<16x128xi32, #tpu.memory_space<vmem>> -> memref<1x128xi32, #tpu.memory_space<vmem>>
      %dma_start3A_1393 = tpu.memref_squeeze %dma_start3A_1392 : memref<1x128xi32, #tpu.memory_space<vmem>> -> memref<128xi32, #tpu.memory_space<vmem>>
      %dma_start3A_1394 = arith.constant 0 : i32
      %dma_start3A_1395 = tpu.memref_slice %arg25[%dma_start3A_1394] : memref<65536xf32, #tpu.memory_space<vmem_shared>> -> memref<65536xf32, #tpu.memory_space<vmem_shared>>
      %dma_start3A_1396 = tpu.memref_slice %arg28[%dma_start3A_1387] : memref<2x!tpu.dma_semaphore, #tpu.memory_space<semaphore_mem>> -> memref<1x!tpu.dma_semaphore, #tpu.memory_space<semaphore_mem>>
      %dma_start3A_1397 = tpu.memref_squeeze %dma_start3A_1396 : memref<1x!tpu.dma_semaphore, #tpu.memory_space<semaphore_mem>> -> memref<!tpu.dma_semaphore, #tpu.memory_space<semaphore_mem>>
      tpu.enqueue_indirect_dma source(%dma_start3A_1390 : memref<128xf32, #tpu.memory_space<vmem>>) target(%dma_start3A_1395 : memref<65536xf32, #tpu.memory_space<vmem_shared>>) offsets(%dma_start3A_1393 : memref<128xi32, #tpu.memory_space<vmem>>) semaphore(%dma_start3A_1397 : memref<!tpu.dma_semaphore, #tpu.memory_space<semaphore_mem>>) {add = true}
      %dma_start3A_1398 = arith.constant 13 : i32
      %dma_start3A_1399 = arith.constant 13 : i32
      %dma_start3A_1400 = arith.constant 0 : i32
      %dma_start3A_1401 = arith.constant 0 : i32
      %dma_start3A_1402 = tpu.memref_slice %arg20[%dma_start3A_1398, %dma_start3A_1401] : memref<16x128xf32, #tpu.memory_space<vmem>> -> memref<1x128xf32, #tpu.memory_space<vmem>>
      %dma_start3A_1403 = tpu.memref_squeeze %dma_start3A_1402 : memref<1x128xf32, #tpu.memory_space<vmem>> -> memref<128xf32, #tpu.memory_space<vmem>>
      %dma_start3A_1404 = arith.constant 0 : i32
      %dma_start3A_1405 = tpu.memref_slice %arg10[%dma_start3A_1399, %dma_start3A_1404] : memref<16x128xi32, #tpu.memory_space<vmem>> -> memref<1x128xi32, #tpu.memory_space<vmem>>
      %dma_start3A_1406 = tpu.memref_squeeze %dma_start3A_1405 : memref<1x128xi32, #tpu.memory_space<vmem>> -> memref<128xi32, #tpu.memory_space<vmem>>
      %dma_start3A_1407 = arith.constant 0 : i32
      %dma_start3A_1408 = tpu.memref_slice %arg25[%dma_start3A_1407] : memref<65536xf32, #tpu.memory_space<vmem_shared>> -> memref<65536xf32, #tpu.memory_space<vmem_shared>>
      %dma_start3A_1409 = tpu.memref_slice %arg28[%dma_start3A_1400] : memref<2x!tpu.dma_semaphore, #tpu.memory_space<semaphore_mem>> -> memref<1x!tpu.dma_semaphore, #tpu.memory_space<semaphore_mem>>
      %dma_start3A_1410 = tpu.memref_squeeze %dma_start3A_1409 : memref<1x!tpu.dma_semaphore, #tpu.memory_space<semaphore_mem>> -> memref<!tpu.dma_semaphore, #tpu.memory_space<semaphore_mem>>
      tpu.enqueue_indirect_dma source(%dma_start3A_1403 : memref<128xf32, #tpu.memory_space<vmem>>) target(%dma_start3A_1408 : memref<65536xf32, #tpu.memory_space<vmem_shared>>) offsets(%dma_start3A_1406 : memref<128xi32, #tpu.memory_space<vmem>>) semaphore(%dma_start3A_1410 : memref<!tpu.dma_semaphore, #tpu.memory_space<semaphore_mem>>) {add = true}
      %dma_start3A_1411 = arith.constant 13 : i32
      %dma_start3A_1412 = arith.constant 13 : i32
      %dma_start3A_1413 = arith.constant 0 : i32
      %dma_start3A_1414 = arith.constant 0 : i32
      %dma_start3A_1415 = tpu.memref_slice %arg22[%dma_start3A_1411, %dma_start3A_1414] : memref<16x128xf32, #tpu.memory_space<vmem>> -> memref<1x128xf32, #tpu.memory_space<vmem>>
      %dma_start3A_1416 = tpu.memref_squeeze %dma_start3A_1415 : memref<1x128xf32, #tpu.memory_space<vmem>> -> memref<128xf32, #tpu.memory_space<vmem>>
      %dma_start3A_1417 = arith.constant 0 : i32
      %dma_start3A_1418 = tpu.memref_slice %arg14[%dma_start3A_1412, %dma_start3A_1417] : memref<16x128xi32, #tpu.memory_space<vmem>> -> memref<1x128xi32, #tpu.memory_space<vmem>>
      %dma_start3A_1419 = tpu.memref_squeeze %dma_start3A_1418 : memref<1x128xi32, #tpu.memory_space<vmem>> -> memref<128xi32, #tpu.memory_space<vmem>>
      %dma_start3A_1420 = arith.constant 0 : i32
      %dma_start3A_1421 = tpu.memref_slice %arg25[%dma_start3A_1420] : memref<65536xf32, #tpu.memory_space<vmem_shared>> -> memref<65536xf32, #tpu.memory_space<vmem_shared>>
      %dma_start3A_1422 = tpu.memref_slice %arg28[%dma_start3A_1413] : memref<2x!tpu.dma_semaphore, #tpu.memory_space<semaphore_mem>> -> memref<1x!tpu.dma_semaphore, #tpu.memory_space<semaphore_mem>>
      %dma_start3A_1423 = tpu.memref_squeeze %dma_start3A_1422 : memref<1x!tpu.dma_semaphore, #tpu.memory_space<semaphore_mem>> -> memref<!tpu.dma_semaphore, #tpu.memory_space<semaphore_mem>>
      tpu.enqueue_indirect_dma source(%dma_start3A_1416 : memref<128xf32, #tpu.memory_space<vmem>>) target(%dma_start3A_1421 : memref<65536xf32, #tpu.memory_space<vmem_shared>>) offsets(%dma_start3A_1419 : memref<128xi32, #tpu.memory_space<vmem>>) semaphore(%dma_start3A_1423 : memref<!tpu.dma_semaphore, #tpu.memory_space<semaphore_mem>>) {add = true}
      %dma_start3A_1424 = arith.constant 14 : i32
      %dma_start3A_1425 = arith.constant 14 : i32
      %dma_start3A_1426 = arith.constant 0 : i32
      %dma_start3A_1427 = arith.constant 0 : i32
      %dma_start3A_1428 = tpu.memref_slice %arg20[%dma_start3A_1424, %dma_start3A_1427] : memref<16x128xf32, #tpu.memory_space<vmem>> -> memref<1x128xf32, #tpu.memory_space<vmem>>
      %dma_start3A_1429 = tpu.memref_squeeze %dma_start3A_1428 : memref<1x128xf32, #tpu.memory_space<vmem>> -> memref<128xf32, #tpu.memory_space<vmem>>
      %dma_start3A_1430 = arith.constant 0 : i32
      %dma_start3A_1431 = tpu.memref_slice %arg10[%dma_start3A_1425, %dma_start3A_1430] : memref<16x128xi32, #tpu.memory_space<vmem>> -> memref<1x128xi32, #tpu.memory_space<vmem>>
      %dma_start3A_1432 = tpu.memref_squeeze %dma_start3A_1431 : memref<1x128xi32, #tpu.memory_space<vmem>> -> memref<128xi32, #tpu.memory_space<vmem>>
      %dma_start3A_1433 = arith.constant 0 : i32
      %dma_start3A_1434 = tpu.memref_slice %arg25[%dma_start3A_1433] : memref<65536xf32, #tpu.memory_space<vmem_shared>> -> memref<65536xf32, #tpu.memory_space<vmem_shared>>
      %dma_start3A_1435 = tpu.memref_slice %arg28[%dma_start3A_1426] : memref<2x!tpu.dma_semaphore, #tpu.memory_space<semaphore_mem>> -> memref<1x!tpu.dma_semaphore, #tpu.memory_space<semaphore_mem>>
      %dma_start3A_1436 = tpu.memref_squeeze %dma_start3A_1435 : memref<1x!tpu.dma_semaphore, #tpu.memory_space<semaphore_mem>> -> memref<!tpu.dma_semaphore, #tpu.memory_space<semaphore_mem>>
      tpu.enqueue_indirect_dma source(%dma_start3A_1429 : memref<128xf32, #tpu.memory_space<vmem>>) target(%dma_start3A_1434 : memref<65536xf32, #tpu.memory_space<vmem_shared>>) offsets(%dma_start3A_1432 : memref<128xi32, #tpu.memory_space<vmem>>) semaphore(%dma_start3A_1436 : memref<!tpu.dma_semaphore, #tpu.memory_space<semaphore_mem>>) {add = true}
      %dma_start3A_1437 = arith.constant 14 : i32
      %dma_start3A_1438 = arith.constant 14 : i32
      %dma_start3A_1439 = arith.constant 0 : i32
      %dma_start3A_1440 = arith.constant 0 : i32
      %dma_start3A_1441 = tpu.memref_slice %arg22[%dma_start3A_1437, %dma_start3A_1440] : memref<16x128xf32, #tpu.memory_space<vmem>> -> memref<1x128xf32, #tpu.memory_space<vmem>>
      %dma_start3A_1442 = tpu.memref_squeeze %dma_start3A_1441 : memref<1x128xf32, #tpu.memory_space<vmem>> -> memref<128xf32, #tpu.memory_space<vmem>>
      %dma_start3A_1443 = arith.constant 0 : i32
      %dma_start3A_1444 = tpu.memref_slice %arg14[%dma_start3A_1438, %dma_start3A_1443] : memref<16x128xi32, #tpu.memory_space<vmem>> -> memref<1x128xi32, #tpu.memory_space<vmem>>
      %dma_start3A_1445 = tpu.memref_squeeze %dma_start3A_1444 : memref<1x128xi32, #tpu.memory_space<vmem>> -> memref<128xi32, #tpu.memory_space<vmem>>
      %dma_start3A_1446 = arith.constant 0 : i32
      %dma_start3A_1447 = tpu.memref_slice %arg25[%dma_start3A_1446] : memref<65536xf32, #tpu.memory_space<vmem_shared>> -> memref<65536xf32, #tpu.memory_space<vmem_shared>>
      %dma_start3A_1448 = tpu.memref_slice %arg28[%dma_start3A_1439] : memref<2x!tpu.dma_semaphore, #tpu.memory_space<semaphore_mem>> -> memref<1x!tpu.dma_semaphore, #tpu.memory_space<semaphore_mem>>
      %dma_start3A_1449 = tpu.memref_squeeze %dma_start3A_1448 : memref<1x!tpu.dma_semaphore, #tpu.memory_space<semaphore_mem>> -> memref<!tpu.dma_semaphore, #tpu.memory_space<semaphore_mem>>
      tpu.enqueue_indirect_dma source(%dma_start3A_1442 : memref<128xf32, #tpu.memory_space<vmem>>) target(%dma_start3A_1447 : memref<65536xf32, #tpu.memory_space<vmem_shared>>) offsets(%dma_start3A_1445 : memref<128xi32, #tpu.memory_space<vmem>>) semaphore(%dma_start3A_1449 : memref<!tpu.dma_semaphore, #tpu.memory_space<semaphore_mem>>) {add = true}
      %dma_start3A_1450 = arith.constant 15 : i32
      %dma_start3A_1451 = arith.constant 15 : i32
      %dma_start3A_1452 = arith.constant 0 : i32
      %dma_start3A_1453 = arith.constant 0 : i32
      %dma_start3A_1454 = tpu.memref_slice %arg20[%dma_start3A_1450, %dma_start3A_1453] : memref<16x128xf32, #tpu.memory_space<vmem>> -> memref<1x128xf32, #tpu.memory_space<vmem>>
      %dma_start3A_1455 = tpu.memref_squeeze %dma_start3A_1454 : memref<1x128xf32, #tpu.memory_space<vmem>> -> memref<128xf32, #tpu.memory_space<vmem>>
      %dma_start3A_1456 = arith.constant 0 : i32
      %dma_start3A_1457 = tpu.memref_slice %arg10[%dma_start3A_1451, %dma_start3A_1456] : memref<16x128xi32, #tpu.memory_space<vmem>> -> memref<1x128xi32, #tpu.memory_space<vmem>>
      %dma_start3A_1458 = tpu.memref_squeeze %dma_start3A_1457 : memref<1x128xi32, #tpu.memory_space<vmem>> -> memref<128xi32, #tpu.memory_space<vmem>>
      %dma_start3A_1459 = arith.constant 0 : i32
      %dma_start3A_1460 = tpu.memref_slice %arg25[%dma_start3A_1459] : memref<65536xf32, #tpu.memory_space<vmem_shared>> -> memref<65536xf32, #tpu.memory_space<vmem_shared>>
      %dma_start3A_1461 = tpu.memref_slice %arg28[%dma_start3A_1452] : memref<2x!tpu.dma_semaphore, #tpu.memory_space<semaphore_mem>> -> memref<1x!tpu.dma_semaphore, #tpu.memory_space<semaphore_mem>>
      %dma_start3A_1462 = tpu.memref_squeeze %dma_start3A_1461 : memref<1x!tpu.dma_semaphore, #tpu.memory_space<semaphore_mem>> -> memref<!tpu.dma_semaphore, #tpu.memory_space<semaphore_mem>>
      tpu.enqueue_indirect_dma source(%dma_start3A_1455 : memref<128xf32, #tpu.memory_space<vmem>>) target(%dma_start3A_1460 : memref<65536xf32, #tpu.memory_space<vmem_shared>>) offsets(%dma_start3A_1458 : memref<128xi32, #tpu.memory_space<vmem>>) semaphore(%dma_start3A_1462 : memref<!tpu.dma_semaphore, #tpu.memory_space<semaphore_mem>>) {add = true}
      %dma_start3A_1463 = arith.constant 15 : i32
      %dma_start3A_1464 = arith.constant 15 : i32
      %dma_start3A_1465 = arith.constant 0 : i32
      %dma_start3A_1466 = arith.constant 0 : i32
      %dma_start3A_1467 = tpu.memref_slice %arg22[%dma_start3A_1463, %dma_start3A_1466] : memref<16x128xf32, #tpu.memory_space<vmem>> -> memref<1x128xf32, #tpu.memory_space<vmem>>
      %dma_start3A_1468 = tpu.memref_squeeze %dma_start3A_1467 : memref<1x128xf32, #tpu.memory_space<vmem>> -> memref<128xf32, #tpu.memory_space<vmem>>
      %dma_start3A_1469 = arith.constant 0 : i32
      %dma_start3A_1470 = tpu.memref_slice %arg14[%dma_start3A_1464, %dma_start3A_1469] : memref<16x128xi32, #tpu.memory_space<vmem>> -> memref<1x128xi32, #tpu.memory_space<vmem>>
      %dma_start3A_1471 = tpu.memref_squeeze %dma_start3A_1470 : memref<1x128xi32, #tpu.memory_space<vmem>> -> memref<128xi32, #tpu.memory_space<vmem>>
      %dma_start3A_1472 = arith.constant 0 : i32
      %dma_start3A_1473 = tpu.memref_slice %arg25[%dma_start3A_1472] : memref<65536xf32, #tpu.memory_space<vmem_shared>> -> memref<65536xf32, #tpu.memory_space<vmem_shared>>
      %dma_start3A_1474 = tpu.memref_slice %arg28[%dma_start3A_1465] : memref<2x!tpu.dma_semaphore, #tpu.memory_space<semaphore_mem>> -> memref<1x!tpu.dma_semaphore, #tpu.memory_space<semaphore_mem>>
      %dma_start3A_1475 = tpu.memref_squeeze %dma_start3A_1474 : memref<1x!tpu.dma_semaphore, #tpu.memory_space<semaphore_mem>> -> memref<!tpu.dma_semaphore, #tpu.memory_space<semaphore_mem>>
      tpu.enqueue_indirect_dma source(%dma_start3A_1468 : memref<128xf32, #tpu.memory_space<vmem>>) target(%dma_start3A_1473 : memref<65536xf32, #tpu.memory_space<vmem_shared>>) offsets(%dma_start3A_1471 : memref<128xi32, #tpu.memory_space<vmem>>) semaphore(%dma_start3A_1475 : memref<!tpu.dma_semaphore, #tpu.memory_space<semaphore_mem>>) {add = true}
      %add3A_1476 = arith.constant 2 : i32
      %add3A_1477 = arith.addi %add3A_1024, %add3A_1476 : i32
      %lt3A_1478 = arith.constant 64 : i32
      %lt3A_1479 = arith.cmpi slt, %add3A_1477, %lt3A_1478 : i32
      %convert_element_type3A_1480 = arith.extui %lt3A_1479 : i1 to i32
      %cond3A_1481 = arith.constant 0 : i32
      %cond3A_1482 = arith.cmpi ne, %convert_element_type3A_1480, %cond3A_1481 : i32
      scf.if %cond3A_1482 {
        %add3A_1945 = arith.constant 2 : i32
        %add3A_1946 = arith.addi %add3A_1024, %add3A_1945 : i32
        %mul3A_1947 = arith.constant 16 : i32
        %mul3A_1948 = arith.muli %add3A_1946, %mul3A_1947 : i32
        %add3A_1949 = arith.addi %mul3A_2, %mul3A_1948 : i32
        %dma_start3A_1950 = arith.constant 0 : i32
        %dma_start3A_1951 = arith.constant 0 : i32
        %dma_start3A_1952 = tpu.memref_slice %arg4[%add3A_1949, %dma_start3A_1951] : memref<32768x128xi32, #tpu.memory_space<hbm>> -> memref<16x128xi32, #tpu.memory_space<hbm>>
        %dma_start3A_1953 = tpu.memref_slice %arg26[%dma_start3A_1950] : memref<4x!tpu.dma_semaphore, #tpu.memory_space<semaphore_mem>> -> memref<1x!tpu.dma_semaphore, #tpu.memory_space<semaphore_mem>>
        %dma_start3A_1954 = tpu.memref_squeeze %dma_start3A_1953 : memref<1x!tpu.dma_semaphore, #tpu.memory_space<semaphore_mem>> -> memref<!tpu.dma_semaphore, #tpu.memory_space<semaphore_mem>>
        %dma_start3A_1955 = arith.constant 0 : i32
        %dma_start3A_1956 = tpu.memref_slice %arg4[%add3A_1949, %dma_start3A_1955] : memref<32768x128xi32, #tpu.memory_space<hbm>> -> memref<16x128xi32, #tpu.memory_space<hbm>>
        tpu.enqueue_dma source(%dma_start3A_1956 : memref<16x128xi32, #tpu.memory_space<hbm>>) target(%arg8 : memref<16x128xi32, #tpu.memory_space<vmem>>) target_semaphore(%dma_start3A_1954 : memref<!tpu.dma_semaphore, #tpu.memory_space<semaphore_mem>>)
        %dma_start3A_1957 = arith.constant 0 : i32
        %dma_start3A_1958 = arith.constant 0 : i32
        %dma_start3A_1959 = tpu.memref_slice %arg5[%add3A_1949, %dma_start3A_1958] : memref<32768x128xi32, #tpu.memory_space<hbm>> -> memref<16x128xi32, #tpu.memory_space<hbm>>
        %dma_start3A_1960 = tpu.memref_slice %arg26[%dma_start3A_1957] : memref<4x!tpu.dma_semaphore, #tpu.memory_space<semaphore_mem>> -> memref<1x!tpu.dma_semaphore, #tpu.memory_space<semaphore_mem>>
        %dma_start3A_1961 = tpu.memref_squeeze %dma_start3A_1960 : memref<1x!tpu.dma_semaphore, #tpu.memory_space<semaphore_mem>> -> memref<!tpu.dma_semaphore, #tpu.memory_space<semaphore_mem>>
        %dma_start3A_1962 = arith.constant 0 : i32
        %dma_start3A_1963 = tpu.memref_slice %arg5[%add3A_1949, %dma_start3A_1962] : memref<32768x128xi32, #tpu.memory_space<hbm>> -> memref<16x128xi32, #tpu.memory_space<hbm>>
        tpu.enqueue_dma source(%dma_start3A_1963 : memref<16x128xi32, #tpu.memory_space<hbm>>) target(%arg12 : memref<16x128xi32, #tpu.memory_space<vmem>>) target_semaphore(%dma_start3A_1961 : memref<!tpu.dma_semaphore, #tpu.memory_space<semaphore_mem>>)
        %dma_start3A_1964 = arith.constant 0 : i32
        %dma_start3A_1965 = arith.constant 0 : i32
        %dma_start3A_1966 = tpu.memref_slice %arg2[%add3A_1949, %dma_start3A_1965] : memref<32768x128xf32, #tpu.memory_space<hbm>> -> memref<16x128xf32, #tpu.memory_space<hbm>>
        %dma_start3A_1967 = tpu.memref_slice %arg27[%dma_start3A_1964] : memref<4x!tpu.dma_semaphore, #tpu.memory_space<semaphore_mem>> -> memref<1x!tpu.dma_semaphore, #tpu.memory_space<semaphore_mem>>
        %dma_start3A_1968 = tpu.memref_squeeze %dma_start3A_1967 : memref<1x!tpu.dma_semaphore, #tpu.memory_space<semaphore_mem>> -> memref<!tpu.dma_semaphore, #tpu.memory_space<semaphore_mem>>
        %dma_start3A_1969 = arith.constant 0 : i32
        %dma_start3A_1970 = tpu.memref_slice %arg2[%add3A_1949, %dma_start3A_1969] : memref<32768x128xf32, #tpu.memory_space<hbm>> -> memref<16x128xf32, #tpu.memory_space<hbm>>
        tpu.enqueue_dma source(%dma_start3A_1970 : memref<16x128xf32, #tpu.memory_space<hbm>>) target(%arg16 : memref<16x128xf32, #tpu.memory_space<vmem>>) target_semaphore(%dma_start3A_1968 : memref<!tpu.dma_semaphore, #tpu.memory_space<semaphore_mem>>)
      } else {
      }
      %mul3A_1483 = arith.constant 4 : i32
      %mul3A_1484 = arith.muli %scan3A_101, %mul3A_1483 : i32
      %add3A_1485 = arith.constant 3 : i32
      %add3A_1486 = arith.addi %mul3A_1484, %add3A_1485 : i32
      %dma_wait3A_1487 = arith.constant 3 : i32
      %dma_wait3A_1488 = arith.constant 0 : i32
      %dma_wait3A_1489 = arith.constant 0 : i32
      %dma_wait3A_1490 = tpu.memref_slice %arg4[%dma_wait3A_1488, %dma_wait3A_1489] : memref<32768x128xi32, #tpu.memory_space<hbm>> -> memref<16x128xi32, #tpu.memory_space<hbm>>
      %dma_wait3A_1491 = tpu.memref_slice %arg26[%dma_wait3A_1487] : memref<4x!tpu.dma_semaphore, #tpu.memory_space<semaphore_mem>> -> memref<1x!tpu.dma_semaphore, #tpu.memory_space<semaphore_mem>>
      %dma_wait3A_1492 = tpu.memref_squeeze %dma_wait3A_1491 : memref<1x!tpu.dma_semaphore, #tpu.memory_space<semaphore_mem>> -> memref<!tpu.dma_semaphore, #tpu.memory_space<semaphore_mem>>
      %dma_wait3A_1493 = arith.constant 0 : i32
      %dma_wait3A_1494 = arith.constant 0 : i32
      %dma_wait3A_1495 = tpu.memref_slice %arg4[%dma_wait3A_1493, %dma_wait3A_1494] : memref<32768x128xi32, #tpu.memory_space<hbm>> -> memref<16x128xi32, #tpu.memory_space<hbm>>
      tpu.wait_dma2 semaphore(%dma_wait3A_1492 : memref<!tpu.dma_semaphore, #tpu.memory_space<semaphore_mem>>) src(%dma_wait3A_1495 : memref<16x128xi32, #tpu.memory_space<hbm>>) dst(%arg11 : memref<16x128xi32, #tpu.memory_space<vmem>>)
      %dma_wait3A_1496 = arith.constant 3 : i32
      %dma_wait3A_1497 = arith.constant 0 : i32
      %dma_wait3A_1498 = arith.constant 0 : i32
      %dma_wait3A_1499 = tpu.memref_slice %arg5[%dma_wait3A_1497, %dma_wait3A_1498] : memref<32768x128xi32, #tpu.memory_space<hbm>> -> memref<16x128xi32, #tpu.memory_space<hbm>>
      %dma_wait3A_1500 = tpu.memref_slice %arg26[%dma_wait3A_1496] : memref<4x!tpu.dma_semaphore, #tpu.memory_space<semaphore_mem>> -> memref<1x!tpu.dma_semaphore, #tpu.memory_space<semaphore_mem>>
      %dma_wait3A_1501 = tpu.memref_squeeze %dma_wait3A_1500 : memref<1x!tpu.dma_semaphore, #tpu.memory_space<semaphore_mem>> -> memref<!tpu.dma_semaphore, #tpu.memory_space<semaphore_mem>>
      %dma_wait3A_1502 = arith.constant 0 : i32
      %dma_wait3A_1503 = arith.constant 0 : i32
      %dma_wait3A_1504 = tpu.memref_slice %arg5[%dma_wait3A_1502, %dma_wait3A_1503] : memref<32768x128xi32, #tpu.memory_space<hbm>> -> memref<16x128xi32, #tpu.memory_space<hbm>>
      tpu.wait_dma2 semaphore(%dma_wait3A_1501 : memref<!tpu.dma_semaphore, #tpu.memory_space<semaphore_mem>>) src(%dma_wait3A_1504 : memref<16x128xi32, #tpu.memory_space<hbm>>) dst(%arg15 : memref<16x128xi32, #tpu.memory_space<vmem>>)
      %dma_wait3A_1505 = arith.constant 3 : i32
      %dma_wait3A_1506 = arith.constant 0 : i32
      %dma_wait3A_1507 = arith.constant 0 : i32
      %dma_wait3A_1508 = tpu.memref_slice %arg2[%dma_wait3A_1506, %dma_wait3A_1507] : memref<32768x128xf32, #tpu.memory_space<hbm>> -> memref<16x128xf32, #tpu.memory_space<hbm>>
      %dma_wait3A_1509 = tpu.memref_slice %arg27[%dma_wait3A_1505] : memref<4x!tpu.dma_semaphore, #tpu.memory_space<semaphore_mem>> -> memref<1x!tpu.dma_semaphore, #tpu.memory_space<semaphore_mem>>
      %dma_wait3A_1510 = tpu.memref_squeeze %dma_wait3A_1509 : memref<1x!tpu.dma_semaphore, #tpu.memory_space<semaphore_mem>> -> memref<!tpu.dma_semaphore, #tpu.memory_space<semaphore_mem>>
      %dma_wait3A_1511 = arith.constant 0 : i32
      %dma_wait3A_1512 = arith.constant 0 : i32
      %dma_wait3A_1513 = tpu.memref_slice %arg2[%dma_wait3A_1511, %dma_wait3A_1512] : memref<32768x128xf32, #tpu.memory_space<hbm>> -> memref<16x128xf32, #tpu.memory_space<hbm>>
      tpu.wait_dma2 semaphore(%dma_wait3A_1510 : memref<!tpu.dma_semaphore, #tpu.memory_space<semaphore_mem>>) src(%dma_wait3A_1513 : memref<16x128xf32, #tpu.memory_space<hbm>>) dst(%arg19 : memref<16x128xf32, #tpu.memory_space<vmem>>)
      %ge3A_1514 = arith.constant 2 : i32
      %ge3A_1515 = arith.cmpi sge, %add3A_1486, %ge3A_1514 : i32
      %convert_element_type3A_1516 = arith.extui %ge3A_1515 : i1 to i32
      %cond3A_1517 = arith.constant 0 : i32
      %cond3A_1518 = arith.cmpi ne, %convert_element_type3A_1516, %cond3A_1517 : i32
      scf.if %cond3A_1518 {
        %dma_wait3A_1945 = arith.constant 1 : i32
        %dma_wait3A_1946 = arith.constant 0 : i32
        %dma_wait3A_1947 = arith.constant 0 : i32
        %dma_wait3A_1948 = tpu.memref_slice %arg2[%dma_wait3A_1946, %dma_wait3A_1947] : memref<32768x128xf32, #tpu.memory_space<hbm>> -> memref<16x128xf32, #tpu.memory_space<hbm>>
        %dma_wait3A_1949 = tpu.memref_slice %arg28[%dma_wait3A_1945] : memref<2x!tpu.dma_semaphore, #tpu.memory_space<semaphore_mem>> -> memref<1x!tpu.dma_semaphore, #tpu.memory_space<semaphore_mem>>
        %dma_wait3A_1950 = tpu.memref_squeeze %dma_wait3A_1949 : memref<1x!tpu.dma_semaphore, #tpu.memory_space<semaphore_mem>> -> memref<!tpu.dma_semaphore, #tpu.memory_space<semaphore_mem>>
        %dma_wait3A_1951 = arith.constant 0 : i32
        %dma_wait3A_1952 = arith.constant 0 : i32
        %dma_wait3A_1953 = tpu.memref_slice %arg2[%dma_wait3A_1951, %dma_wait3A_1952] : memref<32768x128xf32, #tpu.memory_space<hbm>> -> memref<16x128xf32, #tpu.memory_space<hbm>>
        tpu.wait_dma2 semaphore(%dma_wait3A_1950 : memref<!tpu.dma_semaphore, #tpu.memory_space<semaphore_mem>>) src(%dma_wait3A_1953 : memref<16x128xf32, #tpu.memory_space<hbm>>) dst(%arg21 : memref<16x128xf32, #tpu.memory_space<vmem>>)
        %dma_wait3A_1954 = arith.constant 1 : i32
        %dma_wait3A_1955 = arith.constant 0 : i32
        %dma_wait3A_1956 = arith.constant 0 : i32
        %dma_wait3A_1957 = tpu.memref_slice %arg2[%dma_wait3A_1955, %dma_wait3A_1956] : memref<32768x128xf32, #tpu.memory_space<hbm>> -> memref<16x128xf32, #tpu.memory_space<hbm>>
        %dma_wait3A_1958 = tpu.memref_slice %arg28[%dma_wait3A_1954] : memref<2x!tpu.dma_semaphore, #tpu.memory_space<semaphore_mem>> -> memref<1x!tpu.dma_semaphore, #tpu.memory_space<semaphore_mem>>
        %dma_wait3A_1959 = tpu.memref_squeeze %dma_wait3A_1958 : memref<1x!tpu.dma_semaphore, #tpu.memory_space<semaphore_mem>> -> memref<!tpu.dma_semaphore, #tpu.memory_space<semaphore_mem>>
        %dma_wait3A_1960 = arith.constant 0 : i32
        %dma_wait3A_1961 = arith.constant 0 : i32
        %dma_wait3A_1962 = tpu.memref_slice %arg2[%dma_wait3A_1960, %dma_wait3A_1961] : memref<32768x128xf32, #tpu.memory_space<hbm>> -> memref<16x128xf32, #tpu.memory_space<hbm>>
        tpu.wait_dma2 semaphore(%dma_wait3A_1959 : memref<!tpu.dma_semaphore, #tpu.memory_space<semaphore_mem>>) src(%dma_wait3A_1962 : memref<16x128xf32, #tpu.memory_space<hbm>>) dst(%arg23 : memref<16x128xf32, #tpu.memory_space<vmem>>)
      } else {
      }
      %parallel_loop3A_1519 = arith.constant 0 : i32
      %parallel_loop3A_1520 = arith.constant 16 : i32
      %parallel_loop3A_1521 = arith.constant 1 : i32
      scf.for %parallel_loop3A_1945 = %parallel_loop3A_1519 to %parallel_loop3A_1520 step %parallel_loop3A_1521  : i32 {
        %parallel_loop3A_1946 = arith.index_cast %parallel_loop3A_1945 : i32 to index
        %parallel_loop3A_1947 = arith.constant 0 : index
        %parallel_loop3A_1948 = tpu.vector_load %arg11[%parallel_loop3A_1946, %parallel_loop3A_1947] {strides = array<i32>} : memref<16x128xi32, #tpu.memory_space<vmem>>, vector<16xi32>,
        %parallel_loop3A_1949 = arith.index_cast %parallel_loop3A_1945 : i32 to index
        %parallel_loop3A_1950 = arith.constant 0 : index
        %parallel_loop3A_1951 = tpu.vector_load %arg15[%parallel_loop3A_1949, %parallel_loop3A_1950] {strides = array<i32>} : memref<16x128xi32, #tpu.memory_space<vmem>>, vector<16xi32>,
        %parallel_loop3A_1952 = arith.index_cast %parallel_loop3A_1945 : i32 to index
        %parallel_loop3A_1953 = arith.constant 0 : index
        %parallel_loop3A_1954 = tpu.vector_load %arg19[%parallel_loop3A_1952, %parallel_loop3A_1953] {strides = array<i32>} : memref<16x128xf32, #tpu.memory_space<vmem>>, vector<16xf32>,
        %parallel_loop3A_1955 = tpu.vector_load_idx %arg7[%parallel_loop3A_1951] : memref<65536xf32, #tpu.memory_space<vmem>>[vector<16xi32>], vector<16xf32>,
        %parallel_loop3A_1956 = tpu.vector_load_idx %arg7[%parallel_loop3A_1948] : memref<65536xf32, #tpu.memory_space<vmem>>[vector<16xi32>], vector<16xf32>,
        %parallel_loop3A_1957 = arith.mulf %parallel_loop3A_1954, %parallel_loop3A_1955 : vector<16xf32>
        %parallel_loop3A_1958 = arith.index_cast %parallel_loop3A_1945 : i32 to index
        %parallel_loop3A_1959 = arith.constant 0 : index
        %parallel_loop3A_1960 = tpu.vector_load %arg21[%parallel_loop3A_1958, %parallel_loop3A_1959] {strides = array<i32>} : memref<16x128xf32, #tpu.memory_space<vmem>>, vector<16xf32>,
        tpu.vector_store %arg21[%parallel_loop3A_1958, %parallel_loop3A_1959], %parallel_loop3A_1957 {strides = array<i32>} : memref<16x128xf32, #tpu.memory_space<vmem>>, vector<16xf32>,
        %parallel_loop3A_1961 = arith.cmpi ne, %parallel_loop3A_1948, %parallel_loop3A_1951 : vector<16xi32>
        %parallel_loop3A_1962 = arith.mulf %parallel_loop3A_1954, %parallel_loop3A_1956 : vector<16xf32>
        %parallel_loop3A_1963 = arith.constant 0.000000e+00 : f32
        %parallel_loop3A_1964 = vector.broadcast %parallel_loop3A_1963 : f32 to vector<16xf32>
        %parallel_loop3A_1965 = arith.select %parallel_loop3A_1961, %parallel_loop3A_1962, %parallel_loop3A_1964 : vector<16xi1>, vector<16xf32>
        %parallel_loop3A_1966 = arith.index_cast %parallel_loop3A_1945 : i32 to index
        %parallel_loop3A_1967 = arith.constant 0 : index
        %parallel_loop3A_1968 = tpu.vector_load %arg23[%parallel_loop3A_1966, %parallel_loop3A_1967] {strides = array<i32>} : memref<16x128xf32, #tpu.memory_space<vmem>>, vector<16xf32>,
        tpu.vector_store %arg23[%parallel_loop3A_1966, %parallel_loop3A_1967], %parallel_loop3A_1965 {strides = array<i32>} : memref<16x128xf32, #tpu.memory_space<vmem>>, vector<16xf32>,
        %parallel_loop3A_1969 = arith.index_cast %parallel_loop3A_1945 : i32 to index
        %parallel_loop3A_1970 = arith.constant 16 : index
        %parallel_loop3A_1971 = tpu.vector_load %arg11[%parallel_loop3A_1969, %parallel_loop3A_1970] {strides = array<i32>} : memref<16x128xi32, #tpu.memory_space<vmem>>, vector<16xi32>,
        %parallel_loop3A_1972 = arith.index_cast %parallel_loop3A_1945 : i32 to index
        %parallel_loop3A_1973 = arith.constant 16 : index
        %parallel_loop3A_1974 = tpu.vector_load %arg15[%parallel_loop3A_1972, %parallel_loop3A_1973] {strides = array<i32>} : memref<16x128xi32, #tpu.memory_space<vmem>>, vector<16xi32>,
        %parallel_loop3A_1975 = arith.index_cast %parallel_loop3A_1945 : i32 to index
        %parallel_loop3A_1976 = arith.constant 16 : index
        %parallel_loop3A_1977 = tpu.vector_load %arg19[%parallel_loop3A_1975, %parallel_loop3A_1976] {strides = array<i32>} : memref<16x128xf32, #tpu.memory_space<vmem>>, vector<16xf32>,
        %parallel_loop3A_1978 = tpu.vector_load_idx %arg7[%parallel_loop3A_1974] : memref<65536xf32, #tpu.memory_space<vmem>>[vector<16xi32>], vector<16xf32>,
        %parallel_loop3A_1979 = tpu.vector_load_idx %arg7[%parallel_loop3A_1971] : memref<65536xf32, #tpu.memory_space<vmem>>[vector<16xi32>], vector<16xf32>,
        %parallel_loop3A_1980 = arith.mulf %parallel_loop3A_1977, %parallel_loop3A_1978 : vector<16xf32>
        %parallel_loop3A_1981 = arith.index_cast %parallel_loop3A_1945 : i32 to index
        %parallel_loop3A_1982 = arith.constant 16 : index
        %parallel_loop3A_1983 = tpu.vector_load %arg21[%parallel_loop3A_1981, %parallel_loop3A_1982] {strides = array<i32>} : memref<16x128xf32, #tpu.memory_space<vmem>>, vector<16xf32>,
        tpu.vector_store %arg21[%parallel_loop3A_1981, %parallel_loop3A_1982], %parallel_loop3A_1980 {strides = array<i32>} : memref<16x128xf32, #tpu.memory_space<vmem>>, vector<16xf32>,
        %parallel_loop3A_1984 = arith.cmpi ne, %parallel_loop3A_1971, %parallel_loop3A_1974 : vector<16xi32>
        %parallel_loop3A_1985 = arith.mulf %parallel_loop3A_1977, %parallel_loop3A_1979 : vector<16xf32>
        %parallel_loop3A_1986 = arith.constant 0.000000e+00 : f32
        %parallel_loop3A_1987 = vector.broadcast %parallel_loop3A_1986 : f32 to vector<16xf32>
        %parallel_loop3A_1988 = arith.select %parallel_loop3A_1984, %parallel_loop3A_1985, %parallel_loop3A_1987 : vector<16xi1>, vector<16xf32>
        %parallel_loop3A_1989 = arith.index_cast %parallel_loop3A_1945 : i32 to index
        %parallel_loop3A_1990 = arith.constant 16 : index
        %parallel_loop3A_1991 = tpu.vector_load %arg23[%parallel_loop3A_1989, %parallel_loop3A_1990] {strides = array<i32>} : memref<16x128xf32, #tpu.memory_space<vmem>>, vector<16xf32>,
        tpu.vector_store %arg23[%parallel_loop3A_1989, %parallel_loop3A_1990], %parallel_loop3A_1988 {strides = array<i32>} : memref<16x128xf32, #tpu.memory_space<vmem>>, vector<16xf32>,
        %parallel_loop3A_1992 = arith.index_cast %parallel_loop3A_1945 : i32 to index
        %parallel_loop3A_1993 = arith.constant 32 : index
        %parallel_loop3A_1994 = tpu.vector_load %arg11[%parallel_loop3A_1992, %parallel_loop3A_1993] {strides = array<i32>} : memref<16x128xi32, #tpu.memory_space<vmem>>, vector<16xi32>,
        %parallel_loop3A_1995 = arith.index_cast %parallel_loop3A_1945 : i32 to index
        %parallel_loop3A_1996 = arith.constant 32 : index
        %parallel_loop3A_1997 = tpu.vector_load %arg15[%parallel_loop3A_1995, %parallel_loop3A_1996] {strides = array<i32>} : memref<16x128xi32, #tpu.memory_space<vmem>>, vector<16xi32>,
        %parallel_loop3A_1998 = arith.index_cast %parallel_loop3A_1945 : i32 to index
        %parallel_loop3A_1999 = arith.constant 32 : index
        %parallel_loop3A_2000 = tpu.vector_load %arg19[%parallel_loop3A_1998, %parallel_loop3A_1999] {strides = array<i32>} : memref<16x128xf32, #tpu.memory_space<vmem>>, vector<16xf32>,
        %parallel_loop3A_2001 = tpu.vector_load_idx %arg7[%parallel_loop3A_1997] : memref<65536xf32, #tpu.memory_space<vmem>>[vector<16xi32>], vector<16xf32>,
        %parallel_loop3A_2002 = tpu.vector_load_idx %arg7[%parallel_loop3A_1994] : memref<65536xf32, #tpu.memory_space<vmem>>[vector<16xi32>], vector<16xf32>,
        %parallel_loop3A_2003 = arith.mulf %parallel_loop3A_2000, %parallel_loop3A_2001 : vector<16xf32>
        %parallel_loop3A_2004 = arith.index_cast %parallel_loop3A_1945 : i32 to index
        %parallel_loop3A_2005 = arith.constant 32 : index
        %parallel_loop3A_2006 = tpu.vector_load %arg21[%parallel_loop3A_2004, %parallel_loop3A_2005] {strides = array<i32>} : memref<16x128xf32, #tpu.memory_space<vmem>>, vector<16xf32>,
        tpu.vector_store %arg21[%parallel_loop3A_2004, %parallel_loop3A_2005], %parallel_loop3A_2003 {strides = array<i32>} : memref<16x128xf32, #tpu.memory_space<vmem>>, vector<16xf32>,
        %parallel_loop3A_2007 = arith.cmpi ne, %parallel_loop3A_1994, %parallel_loop3A_1997 : vector<16xi32>
        %parallel_loop3A_2008 = arith.mulf %parallel_loop3A_2000, %parallel_loop3A_2002 : vector<16xf32>
        %parallel_loop3A_2009 = arith.constant 0.000000e+00 : f32
        %parallel_loop3A_2010 = vector.broadcast %parallel_loop3A_2009 : f32 to vector<16xf32>
        %parallel_loop3A_2011 = arith.select %parallel_loop3A_2007, %parallel_loop3A_2008, %parallel_loop3A_2010 : vector<16xi1>, vector<16xf32>
        %parallel_loop3A_2012 = arith.index_cast %parallel_loop3A_1945 : i32 to index
        %parallel_loop3A_2013 = arith.constant 32 : index
        %parallel_loop3A_2014 = tpu.vector_load %arg23[%parallel_loop3A_2012, %parallel_loop3A_2013] {strides = array<i32>} : memref<16x128xf32, #tpu.memory_space<vmem>>, vector<16xf32>,
        tpu.vector_store %arg23[%parallel_loop3A_2012, %parallel_loop3A_2013], %parallel_loop3A_2011 {strides = array<i32>} : memref<16x128xf32, #tpu.memory_space<vmem>>, vector<16xf32>,
        %parallel_loop3A_2015 = arith.index_cast %parallel_loop3A_1945 : i32 to index
        %parallel_loop3A_2016 = arith.constant 48 : index
        %parallel_loop3A_2017 = tpu.vector_load %arg11[%parallel_loop3A_2015, %parallel_loop3A_2016] {strides = array<i32>} : memref<16x128xi32, #tpu.memory_space<vmem>>, vector<16xi32>,
        %parallel_loop3A_2018 = arith.index_cast %parallel_loop3A_1945 : i32 to index
        %parallel_loop3A_2019 = arith.constant 48 : index
        %parallel_loop3A_2020 = tpu.vector_load %arg15[%parallel_loop3A_2018, %parallel_loop3A_2019] {strides = array<i32>} : memref<16x128xi32, #tpu.memory_space<vmem>>, vector<16xi32>,
        %parallel_loop3A_2021 = arith.index_cast %parallel_loop3A_1945 : i32 to index
        %parallel_loop3A_2022 = arith.constant 48 : index
        %parallel_loop3A_2023 = tpu.vector_load %arg19[%parallel_loop3A_2021, %parallel_loop3A_2022] {strides = array<i32>} : memref<16x128xf32, #tpu.memory_space<vmem>>, vector<16xf32>,
        %parallel_loop3A_2024 = tpu.vector_load_idx %arg7[%parallel_loop3A_2020] : memref<65536xf32, #tpu.memory_space<vmem>>[vector<16xi32>], vector<16xf32>,
        %parallel_loop3A_2025 = tpu.vector_load_idx %arg7[%parallel_loop3A_2017] : memref<65536xf32, #tpu.memory_space<vmem>>[vector<16xi32>], vector<16xf32>,
        %parallel_loop3A_2026 = arith.mulf %parallel_loop3A_2023, %parallel_loop3A_2024 : vector<16xf32>
        %parallel_loop3A_2027 = arith.index_cast %parallel_loop3A_1945 : i32 to index
        %parallel_loop3A_2028 = arith.constant 48 : index
        %parallel_loop3A_2029 = tpu.vector_load %arg21[%parallel_loop3A_2027, %parallel_loop3A_2028] {strides = array<i32>} : memref<16x128xf32, #tpu.memory_space<vmem>>, vector<16xf32>,
        tpu.vector_store %arg21[%parallel_loop3A_2027, %parallel_loop3A_2028], %parallel_loop3A_2026 {strides = array<i32>} : memref<16x128xf32, #tpu.memory_space<vmem>>, vector<16xf32>,
        %parallel_loop3A_2030 = arith.cmpi ne, %parallel_loop3A_2017, %parallel_loop3A_2020 : vector<16xi32>
        %parallel_loop3A_2031 = arith.mulf %parallel_loop3A_2023, %parallel_loop3A_2025 : vector<16xf32>
        %parallel_loop3A_2032 = arith.constant 0.000000e+00 : f32
        %parallel_loop3A_2033 = vector.broadcast %parallel_loop3A_2032 : f32 to vector<16xf32>
        %parallel_loop3A_2034 = arith.select %parallel_loop3A_2030, %parallel_loop3A_2031, %parallel_loop3A_2033 : vector<16xi1>, vector<16xf32>
        %parallel_loop3A_2035 = arith.index_cast %parallel_loop3A_1945 : i32 to index
        %parallel_loop3A_2036 = arith.constant 48 : index
        %parallel_loop3A_2037 = tpu.vector_load %arg23[%parallel_loop3A_2035, %parallel_loop3A_2036] {strides = array<i32>} : memref<16x128xf32, #tpu.memory_space<vmem>>, vector<16xf32>,
        tpu.vector_store %arg23[%parallel_loop3A_2035, %parallel_loop3A_2036], %parallel_loop3A_2034 {strides = array<i32>} : memref<16x128xf32, #tpu.memory_space<vmem>>, vector<16xf32>,
        %parallel_loop3A_2038 = arith.index_cast %parallel_loop3A_1945 : i32 to index
        %parallel_loop3A_2039 = arith.constant 64 : index
        %parallel_loop3A_2040 = tpu.vector_load %arg11[%parallel_loop3A_2038, %parallel_loop3A_2039] {strides = array<i32>} : memref<16x128xi32, #tpu.memory_space<vmem>>, vector<16xi32>,
        %parallel_loop3A_2041 = arith.index_cast %parallel_loop3A_1945 : i32 to index
        %parallel_loop3A_2042 = arith.constant 64 : index
        %parallel_loop3A_2043 = tpu.vector_load %arg15[%parallel_loop3A_2041, %parallel_loop3A_2042] {strides = array<i32>} : memref<16x128xi32, #tpu.memory_space<vmem>>, vector<16xi32>,
        %parallel_loop3A_2044 = arith.index_cast %parallel_loop3A_1945 : i32 to index
        %parallel_loop3A_2045 = arith.constant 64 : index
        %parallel_loop3A_2046 = tpu.vector_load %arg19[%parallel_loop3A_2044, %parallel_loop3A_2045] {strides = array<i32>} : memref<16x128xf32, #tpu.memory_space<vmem>>, vector<16xf32>,
        %parallel_loop3A_2047 = tpu.vector_load_idx %arg7[%parallel_loop3A_2043] : memref<65536xf32, #tpu.memory_space<vmem>>[vector<16xi32>], vector<16xf32>,
        %parallel_loop3A_2048 = tpu.vector_load_idx %arg7[%parallel_loop3A_2040] : memref<65536xf32, #tpu.memory_space<vmem>>[vector<16xi32>], vector<16xf32>,
        %parallel_loop3A_2049 = arith.mulf %parallel_loop3A_2046, %parallel_loop3A_2047 : vector<16xf32>
        %parallel_loop3A_2050 = arith.index_cast %parallel_loop3A_1945 : i32 to index
        %parallel_loop3A_2051 = arith.constant 64 : index
        %parallel_loop3A_2052 = tpu.vector_load %arg21[%parallel_loop3A_2050, %parallel_loop3A_2051] {strides = array<i32>} : memref<16x128xf32, #tpu.memory_space<vmem>>, vector<16xf32>,
        tpu.vector_store %arg21[%parallel_loop3A_2050, %parallel_loop3A_2051], %parallel_loop3A_2049 {strides = array<i32>} : memref<16x128xf32, #tpu.memory_space<vmem>>, vector<16xf32>,
        %parallel_loop3A_2053 = arith.cmpi ne, %parallel_loop3A_2040, %parallel_loop3A_2043 : vector<16xi32>
        %parallel_loop3A_2054 = arith.mulf %parallel_loop3A_2046, %parallel_loop3A_2048 : vector<16xf32>
        %parallel_loop3A_2055 = arith.constant 0.000000e+00 : f32
        %parallel_loop3A_2056 = vector.broadcast %parallel_loop3A_2055 : f32 to vector<16xf32>
        %parallel_loop3A_2057 = arith.select %parallel_loop3A_2053, %parallel_loop3A_2054, %parallel_loop3A_2056 : vector<16xi1>, vector<16xf32>
        %parallel_loop3A_2058 = arith.index_cast %parallel_loop3A_1945 : i32 to index
        %parallel_loop3A_2059 = arith.constant 64 : index
        %parallel_loop3A_2060 = tpu.vector_load %arg23[%parallel_loop3A_2058, %parallel_loop3A_2059] {strides = array<i32>} : memref<16x128xf32, #tpu.memory_space<vmem>>, vector<16xf32>,
        tpu.vector_store %arg23[%parallel_loop3A_2058, %parallel_loop3A_2059], %parallel_loop3A_2057 {strides = array<i32>} : memref<16x128xf32, #tpu.memory_space<vmem>>, vector<16xf32>,
        %parallel_loop3A_2061 = arith.index_cast %parallel_loop3A_1945 : i32 to index
        %parallel_loop3A_2062 = arith.constant 80 : index
        %parallel_loop3A_2063 = tpu.vector_load %arg11[%parallel_loop3A_2061, %parallel_loop3A_2062] {strides = array<i32>} : memref<16x128xi32, #tpu.memory_space<vmem>>, vector<16xi32>,
        %parallel_loop3A_2064 = arith.index_cast %parallel_loop3A_1945 : i32 to index
        %parallel_loop3A_2065 = arith.constant 80 : index
        %parallel_loop3A_2066 = tpu.vector_load %arg15[%parallel_loop3A_2064, %parallel_loop3A_2065] {strides = array<i32>} : memref<16x128xi32, #tpu.memory_space<vmem>>, vector<16xi32>,
        %parallel_loop3A_2067 = arith.index_cast %parallel_loop3A_1945 : i32 to index
        %parallel_loop3A_2068 = arith.constant 80 : index
        %parallel_loop3A_2069 = tpu.vector_load %arg19[%parallel_loop3A_2067, %parallel_loop3A_2068] {strides = array<i32>} : memref<16x128xf32, #tpu.memory_space<vmem>>, vector<16xf32>,
        %parallel_loop3A_2070 = tpu.vector_load_idx %arg7[%parallel_loop3A_2066] : memref<65536xf32, #tpu.memory_space<vmem>>[vector<16xi32>], vector<16xf32>,
        %parallel_loop3A_2071 = tpu.vector_load_idx %arg7[%parallel_loop3A_2063] : memref<65536xf32, #tpu.memory_space<vmem>>[vector<16xi32>], vector<16xf32>,
        %parallel_loop3A_2072 = arith.mulf %parallel_loop3A_2069, %parallel_loop3A_2070 : vector<16xf32>
        %parallel_loop3A_2073 = arith.index_cast %parallel_loop3A_1945 : i32 to index
        %parallel_loop3A_2074 = arith.constant 80 : index
        %parallel_loop3A_2075 = tpu.vector_load %arg21[%parallel_loop3A_2073, %parallel_loop3A_2074] {strides = array<i32>} : memref<16x128xf32, #tpu.memory_space<vmem>>, vector<16xf32>,
        tpu.vector_store %arg21[%parallel_loop3A_2073, %parallel_loop3A_2074], %parallel_loop3A_2072 {strides = array<i32>} : memref<16x128xf32, #tpu.memory_space<vmem>>, vector<16xf32>,
        %parallel_loop3A_2076 = arith.cmpi ne, %parallel_loop3A_2063, %parallel_loop3A_2066 : vector<16xi32>
        %parallel_loop3A_2077 = arith.mulf %parallel_loop3A_2069, %parallel_loop3A_2071 : vector<16xf32>
        %parallel_loop3A_2078 = arith.constant 0.000000e+00 : f32
        %parallel_loop3A_2079 = vector.broadcast %parallel_loop3A_2078 : f32 to vector<16xf32>
        %parallel_loop3A_2080 = arith.select %parallel_loop3A_2076, %parallel_loop3A_2077, %parallel_loop3A_2079 : vector<16xi1>, vector<16xf32>
        %parallel_loop3A_2081 = arith.index_cast %parallel_loop3A_1945 : i32 to index
        %parallel_loop3A_2082 = arith.constant 80 : index
        %parallel_loop3A_2083 = tpu.vector_load %arg23[%parallel_loop3A_2081, %parallel_loop3A_2082] {strides = array<i32>} : memref<16x128xf32, #tpu.memory_space<vmem>>, vector<16xf32>,
        tpu.vector_store %arg23[%parallel_loop3A_2081, %parallel_loop3A_2082], %parallel_loop3A_2080 {strides = array<i32>} : memref<16x128xf32, #tpu.memory_space<vmem>>, vector<16xf32>,
        %parallel_loop3A_2084 = arith.index_cast %parallel_loop3A_1945 : i32 to index
        %parallel_loop3A_2085 = arith.constant 96 : index
        %parallel_loop3A_2086 = tpu.vector_load %arg11[%parallel_loop3A_2084, %parallel_loop3A_2085] {strides = array<i32>} : memref<16x128xi32, #tpu.memory_space<vmem>>, vector<16xi32>,
        %parallel_loop3A_2087 = arith.index_cast %parallel_loop3A_1945 : i32 to index
        %parallel_loop3A_2088 = arith.constant 96 : index
        %parallel_loop3A_2089 = tpu.vector_load %arg15[%parallel_loop3A_2087, %parallel_loop3A_2088] {strides = array<i32>} : memref<16x128xi32, #tpu.memory_space<vmem>>, vector<16xi32>,
        %parallel_loop3A_2090 = arith.index_cast %parallel_loop3A_1945 : i32 to index
        %parallel_loop3A_2091 = arith.constant 96 : index
        %parallel_loop3A_2092 = tpu.vector_load %arg19[%parallel_loop3A_2090, %parallel_loop3A_2091] {strides = array<i32>} : memref<16x128xf32, #tpu.memory_space<vmem>>, vector<16xf32>,
        %parallel_loop3A_2093 = tpu.vector_load_idx %arg7[%parallel_loop3A_2089] : memref<65536xf32, #tpu.memory_space<vmem>>[vector<16xi32>], vector<16xf32>,
        %parallel_loop3A_2094 = tpu.vector_load_idx %arg7[%parallel_loop3A_2086] : memref<65536xf32, #tpu.memory_space<vmem>>[vector<16xi32>], vector<16xf32>,
        %parallel_loop3A_2095 = arith.mulf %parallel_loop3A_2092, %parallel_loop3A_2093 : vector<16xf32>
        %parallel_loop3A_2096 = arith.index_cast %parallel_loop3A_1945 : i32 to index
        %parallel_loop3A_2097 = arith.constant 96 : index
        %parallel_loop3A_2098 = tpu.vector_load %arg21[%parallel_loop3A_2096, %parallel_loop3A_2097] {strides = array<i32>} : memref<16x128xf32, #tpu.memory_space<vmem>>, vector<16xf32>,
        tpu.vector_store %arg21[%parallel_loop3A_2096, %parallel_loop3A_2097], %parallel_loop3A_2095 {strides = array<i32>} : memref<16x128xf32, #tpu.memory_space<vmem>>, vector<16xf32>,
        %parallel_loop3A_2099 = arith.cmpi ne, %parallel_loop3A_2086, %parallel_loop3A_2089 : vector<16xi32>
        %parallel_loop3A_2100 = arith.mulf %parallel_loop3A_2092, %parallel_loop3A_2094 : vector<16xf32>
        %parallel_loop3A_2101 = arith.constant 0.000000e+00 : f32
        %parallel_loop3A_2102 = vector.broadcast %parallel_loop3A_2101 : f32 to vector<16xf32>
        %parallel_loop3A_2103 = arith.select %parallel_loop3A_2099, %parallel_loop3A_2100, %parallel_loop3A_2102 : vector<16xi1>, vector<16xf32>
        %parallel_loop3A_2104 = arith.index_cast %parallel_loop3A_1945 : i32 to index
        %parallel_loop3A_2105 = arith.constant 96 : index
        %parallel_loop3A_2106 = tpu.vector_load %arg23[%parallel_loop3A_2104, %parallel_loop3A_2105] {strides = array<i32>} : memref<16x128xf32, #tpu.memory_space<vmem>>, vector<16xf32>,
        tpu.vector_store %arg23[%parallel_loop3A_2104, %parallel_loop3A_2105], %parallel_loop3A_2103 {strides = array<i32>} : memref<16x128xf32, #tpu.memory_space<vmem>>, vector<16xf32>,
        %parallel_loop3A_2107 = arith.index_cast %parallel_loop3A_1945 : i32 to index
        %parallel_loop3A_2108 = arith.constant 112 : index
        %parallel_loop3A_2109 = tpu.vector_load %arg11[%parallel_loop3A_2107, %parallel_loop3A_2108] {strides = array<i32>} : memref<16x128xi32, #tpu.memory_space<vmem>>, vector<16xi32>,
        %parallel_loop3A_2110 = arith.index_cast %parallel_loop3A_1945 : i32 to index
        %parallel_loop3A_2111 = arith.constant 112 : index
        %parallel_loop3A_2112 = tpu.vector_load %arg15[%parallel_loop3A_2110, %parallel_loop3A_2111] {strides = array<i32>} : memref<16x128xi32, #tpu.memory_space<vmem>>, vector<16xi32>,
        %parallel_loop3A_2113 = arith.index_cast %parallel_loop3A_1945 : i32 to index
        %parallel_loop3A_2114 = arith.constant 112 : index
        %parallel_loop3A_2115 = tpu.vector_load %arg19[%parallel_loop3A_2113, %parallel_loop3A_2114] {strides = array<i32>} : memref<16x128xf32, #tpu.memory_space<vmem>>, vector<16xf32>,
        %parallel_loop3A_2116 = tpu.vector_load_idx %arg7[%parallel_loop3A_2112] : memref<65536xf32, #tpu.memory_space<vmem>>[vector<16xi32>], vector<16xf32>,
        %parallel_loop3A_2117 = tpu.vector_load_idx %arg7[%parallel_loop3A_2109] : memref<65536xf32, #tpu.memory_space<vmem>>[vector<16xi32>], vector<16xf32>,
        %parallel_loop3A_2118 = arith.mulf %parallel_loop3A_2115, %parallel_loop3A_2116 : vector<16xf32>
        %parallel_loop3A_2119 = arith.index_cast %parallel_loop3A_1945 : i32 to index
        %parallel_loop3A_2120 = arith.constant 112 : index
        %parallel_loop3A_2121 = tpu.vector_load %arg21[%parallel_loop3A_2119, %parallel_loop3A_2120] {strides = array<i32>} : memref<16x128xf32, #tpu.memory_space<vmem>>, vector<16xf32>,
        tpu.vector_store %arg21[%parallel_loop3A_2119, %parallel_loop3A_2120], %parallel_loop3A_2118 {strides = array<i32>} : memref<16x128xf32, #tpu.memory_space<vmem>>, vector<16xf32>,
        %parallel_loop3A_2122 = arith.cmpi ne, %parallel_loop3A_2109, %parallel_loop3A_2112 : vector<16xi32>
        %parallel_loop3A_2123 = arith.mulf %parallel_loop3A_2115, %parallel_loop3A_2117 : vector<16xf32>
        %parallel_loop3A_2124 = arith.constant 0.000000e+00 : f32
        %parallel_loop3A_2125 = vector.broadcast %parallel_loop3A_2124 : f32 to vector<16xf32>
        %parallel_loop3A_2126 = arith.select %parallel_loop3A_2122, %parallel_loop3A_2123, %parallel_loop3A_2125 : vector<16xi1>, vector<16xf32>
        %parallel_loop3A_2127 = arith.index_cast %parallel_loop3A_1945 : i32 to index
        %parallel_loop3A_2128 = arith.constant 112 : index
        %parallel_loop3A_2129 = tpu.vector_load %arg23[%parallel_loop3A_2127, %parallel_loop3A_2128] {strides = array<i32>} : memref<16x128xf32, #tpu.memory_space<vmem>>, vector<16xf32>,
        tpu.vector_store %arg23[%parallel_loop3A_2127, %parallel_loop3A_2128], %parallel_loop3A_2126 {strides = array<i32>} : memref<16x128xf32, #tpu.memory_space<vmem>>, vector<16xf32>,
      } {sc.loop_unroll_factor = 1 : i64, sc.parallel_access}
      %dma_start3A_1522 = arith.constant 0 : i32
      %dma_start3A_1523 = arith.constant 0 : i32
      %dma_start3A_1524 = arith.constant 1 : i32
      %dma_start3A_1525 = arith.constant 0 : i32
      %dma_start3A_1526 = tpu.memref_slice %arg21[%dma_start3A_1522, %dma_start3A_1525] : memref<16x128xf32, #tpu.memory_space<vmem>> -> memref<1x128xf32, #tpu.memory_space<vmem>>
      %dma_start3A_1527 = tpu.memref_squeeze %dma_start3A_1526 : memref<1x128xf32, #tpu.memory_space<vmem>> -> memref<128xf32, #tpu.memory_space<vmem>>
      %dma_start3A_1528 = arith.constant 0 : i32
      %dma_start3A_1529 = tpu.memref_slice %arg11[%dma_start3A_1523, %dma_start3A_1528] : memref<16x128xi32, #tpu.memory_space<vmem>> -> memref<1x128xi32, #tpu.memory_space<vmem>>
      %dma_start3A_1530 = tpu.memref_squeeze %dma_start3A_1529 : memref<1x128xi32, #tpu.memory_space<vmem>> -> memref<128xi32, #tpu.memory_space<vmem>>
      %dma_start3A_1531 = arith.constant 0 : i32
      %dma_start3A_1532 = tpu.memref_slice %arg25[%dma_start3A_1531] : memref<65536xf32, #tpu.memory_space<vmem_shared>> -> memref<65536xf32, #tpu.memory_space<vmem_shared>>
      %dma_start3A_1533 = tpu.memref_slice %arg28[%dma_start3A_1524] : memref<2x!tpu.dma_semaphore, #tpu.memory_space<semaphore_mem>> -> memref<1x!tpu.dma_semaphore, #tpu.memory_space<semaphore_mem>>
      %dma_start3A_1534 = tpu.memref_squeeze %dma_start3A_1533 : memref<1x!tpu.dma_semaphore, #tpu.memory_space<semaphore_mem>> -> memref<!tpu.dma_semaphore, #tpu.memory_space<semaphore_mem>>
      tpu.enqueue_indirect_dma source(%dma_start3A_1527 : memref<128xf32, #tpu.memory_space<vmem>>) target(%dma_start3A_1532 : memref<65536xf32, #tpu.memory_space<vmem_shared>>) offsets(%dma_start3A_1530 : memref<128xi32, #tpu.memory_space<vmem>>) semaphore(%dma_start3A_1534 : memref<!tpu.dma_semaphore, #tpu.memory_space<semaphore_mem>>) {add = true}
      %dma_start3A_1535 = arith.constant 0 : i32
      %dma_start3A_1536 = arith.constant 0 : i32
      %dma_start3A_1537 = arith.constant 1 : i32
      %dma_start3A_1538 = arith.constant 0 : i32
      %dma_start3A_1539 = tpu.memref_slice %arg23[%dma_start3A_1535, %dma_start3A_1538] : memref<16x128xf32, #tpu.memory_space<vmem>> -> memref<1x128xf32, #tpu.memory_space<vmem>>
      %dma_start3A_1540 = tpu.memref_squeeze %dma_start3A_1539 : memref<1x128xf32, #tpu.memory_space<vmem>> -> memref<128xf32, #tpu.memory_space<vmem>>
      %dma_start3A_1541 = arith.constant 0 : i32
      %dma_start3A_1542 = tpu.memref_slice %arg15[%dma_start3A_1536, %dma_start3A_1541] : memref<16x128xi32, #tpu.memory_space<vmem>> -> memref<1x128xi32, #tpu.memory_space<vmem>>
      %dma_start3A_1543 = tpu.memref_squeeze %dma_start3A_1542 : memref<1x128xi32, #tpu.memory_space<vmem>> -> memref<128xi32, #tpu.memory_space<vmem>>
      %dma_start3A_1544 = arith.constant 0 : i32
      %dma_start3A_1545 = tpu.memref_slice %arg25[%dma_start3A_1544] : memref<65536xf32, #tpu.memory_space<vmem_shared>> -> memref<65536xf32, #tpu.memory_space<vmem_shared>>
      %dma_start3A_1546 = tpu.memref_slice %arg28[%dma_start3A_1537] : memref<2x!tpu.dma_semaphore, #tpu.memory_space<semaphore_mem>> -> memref<1x!tpu.dma_semaphore, #tpu.memory_space<semaphore_mem>>
      %dma_start3A_1547 = tpu.memref_squeeze %dma_start3A_1546 : memref<1x!tpu.dma_semaphore, #tpu.memory_space<semaphore_mem>> -> memref<!tpu.dma_semaphore, #tpu.memory_space<semaphore_mem>>
      tpu.enqueue_indirect_dma source(%dma_start3A_1540 : memref<128xf32, #tpu.memory_space<vmem>>) target(%dma_start3A_1545 : memref<65536xf32, #tpu.memory_space<vmem_shared>>) offsets(%dma_start3A_1543 : memref<128xi32, #tpu.memory_space<vmem>>) semaphore(%dma_start3A_1547 : memref<!tpu.dma_semaphore, #tpu.memory_space<semaphore_mem>>) {add = true}
      %dma_start3A_1548 = arith.constant 1 : i32
      %dma_start3A_1549 = arith.constant 1 : i32
      %dma_start3A_1550 = arith.constant 1 : i32
      %dma_start3A_1551 = arith.constant 0 : i32
      %dma_start3A_1552 = tpu.memref_slice %arg21[%dma_start3A_1548, %dma_start3A_1551] : memref<16x128xf32, #tpu.memory_space<vmem>> -> memref<1x128xf32, #tpu.memory_space<vmem>>
      %dma_start3A_1553 = tpu.memref_squeeze %dma_start3A_1552 : memref<1x128xf32, #tpu.memory_space<vmem>> -> memref<128xf32, #tpu.memory_space<vmem>>
      %dma_start3A_1554 = arith.constant 0 : i32
      %dma_start3A_1555 = tpu.memref_slice %arg11[%dma_start3A_1549, %dma_start3A_1554] : memref<16x128xi32, #tpu.memory_space<vmem>> -> memref<1x128xi32, #tpu.memory_space<vmem>>
      %dma_start3A_1556 = tpu.memref_squeeze %dma_start3A_1555 : memref<1x128xi32, #tpu.memory_space<vmem>> -> memref<128xi32, #tpu.memory_space<vmem>>
      %dma_start3A_1557 = arith.constant 0 : i32
      %dma_start3A_1558 = tpu.memref_slice %arg25[%dma_start3A_1557] : memref<65536xf32, #tpu.memory_space<vmem_shared>> -> memref<65536xf32, #tpu.memory_space<vmem_shared>>
      %dma_start3A_1559 = tpu.memref_slice %arg28[%dma_start3A_1550] : memref<2x!tpu.dma_semaphore, #tpu.memory_space<semaphore_mem>> -> memref<1x!tpu.dma_semaphore, #tpu.memory_space<semaphore_mem>>
      %dma_start3A_1560 = tpu.memref_squeeze %dma_start3A_1559 : memref<1x!tpu.dma_semaphore, #tpu.memory_space<semaphore_mem>> -> memref<!tpu.dma_semaphore, #tpu.memory_space<semaphore_mem>>
      tpu.enqueue_indirect_dma source(%dma_start3A_1553 : memref<128xf32, #tpu.memory_space<vmem>>) target(%dma_start3A_1558 : memref<65536xf32, #tpu.memory_space<vmem_shared>>) offsets(%dma_start3A_1556 : memref<128xi32, #tpu.memory_space<vmem>>) semaphore(%dma_start3A_1560 : memref<!tpu.dma_semaphore, #tpu.memory_space<semaphore_mem>>) {add = true}
      %dma_start3A_1561 = arith.constant 1 : i32
      %dma_start3A_1562 = arith.constant 1 : i32
      %dma_start3A_1563 = arith.constant 1 : i32
      %dma_start3A_1564 = arith.constant 0 : i32
      %dma_start3A_1565 = tpu.memref_slice %arg23[%dma_start3A_1561, %dma_start3A_1564] : memref<16x128xf32, #tpu.memory_space<vmem>> -> memref<1x128xf32, #tpu.memory_space<vmem>>
      %dma_start3A_1566 = tpu.memref_squeeze %dma_start3A_1565 : memref<1x128xf32, #tpu.memory_space<vmem>> -> memref<128xf32, #tpu.memory_space<vmem>>
      %dma_start3A_1567 = arith.constant 0 : i32
      %dma_start3A_1568 = tpu.memref_slice %arg15[%dma_start3A_1562, %dma_start3A_1567] : memref<16x128xi32, #tpu.memory_space<vmem>> -> memref<1x128xi32, #tpu.memory_space<vmem>>
      %dma_start3A_1569 = tpu.memref_squeeze %dma_start3A_1568 : memref<1x128xi32, #tpu.memory_space<vmem>> -> memref<128xi32, #tpu.memory_space<vmem>>
      %dma_start3A_1570 = arith.constant 0 : i32
      %dma_start3A_1571 = tpu.memref_slice %arg25[%dma_start3A_1570] : memref<65536xf32, #tpu.memory_space<vmem_shared>> -> memref<65536xf32, #tpu.memory_space<vmem_shared>>
      %dma_start3A_1572 = tpu.memref_slice %arg28[%dma_start3A_1563] : memref<2x!tpu.dma_semaphore, #tpu.memory_space<semaphore_mem>> -> memref<1x!tpu.dma_semaphore, #tpu.memory_space<semaphore_mem>>
      %dma_start3A_1573 = tpu.memref_squeeze %dma_start3A_1572 : memref<1x!tpu.dma_semaphore, #tpu.memory_space<semaphore_mem>> -> memref<!tpu.dma_semaphore, #tpu.memory_space<semaphore_mem>>
      tpu.enqueue_indirect_dma source(%dma_start3A_1566 : memref<128xf32, #tpu.memory_space<vmem>>) target(%dma_start3A_1571 : memref<65536xf32, #tpu.memory_space<vmem_shared>>) offsets(%dma_start3A_1569 : memref<128xi32, #tpu.memory_space<vmem>>) semaphore(%dma_start3A_1573 : memref<!tpu.dma_semaphore, #tpu.memory_space<semaphore_mem>>) {add = true}
      %dma_start3A_1574 = arith.constant 2 : i32
      %dma_start3A_1575 = arith.constant 2 : i32
      %dma_start3A_1576 = arith.constant 1 : i32
      %dma_start3A_1577 = arith.constant 0 : i32
      %dma_start3A_1578 = tpu.memref_slice %arg21[%dma_start3A_1574, %dma_start3A_1577] : memref<16x128xf32, #tpu.memory_space<vmem>> -> memref<1x128xf32, #tpu.memory_space<vmem>>
      %dma_start3A_1579 = tpu.memref_squeeze %dma_start3A_1578 : memref<1x128xf32, #tpu.memory_space<vmem>> -> memref<128xf32, #tpu.memory_space<vmem>>
      %dma_start3A_1580 = arith.constant 0 : i32
      %dma_start3A_1581 = tpu.memref_slice %arg11[%dma_start3A_1575, %dma_start3A_1580] : memref<16x128xi32, #tpu.memory_space<vmem>> -> memref<1x128xi32, #tpu.memory_space<vmem>>
      %dma_start3A_1582 = tpu.memref_squeeze %dma_start3A_1581 : memref<1x128xi32, #tpu.memory_space<vmem>> -> memref<128xi32, #tpu.memory_space<vmem>>
      %dma_start3A_1583 = arith.constant 0 : i32
      %dma_start3A_1584 = tpu.memref_slice %arg25[%dma_start3A_1583] : memref<65536xf32, #tpu.memory_space<vmem_shared>> -> memref<65536xf32, #tpu.memory_space<vmem_shared>>
      %dma_start3A_1585 = tpu.memref_slice %arg28[%dma_start3A_1576] : memref<2x!tpu.dma_semaphore, #tpu.memory_space<semaphore_mem>> -> memref<1x!tpu.dma_semaphore, #tpu.memory_space<semaphore_mem>>
      %dma_start3A_1586 = tpu.memref_squeeze %dma_start3A_1585 : memref<1x!tpu.dma_semaphore, #tpu.memory_space<semaphore_mem>> -> memref<!tpu.dma_semaphore, #tpu.memory_space<semaphore_mem>>
      tpu.enqueue_indirect_dma source(%dma_start3A_1579 : memref<128xf32, #tpu.memory_space<vmem>>) target(%dma_start3A_1584 : memref<65536xf32, #tpu.memory_space<vmem_shared>>) offsets(%dma_start3A_1582 : memref<128xi32, #tpu.memory_space<vmem>>) semaphore(%dma_start3A_1586 : memref<!tpu.dma_semaphore, #tpu.memory_space<semaphore_mem>>) {add = true}
      %dma_start3A_1587 = arith.constant 2 : i32
      %dma_start3A_1588 = arith.constant 2 : i32
      %dma_start3A_1589 = arith.constant 1 : i32
      %dma_start3A_1590 = arith.constant 0 : i32
      %dma_start3A_1591 = tpu.memref_slice %arg23[%dma_start3A_1587, %dma_start3A_1590] : memref<16x128xf32, #tpu.memory_space<vmem>> -> memref<1x128xf32, #tpu.memory_space<vmem>>
      %dma_start3A_1592 = tpu.memref_squeeze %dma_start3A_1591 : memref<1x128xf32, #tpu.memory_space<vmem>> -> memref<128xf32, #tpu.memory_space<vmem>>
      %dma_start3A_1593 = arith.constant 0 : i32
      %dma_start3A_1594 = tpu.memref_slice %arg15[%dma_start3A_1588, %dma_start3A_1593] : memref<16x128xi32, #tpu.memory_space<vmem>> -> memref<1x128xi32, #tpu.memory_space<vmem>>
      %dma_start3A_1595 = tpu.memref_squeeze %dma_start3A_1594 : memref<1x128xi32, #tpu.memory_space<vmem>> -> memref<128xi32, #tpu.memory_space<vmem>>
      %dma_start3A_1596 = arith.constant 0 : i32
      %dma_start3A_1597 = tpu.memref_slice %arg25[%dma_start3A_1596] : memref<65536xf32, #tpu.memory_space<vmem_shared>> -> memref<65536xf32, #tpu.memory_space<vmem_shared>>
      %dma_start3A_1598 = tpu.memref_slice %arg28[%dma_start3A_1589] : memref<2x!tpu.dma_semaphore, #tpu.memory_space<semaphore_mem>> -> memref<1x!tpu.dma_semaphore, #tpu.memory_space<semaphore_mem>>
      %dma_start3A_1599 = tpu.memref_squeeze %dma_start3A_1598 : memref<1x!tpu.dma_semaphore, #tpu.memory_space<semaphore_mem>> -> memref<!tpu.dma_semaphore, #tpu.memory_space<semaphore_mem>>
      tpu.enqueue_indirect_dma source(%dma_start3A_1592 : memref<128xf32, #tpu.memory_space<vmem>>) target(%dma_start3A_1597 : memref<65536xf32, #tpu.memory_space<vmem_shared>>) offsets(%dma_start3A_1595 : memref<128xi32, #tpu.memory_space<vmem>>) semaphore(%dma_start3A_1599 : memref<!tpu.dma_semaphore, #tpu.memory_space<semaphore_mem>>) {add = true}
      %dma_start3A_1600 = arith.constant 3 : i32
      %dma_start3A_1601 = arith.constant 3 : i32
      %dma_start3A_1602 = arith.constant 1 : i32
      %dma_start3A_1603 = arith.constant 0 : i32
      %dma_start3A_1604 = tpu.memref_slice %arg21[%dma_start3A_1600, %dma_start3A_1603] : memref<16x128xf32, #tpu.memory_space<vmem>> -> memref<1x128xf32, #tpu.memory_space<vmem>>
      %dma_start3A_1605 = tpu.memref_squeeze %dma_start3A_1604 : memref<1x128xf32, #tpu.memory_space<vmem>> -> memref<128xf32, #tpu.memory_space<vmem>>
      %dma_start3A_1606 = arith.constant 0 : i32
      %dma_start3A_1607 = tpu.memref_slice %arg11[%dma_start3A_1601, %dma_start3A_1606] : memref<16x128xi32, #tpu.memory_space<vmem>> -> memref<1x128xi32, #tpu.memory_space<vmem>>
      %dma_start3A_1608 = tpu.memref_squeeze %dma_start3A_1607 : memref<1x128xi32, #tpu.memory_space<vmem>> -> memref<128xi32, #tpu.memory_space<vmem>>
      %dma_start3A_1609 = arith.constant 0 : i32
      %dma_start3A_1610 = tpu.memref_slice %arg25[%dma_start3A_1609] : memref<65536xf32, #tpu.memory_space<vmem_shared>> -> memref<65536xf32, #tpu.memory_space<vmem_shared>>
      %dma_start3A_1611 = tpu.memref_slice %arg28[%dma_start3A_1602] : memref<2x!tpu.dma_semaphore, #tpu.memory_space<semaphore_mem>> -> memref<1x!tpu.dma_semaphore, #tpu.memory_space<semaphore_mem>>
      %dma_start3A_1612 = tpu.memref_squeeze %dma_start3A_1611 : memref<1x!tpu.dma_semaphore, #tpu.memory_space<semaphore_mem>> -> memref<!tpu.dma_semaphore, #tpu.memory_space<semaphore_mem>>
      tpu.enqueue_indirect_dma source(%dma_start3A_1605 : memref<128xf32, #tpu.memory_space<vmem>>) target(%dma_start3A_1610 : memref<65536xf32, #tpu.memory_space<vmem_shared>>) offsets(%dma_start3A_1608 : memref<128xi32, #tpu.memory_space<vmem>>) semaphore(%dma_start3A_1612 : memref<!tpu.dma_semaphore, #tpu.memory_space<semaphore_mem>>) {add = true}
      %dma_start3A_1613 = arith.constant 3 : i32
      %dma_start3A_1614 = arith.constant 3 : i32
      %dma_start3A_1615 = arith.constant 1 : i32
      %dma_start3A_1616 = arith.constant 0 : i32
      %dma_start3A_1617 = tpu.memref_slice %arg23[%dma_start3A_1613, %dma_start3A_1616] : memref<16x128xf32, #tpu.memory_space<vmem>> -> memref<1x128xf32, #tpu.memory_space<vmem>>
      %dma_start3A_1618 = tpu.memref_squeeze %dma_start3A_1617 : memref<1x128xf32, #tpu.memory_space<vmem>> -> memref<128xf32, #tpu.memory_space<vmem>>
      %dma_start3A_1619 = arith.constant 0 : i32
      %dma_start3A_1620 = tpu.memref_slice %arg15[%dma_start3A_1614, %dma_start3A_1619] : memref<16x128xi32, #tpu.memory_space<vmem>> -> memref<1x128xi32, #tpu.memory_space<vmem>>
      %dma_start3A_1621 = tpu.memref_squeeze %dma_start3A_1620 : memref<1x128xi32, #tpu.memory_space<vmem>> -> memref<128xi32, #tpu.memory_space<vmem>>
      %dma_start3A_1622 = arith.constant 0 : i32
      %dma_start3A_1623 = tpu.memref_slice %arg25[%dma_start3A_1622] : memref<65536xf32, #tpu.memory_space<vmem_shared>> -> memref<65536xf32, #tpu.memory_space<vmem_shared>>
      %dma_start3A_1624 = tpu.memref_slice %arg28[%dma_start3A_1615] : memref<2x!tpu.dma_semaphore, #tpu.memory_space<semaphore_mem>> -> memref<1x!tpu.dma_semaphore, #tpu.memory_space<semaphore_mem>>
      %dma_start3A_1625 = tpu.memref_squeeze %dma_start3A_1624 : memref<1x!tpu.dma_semaphore, #tpu.memory_space<semaphore_mem>> -> memref<!tpu.dma_semaphore, #tpu.memory_space<semaphore_mem>>
      tpu.enqueue_indirect_dma source(%dma_start3A_1618 : memref<128xf32, #tpu.memory_space<vmem>>) target(%dma_start3A_1623 : memref<65536xf32, #tpu.memory_space<vmem_shared>>) offsets(%dma_start3A_1621 : memref<128xi32, #tpu.memory_space<vmem>>) semaphore(%dma_start3A_1625 : memref<!tpu.dma_semaphore, #tpu.memory_space<semaphore_mem>>) {add = true}
      %dma_start3A_1626 = arith.constant 4 : i32
      %dma_start3A_1627 = arith.constant 4 : i32
      %dma_start3A_1628 = arith.constant 1 : i32
      %dma_start3A_1629 = arith.constant 0 : i32
      %dma_start3A_1630 = tpu.memref_slice %arg21[%dma_start3A_1626, %dma_start3A_1629] : memref<16x128xf32, #tpu.memory_space<vmem>> -> memref<1x128xf32, #tpu.memory_space<vmem>>
      %dma_start3A_1631 = tpu.memref_squeeze %dma_start3A_1630 : memref<1x128xf32, #tpu.memory_space<vmem>> -> memref<128xf32, #tpu.memory_space<vmem>>
      %dma_start3A_1632 = arith.constant 0 : i32
      %dma_start3A_1633 = tpu.memref_slice %arg11[%dma_start3A_1627, %dma_start3A_1632] : memref<16x128xi32, #tpu.memory_space<vmem>> -> memref<1x128xi32, #tpu.memory_space<vmem>>
      %dma_start3A_1634 = tpu.memref_squeeze %dma_start3A_1633 : memref<1x128xi32, #tpu.memory_space<vmem>> -> memref<128xi32, #tpu.memory_space<vmem>>
      %dma_start3A_1635 = arith.constant 0 : i32
      %dma_start3A_1636 = tpu.memref_slice %arg25[%dma_start3A_1635] : memref<65536xf32, #tpu.memory_space<vmem_shared>> -> memref<65536xf32, #tpu.memory_space<vmem_shared>>
      %dma_start3A_1637 = tpu.memref_slice %arg28[%dma_start3A_1628] : memref<2x!tpu.dma_semaphore, #tpu.memory_space<semaphore_mem>> -> memref<1x!tpu.dma_semaphore, #tpu.memory_space<semaphore_mem>>
      %dma_start3A_1638 = tpu.memref_squeeze %dma_start3A_1637 : memref<1x!tpu.dma_semaphore, #tpu.memory_space<semaphore_mem>> -> memref<!tpu.dma_semaphore, #tpu.memory_space<semaphore_mem>>
      tpu.enqueue_indirect_dma source(%dma_start3A_1631 : memref<128xf32, #tpu.memory_space<vmem>>) target(%dma_start3A_1636 : memref<65536xf32, #tpu.memory_space<vmem_shared>>) offsets(%dma_start3A_1634 : memref<128xi32, #tpu.memory_space<vmem>>) semaphore(%dma_start3A_1638 : memref<!tpu.dma_semaphore, #tpu.memory_space<semaphore_mem>>) {add = true}
      %dma_start3A_1639 = arith.constant 4 : i32
      %dma_start3A_1640 = arith.constant 4 : i32
      %dma_start3A_1641 = arith.constant 1 : i32
      %dma_start3A_1642 = arith.constant 0 : i32
      %dma_start3A_1643 = tpu.memref_slice %arg23[%dma_start3A_1639, %dma_start3A_1642] : memref<16x128xf32, #tpu.memory_space<vmem>> -> memref<1x128xf32, #tpu.memory_space<vmem>>
      %dma_start3A_1644 = tpu.memref_squeeze %dma_start3A_1643 : memref<1x128xf32, #tpu.memory_space<vmem>> -> memref<128xf32, #tpu.memory_space<vmem>>
      %dma_start3A_1645 = arith.constant 0 : i32
      %dma_start3A_1646 = tpu.memref_slice %arg15[%dma_start3A_1640, %dma_start3A_1645] : memref<16x128xi32, #tpu.memory_space<vmem>> -> memref<1x128xi32, #tpu.memory_space<vmem>>
      %dma_start3A_1647 = tpu.memref_squeeze %dma_start3A_1646 : memref<1x128xi32, #tpu.memory_space<vmem>> -> memref<128xi32, #tpu.memory_space<vmem>>
      %dma_start3A_1648 = arith.constant 0 : i32
      %dma_start3A_1649 = tpu.memref_slice %arg25[%dma_start3A_1648] : memref<65536xf32, #tpu.memory_space<vmem_shared>> -> memref<65536xf32, #tpu.memory_space<vmem_shared>>
      %dma_start3A_1650 = tpu.memref_slice %arg28[%dma_start3A_1641] : memref<2x!tpu.dma_semaphore, #tpu.memory_space<semaphore_mem>> -> memref<1x!tpu.dma_semaphore, #tpu.memory_space<semaphore_mem>>
      %dma_start3A_1651 = tpu.memref_squeeze %dma_start3A_1650 : memref<1x!tpu.dma_semaphore, #tpu.memory_space<semaphore_mem>> -> memref<!tpu.dma_semaphore, #tpu.memory_space<semaphore_mem>>
      tpu.enqueue_indirect_dma source(%dma_start3A_1644 : memref<128xf32, #tpu.memory_space<vmem>>) target(%dma_start3A_1649 : memref<65536xf32, #tpu.memory_space<vmem_shared>>) offsets(%dma_start3A_1647 : memref<128xi32, #tpu.memory_space<vmem>>) semaphore(%dma_start3A_1651 : memref<!tpu.dma_semaphore, #tpu.memory_space<semaphore_mem>>) {add = true}
      %dma_start3A_1652 = arith.constant 5 : i32
      %dma_start3A_1653 = arith.constant 5 : i32
      %dma_start3A_1654 = arith.constant 1 : i32
      %dma_start3A_1655 = arith.constant 0 : i32
      %dma_start3A_1656 = tpu.memref_slice %arg21[%dma_start3A_1652, %dma_start3A_1655] : memref<16x128xf32, #tpu.memory_space<vmem>> -> memref<1x128xf32, #tpu.memory_space<vmem>>
      %dma_start3A_1657 = tpu.memref_squeeze %dma_start3A_1656 : memref<1x128xf32, #tpu.memory_space<vmem>> -> memref<128xf32, #tpu.memory_space<vmem>>
      %dma_start3A_1658 = arith.constant 0 : i32
      %dma_start3A_1659 = tpu.memref_slice %arg11[%dma_start3A_1653, %dma_start3A_1658] : memref<16x128xi32, #tpu.memory_space<vmem>> -> memref<1x128xi32, #tpu.memory_space<vmem>>
      %dma_start3A_1660 = tpu.memref_squeeze %dma_start3A_1659 : memref<1x128xi32, #tpu.memory_space<vmem>> -> memref<128xi32, #tpu.memory_space<vmem>>
      %dma_start3A_1661 = arith.constant 0 : i32
      %dma_start3A_1662 = tpu.memref_slice %arg25[%dma_start3A_1661] : memref<65536xf32, #tpu.memory_space<vmem_shared>> -> memref<65536xf32, #tpu.memory_space<vmem_shared>>
      %dma_start3A_1663 = tpu.memref_slice %arg28[%dma_start3A_1654] : memref<2x!tpu.dma_semaphore, #tpu.memory_space<semaphore_mem>> -> memref<1x!tpu.dma_semaphore, #tpu.memory_space<semaphore_mem>>
      %dma_start3A_1664 = tpu.memref_squeeze %dma_start3A_1663 : memref<1x!tpu.dma_semaphore, #tpu.memory_space<semaphore_mem>> -> memref<!tpu.dma_semaphore, #tpu.memory_space<semaphore_mem>>
      tpu.enqueue_indirect_dma source(%dma_start3A_1657 : memref<128xf32, #tpu.memory_space<vmem>>) target(%dma_start3A_1662 : memref<65536xf32, #tpu.memory_space<vmem_shared>>) offsets(%dma_start3A_1660 : memref<128xi32, #tpu.memory_space<vmem>>) semaphore(%dma_start3A_1664 : memref<!tpu.dma_semaphore, #tpu.memory_space<semaphore_mem>>) {add = true}
      %dma_start3A_1665 = arith.constant 5 : i32
      %dma_start3A_1666 = arith.constant 5 : i32
      %dma_start3A_1667 = arith.constant 1 : i32
      %dma_start3A_1668 = arith.constant 0 : i32
      %dma_start3A_1669 = tpu.memref_slice %arg23[%dma_start3A_1665, %dma_start3A_1668] : memref<16x128xf32, #tpu.memory_space<vmem>> -> memref<1x128xf32, #tpu.memory_space<vmem>>
      %dma_start3A_1670 = tpu.memref_squeeze %dma_start3A_1669 : memref<1x128xf32, #tpu.memory_space<vmem>> -> memref<128xf32, #tpu.memory_space<vmem>>
      %dma_start3A_1671 = arith.constant 0 : i32
      %dma_start3A_1672 = tpu.memref_slice %arg15[%dma_start3A_1666, %dma_start3A_1671] : memref<16x128xi32, #tpu.memory_space<vmem>> -> memref<1x128xi32, #tpu.memory_space<vmem>>
      %dma_start3A_1673 = tpu.memref_squeeze %dma_start3A_1672 : memref<1x128xi32, #tpu.memory_space<vmem>> -> memref<128xi32, #tpu.memory_space<vmem>>
      %dma_start3A_1674 = arith.constant 0 : i32
      %dma_start3A_1675 = tpu.memref_slice %arg25[%dma_start3A_1674] : memref<65536xf32, #tpu.memory_space<vmem_shared>> -> memref<65536xf32, #tpu.memory_space<vmem_shared>>
      %dma_start3A_1676 = tpu.memref_slice %arg28[%dma_start3A_1667] : memref<2x!tpu.dma_semaphore, #tpu.memory_space<semaphore_mem>> -> memref<1x!tpu.dma_semaphore, #tpu.memory_space<semaphore_mem>>
      %dma_start3A_1677 = tpu.memref_squeeze %dma_start3A_1676 : memref<1x!tpu.dma_semaphore, #tpu.memory_space<semaphore_mem>> -> memref<!tpu.dma_semaphore, #tpu.memory_space<semaphore_mem>>
      tpu.enqueue_indirect_dma source(%dma_start3A_1670 : memref<128xf32, #tpu.memory_space<vmem>>) target(%dma_start3A_1675 : memref<65536xf32, #tpu.memory_space<vmem_shared>>) offsets(%dma_start3A_1673 : memref<128xi32, #tpu.memory_space<vmem>>) semaphore(%dma_start3A_1677 : memref<!tpu.dma_semaphore, #tpu.memory_space<semaphore_mem>>) {add = true}
      %dma_start3A_1678 = arith.constant 6 : i32
      %dma_start3A_1679 = arith.constant 6 : i32
      %dma_start3A_1680 = arith.constant 1 : i32
      %dma_start3A_1681 = arith.constant 0 : i32
      %dma_start3A_1682 = tpu.memref_slice %arg21[%dma_start3A_1678, %dma_start3A_1681] : memref<16x128xf32, #tpu.memory_space<vmem>> -> memref<1x128xf32, #tpu.memory_space<vmem>>
      %dma_start3A_1683 = tpu.memref_squeeze %dma_start3A_1682 : memref<1x128xf32, #tpu.memory_space<vmem>> -> memref<128xf32, #tpu.memory_space<vmem>>
      %dma_start3A_1684 = arith.constant 0 : i32
      %dma_start3A_1685 = tpu.memref_slice %arg11[%dma_start3A_1679, %dma_start3A_1684] : memref<16x128xi32, #tpu.memory_space<vmem>> -> memref<1x128xi32, #tpu.memory_space<vmem>>
      %dma_start3A_1686 = tpu.memref_squeeze %dma_start3A_1685 : memref<1x128xi32, #tpu.memory_space<vmem>> -> memref<128xi32, #tpu.memory_space<vmem>>
      %dma_start3A_1687 = arith.constant 0 : i32
      %dma_start3A_1688 = tpu.memref_slice %arg25[%dma_start3A_1687] : memref<65536xf32, #tpu.memory_space<vmem_shared>> -> memref<65536xf32, #tpu.memory_space<vmem_shared>>
      %dma_start3A_1689 = tpu.memref_slice %arg28[%dma_start3A_1680] : memref<2x!tpu.dma_semaphore, #tpu.memory_space<semaphore_mem>> -> memref<1x!tpu.dma_semaphore, #tpu.memory_space<semaphore_mem>>
      %dma_start3A_1690 = tpu.memref_squeeze %dma_start3A_1689 : memref<1x!tpu.dma_semaphore, #tpu.memory_space<semaphore_mem>> -> memref<!tpu.dma_semaphore, #tpu.memory_space<semaphore_mem>>
      tpu.enqueue_indirect_dma source(%dma_start3A_1683 : memref<128xf32, #tpu.memory_space<vmem>>) target(%dma_start3A_1688 : memref<65536xf32, #tpu.memory_space<vmem_shared>>) offsets(%dma_start3A_1686 : memref<128xi32, #tpu.memory_space<vmem>>) semaphore(%dma_start3A_1690 : memref<!tpu.dma_semaphore, #tpu.memory_space<semaphore_mem>>) {add = true}
      %dma_start3A_1691 = arith.constant 6 : i32
      %dma_start3A_1692 = arith.constant 6 : i32
      %dma_start3A_1693 = arith.constant 1 : i32
      %dma_start3A_1694 = arith.constant 0 : i32
      %dma_start3A_1695 = tpu.memref_slice %arg23[%dma_start3A_1691, %dma_start3A_1694] : memref<16x128xf32, #tpu.memory_space<vmem>> -> memref<1x128xf32, #tpu.memory_space<vmem>>
      %dma_start3A_1696 = tpu.memref_squeeze %dma_start3A_1695 : memref<1x128xf32, #tpu.memory_space<vmem>> -> memref<128xf32, #tpu.memory_space<vmem>>
      %dma_start3A_1697 = arith.constant 0 : i32
      %dma_start3A_1698 = tpu.memref_slice %arg15[%dma_start3A_1692, %dma_start3A_1697] : memref<16x128xi32, #tpu.memory_space<vmem>> -> memref<1x128xi32, #tpu.memory_space<vmem>>
      %dma_start3A_1699 = tpu.memref_squeeze %dma_start3A_1698 : memref<1x128xi32, #tpu.memory_space<vmem>> -> memref<128xi32, #tpu.memory_space<vmem>>
      %dma_start3A_1700 = arith.constant 0 : i32
      %dma_start3A_1701 = tpu.memref_slice %arg25[%dma_start3A_1700] : memref<65536xf32, #tpu.memory_space<vmem_shared>> -> memref<65536xf32, #tpu.memory_space<vmem_shared>>
      %dma_start3A_1702 = tpu.memref_slice %arg28[%dma_start3A_1693] : memref<2x!tpu.dma_semaphore, #tpu.memory_space<semaphore_mem>> -> memref<1x!tpu.dma_semaphore, #tpu.memory_space<semaphore_mem>>
      %dma_start3A_1703 = tpu.memref_squeeze %dma_start3A_1702 : memref<1x!tpu.dma_semaphore, #tpu.memory_space<semaphore_mem>> -> memref<!tpu.dma_semaphore, #tpu.memory_space<semaphore_mem>>
      tpu.enqueue_indirect_dma source(%dma_start3A_1696 : memref<128xf32, #tpu.memory_space<vmem>>) target(%dma_start3A_1701 : memref<65536xf32, #tpu.memory_space<vmem_shared>>) offsets(%dma_start3A_1699 : memref<128xi32, #tpu.memory_space<vmem>>) semaphore(%dma_start3A_1703 : memref<!tpu.dma_semaphore, #tpu.memory_space<semaphore_mem>>) {add = true}
      %dma_start3A_1704 = arith.constant 7 : i32
      %dma_start3A_1705 = arith.constant 7 : i32
      %dma_start3A_1706 = arith.constant 1 : i32
      %dma_start3A_1707 = arith.constant 0 : i32
      %dma_start3A_1708 = tpu.memref_slice %arg21[%dma_start3A_1704, %dma_start3A_1707] : memref<16x128xf32, #tpu.memory_space<vmem>> -> memref<1x128xf32, #tpu.memory_space<vmem>>
      %dma_start3A_1709 = tpu.memref_squeeze %dma_start3A_1708 : memref<1x128xf32, #tpu.memory_space<vmem>> -> memref<128xf32, #tpu.memory_space<vmem>>
      %dma_start3A_1710 = arith.constant 0 : i32
      %dma_start3A_1711 = tpu.memref_slice %arg11[%dma_start3A_1705, %dma_start3A_1710] : memref<16x128xi32, #tpu.memory_space<vmem>> -> memref<1x128xi32, #tpu.memory_space<vmem>>
      %dma_start3A_1712 = tpu.memref_squeeze %dma_start3A_1711 : memref<1x128xi32, #tpu.memory_space<vmem>> -> memref<128xi32, #tpu.memory_space<vmem>>
      %dma_start3A_1713 = arith.constant 0 : i32
      %dma_start3A_1714 = tpu.memref_slice %arg25[%dma_start3A_1713] : memref<65536xf32, #tpu.memory_space<vmem_shared>> -> memref<65536xf32, #tpu.memory_space<vmem_shared>>
      %dma_start3A_1715 = tpu.memref_slice %arg28[%dma_start3A_1706] : memref<2x!tpu.dma_semaphore, #tpu.memory_space<semaphore_mem>> -> memref<1x!tpu.dma_semaphore, #tpu.memory_space<semaphore_mem>>
      %dma_start3A_1716 = tpu.memref_squeeze %dma_start3A_1715 : memref<1x!tpu.dma_semaphore, #tpu.memory_space<semaphore_mem>> -> memref<!tpu.dma_semaphore, #tpu.memory_space<semaphore_mem>>
      tpu.enqueue_indirect_dma source(%dma_start3A_1709 : memref<128xf32, #tpu.memory_space<vmem>>) target(%dma_start3A_1714 : memref<65536xf32, #tpu.memory_space<vmem_shared>>) offsets(%dma_start3A_1712 : memref<128xi32, #tpu.memory_space<vmem>>) semaphore(%dma_start3A_1716 : memref<!tpu.dma_semaphore, #tpu.memory_space<semaphore_mem>>) {add = true}
      %dma_start3A_1717 = arith.constant 7 : i32
      %dma_start3A_1718 = arith.constant 7 : i32
      %dma_start3A_1719 = arith.constant 1 : i32
      %dma_start3A_1720 = arith.constant 0 : i32
      %dma_start3A_1721 = tpu.memref_slice %arg23[%dma_start3A_1717, %dma_start3A_1720] : memref<16x128xf32, #tpu.memory_space<vmem>> -> memref<1x128xf32, #tpu.memory_space<vmem>>
      %dma_start3A_1722 = tpu.memref_squeeze %dma_start3A_1721 : memref<1x128xf32, #tpu.memory_space<vmem>> -> memref<128xf32, #tpu.memory_space<vmem>>
      %dma_start3A_1723 = arith.constant 0 : i32
      %dma_start3A_1724 = tpu.memref_slice %arg15[%dma_start3A_1718, %dma_start3A_1723] : memref<16x128xi32, #tpu.memory_space<vmem>> -> memref<1x128xi32, #tpu.memory_space<vmem>>
      %dma_start3A_1725 = tpu.memref_squeeze %dma_start3A_1724 : memref<1x128xi32, #tpu.memory_space<vmem>> -> memref<128xi32, #tpu.memory_space<vmem>>
      %dma_start3A_1726 = arith.constant 0 : i32
      %dma_start3A_1727 = tpu.memref_slice %arg25[%dma_start3A_1726] : memref<65536xf32, #tpu.memory_space<vmem_shared>> -> memref<65536xf32, #tpu.memory_space<vmem_shared>>
      %dma_start3A_1728 = tpu.memref_slice %arg28[%dma_start3A_1719] : memref<2x!tpu.dma_semaphore, #tpu.memory_space<semaphore_mem>> -> memref<1x!tpu.dma_semaphore, #tpu.memory_space<semaphore_mem>>
      %dma_start3A_1729 = tpu.memref_squeeze %dma_start3A_1728 : memref<1x!tpu.dma_semaphore, #tpu.memory_space<semaphore_mem>> -> memref<!tpu.dma_semaphore, #tpu.memory_space<semaphore_mem>>
      tpu.enqueue_indirect_dma source(%dma_start3A_1722 : memref<128xf32, #tpu.memory_space<vmem>>) target(%dma_start3A_1727 : memref<65536xf32, #tpu.memory_space<vmem_shared>>) offsets(%dma_start3A_1725 : memref<128xi32, #tpu.memory_space<vmem>>) semaphore(%dma_start3A_1729 : memref<!tpu.dma_semaphore, #tpu.memory_space<semaphore_mem>>) {add = true}
      %dma_start3A_1730 = arith.constant 8 : i32
      %dma_start3A_1731 = arith.constant 8 : i32
      %dma_start3A_1732 = arith.constant 1 : i32
      %dma_start3A_1733 = arith.constant 0 : i32
      %dma_start3A_1734 = tpu.memref_slice %arg21[%dma_start3A_1730, %dma_start3A_1733] : memref<16x128xf32, #tpu.memory_space<vmem>> -> memref<1x128xf32, #tpu.memory_space<vmem>>
      %dma_start3A_1735 = tpu.memref_squeeze %dma_start3A_1734 : memref<1x128xf32, #tpu.memory_space<vmem>> -> memref<128xf32, #tpu.memory_space<vmem>>
      %dma_start3A_1736 = arith.constant 0 : i32
      %dma_start3A_1737 = tpu.memref_slice %arg11[%dma_start3A_1731, %dma_start3A_1736] : memref<16x128xi32, #tpu.memory_space<vmem>> -> memref<1x128xi32, #tpu.memory_space<vmem>>
      %dma_start3A_1738 = tpu.memref_squeeze %dma_start3A_1737 : memref<1x128xi32, #tpu.memory_space<vmem>> -> memref<128xi32, #tpu.memory_space<vmem>>
      %dma_start3A_1739 = arith.constant 0 : i32
      %dma_start3A_1740 = tpu.memref_slice %arg25[%dma_start3A_1739] : memref<65536xf32, #tpu.memory_space<vmem_shared>> -> memref<65536xf32, #tpu.memory_space<vmem_shared>>
      %dma_start3A_1741 = tpu.memref_slice %arg28[%dma_start3A_1732] : memref<2x!tpu.dma_semaphore, #tpu.memory_space<semaphore_mem>> -> memref<1x!tpu.dma_semaphore, #tpu.memory_space<semaphore_mem>>
      %dma_start3A_1742 = tpu.memref_squeeze %dma_start3A_1741 : memref<1x!tpu.dma_semaphore, #tpu.memory_space<semaphore_mem>> -> memref<!tpu.dma_semaphore, #tpu.memory_space<semaphore_mem>>
      tpu.enqueue_indirect_dma source(%dma_start3A_1735 : memref<128xf32, #tpu.memory_space<vmem>>) target(%dma_start3A_1740 : memref<65536xf32, #tpu.memory_space<vmem_shared>>) offsets(%dma_start3A_1738 : memref<128xi32, #tpu.memory_space<vmem>>) semaphore(%dma_start3A_1742 : memref<!tpu.dma_semaphore, #tpu.memory_space<semaphore_mem>>) {add = true}
      %dma_start3A_1743 = arith.constant 8 : i32
      %dma_start3A_1744 = arith.constant 8 : i32
      %dma_start3A_1745 = arith.constant 1 : i32
      %dma_start3A_1746 = arith.constant 0 : i32
      %dma_start3A_1747 = tpu.memref_slice %arg23[%dma_start3A_1743, %dma_start3A_1746] : memref<16x128xf32, #tpu.memory_space<vmem>> -> memref<1x128xf32, #tpu.memory_space<vmem>>
      %dma_start3A_1748 = tpu.memref_squeeze %dma_start3A_1747 : memref<1x128xf32, #tpu.memory_space<vmem>> -> memref<128xf32, #tpu.memory_space<vmem>>
      %dma_start3A_1749 = arith.constant 0 : i32
      %dma_start3A_1750 = tpu.memref_slice %arg15[%dma_start3A_1744, %dma_start3A_1749] : memref<16x128xi32, #tpu.memory_space<vmem>> -> memref<1x128xi32, #tpu.memory_space<vmem>>
      %dma_start3A_1751 = tpu.memref_squeeze %dma_start3A_1750 : memref<1x128xi32, #tpu.memory_space<vmem>> -> memref<128xi32, #tpu.memory_space<vmem>>
      %dma_start3A_1752 = arith.constant 0 : i32
      %dma_start3A_1753 = tpu.memref_slice %arg25[%dma_start3A_1752] : memref<65536xf32, #tpu.memory_space<vmem_shared>> -> memref<65536xf32, #tpu.memory_space<vmem_shared>>
      %dma_start3A_1754 = tpu.memref_slice %arg28[%dma_start3A_1745] : memref<2x!tpu.dma_semaphore, #tpu.memory_space<semaphore_mem>> -> memref<1x!tpu.dma_semaphore, #tpu.memory_space<semaphore_mem>>
      %dma_start3A_1755 = tpu.memref_squeeze %dma_start3A_1754 : memref<1x!tpu.dma_semaphore, #tpu.memory_space<semaphore_mem>> -> memref<!tpu.dma_semaphore, #tpu.memory_space<semaphore_mem>>
      tpu.enqueue_indirect_dma source(%dma_start3A_1748 : memref<128xf32, #tpu.memory_space<vmem>>) target(%dma_start3A_1753 : memref<65536xf32, #tpu.memory_space<vmem_shared>>) offsets(%dma_start3A_1751 : memref<128xi32, #tpu.memory_space<vmem>>) semaphore(%dma_start3A_1755 : memref<!tpu.dma_semaphore, #tpu.memory_space<semaphore_mem>>) {add = true}
      %dma_start3A_1756 = arith.constant 9 : i32
      %dma_start3A_1757 = arith.constant 9 : i32
      %dma_start3A_1758 = arith.constant 1 : i32
      %dma_start3A_1759 = arith.constant 0 : i32
      %dma_start3A_1760 = tpu.memref_slice %arg21[%dma_start3A_1756, %dma_start3A_1759] : memref<16x128xf32, #tpu.memory_space<vmem>> -> memref<1x128xf32, #tpu.memory_space<vmem>>
      %dma_start3A_1761 = tpu.memref_squeeze %dma_start3A_1760 : memref<1x128xf32, #tpu.memory_space<vmem>> -> memref<128xf32, #tpu.memory_space<vmem>>
      %dma_start3A_1762 = arith.constant 0 : i32
      %dma_start3A_1763 = tpu.memref_slice %arg11[%dma_start3A_1757, %dma_start3A_1762] : memref<16x128xi32, #tpu.memory_space<vmem>> -> memref<1x128xi32, #tpu.memory_space<vmem>>
      %dma_start3A_1764 = tpu.memref_squeeze %dma_start3A_1763 : memref<1x128xi32, #tpu.memory_space<vmem>> -> memref<128xi32, #tpu.memory_space<vmem>>
      %dma_start3A_1765 = arith.constant 0 : i32
      %dma_start3A_1766 = tpu.memref_slice %arg25[%dma_start3A_1765] : memref<65536xf32, #tpu.memory_space<vmem_shared>> -> memref<65536xf32, #tpu.memory_space<vmem_shared>>
      %dma_start3A_1767 = tpu.memref_slice %arg28[%dma_start3A_1758] : memref<2x!tpu.dma_semaphore, #tpu.memory_space<semaphore_mem>> -> memref<1x!tpu.dma_semaphore, #tpu.memory_space<semaphore_mem>>
      %dma_start3A_1768 = tpu.memref_squeeze %dma_start3A_1767 : memref<1x!tpu.dma_semaphore, #tpu.memory_space<semaphore_mem>> -> memref<!tpu.dma_semaphore, #tpu.memory_space<semaphore_mem>>
      tpu.enqueue_indirect_dma source(%dma_start3A_1761 : memref<128xf32, #tpu.memory_space<vmem>>) target(%dma_start3A_1766 : memref<65536xf32, #tpu.memory_space<vmem_shared>>) offsets(%dma_start3A_1764 : memref<128xi32, #tpu.memory_space<vmem>>) semaphore(%dma_start3A_1768 : memref<!tpu.dma_semaphore, #tpu.memory_space<semaphore_mem>>) {add = true}
      %dma_start3A_1769 = arith.constant 9 : i32
      %dma_start3A_1770 = arith.constant 9 : i32
      %dma_start3A_1771 = arith.constant 1 : i32
      %dma_start3A_1772 = arith.constant 0 : i32
      %dma_start3A_1773 = tpu.memref_slice %arg23[%dma_start3A_1769, %dma_start3A_1772] : memref<16x128xf32, #tpu.memory_space<vmem>> -> memref<1x128xf32, #tpu.memory_space<vmem>>
      %dma_start3A_1774 = tpu.memref_squeeze %dma_start3A_1773 : memref<1x128xf32, #tpu.memory_space<vmem>> -> memref<128xf32, #tpu.memory_space<vmem>>
      %dma_start3A_1775 = arith.constant 0 : i32
      %dma_start3A_1776 = tpu.memref_slice %arg15[%dma_start3A_1770, %dma_start3A_1775] : memref<16x128xi32, #tpu.memory_space<vmem>> -> memref<1x128xi32, #tpu.memory_space<vmem>>
      %dma_start3A_1777 = tpu.memref_squeeze %dma_start3A_1776 : memref<1x128xi32, #tpu.memory_space<vmem>> -> memref<128xi32, #tpu.memory_space<vmem>>
      %dma_start3A_1778 = arith.constant 0 : i32
      %dma_start3A_1779 = tpu.memref_slice %arg25[%dma_start3A_1778] : memref<65536xf32, #tpu.memory_space<vmem_shared>> -> memref<65536xf32, #tpu.memory_space<vmem_shared>>
      %dma_start3A_1780 = tpu.memref_slice %arg28[%dma_start3A_1771] : memref<2x!tpu.dma_semaphore, #tpu.memory_space<semaphore_mem>> -> memref<1x!tpu.dma_semaphore, #tpu.memory_space<semaphore_mem>>
      %dma_start3A_1781 = tpu.memref_squeeze %dma_start3A_1780 : memref<1x!tpu.dma_semaphore, #tpu.memory_space<semaphore_mem>> -> memref<!tpu.dma_semaphore, #tpu.memory_space<semaphore_mem>>
      tpu.enqueue_indirect_dma source(%dma_start3A_1774 : memref<128xf32, #tpu.memory_space<vmem>>) target(%dma_start3A_1779 : memref<65536xf32, #tpu.memory_space<vmem_shared>>) offsets(%dma_start3A_1777 : memref<128xi32, #tpu.memory_space<vmem>>) semaphore(%dma_start3A_1781 : memref<!tpu.dma_semaphore, #tpu.memory_space<semaphore_mem>>) {add = true}
      %dma_start3A_1782 = arith.constant 10 : i32
      %dma_start3A_1783 = arith.constant 10 : i32
      %dma_start3A_1784 = arith.constant 1 : i32
      %dma_start3A_1785 = arith.constant 0 : i32
      %dma_start3A_1786 = tpu.memref_slice %arg21[%dma_start3A_1782, %dma_start3A_1785] : memref<16x128xf32, #tpu.memory_space<vmem>> -> memref<1x128xf32, #tpu.memory_space<vmem>>
      %dma_start3A_1787 = tpu.memref_squeeze %dma_start3A_1786 : memref<1x128xf32, #tpu.memory_space<vmem>> -> memref<128xf32, #tpu.memory_space<vmem>>
      %dma_start3A_1788 = arith.constant 0 : i32
      %dma_start3A_1789 = tpu.memref_slice %arg11[%dma_start3A_1783, %dma_start3A_1788] : memref<16x128xi32, #tpu.memory_space<vmem>> -> memref<1x128xi32, #tpu.memory_space<vmem>>
      %dma_start3A_1790 = tpu.memref_squeeze %dma_start3A_1789 : memref<1x128xi32, #tpu.memory_space<vmem>> -> memref<128xi32, #tpu.memory_space<vmem>>
      %dma_start3A_1791 = arith.constant 0 : i32
      %dma_start3A_1792 = tpu.memref_slice %arg25[%dma_start3A_1791] : memref<65536xf32, #tpu.memory_space<vmem_shared>> -> memref<65536xf32, #tpu.memory_space<vmem_shared>>
      %dma_start3A_1793 = tpu.memref_slice %arg28[%dma_start3A_1784] : memref<2x!tpu.dma_semaphore, #tpu.memory_space<semaphore_mem>> -> memref<1x!tpu.dma_semaphore, #tpu.memory_space<semaphore_mem>>
      %dma_start3A_1794 = tpu.memref_squeeze %dma_start3A_1793 : memref<1x!tpu.dma_semaphore, #tpu.memory_space<semaphore_mem>> -> memref<!tpu.dma_semaphore, #tpu.memory_space<semaphore_mem>>
      tpu.enqueue_indirect_dma source(%dma_start3A_1787 : memref<128xf32, #tpu.memory_space<vmem>>) target(%dma_start3A_1792 : memref<65536xf32, #tpu.memory_space<vmem_shared>>) offsets(%dma_start3A_1790 : memref<128xi32, #tpu.memory_space<vmem>>) semaphore(%dma_start3A_1794 : memref<!tpu.dma_semaphore, #tpu.memory_space<semaphore_mem>>) {add = true}
      %dma_start3A_1795 = arith.constant 10 : i32
      %dma_start3A_1796 = arith.constant 10 : i32
      %dma_start3A_1797 = arith.constant 1 : i32
      %dma_start3A_1798 = arith.constant 0 : i32
      %dma_start3A_1799 = tpu.memref_slice %arg23[%dma_start3A_1795, %dma_start3A_1798] : memref<16x128xf32, #tpu.memory_space<vmem>> -> memref<1x128xf32, #tpu.memory_space<vmem>>
      %dma_start3A_1800 = tpu.memref_squeeze %dma_start3A_1799 : memref<1x128xf32, #tpu.memory_space<vmem>> -> memref<128xf32, #tpu.memory_space<vmem>>
      %dma_start3A_1801 = arith.constant 0 : i32
      %dma_start3A_1802 = tpu.memref_slice %arg15[%dma_start3A_1796, %dma_start3A_1801] : memref<16x128xi32, #tpu.memory_space<vmem>> -> memref<1x128xi32, #tpu.memory_space<vmem>>
      %dma_start3A_1803 = tpu.memref_squeeze %dma_start3A_1802 : memref<1x128xi32, #tpu.memory_space<vmem>> -> memref<128xi32, #tpu.memory_space<vmem>>
      %dma_start3A_1804 = arith.constant 0 : i32
      %dma_start3A_1805 = tpu.memref_slice %arg25[%dma_start3A_1804] : memref<65536xf32, #tpu.memory_space<vmem_shared>> -> memref<65536xf32, #tpu.memory_space<vmem_shared>>
      %dma_start3A_1806 = tpu.memref_slice %arg28[%dma_start3A_1797] : memref<2x!tpu.dma_semaphore, #tpu.memory_space<semaphore_mem>> -> memref<1x!tpu.dma_semaphore, #tpu.memory_space<semaphore_mem>>
      %dma_start3A_1807 = tpu.memref_squeeze %dma_start3A_1806 : memref<1x!tpu.dma_semaphore, #tpu.memory_space<semaphore_mem>> -> memref<!tpu.dma_semaphore, #tpu.memory_space<semaphore_mem>>
      tpu.enqueue_indirect_dma source(%dma_start3A_1800 : memref<128xf32, #tpu.memory_space<vmem>>) target(%dma_start3A_1805 : memref<65536xf32, #tpu.memory_space<vmem_shared>>) offsets(%dma_start3A_1803 : memref<128xi32, #tpu.memory_space<vmem>>) semaphore(%dma_start3A_1807 : memref<!tpu.dma_semaphore, #tpu.memory_space<semaphore_mem>>) {add = true}
      %dma_start3A_1808 = arith.constant 11 : i32
      %dma_start3A_1809 = arith.constant 11 : i32
      %dma_start3A_1810 = arith.constant 1 : i32
      %dma_start3A_1811 = arith.constant 0 : i32
      %dma_start3A_1812 = tpu.memref_slice %arg21[%dma_start3A_1808, %dma_start3A_1811] : memref<16x128xf32, #tpu.memory_space<vmem>> -> memref<1x128xf32, #tpu.memory_space<vmem>>
      %dma_start3A_1813 = tpu.memref_squeeze %dma_start3A_1812 : memref<1x128xf32, #tpu.memory_space<vmem>> -> memref<128xf32, #tpu.memory_space<vmem>>
      %dma_start3A_1814 = arith.constant 0 : i32
      %dma_start3A_1815 = tpu.memref_slice %arg11[%dma_start3A_1809, %dma_start3A_1814] : memref<16x128xi32, #tpu.memory_space<vmem>> -> memref<1x128xi32, #tpu.memory_space<vmem>>
      %dma_start3A_1816 = tpu.memref_squeeze %dma_start3A_1815 : memref<1x128xi32, #tpu.memory_space<vmem>> -> memref<128xi32, #tpu.memory_space<vmem>>
      %dma_start3A_1817 = arith.constant 0 : i32
      %dma_start3A_1818 = tpu.memref_slice %arg25[%dma_start3A_1817] : memref<65536xf32, #tpu.memory_space<vmem_shared>> -> memref<65536xf32, #tpu.memory_space<vmem_shared>>
      %dma_start3A_1819 = tpu.memref_slice %arg28[%dma_start3A_1810] : memref<2x!tpu.dma_semaphore, #tpu.memory_space<semaphore_mem>> -> memref<1x!tpu.dma_semaphore, #tpu.memory_space<semaphore_mem>>
      %dma_start3A_1820 = tpu.memref_squeeze %dma_start3A_1819 : memref<1x!tpu.dma_semaphore, #tpu.memory_space<semaphore_mem>> -> memref<!tpu.dma_semaphore, #tpu.memory_space<semaphore_mem>>
      tpu.enqueue_indirect_dma source(%dma_start3A_1813 : memref<128xf32, #tpu.memory_space<vmem>>) target(%dma_start3A_1818 : memref<65536xf32, #tpu.memory_space<vmem_shared>>) offsets(%dma_start3A_1816 : memref<128xi32, #tpu.memory_space<vmem>>) semaphore(%dma_start3A_1820 : memref<!tpu.dma_semaphore, #tpu.memory_space<semaphore_mem>>) {add = true}
      %dma_start3A_1821 = arith.constant 11 : i32
      %dma_start3A_1822 = arith.constant 11 : i32
      %dma_start3A_1823 = arith.constant 1 : i32
      %dma_start3A_1824 = arith.constant 0 : i32
      %dma_start3A_1825 = tpu.memref_slice %arg23[%dma_start3A_1821, %dma_start3A_1824] : memref<16x128xf32, #tpu.memory_space<vmem>> -> memref<1x128xf32, #tpu.memory_space<vmem>>
      %dma_start3A_1826 = tpu.memref_squeeze %dma_start3A_1825 : memref<1x128xf32, #tpu.memory_space<vmem>> -> memref<128xf32, #tpu.memory_space<vmem>>
      %dma_start3A_1827 = arith.constant 0 : i32
      %dma_start3A_1828 = tpu.memref_slice %arg15[%dma_start3A_1822, %dma_start3A_1827] : memref<16x128xi32, #tpu.memory_space<vmem>> -> memref<1x128xi32, #tpu.memory_space<vmem>>
      %dma_start3A_1829 = tpu.memref_squeeze %dma_start3A_1828 : memref<1x128xi32, #tpu.memory_space<vmem>> -> memref<128xi32, #tpu.memory_space<vmem>>
      %dma_start3A_1830 = arith.constant 0 : i32
      %dma_start3A_1831 = tpu.memref_slice %arg25[%dma_start3A_1830] : memref<65536xf32, #tpu.memory_space<vmem_shared>> -> memref<65536xf32, #tpu.memory_space<vmem_shared>>
      %dma_start3A_1832 = tpu.memref_slice %arg28[%dma_start3A_1823] : memref<2x!tpu.dma_semaphore, #tpu.memory_space<semaphore_mem>> -> memref<1x!tpu.dma_semaphore, #tpu.memory_space<semaphore_mem>>
      %dma_start3A_1833 = tpu.memref_squeeze %dma_start3A_1832 : memref<1x!tpu.dma_semaphore, #tpu.memory_space<semaphore_mem>> -> memref<!tpu.dma_semaphore, #tpu.memory_space<semaphore_mem>>
      tpu.enqueue_indirect_dma source(%dma_start3A_1826 : memref<128xf32, #tpu.memory_space<vmem>>) target(%dma_start3A_1831 : memref<65536xf32, #tpu.memory_space<vmem_shared>>) offsets(%dma_start3A_1829 : memref<128xi32, #tpu.memory_space<vmem>>) semaphore(%dma_start3A_1833 : memref<!tpu.dma_semaphore, #tpu.memory_space<semaphore_mem>>) {add = true}
      %dma_start3A_1834 = arith.constant 12 : i32
      %dma_start3A_1835 = arith.constant 12 : i32
      %dma_start3A_1836 = arith.constant 1 : i32
      %dma_start3A_1837 = arith.constant 0 : i32
      %dma_start3A_1838 = tpu.memref_slice %arg21[%dma_start3A_1834, %dma_start3A_1837] : memref<16x128xf32, #tpu.memory_space<vmem>> -> memref<1x128xf32, #tpu.memory_space<vmem>>
      %dma_start3A_1839 = tpu.memref_squeeze %dma_start3A_1838 : memref<1x128xf32, #tpu.memory_space<vmem>> -> memref<128xf32, #tpu.memory_space<vmem>>
      %dma_start3A_1840 = arith.constant 0 : i32
      %dma_start3A_1841 = tpu.memref_slice %arg11[%dma_start3A_1835, %dma_start3A_1840] : memref<16x128xi32, #tpu.memory_space<vmem>> -> memref<1x128xi32, #tpu.memory_space<vmem>>
      %dma_start3A_1842 = tpu.memref_squeeze %dma_start3A_1841 : memref<1x128xi32, #tpu.memory_space<vmem>> -> memref<128xi32, #tpu.memory_space<vmem>>
      %dma_start3A_1843 = arith.constant 0 : i32
      %dma_start3A_1844 = tpu.memref_slice %arg25[%dma_start3A_1843] : memref<65536xf32, #tpu.memory_space<vmem_shared>> -> memref<65536xf32, #tpu.memory_space<vmem_shared>>
      %dma_start3A_1845 = tpu.memref_slice %arg28[%dma_start3A_1836] : memref<2x!tpu.dma_semaphore, #tpu.memory_space<semaphore_mem>> -> memref<1x!tpu.dma_semaphore, #tpu.memory_space<semaphore_mem>>
      %dma_start3A_1846 = tpu.memref_squeeze %dma_start3A_1845 : memref<1x!tpu.dma_semaphore, #tpu.memory_space<semaphore_mem>> -> memref<!tpu.dma_semaphore, #tpu.memory_space<semaphore_mem>>
      tpu.enqueue_indirect_dma source(%dma_start3A_1839 : memref<128xf32, #tpu.memory_space<vmem>>) target(%dma_start3A_1844 : memref<65536xf32, #tpu.memory_space<vmem_shared>>) offsets(%dma_start3A_1842 : memref<128xi32, #tpu.memory_space<vmem>>) semaphore(%dma_start3A_1846 : memref<!tpu.dma_semaphore, #tpu.memory_space<semaphore_mem>>) {add = true}
      %dma_start3A_1847 = arith.constant 12 : i32
      %dma_start3A_1848 = arith.constant 12 : i32
      %dma_start3A_1849 = arith.constant 1 : i32
      %dma_start3A_1850 = arith.constant 0 : i32
      %dma_start3A_1851 = tpu.memref_slice %arg23[%dma_start3A_1847, %dma_start3A_1850] : memref<16x128xf32, #tpu.memory_space<vmem>> -> memref<1x128xf32, #tpu.memory_space<vmem>>
      %dma_start3A_1852 = tpu.memref_squeeze %dma_start3A_1851 : memref<1x128xf32, #tpu.memory_space<vmem>> -> memref<128xf32, #tpu.memory_space<vmem>>
      %dma_start3A_1853 = arith.constant 0 : i32
      %dma_start3A_1854 = tpu.memref_slice %arg15[%dma_start3A_1848, %dma_start3A_1853] : memref<16x128xi32, #tpu.memory_space<vmem>> -> memref<1x128xi32, #tpu.memory_space<vmem>>
      %dma_start3A_1855 = tpu.memref_squeeze %dma_start3A_1854 : memref<1x128xi32, #tpu.memory_space<vmem>> -> memref<128xi32, #tpu.memory_space<vmem>>
      %dma_start3A_1856 = arith.constant 0 : i32
      %dma_start3A_1857 = tpu.memref_slice %arg25[%dma_start3A_1856] : memref<65536xf32, #tpu.memory_space<vmem_shared>> -> memref<65536xf32, #tpu.memory_space<vmem_shared>>
      %dma_start3A_1858 = tpu.memref_slice %arg28[%dma_start3A_1849] : memref<2x!tpu.dma_semaphore, #tpu.memory_space<semaphore_mem>> -> memref<1x!tpu.dma_semaphore, #tpu.memory_space<semaphore_mem>>
      %dma_start3A_1859 = tpu.memref_squeeze %dma_start3A_1858 : memref<1x!tpu.dma_semaphore, #tpu.memory_space<semaphore_mem>> -> memref<!tpu.dma_semaphore, #tpu.memory_space<semaphore_mem>>
      tpu.enqueue_indirect_dma source(%dma_start3A_1852 : memref<128xf32, #tpu.memory_space<vmem>>) target(%dma_start3A_1857 : memref<65536xf32, #tpu.memory_space<vmem_shared>>) offsets(%dma_start3A_1855 : memref<128xi32, #tpu.memory_space<vmem>>) semaphore(%dma_start3A_1859 : memref<!tpu.dma_semaphore, #tpu.memory_space<semaphore_mem>>) {add = true}
      %dma_start3A_1860 = arith.constant 13 : i32
      %dma_start3A_1861 = arith.constant 13 : i32
      %dma_start3A_1862 = arith.constant 1 : i32
      %dma_start3A_1863 = arith.constant 0 : i32
      %dma_start3A_1864 = tpu.memref_slice %arg21[%dma_start3A_1860, %dma_start3A_1863] : memref<16x128xf32, #tpu.memory_space<vmem>> -> memref<1x128xf32, #tpu.memory_space<vmem>>
      %dma_start3A_1865 = tpu.memref_squeeze %dma_start3A_1864 : memref<1x128xf32, #tpu.memory_space<vmem>> -> memref<128xf32, #tpu.memory_space<vmem>>
      %dma_start3A_1866 = arith.constant 0 : i32
      %dma_start3A_1867 = tpu.memref_slice %arg11[%dma_start3A_1861, %dma_start3A_1866] : memref<16x128xi32, #tpu.memory_space<vmem>> -> memref<1x128xi32, #tpu.memory_space<vmem>>
      %dma_start3A_1868 = tpu.memref_squeeze %dma_start3A_1867 : memref<1x128xi32, #tpu.memory_space<vmem>> -> memref<128xi32, #tpu.memory_space<vmem>>
      %dma_start3A_1869 = arith.constant 0 : i32
      %dma_start3A_1870 = tpu.memref_slice %arg25[%dma_start3A_1869] : memref<65536xf32, #tpu.memory_space<vmem_shared>> -> memref<65536xf32, #tpu.memory_space<vmem_shared>>
      %dma_start3A_1871 = tpu.memref_slice %arg28[%dma_start3A_1862] : memref<2x!tpu.dma_semaphore, #tpu.memory_space<semaphore_mem>> -> memref<1x!tpu.dma_semaphore, #tpu.memory_space<semaphore_mem>>
      %dma_start3A_1872 = tpu.memref_squeeze %dma_start3A_1871 : memref<1x!tpu.dma_semaphore, #tpu.memory_space<semaphore_mem>> -> memref<!tpu.dma_semaphore, #tpu.memory_space<semaphore_mem>>
      tpu.enqueue_indirect_dma source(%dma_start3A_1865 : memref<128xf32, #tpu.memory_space<vmem>>) target(%dma_start3A_1870 : memref<65536xf32, #tpu.memory_space<vmem_shared>>) offsets(%dma_start3A_1868 : memref<128xi32, #tpu.memory_space<vmem>>) semaphore(%dma_start3A_1872 : memref<!tpu.dma_semaphore, #tpu.memory_space<semaphore_mem>>) {add = true}
      %dma_start3A_1873 = arith.constant 13 : i32
      %dma_start3A_1874 = arith.constant 13 : i32
      %dma_start3A_1875 = arith.constant 1 : i32
      %dma_start3A_1876 = arith.constant 0 : i32
      %dma_start3A_1877 = tpu.memref_slice %arg23[%dma_start3A_1873, %dma_start3A_1876] : memref<16x128xf32, #tpu.memory_space<vmem>> -> memref<1x128xf32, #tpu.memory_space<vmem>>
      %dma_start3A_1878 = tpu.memref_squeeze %dma_start3A_1877 : memref<1x128xf32, #tpu.memory_space<vmem>> -> memref<128xf32, #tpu.memory_space<vmem>>
      %dma_start3A_1879 = arith.constant 0 : i32
      %dma_start3A_1880 = tpu.memref_slice %arg15[%dma_start3A_1874, %dma_start3A_1879] : memref<16x128xi32, #tpu.memory_space<vmem>> -> memref<1x128xi32, #tpu.memory_space<vmem>>
      %dma_start3A_1881 = tpu.memref_squeeze %dma_start3A_1880 : memref<1x128xi32, #tpu.memory_space<vmem>> -> memref<128xi32, #tpu.memory_space<vmem>>
      %dma_start3A_1882 = arith.constant 0 : i32
      %dma_start3A_1883 = tpu.memref_slice %arg25[%dma_start3A_1882] : memref<65536xf32, #tpu.memory_space<vmem_shared>> -> memref<65536xf32, #tpu.memory_space<vmem_shared>>
      %dma_start3A_1884 = tpu.memref_slice %arg28[%dma_start3A_1875] : memref<2x!tpu.dma_semaphore, #tpu.memory_space<semaphore_mem>> -> memref<1x!tpu.dma_semaphore, #tpu.memory_space<semaphore_mem>>
      %dma_start3A_1885 = tpu.memref_squeeze %dma_start3A_1884 : memref<1x!tpu.dma_semaphore, #tpu.memory_space<semaphore_mem>> -> memref<!tpu.dma_semaphore, #tpu.memory_space<semaphore_mem>>
      tpu.enqueue_indirect_dma source(%dma_start3A_1878 : memref<128xf32, #tpu.memory_space<vmem>>) target(%dma_start3A_1883 : memref<65536xf32, #tpu.memory_space<vmem_shared>>) offsets(%dma_start3A_1881 : memref<128xi32, #tpu.memory_space<vmem>>) semaphore(%dma_start3A_1885 : memref<!tpu.dma_semaphore, #tpu.memory_space<semaphore_mem>>) {add = true}
      %dma_start3A_1886 = arith.constant 14 : i32
      %dma_start3A_1887 = arith.constant 14 : i32
      %dma_start3A_1888 = arith.constant 1 : i32
      %dma_start3A_1889 = arith.constant 0 : i32
      %dma_start3A_1890 = tpu.memref_slice %arg21[%dma_start3A_1886, %dma_start3A_1889] : memref<16x128xf32, #tpu.memory_space<vmem>> -> memref<1x128xf32, #tpu.memory_space<vmem>>
      %dma_start3A_1891 = tpu.memref_squeeze %dma_start3A_1890 : memref<1x128xf32, #tpu.memory_space<vmem>> -> memref<128xf32, #tpu.memory_space<vmem>>
      %dma_start3A_1892 = arith.constant 0 : i32
      %dma_start3A_1893 = tpu.memref_slice %arg11[%dma_start3A_1887, %dma_start3A_1892] : memref<16x128xi32, #tpu.memory_space<vmem>> -> memref<1x128xi32, #tpu.memory_space<vmem>>
      %dma_start3A_1894 = tpu.memref_squeeze %dma_start3A_1893 : memref<1x128xi32, #tpu.memory_space<vmem>> -> memref<128xi32, #tpu.memory_space<vmem>>
      %dma_start3A_1895 = arith.constant 0 : i32
      %dma_start3A_1896 = tpu.memref_slice %arg25[%dma_start3A_1895] : memref<65536xf32, #tpu.memory_space<vmem_shared>> -> memref<65536xf32, #tpu.memory_space<vmem_shared>>
      %dma_start3A_1897 = tpu.memref_slice %arg28[%dma_start3A_1888] : memref<2x!tpu.dma_semaphore, #tpu.memory_space<semaphore_mem>> -> memref<1x!tpu.dma_semaphore, #tpu.memory_space<semaphore_mem>>
      %dma_start3A_1898 = tpu.memref_squeeze %dma_start3A_1897 : memref<1x!tpu.dma_semaphore, #tpu.memory_space<semaphore_mem>> -> memref<!tpu.dma_semaphore, #tpu.memory_space<semaphore_mem>>
      tpu.enqueue_indirect_dma source(%dma_start3A_1891 : memref<128xf32, #tpu.memory_space<vmem>>) target(%dma_start3A_1896 : memref<65536xf32, #tpu.memory_space<vmem_shared>>) offsets(%dma_start3A_1894 : memref<128xi32, #tpu.memory_space<vmem>>) semaphore(%dma_start3A_1898 : memref<!tpu.dma_semaphore, #tpu.memory_space<semaphore_mem>>) {add = true}
      %dma_start3A_1899 = arith.constant 14 : i32
      %dma_start3A_1900 = arith.constant 14 : i32
      %dma_start3A_1901 = arith.constant 1 : i32
      %dma_start3A_1902 = arith.constant 0 : i32
      %dma_start3A_1903 = tpu.memref_slice %arg23[%dma_start3A_1899, %dma_start3A_1902] : memref<16x128xf32, #tpu.memory_space<vmem>> -> memref<1x128xf32, #tpu.memory_space<vmem>>
      %dma_start3A_1904 = tpu.memref_squeeze %dma_start3A_1903 : memref<1x128xf32, #tpu.memory_space<vmem>> -> memref<128xf32, #tpu.memory_space<vmem>>
      %dma_start3A_1905 = arith.constant 0 : i32
      %dma_start3A_1906 = tpu.memref_slice %arg15[%dma_start3A_1900, %dma_start3A_1905] : memref<16x128xi32, #tpu.memory_space<vmem>> -> memref<1x128xi32, #tpu.memory_space<vmem>>
      %dma_start3A_1907 = tpu.memref_squeeze %dma_start3A_1906 : memref<1x128xi32, #tpu.memory_space<vmem>> -> memref<128xi32, #tpu.memory_space<vmem>>
      %dma_start3A_1908 = arith.constant 0 : i32
      %dma_start3A_1909 = tpu.memref_slice %arg25[%dma_start3A_1908] : memref<65536xf32, #tpu.memory_space<vmem_shared>> -> memref<65536xf32, #tpu.memory_space<vmem_shared>>
      %dma_start3A_1910 = tpu.memref_slice %arg28[%dma_start3A_1901] : memref<2x!tpu.dma_semaphore, #tpu.memory_space<semaphore_mem>> -> memref<1x!tpu.dma_semaphore, #tpu.memory_space<semaphore_mem>>
      %dma_start3A_1911 = tpu.memref_squeeze %dma_start3A_1910 : memref<1x!tpu.dma_semaphore, #tpu.memory_space<semaphore_mem>> -> memref<!tpu.dma_semaphore, #tpu.memory_space<semaphore_mem>>
      tpu.enqueue_indirect_dma source(%dma_start3A_1904 : memref<128xf32, #tpu.memory_space<vmem>>) target(%dma_start3A_1909 : memref<65536xf32, #tpu.memory_space<vmem_shared>>) offsets(%dma_start3A_1907 : memref<128xi32, #tpu.memory_space<vmem>>) semaphore(%dma_start3A_1911 : memref<!tpu.dma_semaphore, #tpu.memory_space<semaphore_mem>>) {add = true}
      %dma_start3A_1912 = arith.constant 15 : i32
      %dma_start3A_1913 = arith.constant 15 : i32
      %dma_start3A_1914 = arith.constant 1 : i32
      %dma_start3A_1915 = arith.constant 0 : i32
      %dma_start3A_1916 = tpu.memref_slice %arg21[%dma_start3A_1912, %dma_start3A_1915] : memref<16x128xf32, #tpu.memory_space<vmem>> -> memref<1x128xf32, #tpu.memory_space<vmem>>
      %dma_start3A_1917 = tpu.memref_squeeze %dma_start3A_1916 : memref<1x128xf32, #tpu.memory_space<vmem>> -> memref<128xf32, #tpu.memory_space<vmem>>
      %dma_start3A_1918 = arith.constant 0 : i32
      %dma_start3A_1919 = tpu.memref_slice %arg11[%dma_start3A_1913, %dma_start3A_1918] : memref<16x128xi32, #tpu.memory_space<vmem>> -> memref<1x128xi32, #tpu.memory_space<vmem>>
      %dma_start3A_1920 = tpu.memref_squeeze %dma_start3A_1919 : memref<1x128xi32, #tpu.memory_space<vmem>> -> memref<128xi32, #tpu.memory_space<vmem>>
      %dma_start3A_1921 = arith.constant 0 : i32
      %dma_start3A_1922 = tpu.memref_slice %arg25[%dma_start3A_1921] : memref<65536xf32, #tpu.memory_space<vmem_shared>> -> memref<65536xf32, #tpu.memory_space<vmem_shared>>
      %dma_start3A_1923 = tpu.memref_slice %arg28[%dma_start3A_1914] : memref<2x!tpu.dma_semaphore, #tpu.memory_space<semaphore_mem>> -> memref<1x!tpu.dma_semaphore, #tpu.memory_space<semaphore_mem>>
      %dma_start3A_1924 = tpu.memref_squeeze %dma_start3A_1923 : memref<1x!tpu.dma_semaphore, #tpu.memory_space<semaphore_mem>> -> memref<!tpu.dma_semaphore, #tpu.memory_space<semaphore_mem>>
      tpu.enqueue_indirect_dma source(%dma_start3A_1917 : memref<128xf32, #tpu.memory_space<vmem>>) target(%dma_start3A_1922 : memref<65536xf32, #tpu.memory_space<vmem_shared>>) offsets(%dma_start3A_1920 : memref<128xi32, #tpu.memory_space<vmem>>) semaphore(%dma_start3A_1924 : memref<!tpu.dma_semaphore, #tpu.memory_space<semaphore_mem>>) {add = true}
      %dma_start3A_1925 = arith.constant 15 : i32
      %dma_start3A_1926 = arith.constant 15 : i32
      %dma_start3A_1927 = arith.constant 1 : i32
      %dma_start3A_1928 = arith.constant 0 : i32
      %dma_start3A_1929 = tpu.memref_slice %arg23[%dma_start3A_1925, %dma_start3A_1928] : memref<16x128xf32, #tpu.memory_space<vmem>> -> memref<1x128xf32, #tpu.memory_space<vmem>>
      %dma_start3A_1930 = tpu.memref_squeeze %dma_start3A_1929 : memref<1x128xf32, #tpu.memory_space<vmem>> -> memref<128xf32, #tpu.memory_space<vmem>>
      %dma_start3A_1931 = arith.constant 0 : i32
      %dma_start3A_1932 = tpu.memref_slice %arg15[%dma_start3A_1926, %dma_start3A_1931] : memref<16x128xi32, #tpu.memory_space<vmem>> -> memref<1x128xi32, #tpu.memory_space<vmem>>
      %dma_start3A_1933 = tpu.memref_squeeze %dma_start3A_1932 : memref<1x128xi32, #tpu.memory_space<vmem>> -> memref<128xi32, #tpu.memory_space<vmem>>
      %dma_start3A_1934 = arith.constant 0 : i32
      %dma_start3A_1935 = tpu.memref_slice %arg25[%dma_start3A_1934] : memref<65536xf32, #tpu.memory_space<vmem_shared>> -> memref<65536xf32, #tpu.memory_space<vmem_shared>>
      %dma_start3A_1936 = tpu.memref_slice %arg28[%dma_start3A_1927] : memref<2x!tpu.dma_semaphore, #tpu.memory_space<semaphore_mem>> -> memref<1x!tpu.dma_semaphore, #tpu.memory_space<semaphore_mem>>
      %dma_start3A_1937 = tpu.memref_squeeze %dma_start3A_1936 : memref<1x!tpu.dma_semaphore, #tpu.memory_space<semaphore_mem>> -> memref<!tpu.dma_semaphore, #tpu.memory_space<semaphore_mem>>
      tpu.enqueue_indirect_dma source(%dma_start3A_1930 : memref<128xf32, #tpu.memory_space<vmem>>) target(%dma_start3A_1935 : memref<65536xf32, #tpu.memory_space<vmem_shared>>) offsets(%dma_start3A_1933 : memref<128xi32, #tpu.memory_space<vmem>>) semaphore(%dma_start3A_1937 : memref<!tpu.dma_semaphore, #tpu.memory_space<semaphore_mem>>) {add = true}
      %add3A_1938 = arith.constant 2 : i32
      %add3A_1939 = arith.addi %add3A_1486, %add3A_1938 : i32
      %lt3A_1940 = arith.constant 64 : i32
      %lt3A_1941 = arith.cmpi slt, %add3A_1939, %lt3A_1940 : i32
      %convert_element_type3A_1942 = arith.extui %lt3A_1941 : i1 to i32
      %cond3A_1943 = arith.constant 0 : i32
      %cond3A_1944 = arith.cmpi ne, %convert_element_type3A_1942, %cond3A_1943 : i32
      scf.if %cond3A_1944 {
        %add3A_1945 = arith.constant 2 : i32
        %add3A_1946 = arith.addi %add3A_1486, %add3A_1945 : i32
        %mul3A_1947 = arith.constant 16 : i32
        %mul3A_1948 = arith.muli %add3A_1946, %mul3A_1947 : i32
        %add3A_1949 = arith.addi %mul3A_2, %mul3A_1948 : i32
        %dma_start3A_1950 = arith.constant 1 : i32
        %dma_start3A_1951 = arith.constant 0 : i32
        %dma_start3A_1952 = tpu.memref_slice %arg4[%add3A_1949, %dma_start3A_1951] : memref<32768x128xi32, #tpu.memory_space<hbm>> -> memref<16x128xi32, #tpu.memory_space<hbm>>
        %dma_start3A_1953 = tpu.memref_slice %arg26[%dma_start3A_1950] : memref<4x!tpu.dma_semaphore, #tpu.memory_space<semaphore_mem>> -> memref<1x!tpu.dma_semaphore, #tpu.memory_space<semaphore_mem>>
        %dma_start3A_1954 = tpu.memref_squeeze %dma_start3A_1953 : memref<1x!tpu.dma_semaphore, #tpu.memory_space<semaphore_mem>> -> memref<!tpu.dma_semaphore, #tpu.memory_space<semaphore_mem>>
        %dma_start3A_1955 = arith.constant 0 : i32
        %dma_start3A_1956 = tpu.memref_slice %arg4[%add3A_1949, %dma_start3A_1955] : memref<32768x128xi32, #tpu.memory_space<hbm>> -> memref<16x128xi32, #tpu.memory_space<hbm>>
        tpu.enqueue_dma source(%dma_start3A_1956 : memref<16x128xi32, #tpu.memory_space<hbm>>) target(%arg9 : memref<16x128xi32, #tpu.memory_space<vmem>>) target_semaphore(%dma_start3A_1954 : memref<!tpu.dma_semaphore, #tpu.memory_space<semaphore_mem>>)
        %dma_start3A_1957 = arith.constant 1 : i32
        %dma_start3A_1958 = arith.constant 0 : i32
        %dma_start3A_1959 = tpu.memref_slice %arg5[%add3A_1949, %dma_start3A_1958] : memref<32768x128xi32, #tpu.memory_space<hbm>> -> memref<16x128xi32, #tpu.memory_space<hbm>>
        %dma_start3A_1960 = tpu.memref_slice %arg26[%dma_start3A_1957] : memref<4x!tpu.dma_semaphore, #tpu.memory_space<semaphore_mem>> -> memref<1x!tpu.dma_semaphore, #tpu.memory_space<semaphore_mem>>
        %dma_start3A_1961 = tpu.memref_squeeze %dma_start3A_1960 : memref<1x!tpu.dma_semaphore, #tpu.memory_space<semaphore_mem>> -> memref<!tpu.dma_semaphore, #tpu.memory_space<semaphore_mem>>
        %dma_start3A_1962 = arith.constant 0 : i32
        %dma_start3A_1963 = tpu.memref_slice %arg5[%add3A_1949, %dma_start3A_1962] : memref<32768x128xi32, #tpu.memory_space<hbm>> -> memref<16x128xi32, #tpu.memory_space<hbm>>
        tpu.enqueue_dma source(%dma_start3A_1963 : memref<16x128xi32, #tpu.memory_space<hbm>>) target(%arg13 : memref<16x128xi32, #tpu.memory_space<vmem>>) target_semaphore(%dma_start3A_1961 : memref<!tpu.dma_semaphore, #tpu.memory_space<semaphore_mem>>)
        %dma_start3A_1964 = arith.constant 1 : i32
        %dma_start3A_1965 = arith.constant 0 : i32
        %dma_start3A_1966 = tpu.memref_slice %arg2[%add3A_1949, %dma_start3A_1965] : memref<32768x128xf32, #tpu.memory_space<hbm>> -> memref<16x128xf32, #tpu.memory_space<hbm>>
        %dma_start3A_1967 = tpu.memref_slice %arg27[%dma_start3A_1964] : memref<4x!tpu.dma_semaphore, #tpu.memory_space<semaphore_mem>> -> memref<1x!tpu.dma_semaphore, #tpu.memory_space<semaphore_mem>>
        %dma_start3A_1968 = tpu.memref_squeeze %dma_start3A_1967 : memref<1x!tpu.dma_semaphore, #tpu.memory_space<semaphore_mem>> -> memref<!tpu.dma_semaphore, #tpu.memory_space<semaphore_mem>>
        %dma_start3A_1969 = arith.constant 0 : i32
        %dma_start3A_1970 = tpu.memref_slice %arg2[%add3A_1949, %dma_start3A_1969] : memref<32768x128xf32, #tpu.memory_space<hbm>> -> memref<16x128xf32, #tpu.memory_space<hbm>>
        tpu.enqueue_dma source(%dma_start3A_1970 : memref<16x128xf32, #tpu.memory_space<hbm>>) target(%arg17 : memref<16x128xf32, #tpu.memory_space<vmem>>) target_semaphore(%dma_start3A_1968 : memref<!tpu.dma_semaphore, #tpu.memory_space<semaphore_mem>>)
      } else {
      }
    }
    %scan3A_60 = arith.constant 16 : i32
    %dma_wait3A = arith.constant 0 : i32
    %dma_wait3A_61 = arith.constant 0 : i32
    %dma_wait3A_62 = arith.constant 0 : i32
    %dma_wait3A_63 = tpu.memref_slice %arg2[%dma_wait3A_61, %dma_wait3A_62] : memref<32768x128xf32, #tpu.memory_space<hbm>> -> memref<16x128xf32, #tpu.memory_space<hbm>>
    %dma_wait3A_64 = tpu.memref_slice %arg28[%dma_wait3A] : memref<2x!tpu.dma_semaphore, #tpu.memory_space<semaphore_mem>> -> memref<1x!tpu.dma_semaphore, #tpu.memory_space<semaphore_mem>>
    %dma_wait3A_65 = tpu.memref_squeeze %dma_wait3A_64 : memref<1x!tpu.dma_semaphore, #tpu.memory_space<semaphore_mem>> -> memref<!tpu.dma_semaphore, #tpu.memory_space<semaphore_mem>>
    %dma_wait3A_66 = arith.constant 0 : i32
    %dma_wait3A_67 = arith.constant 0 : i32
    %dma_wait3A_68 = tpu.memref_slice %arg2[%dma_wait3A_66, %dma_wait3A_67] : memref<32768x128xf32, #tpu.memory_space<hbm>> -> memref<16x128xf32, #tpu.memory_space<hbm>>
    tpu.wait_dma2 semaphore(%dma_wait3A_65 : memref<!tpu.dma_semaphore, #tpu.memory_space<semaphore_mem>>) src(%dma_wait3A_68 : memref<16x128xf32, #tpu.memory_space<hbm>>) dst(%arg20 : memref<16x128xf32, #tpu.memory_space<vmem>>)
    %dma_wait3A_69 = arith.constant 0 : i32
    %dma_wait3A_70 = arith.constant 0 : i32
    %dma_wait3A_71 = arith.constant 0 : i32
    %dma_wait3A_72 = tpu.memref_slice %arg2[%dma_wait3A_70, %dma_wait3A_71] : memref<32768x128xf32, #tpu.memory_space<hbm>> -> memref<16x128xf32, #tpu.memory_space<hbm>>
    %dma_wait3A_73 = tpu.memref_slice %arg28[%dma_wait3A_69] : memref<2x!tpu.dma_semaphore, #tpu.memory_space<semaphore_mem>> -> memref<1x!tpu.dma_semaphore, #tpu.memory_space<semaphore_mem>>
    %dma_wait3A_74 = tpu.memref_squeeze %dma_wait3A_73 : memref<1x!tpu.dma_semaphore, #tpu.memory_space<semaphore_mem>> -> memref<!tpu.dma_semaphore, #tpu.memory_space<semaphore_mem>>
    %dma_wait3A_75 = arith.constant 0 : i32
    %dma_wait3A_76 = arith.constant 0 : i32
    %dma_wait3A_77 = tpu.memref_slice %arg2[%dma_wait3A_75, %dma_wait3A_76] : memref<32768x128xf32, #tpu.memory_space<hbm>> -> memref<16x128xf32, #tpu.memory_space<hbm>>
    tpu.wait_dma2 semaphore(%dma_wait3A_74 : memref<!tpu.dma_semaphore, #tpu.memory_space<semaphore_mem>>) src(%dma_wait3A_77 : memref<16x128xf32, #tpu.memory_space<hbm>>) dst(%arg22 : memref<16x128xf32, #tpu.memory_space<vmem>>)
    %dma_wait3A_78 = arith.constant 1 : i32
    %dma_wait3A_79 = arith.constant 0 : i32
    %dma_wait3A_80 = arith.constant 0 : i32
    %dma_wait3A_81 = tpu.memref_slice %arg2[%dma_wait3A_79, %dma_wait3A_80] : memref<32768x128xf32, #tpu.memory_space<hbm>> -> memref<16x128xf32, #tpu.memory_space<hbm>>
    %dma_wait3A_82 = tpu.memref_slice %arg28[%dma_wait3A_78] : memref<2x!tpu.dma_semaphore, #tpu.memory_space<semaphore_mem>> -> memref<1x!tpu.dma_semaphore, #tpu.memory_space<semaphore_mem>>
    %dma_wait3A_83 = tpu.memref_squeeze %dma_wait3A_82 : memref<1x!tpu.dma_semaphore, #tpu.memory_space<semaphore_mem>> -> memref<!tpu.dma_semaphore, #tpu.memory_space<semaphore_mem>>
    %dma_wait3A_84 = arith.constant 0 : i32
    %dma_wait3A_85 = arith.constant 0 : i32
    %dma_wait3A_86 = tpu.memref_slice %arg2[%dma_wait3A_84, %dma_wait3A_85] : memref<32768x128xf32, #tpu.memory_space<hbm>> -> memref<16x128xf32, #tpu.memory_space<hbm>>
    tpu.wait_dma2 semaphore(%dma_wait3A_83 : memref<!tpu.dma_semaphore, #tpu.memory_space<semaphore_mem>>) src(%dma_wait3A_86 : memref<16x128xf32, #tpu.memory_space<hbm>>) dst(%arg21 : memref<16x128xf32, #tpu.memory_space<vmem>>)
    %dma_wait3A_87 = arith.constant 1 : i32
    %dma_wait3A_88 = arith.constant 0 : i32
    %dma_wait3A_89 = arith.constant 0 : i32
    %dma_wait3A_90 = tpu.memref_slice %arg2[%dma_wait3A_88, %dma_wait3A_89] : memref<32768x128xf32, #tpu.memory_space<hbm>> -> memref<16x128xf32, #tpu.memory_space<hbm>>
    %dma_wait3A_91 = tpu.memref_slice %arg28[%dma_wait3A_87] : memref<2x!tpu.dma_semaphore, #tpu.memory_space<semaphore_mem>> -> memref<1x!tpu.dma_semaphore, #tpu.memory_space<semaphore_mem>>
    %dma_wait3A_92 = tpu.memref_squeeze %dma_wait3A_91 : memref<1x!tpu.dma_semaphore, #tpu.memory_space<semaphore_mem>> -> memref<!tpu.dma_semaphore, #tpu.memory_space<semaphore_mem>>
    %dma_wait3A_93 = arith.constant 0 : i32
    %dma_wait3A_94 = arith.constant 0 : i32
    %dma_wait3A_95 = tpu.memref_slice %arg2[%dma_wait3A_93, %dma_wait3A_94] : memref<32768x128xf32, #tpu.memory_space<hbm>> -> memref<16x128xf32, #tpu.memory_space<hbm>>
    tpu.wait_dma2 semaphore(%dma_wait3A_92 : memref<!tpu.dma_semaphore, #tpu.memory_space<semaphore_mem>>) src(%dma_wait3A_95 : memref<16x128xf32, #tpu.memory_space<hbm>>) dst(%arg23 : memref<16x128xf32, #tpu.memory_space<vmem>>)
    %barrier3A_96 = arith.constant 0 : index
    tpu.barrier barrier_id(%barrier3A_96)
    %mul3A_97 = arith.constant 4096 : i32
    %mul3A_98 = arith.muli %arg1, %mul3A_97 : i32
    %mul3A_99 = arith.constant 4096 : i32
    %mul3A_100 = arith.muli %arg1, %mul3A_99 : i32
    "tpu.region"() ({
      %run_scoped3A = tpu.sem_alloc : memref<!tpu.dma_semaphore, #tpu.memory_space<semaphore_mem>>
      %dma_start3A_101 = tpu.memref_slice %arg6[%arg0, %mul3A_100] : memref<2x65536xf32, #tpu.memory_space<hbm>> -> memref<1x4096xf32, #tpu.memory_space<hbm>>
      %dma_start3A_102 = tpu.memref_squeeze %dma_start3A_101 : memref<1x4096xf32, #tpu.memory_space<hbm>> -> memref<4096xf32, #tpu.memory_space<hbm>>
      %dma_start3A_103 = tpu.memref_slice %arg25[%mul3A_98] : memref<65536xf32, #tpu.memory_space<vmem_shared>> -> memref<4096xf32, #tpu.memory_space<vmem_shared>>
      tpu.enqueue_dma source(%dma_start3A_103 : memref<4096xf32, #tpu.memory_space<vmem_shared>>) target(%dma_start3A_102 : memref<4096xf32, #tpu.memory_space<hbm>>) target_semaphore(%run_scoped3A : memref<!tpu.dma_semaphore, #tpu.memory_space<semaphore_mem>>)
      %dma_wait3A_104 = tpu.memref_slice %arg6[%arg0, %mul3A_100] : memref<2x65536xf32, #tpu.memory_space<hbm>> -> memref<1x4096xf32, #tpu.memory_space<hbm>>
      %dma_wait3A_105 = tpu.memref_squeeze %dma_wait3A_104 : memref<1x4096xf32, #tpu.memory_space<hbm>> -> memref<4096xf32, #tpu.memory_space<hbm>>
      %dma_wait3A_106 = tpu.memref_slice %arg25[%mul3A_98] : memref<65536xf32, #tpu.memory_space<vmem_shared>> -> memref<4096xf32, #tpu.memory_space<vmem_shared>>
      tpu.wait_dma2 semaphore(%run_scoped3A : memref<!tpu.dma_semaphore, #tpu.memory_space<semaphore_mem>>) src(%dma_wait3A_106 : memref<4096xf32, #tpu.memory_space<vmem_shared>>) dst(%dma_wait3A_105 : memref<4096xf32, #tpu.memory_space<hbm>>)
      tpu.yield
    }) : () -> ()
    return
  }
}

module attributes {stable_mosaic.version = 14 : i64} {
  func.func @_combine_body(%arg0: memref<2x512x128xf32, #tpu.memory_space<vmem>>, %arg1: memref<512x128xf32, #tpu.memory_space<vmem>>) attributes {dimension_semantics = [], scalar_prefetch = 0 : i64, scratch_operands = 0 : i64, tpu.core_type = #tpu.core_type<tc>} {
    %get3A = arith.constant 0 : index
    %get3A_0 = arith.constant 0 : index
    %get3A_1 = arith.constant 0 : index
    %get3A_2 = vector.load %arg0[%get3A, %get3A_0, %get3A_1] : memref<2x512x128xf32, #tpu.memory_space<vmem>>, vector<1x512x128xf32>
    %get3A_3 = vector.shape_cast %get3A_2 : vector<1x512x128xf32> to vector<512x128xf32>
    %get3A_4 = arith.constant 1 : index
    %get3A_5 = arith.constant 0 : index
    %get3A_6 = arith.constant 0 : index
    %get3A_7 = vector.load %arg0[%get3A_4, %get3A_5, %get3A_6] : memref<2x512x128xf32, #tpu.memory_space<vmem>>, vector<1x512x128xf32>
    %get3A_8 = vector.shape_cast %get3A_7 : vector<1x512x128xf32> to vector<512x128xf32>
    %add3A = arith.addf %get3A_3, %get3A_8 : vector<512x128xf32>
    %swap3A = arith.constant 0 : index
    %swap3A_9 = arith.constant 0 : index
    %swap3A_10 = vector.load %arg1[%swap3A, %swap3A_9] : memref<512x128xf32, #tpu.memory_space<vmem>>, vector<512x128xf32>
    tpu.vector_store %arg1[%swap3A, %swap3A_9], %add3A {strides = array<i32>} : memref<512x128xf32, #tpu.memory_space<vmem>>, vector<512x128xf32>,
    return
  }
}

</mosaic_0001>

<sc_bundles>
// kernel: kernel.4.cloned.1.call-start
scs
__scs_entry_jumppad:
0x0: {  	(pc) =	sbr.rel $0x88, $3  }
0x1: {  	(tag) =	ssettag $0x0;
	lr =	simm.s32 $0x1  }
0x2: {  	[smem:$0x3F9D] =	sst lr;
	_ =	strace $0xD0000000  }
0x3: {  	_ = 	snop  }
0x4: {  	_ = 	snop  }
0x5: {  	_ = 	snop  }
0x6: {  	_ = 	snop  }
0x7: {  	_ = 	snop  }
__scs_overlays_trampoline_lowered:
0x8: {  	[smem:$0x3FAC] =	sst s0  }
0x9: {  	[smem:$0x3FAD] =	sst s1  }
0xa: {  	[smem:$0x3FAE] =	sst s2  }
0xb: {  	[smem:$0x3FAF] =	sst s3  }
0xc: {  	[smem:$0x3FB0] =	sst s4  }
0xd: {  	[smem:$0x3FB1] =	sst s5  }
0xe: {  	[smem:$0x3FB2] =	sst s6  }
0xf: {  	[smem:$0x3FB3] =	sst s7  }
0x10: {  	[smem:$0x3FB4] =	sst s8  }
0x11: {  	[smem:$0x3FB5] =	sst s9;
	s0 =	simm.s32 @!p0 $0x0  }
0x12: {  	s1 =	sld [smem:$0x3F9B];
	s0 =	simm.s32 @p0 $0x1  }
0x13: {  	[smem:$0x3FB6] =	sst s0;
	s0 =	simm.s32 @!p1 $0x0  }
0x14: {  	s2 =	sld [smem:$0x3F9A];
	s0 =	simm.s32 @p1 $0x1  }
0x15: {  	[smem:$0x3FB7] =	sst s0;
	s0 =	simm.s32 @!p2 $0x0  }
0x16: {  	s3 =	sld [smem:$0x3FDB];
	s0 =	simm.s32 @p2 $0x1  }
0x17: {  	s4 =	simm.s32 $0x1BF5;
	[smem:$0x3FB9] =	sst s0  }
0x18: {  	s0 =	sld [smem:$0x3F9C];
	_ =	swait.ge [sflag:s4], $0x0  }
0x19: {  	s7 =	sld [smem:$0x3F9D]  }
0x1a: {  	s8 =	sadd.s32 $0xFFFFE003, lr  }
0x1b: {  	s9 =	sadd.s32 $0xFFFFFEF7, lr;
	s5 =	simm.s32 $0xFFFFFFFF;
	p2 =	slt.u32 s8, $0xFFFFF086  }
0x1c: {  	p1 =	slt.u32 s9, $0xF7A;
	s5 =	simm.s32 @!p2 $0x0  }
0x1d: {  	s5 =	simm.s32 @p1 $0x1;
	p0 =	seq.s32 s7, s2  }
0x1e: {  	s7 =	smul.u32 @!p0 $0xF7A, s2;
	p2 =	seq.s32 @!p0 s5, $0x0  }
0x1f: {  	s9 =	smul.u32 $0xF7A, s1;
	s8 =	simm.s32 @!p0 $0x1BF5;
	p2 =	por !p2, p0  }
0x20: {  	[sflag:s8] =	ssyncset.s32 @!p0 $0xFFFFF086;
	s6 =	sadd.s32 @!p0 s3, s7;
	s7 =	simm.s32 @!p0 $0x108  }
0x21: {  	s3 =	sadd.s32 s3, s9;
	s6 =	sadd.s32 @!p0 $0x88, s6;
	s7 =	simm.s32 @p2 $0x1082  }
0x22: {  	[simem:s7], [sflag:s8] =	dma.local @!p0 [hbm:s6], $0xF7A  }
0x23: {  	s9 =	sor.u32 $0xD0000000, s2;
	s6 =	simm.s32 $0x108;
	_ =	swait.ge @!p0 [sflag:s8], $0x0  }
0x24: {  	s3 =	sadd.s32 $0x88, s3;
	s6 =	simm.s32 @!p1 $0x1082;
	[sflag:s4] =	ssyncset.s32 $0xFFFFF086  }
0x25: {  	[simem:s6], [sflag:s4] =	dma.local [hbm:s3], $0xF7A  }
0x26: {  	[smem:$0x3F9D] =	sst s1;
	(tag) =	ssettag s2;
	_ =	strace s9  }
0x27: {  	s1 =	sld [smem:$0x3FAD]  }
0x28: {  	s2 =	sld [smem:$0x3FAE]  }
0x29: {  	s4 =	sld [smem:$0x3FB0]  }
0x2a: {  	p0 =	seq.s32 s5, $0x0;
	s5 =	sld [smem:$0x3FB1]  }
0x2b: {  	s6 =	sld [smem:$0x3FB2]  }
0x2c: {  	s7 =	sld [smem:$0x3FB3]  }
0x2d: {  	s3 =	simm.s32 $0x108;
	s8 =	sld [smem:$0x3FB4]  }
0x2e: {  	s3 =	simm.s32 @!p0 $0x1082;
	s9 =	sld [smem:$0x3FB5]  }
0x2f: {  	lr =	sadd.s32 s0, s3;
	s0 =	sld [smem:$0x3FAC]  }
0x30: {  	s3 =	sld [smem:$0x3FAF]  }
0x31: {  	[smem:$0x3FB8] =	sst s10  }
0x32: {  	s10 =	sld [smem:$0x3FB6];
	_ =	sdelay $0x3  }
0x33: {  	p0 =	seq.s32 s10, $0x1;
	s10 =	sld [smem:$0x3FB8];
	_ =	sdelay $0x3  }
0x34: {  	[smem:$0x3FB8] =	sst s10  }
0x35: {  	s10 =	sld [smem:$0x3FB7];
	_ =	sdelay $0x3  }
0x36: {  	p1 =	seq.s32 s10, $0x1;
	s10 =	sld [smem:$0x3FB8];
	_ =	sdelay $0x3  }
0x37: {  	[smem:$0x3FB8] =	sst s10  }
0x38: {  	s10 =	sld [smem:$0x3FB9]  }
0x39: {  	_ = 	snop;
	(pc) =	sbr.ind lr, $3  }
0x3a: {  	_ = 	snop  }
0x3b: {  	_ = 	snop  }
0x3c: {  	p2 =	seq.s32 s10, $0x1;
	s10 =	sld [smem:$0x3FB8]  }
0x3d: {  	_ =	shalt  }
0x3e: {  	_ =	shalt  }
0x3f: {  	_ =	shalt  }
0x40: {  	_ =	shalt  }
0x41: {  	_ =	shalt  }
0x42: {  	_ =	shalt  }
0x43: {  	_ =	shalt  }
0x44: {  	_ =	shalt  }
0x45: {  	_ =	shalt  }
0x46: {  	_ =	shalt  }
0x47: {  	_ =	shalt  }
0x48: {  	_ =	shalt  }
0x49: {  	_ =	shalt  }
0x4a: {  	_ =	shalt  }
0x4b: {  	_ =	shalt  }
0x4c: {  	_ =	shalt  }
0x4d: {  	_ =	shalt  }
0x4e: {  	_ =	shalt  }
0x4f: {  	_ =	shalt  }
0x50: {  	_ =	shalt  }
0x51: {  	_ =	shalt  }
0x52: {  	_ =	shalt  }
0x53: {  	_ =	shalt  }
0x54: {  	_ =	shalt  }
0x55: {  	_ =	shalt  }
0x56: {  	_ =	shalt  }
0x57: {  	_ =	shalt  }
0x58: {  	_ =	shalt  }
0x59: {  	_ =	shalt  }
0x5a: {  	_ =	shalt  }
0x5b: {  	_ =	shalt  }
0x5c: {  	_ =	shalt  }
0x5d: {  	_ =	shalt  }
0x5e: {  	_ =	shalt  }
0x5f: {  	_ =	shalt  }
0x60: {  	_ =	shalt  }
0x61: {  	_ =	shalt  }
0x62: {  	_ =	shalt  }
0x63: {  	_ =	shalt  }
0x64: {  	_ =	shalt  }
0x65: {  	_ =	shalt  }
0x66: {  	_ =	shalt  }
0x67: {  	_ =	shalt  }
0x68: {  	_ =	shalt  }
0x69: {  	_ =	shalt  }
0x6a: {  	_ =	shalt  }
0x6b: {  	_ =	shalt  }
0x6c: {  	_ =	shalt  }
0x6d: {  	_ =	shalt  }
0x6e: {  	_ =	shalt  }
0x6f: {  	_ =	shalt  }
0x70: {  	_ =	shalt  }
0x71: {  	_ =	shalt  }
0x72: {  	_ =	shalt  }
0x73: {  	_ =	shalt  }
0x74: {  	_ =	shalt  }
0x75: {  	_ =	shalt  }
0x76: {  	_ =	shalt  }
0x77: {  	_ =	shalt  }
0x78: {  	_ =	shalt  }
0x79: {  	_ =	shalt  }
0x7a: {  	_ =	shalt  }
0x7b: {  	_ =	shalt  }
0x7c: {  	_ =	shalt  }
0x7d: {  	_ =	shalt  }
0x7e: {  	_ =	shalt  }
0x7f: {  	_ =	shalt  }
0x80: {  	_ =	shalt  }
0x81: {  	_ =	shalt  }
0x82: {  	_ =	shalt  }
0x83: {  	_ =	shalt  }
0x84: {  	_ =	shalt  }
0x85: {  	_ =	shalt  }
0x86: {  	_ =	shalt  }
0x87: {  	_ =	shalt  }
.Lfunc_end0:
.L_simem_size_0:
called_computation_lowered:
.L_overlay_start_0:
0x88: {  	s2 =	sld [smem:$0x3FD9]  }
0x89: {  	s3 =	sld [smem:$0x3FFE];
	_ =	sdelay $0x1  }
0x8a: {  	s1 =	srdreg.scid  }
0x8b: {  	s0 =	sand.u32 $0x1, s1  }
0x8c: {  	s17 =	sshll.u32 s0, $0xA;
	s2 =	sadd.s32 s3, s2  }
0x8d: {  	s2 =	sadd.s32 s2, s17  }
0x8e: {  	[smem:$0x3FC4] =	sst s2  }
0x8f: {  	_ = 	snop  }
0x90: {  	s2 =	sld [smem:$0x3FC9]  }
0x91: {  	s18 =	sld [smem:$0x3FC8]  }
0x92: {  	s4 =	sld [smem:$0x3FC7]  }
0x93: {  	s5 =	sld [smem:$0x3FC6];
	(tm) =	ssettm $0x1  }
0x94: {  	s6 =	sld [smem:$0x3FFB];
	_ =	sdelay $0x3  }
0x95: {  	_ =	strace s6  }
0x96: {  	s6 =	sld [smem:$0x3FFC];
	_ =	sdelay $0x3  }
0x97: {  	_ =	strace s6  }
0x98: {  	s6 =	sld [smem:$0x3FFD];
	_ =	sdelay $0x3  }
0x99: {  	_ =	strace s6  }
0x9a: {  	_ =	strace $0x8FFFFFFF  }
0x9b: {  	s19 =	sld [smem:$0x3FDB];
	_ =	sdelay $0x1  }
0x9c: {  	s7 =	simm.s32 $_scs_section_size  }
0x9d: {  	s8 =	simm.s32 $_size__tile_overlayer_lowered;
	s9 =	simm.s32 $_tile_overlayer_lowered  }
0x9e: {  	s22 =	simm.s32 $0x1BFF;
	s21 =	sshll.u32 s9, $0x1;
	s6 =	sadd.s32 s7, s19  }
0x9f: {  	s10 =	simm.s32 $0x0;
	s20 =	sshll.u32 s8, $0x1;
	s8 =	sadd.s32 s21, s6  }
0xa0: {  	[timem:s10], [sflag:s22] =	dma.local [hbm:s8], s20  }
0xa1: {  	_ =	swait.ge [sflag:s22], s20  }
0xa2: {  	s7 =	ssub.s32 $0x0, s20;
	[sflag:s22] =	ssyncset.done $0x0  }
0xa3: {  	[sflag:s22] =	ssyncadd.s32 s7;
	_ =	sdelay $0x1  }
0xa4: {  	s23 =	simm.s32 $0x1B8B  }
0xa5: {  	_ =	swait.ge [sflag:s23], $0x1  }
0xa6: {  	[sflag:s23] =	ssyncset.done $0x0  }
0xa7: {  	s25 =	simm.s32 $0x1B8E;
	s24 =	sld [smem:$0x3FFE];
	[sflag:s23] =	ssyncadd.s32 $0xFFFFFFFF  }
0xa8: {  	s26 =	simm.s32 $execute0_lowered;
	[smem:$0x3FD2] =	sst s25  }
0xa9: {  	s8 =	sshll.u32 s26, $0x1;
	_ =	strace $0x80000046;
	[dreg:$0x1] =	wrdreg $0xFFFFFFFF  }
0xaa: {  	s28 =	simm.s32 $_size_execute0_lowered;
	s6 =	sadd.s32 s6, s8;
	[dreg:$0x0] =	wrdreg $0x0  }
0xab: {  	s8 =	sshll.u32 s28, $0x1;
	[dreg:$0x2] =	wrdreg s6  }
0xac: {  	[dreg:$0x3] =	wrdreg s8  }
0xad: {  	[dreg:$0x4] =	wrdreg $0xC0  }
0xae: {  	_ =	task [dreg:s10], $0x5FFFF  }
0xaf: {  	[dreg:$0x1] =	wrdreg $0xFFFFFFFF  }
0xb0: {  	[dreg:$0x0] =	wrdreg $0x60  }
0xb1: {  	[dreg:$0x2] =	wrdreg s2  }
0xb2: {  	[dreg:$0x3] =	wrdreg s18  }
0xb3: {  	[dreg:$0x4] =	wrdreg s4  }
0xb4: {  	[dreg:$0x5] =	wrdreg s5  }
0xb5: {  	[dreg:$0x6] =	wrdreg s24  }
0xb6: {  	[dreg:$0x7] =	wrdreg $0x190000  }
0xb7: {  	[dreg:$0x8] =	wrdreg $0x9  }
0xb8: {  	_ =	task.clear_ibuf [dreg:s10], $0x9FFFF;
	_ =	strace $0x90000046  }
0xb9: {  	s29 =	simm.s32 $0x9;
	_ =	strace $0x80000048  }
0xba: {  	_ =	swait.ge [sflag:s29], $0x1  }
0xbb: {  	[sflag:s29] =	ssyncadd.s32 $0xFFFFFFFF  }
0xbc: {  	_ =	strace $0x90000048  }
0xbd: {  	_ =	sfence  }
0xbe: {  	s30 =	sld [smem:$0x0];
	_ =	sdelay $0x2  }
0xbf: {  	s31 =	sshll.u32 s1, $0xD;
	s1 =	sshrl.u32 s1, $0x2  }
0xc0: {  	s3 =	sand.u32 $0x4000, s31;
	s1 =	sadd.s32 s1, s30  }
0xc1: {  	s0 =	sor.u32 s3, s0;
	s1 =	sshll.u32 s1, $0x11  }
0xc2: {  	s0 =	sor.u32 s1, s0  }
0xc3: {  	s0 =	sadd.s32 $0x8F2B, s0  }
0xc4: {  	[sflag:s0] =	ssyncadd.remote.s32 $0x1  }
0xc5: {  	_ =	sfence.sel $0xFFFF  }
0xc6: {  	[dreg:$0x0] =	wrdreg $0xFFFFFFFF;
	(pc) =	sbr.abs _section_cstart, $3  }
0xc7: {  	[dreg:$0x1] =	wrdreg $0xFFFFFFFF  }
0xc8: {  	_ =	task.clear_ibuf [dreg:s10], $0x2FFFF;
	_ =	strace $0x9FFFFFFF  }
0xc9: {  	(tm) =	ssettm $0x7FFFFFFF  }
tec
execute0_lowered:
.L_overlay_start_1:
0x0: {  	(tag) =	ssettag $0x1  }
0x1: {  	s1 =	rddreg [dreg:$0x0]  }
0x2: {  	s3 =	rddreg [dreg:$0x2]  }
0x3: {  	s4 =	rddreg [dreg:$0x3]  }
0x4: {  	s0 =	rddreg [dreg:$0x4]  }
0x5: {  	s5 =	rddreg [dreg:$0x5];
	s6 =	simm.s32 $0x0  }
0x6: {  	s2 =	srdreg.scid;
	s10 =	stileid.u32;
	s30 =	simm.s32 $0x1  }
0x7: {  	s31 =	simm.s32 $0x5;
	s28 =	simm.s32 $0x16F80;
	s11 =	simm.s32 $0x3  }
0x8: {  	s13 =	simm.s32 $0x7;
	s29 =	simm.s32 $0xA;
	s12 =	simm.s32 $0x0  }
0x9: {  	[smem:$0x7FF] =	sst s6;
	s2 =	sand.u32 $0x1, s2;
	s9 =	sshll.u32 s10, $0xE  }
0xa: {  	s17 =	sshll.u32 s10, $0xA;
	_ =	strace $0x80000047;
	s7 =	sshll.u32 s2, $0x4  }
0xb: {  	s8 =	ssub.s32 $0x2, s2;
	s2 =	sshll.u32 s2, $0x12;
	s16 =	sshrl.u32 s9, $0x2  }
0xc: {  	s0 =	sadd.s32 s7, s0;
	s15 =	sshrl.u32 s8, $0x1;
	s9 =	sor.u32 s9, s2  }
0xd: {  	s14 =	sadd.s32 s16, s5;
	s16 =	simm.s32 $0x17E80;
	s2 =	simm.s32 $0x17F80  }
0xe: {  	s7 =	ssub.s32 s8, s15;
	s18 =	sadd.s32 s3, s9;
	[dreg:$0x7] =	wrdreg s9  }
0xf: {  	s19 =	sadd.s32 s4, s9;
	s20 =	sor.u32 $0x100, s9;
	[dreg:$0x8] =	wrdreg s14  }
0x10: {  	s21 =	sadd.s32 s1, s9;
	s24 =	sor.u32 $0x400, s9;
	[dreg:$0x9] =	wrdreg s18  }
0x11: {  	s0 =	sadd.s32 s17, s0;
	s25 =	sor.u32 $0x500, s9;
	[dreg:$0xa] =	wrdreg s19  }
0x12: {  	s17 =	simm.s32 $0x16E80;
	s15 =	simm.s32 $0x9;
	[dreg:$0xb] =	wrdreg s21  }
0x13: {  	s9 =	simm.s32 $0x8;
	s22 =	sadd.s32 s3, s20;
	[dreg:$0xf] =	wrdreg s24  }
0x14: {  	s23 =	sadd.s32 s4, s20;
	s8 =	sadd.s32 s1, s20;
	[dreg:$0x10] =	wrdreg s25  }
0x15: {  	s0 =	sadd.s32 $0x400, s0;
	s26 =	smax.u32 s7, $0x1;
	[dreg:$0xc] =	wrdreg s22  }
.Ltmp0:
0x16: {  	s18 =	simm.s32 $0xC;
	[dreg:$0xd] =	wrdreg s23;
	(pc) =	sbr.rel .LBB2_1-.Ltmp0, $4  }
0x17: {  	s24 =	simm.s32 $0x10800;
	s25 =	simm.s32 $0x6;
	[dreg:$0xe] =	wrdreg s8  }
0x18: {  	s20 =	simm.s32 $0x11800;
	s7 =	simm.s32 $0x13800;
	[dreg:$0x11] =	wrdreg s0  }
0x19: {  	s19 =	simm.s32 $0x4;
	[dreg:$0x12] =	wrdreg s26;
	s0 =	simm.s32 $0x80  }
0x1a: {  	v0 =	vimm.f32 $0.0e+00;
	s22 =	simm.s32 $0x2;
	s8 =	simm.s32 $0x16F00;
	s26 =	simm.s32 $0x17F00  }
.LBB2_14:
0x1b: {  	_ =	swait.ge [sflag:s15], $0x800  }
0x1c: {  	[sflag:s15] =	ssyncset.done $0x0  }
0x1d: {  	[sflag:s15] =	ssyncadd.s32 $0xFFFFF800  }
0x1e: {  	_ =	swait.ge [sflag:s15], $0x800  }
0x1f: {  	[sflag:s15] =	ssyncset.done $0x0  }
0x20: {  	[sflag:s15] =	ssyncadd.s32 $0xFFFFF800  }
0x21: {  	_ =	swait.ge [sflag:s29], $0x800  }
0x22: {  	[sflag:s29] =	ssyncset.done $0x0  }
0x23: {  	[sflag:s29] =	ssyncadd.s32 $0xFFFFF800  }
0x24: {  	_ =	swait.ge [sflag:s29], $0x800  }
0x25: {  	[sflag:s29] =	ssyncset.done $0x0  }
0x26: {  	[sflag:s29] =	ssyncadd.s32 $0xFFFFF800  }
0x27: {  	s10 =	stileid.u32;
	s21 =	simm.s32 $0x20;
	[bflag:$0x0] =	sbarrier.arrive $0xFFFF  }
0x28: {  	s23 =	simm.s32 $0x10;
	s10 =	sshll.u32 s10, $0x6;
	s14 =	rddreg [dreg:$0x8]  }
0x29: {  	s10 =	sor.u32 $0x1C0C, s10;
	s18 =	rddreg [dreg:$0x11];
	s12 =	sshrl.u32 s14, $0x3  }
0x2a: {  	[hbm:s18@s21], [sflag:s10] =	dma.strided [spmem:s12@s23], $0x200, s30, $0x10   }
0x2b: {  	s18 =	simm.s32 $0xC  }
0x2c: {  	_ =	swait.ge [sflag:s18], $0x200  }
0x2d: {  	s21 =	rddreg [dreg:$0x13]  }
0x2e: {  	s23 =	rddreg [dreg:$0x12];
	s12 =	sadd.s32 $0x1, s21  }
0x2f: {  	p0 =	sne.s32 s12, s23  }
.Ltmp1:
0x30: {  	_ = 	snop;
	(pc) =	sbr.rel @!p0 .LBB2_15-.Ltmp1, $3  }
0x31: {  	_ =	sdelay $0x1  }
0x32: {  	[sflag:s18] =	ssyncset.done $0x0  }
0x33: {  	[sflag:s18] =	ssyncadd.s32 $0xFFFFFE00  }
.LBB2_1:
0x34: {  	s10 =	rddreg [dreg:$0x1]  }
0x35: {  	[tilespmem:s6], [sflag:$0xB] =	stream.linear.gather [hbm4b:s10+s6], $0x10000, $0x38;
	[tilespmem:$0x1A000] =	vst v63  }
0x36: {  	[dreg:$0x13] =	wrdreg s12;
	s12 =	simm.s32 $0x0;
	s10 =	simm.s32 $0x40  }
.LBB2_2:
0x37: {  	p0 =	sne.s32 s10, $0x3FC0;
	[tilespmem:s12+$0x18000] =	vst v0;
	s12 =	smov.u32 s10;
	s10 =	sadd.s32 $0x40, s10  }
.Ltmp2:
0x38: {  	(pc) =	sbr.rel @p0 .LBB2_2-.Ltmp2, $2  }
0x39: {  	_ =	sdelay $0x2  }
0x3a: {  	s12 =	sshra.s32 s12, $0x2  }
0x3b: {  	[tilespmem:s12+$0x18000] =	vst v0;
	s10 =	simm.s32 $0x18000  }
0x3c: {  	[spmem:s14] =	stream.linear.scatter [tilespmem:s10], [sflag:$0xC], $0x1000, $0x38;
	[tilespmem:$0x1A000] =	vst v63  }
0x3d: {  	_ =	swait.ge [sflag:s18], $0x1000  }
0x3e: {  	[sflag:s18] =	ssyncset.done $0x0  }
0x3f: {  	[sflag:s18] =	ssyncadd.s32 $0xFFFFF000;
	s18 =	simm.s32 $0xB  }
0x40: {  	_ =	swait.ge [sflag:s18], $0x10000  }
0x41: {  	[sflag:s18] =	ssyncset.done $0x0  }
0x42: {  	[sflag:s18] =	ssyncadd.s32 $0xFFFF0000  }
0x43: {  	[bflag:$0x0] =	sbarrier.arrive $0xFFFF  }
0x44: {  	s23 =	simm.s32 $0x10000;
	s10 =	simm.s32 $0x0;
	s21 =	rddreg [dreg:$0x9]  }
0x45: {  	[tilespmem:s23], [sflag:$0x1] =	stream.linear.gather [hbm4b:s21+s10], $0x800, $0x38;
	[tilespmem:$0x1A000] =	vst v63  }
0x46: {  	s18 =	simm.s32 $0x12000;
	s14 =	rddreg [dreg:$0xa]  }
0x47: {  	[tilespmem:s18], [sflag:$0x1] =	stream.linear.gather [hbm4b:s14+s10], $0x800, $0x38;
	[tilespmem:$0x1A000] =	vst v63  }
0x48: {  	s21 =	rddreg [dreg:$0xb];
	s23 =	simm.s32 $0x14000  }
0x49: {  	[tilespmem:s23], [sflag:$0x5] =	stream.linear.gather [hbm4b:s21+s10], $0x800, $0x38;
	[tilespmem:$0x1A000] =	vst v63  }
0x4a: {  	s14 =	rddreg [dreg:$0xc]  }
0x4b: {  	[tilespmem:s24], [sflag:$0x2] =	stream.linear.gather [hbm4b:s14+s10], $0x800, $0x38;
	[tilespmem:$0x1A000] =	vst v63  }
0x4c: {  	s18 =	rddreg [dreg:$0xd];
	s21 =	simm.s32 $0x12800  }
0x4d: {  	[tilespmem:s21], [sflag:$0x2] =	stream.linear.gather [hbm4b:s18+s10], $0x800, $0x38;
	[tilespmem:$0x1A000] =	vst v63  }
0x4e: {  	s23 =	rddreg [dreg:$0xe];
	s24 =	simm.s32 $0x14800  }
0x4f: {  	[tilespmem:s24], [sflag:$0x6] =	stream.linear.gather [hbm4b:s23+s10], $0x800, $0x38;
	[tilespmem:$0x1A000] =	vst v63  }
.LBB2_4:
0x50: {  	_ =	swait.ge [sflag:s30], $0x800  }
0x51: {  	[sflag:s30] =	ssyncset.done $0x0  }
0x52: {  	[sflag:s30] =	ssyncadd.s32 $0xFFFFF800  }
0x53: {  	_ =	swait.ge [sflag:s30], $0x800  }
0x54: {  	[sflag:s30] =	ssyncset.done $0x0  }
0x55: {  	[sflag:s30] =	ssyncadd.s32 $0xFFFFF800  }
0x56: {  	_ =	swait.ge [sflag:s31], $0x800  }
0x57: {  	p0 =	seq.s32 s10, $0x0;
	[sflag:s31] =	ssyncset.done $0x0  }
0x58: {  	s12 =	simm.s32 @!p0 $0x9;
	[sflag:s31] =	ssyncadd.s32 $0xFFFFF800  }
0x59: {  	_ =	swait.ge @!p0 [sflag:s12], $0x800  }
0x5a: {  	[sflag:s12] =	ssyncset.done @!p0 $0x0  }
0x5b: {  	[sflag:s12] =	ssyncadd.s32 @!p0 $0xFFFFF800  }
0x5c: {  	_ =	swait.ge @!p0 [sflag:s12], $0x800  }
0x5d: {  	[sflag:s12] =	ssyncset.done @!p0 $0x0  }
0x5e: {  	s18 =	simm.s32 $0x0;
	[sflag:s12] =	ssyncadd.s32 @!p0 $0xFFFFF800  }
0x5f: {  	v1 =	vld [tilespmem:s18+$0x12000]  }
0x60: {  	v2 =	vld [tilespmem:s18+$0x10000];
	_ =	sdelay $0x5  }
0x61: {  	v5 =	vld [tilespmem:s18+$0x14000]  }
0x62: {  	v3 =	vld.idx.msk [tilespmem:v1+s6+$0x0], $0xffff  }
0x63: {  	v4 =	vld.idx.msk [tilespmem:v2+s6+$0x0], $0xffff  }
0x64: {  	v6 =	vld [tilespmem:s18+$0x12010]  }
0x65: {  	v7 =	vld [tilespmem:s18+$0x10010];
	_ =	sdelay $0x2  }
0x66: {  	v3 =	vmul.f32 v3, v5;
	v4 =	vmul.f32 v4, v5  }
0x67: {  	vm0 =	veq.s32 v2, v1  }
0x68: {  	[tilespmem:s18+$0x16000] =	vst v3;
	v1 =	vsel vm0, $0x0, v4  }
0x69: {  	v3 =	vld [tilespmem:s18+$0x14010];
	[tilespmem:s18+$0x17000] =	vst v1  }
0x6a: {  	v1 =	vld.idx.msk [tilespmem:v6+s6+$0x0], $0xffff  }
0x6b: {  	v2 =	vld.idx.msk [tilespmem:v7+s6+$0x0], $0xffff  }
0x6c: {  	v4 =	vld [tilespmem:s18+$0x12020]  }
0x6d: {  	v5 =	vld [tilespmem:s18+$0x10020];
	_ =	sdelay $0x2  }
0x6e: {  	v1 =	vmul.f32 v1, v3;
	v2 =	vmul.f32 v2, v3  }
0x6f: {  	vm7 =	veq.s32 v7, v6  }
0x70: {  	[tilespmem:s18+$0x16010] =	vst v1;
	v1 =	vsel vm7, $0x0, v2  }
0x71: {  	v3 =	vld [tilespmem:s18+$0x14020];
	[tilespmem:s18+$0x17010] =	vst v1  }
0x72: {  	v1 =	vld.idx.msk [tilespmem:v4+s6+$0x0], $0xffff  }
0x73: {  	v2 =	vld.idx.msk [tilespmem:v5+s6+$0x0], $0xffff  }
0x74: {  	v6 =	vld [tilespmem:s18+$0x12030]  }
0x75: {  	v7 =	vld [tilespmem:s18+$0x10030]  }
0x76: {  	v8 =	vld [tilespmem:s18+$0x14030]  }
0x77: {  	v9 =	vld [tilespmem:s18+$0x10040]  }
0x78: {  	s12 =	simm.s32 $0x80;
	v10 =	vld [tilespmem:s18+$0x14040];
	v1 =	vmul.f32 v1, v3;
	v2 =	vmul.f32 v2, v3  }
0x79: {  	vm8 =	veq.s32 v5, v4;
	v4 =	vld [tilespmem:s12+$0x12000]  }
0x7a: {  	v13 =	vld [tilespmem:s12+$0x12010];
	[tilespmem:s18+$0x16020] =	vst v1;
	v1 =	vsel vm8, $0x0, v2  }
0x7b: {  	v2 =	vld [tilespmem:s12+$0x10000];
	[tilespmem:s18+$0x17020] =	vst v1  }
0x7c: {  	v1 =	vld.idx.msk [tilespmem:v6+s6+$0x0], $0xffff  }
0x7d: {  	v5 =	vld.idx.msk [tilespmem:v7+s6+$0x0], $0xffff  }
0x7e: {  	v3 =	vld [tilespmem:s18+$0x12040]  }
0x7f: {  	v14 =	vld [tilespmem:s18+$0x14050]  }
0x80: {  	v15 =	vld [tilespmem:s18+$0x12060]  }
0x81: {  	v11 =	vld.idx.msk [tilespmem:v4+s6+$0x0], $0xffff  }
0x82: {  	v1 =	vmul.f32 v1, v8;
	v5 =	vmul.f32 v5, v8;
	v8 =	vld [tilespmem:s12+$0x14000]  }
0x83: {  	vm9 =	veq.s32 v7, v6;
	v12 =	vld.idx.msk [tilespmem:v2+s6+$0x0], $0xffff  }
0x84: {  	v16 =	vld [tilespmem:s18+$0x10060];
	[tilespmem:s18+$0x16030] =	vst v1;
	v1 =	vsel vm9, $0x0, v5  }
0x85: {  	v5 =	vld [tilespmem:s12+$0x10010];
	[tilespmem:s18+$0x17030] =	vst v1  }
0x86: {  	v6 =	vld.idx.msk [tilespmem:v3+s6+$0x0], $0xffff  }
0x87: {  	v7 =	vld.idx.msk [tilespmem:v9+s6+$0x0], $0xffff  }
0x88: {  	v1 =	vmul.f32 v11, v8;
	v11 =	vld [tilespmem:s18+$0x12050];
	v8 =	vmul.f32 v12, v8  }
0x89: {  	vm10 =	veq.s32 v2, v4;
	v4 =	vld [tilespmem:s18+$0x10050]  }
0x8a: {  	v17 =	vld [tilespmem:s18+$0x14060];
	[tilespmem:s12+$0x16000] =	vst v1;
	v2 =	vsel vm10, $0x0, v8  }
0x8b: {  	vm11 =	veq.s32 v9, v3;
	v3 =	vld [tilespmem:s12+$0x14010];
	[tilespmem:s12+$0x17000] =	vst v2  }
0x8c: {  	v6 =	vmul.f32 v6, v10;
	v7 =	vmul.f32 v7, v10;
	v2 =	vld.idx.msk [tilespmem:v13+s6+$0x0], $0xffff  }
0x8d: {  	v8 =	vld.idx.msk [tilespmem:v5+s6+$0x0], $0xffff  }
0x8e: {  	v9 =	vld [tilespmem:s12+$0x12020];
	[tilespmem:s18+$0x16040] =	vst v6;
	v6 =	vsel vm11, $0x0, v7  }
0x8f: {  	v7 =	vld [tilespmem:s12+$0x10020];
	[tilespmem:s18+$0x17040] =	vst v6  }
0x90: {  	v10 =	vld.idx.msk [tilespmem:v11+s6+$0x0], $0xffff  }
0x91: {  	v12 =	vld.idx.msk [tilespmem:v4+s6+$0x0], $0xffff  }
0x92: {  	v1 =	vld [tilespmem:s18+$0x14070];
	v2 =	vmul.f32 v2, v3;
	v3 =	vmul.f32 v8, v3  }
0x93: {  	vm12 =	veq.s32 v5, v13;
	v6 =	vld [tilespmem:s12+$0x12030]  }
0x94: {  	vm13 =	veq.s32 v4, v11;
	v4 =	vld [tilespmem:s12+$0x14020];
	[tilespmem:s12+$0x16010] =	vst v2;
	v3 =	vsel vm12, $0x0, v3  }
0x95: {  	v2 =	vld [tilespmem:s18+$0x12070];
	[tilespmem:s12+$0x17010] =	vst v3  }
0x96: {  	v5 =	vmul.f32 v10, v14;
	v8 =	vmul.f32 v12, v14;
	v3 =	vld.idx.msk [tilespmem:v9+s6+$0x0], $0xffff  }
0x97: {  	v10 =	vld.idx.msk [tilespmem:v7+s6+$0x0], $0xffff  }
0x98: {  	vm14 =	veq.s32 v7, v9;
	v9 =	vld [tilespmem:s12+$0x14040];
	[tilespmem:s18+$0x16050] =	vst v5;
	v5 =	vsel vm13, $0x0, v8  }
0x99: {  	v8 =	vld [tilespmem:s12+$0x10030];
	[tilespmem:s18+$0x17050] =	vst v5  }
0x9a: {  	v14 =	vld.idx.msk [tilespmem:v16+s6+$0x0], $0xffff  }
0x9b: {  	v13 =	vld.idx.msk [tilespmem:v15+s6+$0x0], $0xffff  }
0x9c: {  	s21 =	simm.s32 $0x100;
	v11 =	vmul.f32 v3, v4;
	v4 =	vmul.f32 v10, v4;
	v3 =	vld [tilespmem:s18+$0x10070]  }
0x9d: {  	v10 =	vld [tilespmem:s21+$0x12000]  }
0x9e: {  	[tilespmem:s12+$0x16020] =	vst v11;
	v4 =	vsel vm14, $0x0, v4;
	v11 =	vld [tilespmem:s21+$0x10000]  }
0x9f: {  	[tilespmem:s12+$0x17020] =	vst v4;
	v7 =	vmul.f32 v14, v17;
	v14 =	vld [tilespmem:s12+$0x14030]  }
0xa0: {  	v4 =	vmul.f32 v13, v17;
	v12 =	vld.idx.msk [tilespmem:v6+s6+$0x0], $0xffff  }
0xa1: {  	vm15 =	veq.s32 v16, v15;
	v13 =	vld.idx.msk [tilespmem:v8+s6+$0x0], $0xffff  }
0xa2: {  	v5 =	vld [tilespmem:s12+$0x12040];
	[tilespmem:s18+$0x16060] =	vst v4;
	v4 =	vsel vm15, $0x0, v7  }
0xa3: {  	v7 =	vld [tilespmem:s12+$0x10040];
	[tilespmem:s18+$0x17060] =	vst v4  }
0xa4: {  	s14 =	sshll.u32 s10, $0xA;
	s23 =	simm.s32 $0x600;
	v4 =	vld.idx.msk [tilespmem:v3+s6+$0x0], $0xffff  }
.LBB2_5:
0xa5: {  	p1 =	sne.s32 s23, $0x1E00;
	v15 =	vld [tilespmem:s21+$0x12010]  }
0xa6: {  	v16 =	vld.idx.msk [tilespmem:v10+s6+$0x0], $0xffff;
	v12 =	vmul.f32 v12, v14;
	v13 =	vmul.f32 v13, v14  }
0xa7: {  	vm0 =	veq.s32 v8, v6;
	v14 =	vld.idx.msk [tilespmem:v11+s6+$0x0], $0xffff  }
0xa8: {  	v6 =	vld [tilespmem:s21+$0x14000];
	[tilespmem:s12+$0x16030] =	vst v12;
	v8 =	vsel vm0, $0x0, v13  }
0xa9: {  	v4 =	vmul.f32 v4, v1;
	v12 =	vld [tilespmem:s21+$0x10010];
	[tilespmem:s12+$0x17030] =	vst v8  }
0xaa: {  	vm0 =	veq.s32 v3, v2;
	v8 =	vld.idx.msk [tilespmem:v5+s6+$0x0], $0xffff  }
0xab: {  	v4 =	vsel vm0, $0x0, v4;
	v3 =	vld.idx.msk [tilespmem:v7+s6+$0x0], $0xffff  }
0xac: {  	v2 =	vld.idx.msk [tilespmem:v2+s6+$0x0], $0xffff;
	[tilespmem:s18+$0x17070] =	vst v4  }
0xad: {  	v4 =	vmul.f32 v16, v6;
	v6 =	vmul.f32 v14, v6;
	v13 =	vld [tilespmem:s12+$0x12050]  }
0xae: {  	vm0 =	veq.s32 v11, v10;
	v10 =	vld [tilespmem:s12+$0x10050]  }
0xaf: {  	[tilespmem:s21+$0x16000] =	vst v4;
	v4 =	vsel vm0, $0x0, v6;
	v6 =	vld [tilespmem:s12+$0x14070]  }
0xb0: {  	[tilespmem:s21+$0x17000] =	vst v4;
	v4 =	vld [tilespmem:s21+$0x12020]  }
0xb1: {  	v8 =	vmul.f32 v8, v9;
	v3 =	vmul.f32 v3, v9;
	v11 =	vld.idx.msk [tilespmem:v15+s6+$0x0], $0xffff  }
0xb2: {  	vm0 =	veq.s32 v7, v5;
	v2 =	vmul.f32 v2, v1;
	v9 =	vld.idx.msk [tilespmem:v12+s6+$0x0], $0xffff  }
0xb3: {  	v3 =	vsel vm0, $0x0, v3;
	v5 =	vld [tilespmem:s21+$0x14010];
	[tilespmem:s12+$0x16040] =	vst v8  }
0xb4: {  	v7 =	vld [tilespmem:s21+$0x10020];
	[tilespmem:s12+$0x17040] =	vst v3;
	v1 =	vmov v6  }
0xb5: {  	v3 =	vld.idx.msk [tilespmem:v13+s6+$0x0], $0xffff;
	[tilespmem:s18+$0x16070] =	vst v2;
	s18 =	smov.u32 s12;
	s12 =	smov.u32 s21  }
0xb6: {  	v8 =	vld.idx.msk [tilespmem:v10+s6+$0x0], $0xffff  }
0xb7: {  	v14 =	vld [tilespmem:s18+$0x14050]  }
0xb8: {  	v2 =	vmul.f32 v11, v5;
	v5 =	vmul.f32 v9, v5;
	v9 =	vld [tilespmem:s18+$0x12060]  }
0xb9: {  	vm0 =	veq.s32 v12, v15;
	v15 =	vld [tilespmem:s18+$0x10060]  }
0xba: {  	[tilespmem:s12+$0x16010] =	vst v2;
	v5 =	vsel vm0, $0x0, v5;
	v2 =	vld [tilespmem:s18+$0x12070]  }
0xbb: {  	[tilespmem:s12+$0x17010] =	vst v5;
	v6 =	vld [tilespmem:s12+$0x12030]  }
0xbc: {  	v5 =	vld.idx.msk [tilespmem:v4+s6+$0x0], $0xffff;
	v3 =	vmul.f32 v3, v14;
	v8 =	vmul.f32 v8, v14  }
0xbd: {  	vm0 =	veq.s32 v10, v13;
	v11 =	vld.idx.msk [tilespmem:v7+s6+$0x0], $0xffff  }
0xbe: {  	v10 =	vld [tilespmem:s12+$0x14020];
	[tilespmem:s18+$0x16050] =	vst v3;
	v3 =	vsel vm0, $0x0, v8  }
0xbf: {  	v8 =	vld [tilespmem:s12+$0x10030];
	[tilespmem:s18+$0x17050] =	vst v3  }
0xc0: {  	v13 =	vld.idx.msk [tilespmem:v9+s6+$0x0], $0xffff  }
0xc1: {  	v14 =	vld.idx.msk [tilespmem:v15+s6+$0x0], $0xffff  }
0xc2: {  	v16 =	vld [tilespmem:s18+$0x14060]  }
0xc3: {  	v12 =	vmul.f32 v5, v10;
	v11 =	vmul.f32 v11, v10;
	v3 =	vld [tilespmem:s18+$0x10070]  }
0xc4: {  	s21 =	sshra.s32 s23, $0x2;
	vm0 =	veq.s32 v7, v4;
	v5 =	vld [tilespmem:s12+$0x12040]  }
0xc5: {  	v10 =	vld [tilespmem:s21+$0x12000];
	[tilespmem:s12+$0x16020] =	vst v12;
	v4 =	vsel vm0, $0x0, v11  }
0xc6: {  	v11 =	vld [tilespmem:s21+$0x10000];
	[tilespmem:s12+$0x17020] =	vst v4  }
0xc7: {  	v12 =	vld.idx.msk [tilespmem:v6+s6+$0x0], $0xffff;
	v4 =	vmul.f32 v13, v16;
	v7 =	vmul.f32 v14, v16  }
.Ltmp3:
0xc8: {  	vm0 =	veq.s32 v15, v9;
	v13 =	vld.idx.msk [tilespmem:v8+s6+$0x0], $0xffff;
	(pc) =	sbr.rel @p1 .LBB2_5-.Ltmp3, $4  }
0xc9: {  	v14 =	vld [tilespmem:s12+$0x14030];
	[tilespmem:s18+$0x16060] =	vst v4;
	v4 =	vsel vm0, $0x0, v7  }
0xca: {  	v7 =	vld [tilespmem:s12+$0x10040];
	[tilespmem:s18+$0x17060] =	vst v4  }
0xcb: {  	v4 =	vld.idx.msk [tilespmem:v3+s6+$0x0], $0xffff  }
0xcc: {  	s23 =	sadd.s32 $0x200, s23;
	v9 =	vld [tilespmem:s12+$0x14040]  }
0xcd: {  	_ =	sdelay $0x3  }
0xce: {  	v15 =	vld.idx.msk [tilespmem:v10+s6+$0x0], $0xffff  }
0xcf: {  	v16 =	vld.idx.msk [tilespmem:v11+s6+$0x0], $0xffff  }
0xd0: {  	v17 =	vld [tilespmem:s21+$0x14000]  }
0xd1: {  	v18 =	vld [tilespmem:s21+$0x12010]  }
0xd2: {  	v19 =	vld [tilespmem:s21+$0x10010];
	_ =	sdelay $0x2  }
0xd3: {  	v15 =	vmul.f32 v15, v17;
	v16 =	vmul.f32 v16, v17  }
0xd4: {  	vm0 =	veq.s32 v11, v10  }
0xd5: {  	[tilespmem:s21+$0x16000] =	vst v15;
	v10 =	vsel vm0, $0x0, v16  }
0xd6: {  	v15 =	vld [tilespmem:s21+$0x14010];
	[tilespmem:s21+$0x17000] =	vst v10  }
0xd7: {  	v10 =	vld.idx.msk [tilespmem:v18+s6+$0x0], $0xffff  }
0xd8: {  	v11 =	vld.idx.msk [tilespmem:v19+s6+$0x0], $0xffff  }
0xd9: {  	v52 =	vld [tilespmem:s21+$0x12020]  }
0xda: {  	v53 =	vld [tilespmem:s21+$0x10020];
	_ =	sdelay $0x2  }
0xdb: {  	v10 =	vmul.f32 v10, v15;
	v11 =	vmul.f32 v11, v15  }
0xdc: {  	vm5 =	veq.s32 v19, v18  }
0xdd: {  	[tilespmem:s21+$0x16010] =	vst v10;
	v10 =	vsel vm5, $0x0, v11  }
0xde: {  	v15 =	vld [tilespmem:s21+$0x14020];
	[tilespmem:s21+$0x17010] =	vst v10  }
0xdf: {  	v10 =	vld.idx.msk [tilespmem:v52+s6+$0x0], $0xffff  }
0xe0: {  	v11 =	vld.idx.msk [tilespmem:v53+s6+$0x0], $0xffff  }
0xe1: {  	v12 =	vmul.f32 v12, v14;
	v13 =	vmul.f32 v13, v14;
	v14 =	vld [tilespmem:s21+$0x12030]  }
0xe2: {  	vm6 =	veq.s32 v8, v6;
	v6 =	vld [tilespmem:s21+$0x10030];
	_ =	sdelay $0x2  }
0xe3: {  	v54 =	vld [tilespmem:s21+$0x14030];
	[tilespmem:s12+$0x16030] =	vst v12;
	v8 =	vsel vm6, $0x0, v13;
	v10 =	vmul.f32 v10, v15;
	v11 =	vmul.f32 v11, v15  }
0xe4: {  	v56 =	vld [tilespmem:s12+$0x10050];
	[tilespmem:s12+$0x17030] =	vst v8;
	vm7 =	veq.s32 v53, v52  }
0xe5: {  	v8 =	vld.idx.msk [tilespmem:v5+s6+$0x0], $0xffff;
	[tilespmem:s21+$0x16020] =	vst v10;
	v10 =	vsel vm7, $0x0, v11  }
0xe6: {  	v13 =	vld.idx.msk [tilespmem:v7+s6+$0x0], $0xffff;
	[tilespmem:s21+$0x17020] =	vst v10  }
0xe7: {  	v10 =	vld.idx.msk [tilespmem:v14+s6+$0x0], $0xffff  }
0xe8: {  	v15 =	vld.idx.msk [tilespmem:v6+s6+$0x0], $0xffff  }
0xe9: {  	v12 =	vld [tilespmem:s21+$0x12040]  }
0xea: {  	v55 =	vld [tilespmem:s21+$0x10040]  }
0xeb: {  	v8 =	vmul.f32 v8, v9;
	v9 =	vmul.f32 v13, v9  }
0xec: {  	vm8 =	veq.s32 v7, v5  }
0xed: {  	[tilespmem:s12+$0x16040] =	vst v8;
	v5 =	vsel vm8, $0x0, v9;
	v11 =	vld [tilespmem:s12+$0x12050];
	v7 =	vmul.f32 v10, v54;
	v8 =	vmul.f32 v15, v54  }
0xee: {  	vm9 =	veq.s32 v6, v14;
	v9 =	vld [tilespmem:s21+$0x12050];
	[tilespmem:s12+$0x17040] =	vst v5  }
0xef: {  	v5 =	vld [tilespmem:s21+$0x14040];
	[tilespmem:s21+$0x16030] =	vst v7;
	v6 =	vsel vm9, $0x0, v8  }
0xf0: {  	v14 =	vld.idx.msk [tilespmem:v56+s6+$0x0], $0xffff;
	[tilespmem:s21+$0x17030] =	vst v6  }
0xf1: {  	v6 =	vld.idx.msk [tilespmem:v12+s6+$0x0], $0xffff  }
0xf2: {  	v8 =	vld.idx.msk [tilespmem:v55+s6+$0x0], $0xffff  }
0xf3: {  	v10 =	vld [tilespmem:s21+$0x10050]  }
0xf4: {  	v15 =	vld [tilespmem:s12+$0x14050]  }
0xf5: {  	v7 =	vld.idx.msk [tilespmem:v11+s6+$0x0], $0xffff;
	_ =	sdelay $0x1  }
0xf6: {  	v6 =	vmul.f32 v6, v5;
	v5 =	vmul.f32 v8, v5  }
0xf7: {  	v57 =	vld [tilespmem:s12+$0x12060];
	vm10 =	veq.s32 v55, v12  }
0xf8: {  	v12 =	vld [tilespmem:s12+$0x10060];
	[tilespmem:s21+$0x16040] =	vst v6;
	v5 =	vsel vm10, $0x0, v5  }
0xf9: {  	v14 =	vmul.f32 v14, v15;
	v7 =	vmul.f32 v7, v15;
	v15 =	vld [tilespmem:s21+$0x14050];
	[tilespmem:s21+$0x17040] =	vst v5  }
0xfa: {  	v5 =	vld.idx.msk [tilespmem:v9+s6+$0x0], $0xffff  }
0xfb: {  	v58 =	vld.idx.msk [tilespmem:v10+s6+$0x0], $0xffff  }
0xfc: {  	vm11 =	veq.s32 v56, v11;
	v11 =	vld [tilespmem:s21+$0x12060]  }
0xfd: {  	[tilespmem:s12+$0x16050] =	vst v7;
	v7 =	vsel vm11, $0x0, v14;
	v14 =	vld [tilespmem:s21+$0x10060]  }
0xfe: {  	v61 =	vld [tilespmem:s21+$0x14060]  }
0xff: {  	[tilespmem:s12+$0x17050] =	vst v7;
	v6 =	vld [tilespmem:s12+$0x12070]  }
0x100: {  	v7 =	vld.idx.msk [tilespmem:v57+s6+$0x0], $0xffff;
	v5 =	vmul.f32 v5, v15;
	v15 =	vmul.f32 v58, v15  }
0x101: {  	vm12 =	veq.s32 v10, v9;
	v59 =	vld.idx.msk [tilespmem:v12+s6+$0x0], $0xffff  }
0x102: {  	v9 =	vld [tilespmem:s12+$0x14060];
	[tilespmem:s21+$0x16050] =	vst v5;
	v5 =	vsel vm12, $0x0, v15  }
0x103: {  	v10 =	vld [tilespmem:s12+$0x10070];
	[tilespmem:s21+$0x17050] =	vst v5  }
0x104: {  	v5 =	vld.idx.msk [tilespmem:v11+s6+$0x0], $0xffff  }
0x105: {  	v15 =	vld.idx.msk [tilespmem:v14+s6+$0x0], $0xffff  }
0x106: {  	v20 =	vld [tilespmem:s21+$0x10070]  }
0x107: {  	v60 =	vld [tilespmem:s21+$0x12070]  }
0x108: {  	v7 =	vmul.f32 v7, v9;
	v9 =	vmul.f32 v59, v9  }
0x109: {  	v13 =	vld [tilespmem:s12+$0x14070];
	vm13 =	veq.s32 v12, v57  }
0x10a: {  	v8 =	vld [tilespmem:s21+$0x14070];
	[tilespmem:s12+$0x16060] =	vst v7;
	v7 =	vsel vm13, $0x0, v9;
	v5 =	vmul.f32 v5, v61;
	v9 =	vmul.f32 v15, v61  }
0x10b: {  	v12 =	vld.idx.msk [tilespmem:v2+s6+$0x0], $0xffff;
	vm14 =	veq.s32 v14, v11;
	[tilespmem:s12+$0x17060] =	vst v7  }
0x10c: {  	v7 =	vld.idx.msk [tilespmem:v10+s6+$0x0], $0xffff;
	[tilespmem:s21+$0x16060] =	vst v5;
	v5 =	vsel vm14, $0x0, v9  }
0x10d: {  	v9 =	vld.idx.msk [tilespmem:v6+s6+$0x0], $0xffff;
	[tilespmem:s21+$0x17060] =	vst v5  }
0x10e: {  	v5 =	vld.idx.msk [tilespmem:v20+s6+$0x0], $0xffff  }
0x10f: {  	vm15 =	veq.s32 v3, v2;
	v4 =	vmul.f32 v4, v1;
	v2 =	vld.idx.msk [tilespmem:v60+s6+$0x0], $0xffff;
	_ =	sdelay $0x1  }
0x110: {  	v3 =	vsel vm15, $0x0, v4;
	v1 =	vmul.f32 v12, v1;
	v4 =	vmul.f32 v7, v13  }
0x111: {  	[tilespmem:s18+$0x17070] =	vst v3;
	vm4 =	veq.s32 v10, v6  }
0x112: {  	[tilespmem:s18+$0x16070] =	vst v1;
	v1 =	vsel vm4, $0x0, v4;
	v3 =	vmul.f32 v9, v13  }
0x113: {  	[tilespmem:s12+$0x17070] =	vst v1;
	v4 =	vmul.f32 v5, v8;
	v2 =	vmul.f32 v2, v8  }
0x114: {  	vm5 =	veq.s32 v20, v60;
	[tilespmem:s12+$0x16070] =	vst v3  }
0x115: {  	v1 =	vsel vm5, $0x0, v4;
	[tilespmem:s21+$0x16070] =	vst v2  }
0x116: {  	s23 =	simm.s32 $0x10000;
	s24 =	simm.s32 $0x16000;
	[tilespmem:s21+$0x17070] =	vst v1  }
0x117: {  	[spmem:s5] =	stream.indirect.scatter.add.f32 [tilespmem:s24], [sflag:$0x9], $0x1, s23, s0, $0xb8;
	[tilespmem:$0x1A000] =	vst v63  }
0x118: {  	s18 =	simm.s32 $0x12000;
	s21 =	simm.s32 $0x17000  }
0x119: {  	[spmem:s5] =	stream.indirect.scatter.add.f32 [tilespmem:s21], [sflag:$0x9], $0x1, s18, s0, $0xb8;
	[tilespmem:$0x1A000] =	vst v63  }
0x11a: {  	s23 =	simm.s32 $0x10080;
	s24 =	simm.s32 $0x16080  }
0x11b: {  	[spmem:s5] =	stream.indirect.scatter.add.f32 [tilespmem:s24], [sflag:$0x9], $0x1, s23, s0, $0xb8;
	[tilespmem:$0x1A000] =	vst v63  }
0x11c: {  	s18 =	simm.s32 $0x12080;
	s21 =	simm.s32 $0x17080  }
0x11d: {  	[spmem:s5] =	stream.indirect.scatter.add.f32 [tilespmem:s21], [sflag:$0x9], $0x1, s18, s0, $0xb8;
	[tilespmem:$0x1A000] =	vst v63  }
0x11e: {  	s23 =	simm.s32 $0x10100;
	s24 =	simm.s32 $0x16100  }
0x11f: {  	[spmem:s5] =	stream.indirect.scatter.add.f32 [tilespmem:s24], [sflag:$0x9], $0x1, s23, s0, $0xb8;
	[tilespmem:$0x1A000] =	vst v63  }
0x120: {  	s18 =	simm.s32 $0x12100;
	s21 =	simm.s32 $0x17100  }
0x121: {  	[spmem:s5] =	stream.indirect.scatter.add.f32 [tilespmem:s21], [sflag:$0x9], $0x1, s18, s0, $0xb8;
	[tilespmem:$0x1A000] =	vst v63  }
0x122: {  	s23 =	simm.s32 $0x10180;
	s24 =	simm.s32 $0x16180  }
0x123: {  	[spmem:s5] =	stream.indirect.scatter.add.f32 [tilespmem:s24], [sflag:$0x9], $0x1, s23, s0, $0xb8;
	[tilespmem:$0x1A000] =	vst v63  }
0x124: {  	s18 =	simm.s32 $0x12180;
	s21 =	simm.s32 $0x17180  }
0x125: {  	[spmem:s5] =	stream.indirect.scatter.add.f32 [tilespmem:s21], [sflag:$0x9], $0x1, s18, s0, $0xb8;
	[tilespmem:$0x1A000] =	vst v63  }
0x126: {  	s23 =	simm.s32 $0x10200;
	s24 =	simm.s32 $0x16200  }
0x127: {  	[spmem:s5] =	stream.indirect.scatter.add.f32 [tilespmem:s24], [sflag:$0x9], $0x1, s23, s0, $0xb8;
	[tilespmem:$0x1A000] =	vst v63  }
0x128: {  	s18 =	simm.s32 $0x12200;
	s21 =	simm.s32 $0x17200  }
0x129: {  	[spmem:s5] =	stream.indirect.scatter.add.f32 [tilespmem:s21], [sflag:$0x9], $0x1, s18, s0, $0xb8;
	[tilespmem:$0x1A000] =	vst v63  }
0x12a: {  	s23 =	simm.s32 $0x10280;
	s24 =	simm.s32 $0x16280  }
0x12b: {  	[spmem:s5] =	stream.indirect.scatter.add.f32 [tilespmem:s24], [sflag:$0x9], $0x1, s23, s0, $0xb8;
	[tilespmem:$0x1A000] =	vst v63  }
0x12c: {  	s18 =	simm.s32 $0x12280;
	s21 =	simm.s32 $0x17280  }
0x12d: {  	[spmem:s5] =	stream.indirect.scatter.add.f32 [tilespmem:s21], [sflag:$0x9], $0x1, s18, s0, $0xb8;
	[tilespmem:$0x1A000] =	vst v63  }
0x12e: {  	s23 =	simm.s32 $0x10300;
	s24 =	simm.s32 $0x16300  }
0x12f: {  	[spmem:s5] =	stream.indirect.scatter.add.f32 [tilespmem:s24], [sflag:$0x9], $0x1, s23, s0, $0xb8;
	[tilespmem:$0x1A000] =	vst v63  }
0x130: {  	s18 =	simm.s32 $0x12300;
	s21 =	simm.s32 $0x17300  }
0x131: {  	[spmem:s5] =	stream.indirect.scatter.add.f32 [tilespmem:s21], [sflag:$0x9], $0x1, s18, s0, $0xb8;
	[tilespmem:$0x1A000] =	vst v63  }
0x132: {  	s23 =	simm.s32 $0x10380;
	s24 =	simm.s32 $0x16380  }
0x133: {  	[spmem:s5] =	stream.indirect.scatter.add.f32 [tilespmem:s24], [sflag:$0x9], $0x1, s23, s0, $0xb8;
	[tilespmem:$0x1A000] =	vst v63  }
0x134: {  	s18 =	simm.s32 $0x12380;
	s21 =	simm.s32 $0x17380  }
0x135: {  	[spmem:s5] =	stream.indirect.scatter.add.f32 [tilespmem:s21], [sflag:$0x9], $0x1, s18, s0, $0xb8;
	[tilespmem:$0x1A000] =	vst v63  }
0x136: {  	s23 =	simm.s32 $0x10400;
	s24 =	simm.s32 $0x16400  }
0x137: {  	[spmem:s5] =	stream.indirect.scatter.add.f32 [tilespmem:s24], [sflag:$0x9], $0x1, s23, s0, $0xb8;
	[tilespmem:$0x1A000] =	vst v63  }
0x138: {  	s18 =	simm.s32 $0x12400;
	s21 =	simm.s32 $0x17400  }
0x139: {  	[spmem:s5] =	stream.indirect.scatter.add.f32 [tilespmem:s21], [sflag:$0x9], $0x1, s18, s0, $0xb8;
	[tilespmem:$0x1A000] =	vst v63  }
0x13a: {  	s23 =	simm.s32 $0x10480;
	s24 =	simm.s32 $0x16480  }
0x13b: {  	[spmem:s5] =	stream.indirect.scatter.add.f32 [tilespmem:s24], [sflag:$0x9], $0x1, s23, s0, $0xb8;
	[tilespmem:$0x1A000] =	vst v63  }
0x13c: {  	s18 =	simm.s32 $0x12480;
	s21 =	simm.s32 $0x17480  }
0x13d: {  	[spmem:s5] =	stream.indirect.scatter.add.f32 [tilespmem:s21], [sflag:$0x9], $0x1, s18, s0, $0xb8;
	[tilespmem:$0x1A000] =	vst v63  }
0x13e: {  	s23 =	simm.s32 $0x10500;
	s24 =	simm.s32 $0x16500  }
0x13f: {  	[spmem:s5] =	stream.indirect.scatter.add.f32 [tilespmem:s24], [sflag:$0x9], $0x1, s23, s0, $0xb8;
	[tilespmem:$0x1A000] =	vst v63  }
0x140: {  	s18 =	simm.s32 $0x12500;
	s21 =	simm.s32 $0x17500  }
0x141: {  	[spmem:s5] =	stream.indirect.scatter.add.f32 [tilespmem:s21], [sflag:$0x9], $0x1, s18, s0, $0xb8;
	[tilespmem:$0x1A000] =	vst v63  }
0x142: {  	s23 =	simm.s32 $0x10580;
	s24 =	simm.s32 $0x16580  }
0x143: {  	[spmem:s5] =	stream.indirect.scatter.add.f32 [tilespmem:s24], [sflag:$0x9], $0x1, s23, s0, $0xb8;
	[tilespmem:$0x1A000] =	vst v63  }
0x144: {  	s18 =	simm.s32 $0x12580;
	s21 =	simm.s32 $0x17580  }
0x145: {  	[spmem:s5] =	stream.indirect.scatter.add.f32 [tilespmem:s21], [sflag:$0x9], $0x1, s18, s0, $0xb8;
	[tilespmem:$0x1A000] =	vst v63  }
0x146: {  	s23 =	simm.s32 $0x10600;
	s24 =	simm.s32 $0x16600  }
0x147: {  	[spmem:s5] =	stream.indirect.scatter.add.f32 [tilespmem:s24], [sflag:$0x9], $0x1, s23, s0, $0xb8;
	[tilespmem:$0x1A000] =	vst v63  }
0x148: {  	s18 =	simm.s32 $0x12600;
	s21 =	simm.s32 $0x17600  }
0x149: {  	[spmem:s5] =	stream.indirect.scatter.add.f32 [tilespmem:s21], [sflag:$0x9], $0x1, s18, s0, $0xb8;
	[tilespmem:$0x1A000] =	vst v63  }
0x14a: {  	s23 =	simm.s32 $0x10680;
	s24 =	simm.s32 $0x16680  }
0x14b: {  	[spmem:s5] =	stream.indirect.scatter.add.f32 [tilespmem:s24], [sflag:$0x9], $0x1, s23, s0, $0xb8;
	[tilespmem:$0x1A000] =	vst v63  }
0x14c: {  	s18 =	simm.s32 $0x12680;
	s21 =	simm.s32 $0x17680  }
0x14d: {  	[spmem:s5] =	stream.indirect.scatter.add.f32 [tilespmem:s21], [sflag:$0x9], $0x1, s18, s0, $0xb8;
	[tilespmem:$0x1A000] =	vst v63  }
0x14e: {  	s23 =	simm.s32 $0x10700;
	s24 =	simm.s32 $0x16700  }
0x14f: {  	[spmem:s5] =	stream.indirect.scatter.add.f32 [tilespmem:s24], [sflag:$0x9], $0x1, s23, s0, $0xb8;
	[tilespmem:$0x1A000] =	vst v63  }
0x150: {  	s18 =	simm.s32 $0x12700;
	s21 =	simm.s32 $0x17700  }
0x151: {  	[spmem:s5] =	stream.indirect.scatter.add.f32 [tilespmem:s21], [sflag:$0x9], $0x1, s18, s0, $0xb8;
	[tilespmem:$0x1A000] =	vst v63  }
0x152: {  	s23 =	simm.s32 $0x10780;
	s24 =	simm.s32 $0x16780  }
0x153: {  	[spmem:s5] =	stream.indirect.scatter.add.f32 [tilespmem:s24], [sflag:$0x9], $0x1, s23, s0, $0xb8;
	[tilespmem:$0x1A000] =	vst v63  }
0x154: {  	s18 =	simm.s32 $0x12780;
	s21 =	simm.s32 $0x17780;
	s23 =	rddreg [dreg:$0x7]  }
0x155: {  	[spmem:s5] =	stream.indirect.scatter.add.f32 [tilespmem:s21], [sflag:$0x9], $0x1, s18, s0, $0xb8;
	[tilespmem:$0x1A000] =	vst v63  }
0x156: {  	s18 =	sor.u32 s23, s14  }
0x157: {  	s12 =	sor.u32 $0x200, s18  }
0x158: {  	s23 =	simm.s32 $0x11000;
	s24 =	sadd.s32 s3, s12  }
0x159: {  	[tilespmem:s23], [sflag:$0x3] =	stream.linear.gather [hbm4b:s24+s6], $0x800, $0x38;
	[tilespmem:$0x1A000] =	vst v63  }
0x15a: {  	s23 =	sadd.s32 s4, s12;
	s24 =	simm.s32 $0x13000  }
0x15b: {  	[tilespmem:s24], [sflag:$0x3] =	stream.linear.gather [hbm4b:s23+s6], $0x800, $0x38;
	[tilespmem:$0x1A000] =	vst v63  }
0x15c: {  	s12 =	sadd.s32 s1, s12;
	s24 =	simm.s32 $0x15000  }
0x15d: {  	[tilespmem:s24], [sflag:$0x7] =	stream.linear.gather [hbm4b:s12+s6], $0x800, $0x38;
	[tilespmem:$0x1A000] =	vst v63  }
0x15e: {  	_ =	swait.ge [sflag:s22], $0x800  }
0x15f: {  	[sflag:s22] =	ssyncset.done $0x0  }
0x160: {  	[sflag:s22] =	ssyncadd.s32 $0xFFFFF800  }
0x161: {  	_ =	swait.ge [sflag:s22], $0x800  }
0x162: {  	[sflag:s22] =	ssyncset.done $0x0  }
0x163: {  	[sflag:s22] =	ssyncadd.s32 $0xFFFFF800  }
0x164: {  	_ =	swait.ge [sflag:s25], $0x800  }
0x165: {  	[sflag:s25] =	ssyncset.done $0x0  }
0x166: {  	s12 =	simm.s32 @!p0 $0xA;
	[sflag:s25] =	ssyncadd.s32 $0xFFFFF800  }
0x167: {  	_ =	swait.ge @!p0 [sflag:s12], $0x800  }
0x168: {  	[sflag:s12] =	ssyncset.done @!p0 $0x0  }
0x169: {  	[sflag:s12] =	ssyncadd.s32 @!p0 $0xFFFFF800  }
0x16a: {  	_ =	swait.ge @!p0 [sflag:s12], $0x800  }
0x16b: {  	[sflag:s12] =	ssyncset.done @!p0 $0x0  }
0x16c: {  	[sflag:s12] =	ssyncadd.s32 @!p0 $0xFFFFF800;
	s12 =	simm.s32 $0x0  }
0x16d: {  	v1 =	vld [tilespmem:s12+$0x12800]  }
0x16e: {  	v2 =	vld [tilespmem:s12+$0x10800];
	_ =	sdelay $0x5  }
0x16f: {  	v5 =	vld [tilespmem:s12+$0x14800]  }
0x170: {  	v3 =	vld.idx.msk [tilespmem:v1+s6+$0x0], $0xffff  }
0x171: {  	v4 =	vld.idx.msk [tilespmem:v2+s6+$0x0], $0xffff  }
0x172: {  	v6 =	vld [tilespmem:s12+$0x12810]  }
0x173: {  	v7 =	vld [tilespmem:s12+$0x10810];
	_ =	sdelay $0x2  }
0x174: {  	v3 =	vmul.f32 v3, v5;
	v4 =	vmul.f32 v4, v5  }
0x175: {  	vm6 =	veq.s32 v2, v1  }
0x176: {  	[tilespmem:s12+$0x16800] =	vst v3;
	v1 =	vsel vm6, $0x0, v4  }
0x177: {  	v3 =	vld [tilespmem:s12+$0x14810];
	[tilespmem:s12+$0x17800] =	vst v1  }
0x178: {  	v1 =	vld.idx.msk [tilespmem:v6+s6+$0x0], $0xffff  }
0x179: {  	v2 =	vld.idx.msk [tilespmem:v7+s6+$0x0], $0xffff  }
0x17a: {  	v4 =	vld [tilespmem:s12+$0x12820]  }
0x17b: {  	v5 =	vld [tilespmem:s12+$0x10820];
	_ =	sdelay $0x2  }
0x17c: {  	v1 =	vmul.f32 v1, v3;
	v2 =	vmul.f32 v2, v3  }
0x17d: {  	vm7 =	veq.s32 v7, v6  }
0x17e: {  	[tilespmem:s12+$0x16810] =	vst v1;
	v1 =	vsel vm7, $0x0, v2  }
0x17f: {  	v3 =	vld [tilespmem:s12+$0x14820];
	[tilespmem:s12+$0x17810] =	vst v1  }
0x180: {  	v1 =	vld.idx.msk [tilespmem:v4+s6+$0x0], $0xffff  }
0x181: {  	v2 =	vld.idx.msk [tilespmem:v5+s6+$0x0], $0xffff  }
0x182: {  	v6 =	vld [tilespmem:s12+$0x12830]  }
0x183: {  	v7 =	vld [tilespmem:s12+$0x10830]  }
0x184: {  	v8 =	vld [tilespmem:s12+$0x14830]  }
0x185: {  	v9 =	vld [tilespmem:s12+$0x10840]  }
0x186: {  	s21 =	simm.s32 $0x80;
	v10 =	vld [tilespmem:s12+$0x14840];
	v1 =	vmul.f32 v1, v3;
	v2 =	vmul.f32 v2, v3  }
0x187: {  	vm8 =	veq.s32 v5, v4;
	v4 =	vld [tilespmem:s21+$0x12800]  }
0x188: {  	v13 =	vld [tilespmem:s21+$0x12810];
	[tilespmem:s12+$0x16820] =	vst v1;
	v1 =	vsel vm8, $0x0, v2  }
0x189: {  	v2 =	vld [tilespmem:s21+$0x10800];
	[tilespmem:s12+$0x17820] =	vst v1  }
0x18a: {  	v1 =	vld.idx.msk [tilespmem:v6+s6+$0x0], $0xffff  }
0x18b: {  	v5 =	vld.idx.msk [tilespmem:v7+s6+$0x0], $0xffff  }
0x18c: {  	v3 =	vld [tilespmem:s12+$0x12840]  }
0x18d: {  	v14 =	vld [tilespmem:s12+$0x14850]  }
0x18e: {  	v15 =	vld [tilespmem:s12+$0x12860]  }
0x18f: {  	v11 =	vld.idx.msk [tilespmem:v4+s6+$0x0], $0xffff  }
0x190: {  	v1 =	vmul.f32 v1, v8;
	v5 =	vmul.f32 v5, v8;
	v8 =	vld [tilespmem:s21+$0x14800]  }
0x191: {  	vm9 =	veq.s32 v7, v6;
	v12 =	vld.idx.msk [tilespmem:v2+s6+$0x0], $0xffff  }
0x192: {  	v62 =	vld [tilespmem:s12+$0x10860];
	[tilespmem:s12+$0x16830] =	vst v1;
	v1 =	vsel vm9, $0x0, v5  }
0x193: {  	v5 =	vld [tilespmem:s21+$0x10810];
	[tilespmem:s12+$0x17830] =	vst v1  }
0x194: {  	v6 =	vld.idx.msk [tilespmem:v3+s6+$0x0], $0xffff  }
0x195: {  	v7 =	vld.idx.msk [tilespmem:v9+s6+$0x0], $0xffff  }
0x196: {  	v1 =	vmul.f32 v11, v8;
	v11 =	vld [tilespmem:s12+$0x12850];
	v8 =	vmul.f32 v12, v8  }
0x197: {  	vm10 =	veq.s32 v2, v4;
	v4 =	vld [tilespmem:s12+$0x10850]  }
0x198: {  	v63 =	vld [tilespmem:s12+$0x14860];
	[tilespmem:s21+$0x16800] =	vst v1;
	v2 =	vsel vm10, $0x0, v8  }
0x199: {  	vm11 =	veq.s32 v9, v3;
	v3 =	vld [tilespmem:s21+$0x14810];
	[tilespmem:s21+$0x17800] =	vst v2  }
0x19a: {  	v6 =	vmul.f32 v6, v10;
	v7 =	vmul.f32 v7, v10;
	v2 =	vld.idx.msk [tilespmem:v13+s6+$0x0], $0xffff  }
0x19b: {  	v8 =	vld.idx.msk [tilespmem:v5+s6+$0x0], $0xffff  }
0x19c: {  	v9 =	vld [tilespmem:s21+$0x12820];
	[tilespmem:s12+$0x16840] =	vst v6;
	v6 =	vsel vm11, $0x0, v7  }
0x19d: {  	v7 =	vld [tilespmem:s21+$0x10820];
	[tilespmem:s12+$0x17840] =	vst v6  }
0x19e: {  	v10 =	vld.idx.msk [tilespmem:v11+s6+$0x0], $0xffff  }
0x19f: {  	v12 =	vld.idx.msk [tilespmem:v4+s6+$0x0], $0xffff  }
0x1a0: {  	v1 =	vld [tilespmem:s12+$0x14870];
	v2 =	vmul.f32 v2, v3;
	v3 =	vmul.f32 v8, v3  }
0x1a1: {  	vm12 =	veq.s32 v5, v13;
	v6 =	vld [tilespmem:s21+$0x12830]  }
0x1a2: {  	vm13 =	veq.s32 v4, v11;
	v4 =	vld [tilespmem:s21+$0x14820];
	[tilespmem:s21+$0x16810] =	vst v2;
	v3 =	vsel vm12, $0x0, v3  }
0x1a3: {  	v2 =	vld [tilespmem:s12+$0x12870];
	[tilespmem:s21+$0x17810] =	vst v3  }
0x1a4: {  	v5 =	vmul.f32 v10, v14;
	v8 =	vmul.f32 v12, v14;
	v3 =	vld.idx.msk [tilespmem:v9+s6+$0x0], $0xffff  }
0x1a5: {  	v10 =	vld.idx.msk [tilespmem:v7+s6+$0x0], $0xffff  }
0x1a6: {  	vm14 =	veq.s32 v7, v9;
	v9 =	vld [tilespmem:s21+$0x14840];
	[tilespmem:s12+$0x16850] =	vst v5;
	v5 =	vsel vm13, $0x0, v8  }
0x1a7: {  	v8 =	vld [tilespmem:s21+$0x10830];
	[tilespmem:s12+$0x17850] =	vst v5  }
0x1a8: {  	v14 =	vld.idx.msk [tilespmem:v62+s6+$0x0], $0xffff  }
0x1a9: {  	v13 =	vld.idx.msk [tilespmem:v15+s6+$0x0], $0xffff  }
0x1aa: {  	s23 =	simm.s32 $0x100;
	v11 =	vmul.f32 v3, v4;
	v4 =	vmul.f32 v10, v4;
	v3 =	vld [tilespmem:s12+$0x10870]  }
0x1ab: {  	v10 =	vld [tilespmem:s23+$0x12800]  }
0x1ac: {  	[tilespmem:s21+$0x16820] =	vst v11;
	v4 =	vsel vm14, $0x0, v4;
	v11 =	vld [tilespmem:s23+$0x10800]  }
0x1ad: {  	[tilespmem:s21+$0x17820] =	vst v4;
	v7 =	vmul.f32 v14, v63;
	v14 =	vld [tilespmem:s21+$0x14830]  }
0x1ae: {  	v4 =	vmul.f32 v13, v63;
	v12 =	vld.idx.msk [tilespmem:v6+s6+$0x0], $0xffff  }
0x1af: {  	vm15 =	veq.s32 v62, v15;
	v13 =	vld.idx.msk [tilespmem:v8+s6+$0x0], $0xffff  }
0x1b0: {  	v5 =	vld [tilespmem:s21+$0x12840];
	[tilespmem:s12+$0x16860] =	vst v4;
	v4 =	vsel vm15, $0x0, v7  }
0x1b1: {  	v7 =	vld [tilespmem:s21+$0x10840];
	[tilespmem:s12+$0x17860] =	vst v4  }
0x1b2: {  	s24 =	simm.s32 $0x600;
	v4 =	vld.idx.msk [tilespmem:v3+s6+$0x0], $0xffff  }
.LBB2_7:
0x1b3: {  	p0 =	sne.s32 s24, $0x1E00;
	v15 =	vld [tilespmem:s23+$0x12810]  }
0x1b4: {  	v16 =	vld.idx.msk [tilespmem:v10+s6+$0x0], $0xffff;
	v12 =	vmul.f32 v12, v14;
	v13 =	vmul.f32 v13, v14  }
0x1b5: {  	vm0 =	veq.s32 v8, v6;
	v14 =	vld.idx.msk [tilespmem:v11+s6+$0x0], $0xffff  }
0x1b6: {  	v6 =	vld [tilespmem:s23+$0x14800];
	[tilespmem:s21+$0x16830] =	vst v12;
	v8 =	vsel vm0, $0x0, v13  }
0x1b7: {  	v4 =	vmul.f32 v4, v1;
	v12 =	vld [tilespmem:s23+$0x10810];
	[tilespmem:s21+$0x17830] =	vst v8  }
0x1b8: {  	vm0 =	veq.s32 v3, v2;
	v8 =	vld.idx.msk [tilespmem:v5+s6+$0x0], $0xffff  }
0x1b9: {  	v4 =	vsel vm0, $0x0, v4;
	v3 =	vld.idx.msk [tilespmem:v7+s6+$0x0], $0xffff  }
0x1ba: {  	v2 =	vld.idx.msk [tilespmem:v2+s6+$0x0], $0xffff;
	[tilespmem:s12+$0x17870] =	vst v4  }
0x1bb: {  	v4 =	vmul.f32 v16, v6;
	v6 =	vmul.f32 v14, v6;
	v13 =	vld [tilespmem:s21+$0x12850]  }
0x1bc: {  	vm0 =	veq.s32 v11, v10;
	v10 =	vld [tilespmem:s21+$0x10850]  }
0x1bd: {  	[tilespmem:s23+$0x16800] =	vst v4;
	v4 =	vsel vm0, $0x0, v6;
	v6 =	vld [tilespmem:s21+$0x14870]  }
0x1be: {  	[tilespmem:s23+$0x17800] =	vst v4;
	v4 =	vld [tilespmem:s23+$0x12820]  }
0x1bf: {  	v8 =	vmul.f32 v8, v9;
	v3 =	vmul.f32 v3, v9;
	v11 =	vld.idx.msk [tilespmem:v15+s6+$0x0], $0xffff  }
0x1c0: {  	vm0 =	veq.s32 v7, v5;
	v2 =	vmul.f32 v2, v1;
	v9 =	vld.idx.msk [tilespmem:v12+s6+$0x0], $0xffff  }
0x1c1: {  	v3 =	vsel vm0, $0x0, v3;
	v5 =	vld [tilespmem:s23+$0x14810];
	[tilespmem:s21+$0x16840] =	vst v8  }
0x1c2: {  	v7 =	vld [tilespmem:s23+$0x10820];
	[tilespmem:s21+$0x17840] =	vst v3;
	v1 =	vmov v6  }
0x1c3: {  	v3 =	vld.idx.msk [tilespmem:v13+s6+$0x0], $0xffff;
	[tilespmem:s12+$0x16870] =	vst v2;
	s12 =	smov.u32 s21;
	s21 =	smov.u32 s23  }
0x1c4: {  	v8 =	vld.idx.msk [tilespmem:v10+s6+$0x0], $0xffff  }
0x1c5: {  	v14 =	vld [tilespmem:s12+$0x14850]  }
0x1c6: {  	v2 =	vmul.f32 v11, v5;
	v5 =	vmul.f32 v9, v5;
	v9 =	vld [tilespmem:s12+$0x12860]  }
0x1c7: {  	vm0 =	veq.s32 v12, v15;
	v15 =	vld [tilespmem:s12+$0x10860]  }
0x1c8: {  	[tilespmem:s21+$0x16810] =	vst v2;
	v5 =	vsel vm0, $0x0, v5;
	v2 =	vld [tilespmem:s12+$0x12870]  }
0x1c9: {  	[tilespmem:s21+$0x17810] =	vst v5;
	v6 =	vld [tilespmem:s21+$0x12830]  }
0x1ca: {  	v5 =	vld.idx.msk [tilespmem:v4+s6+$0x0], $0xffff;
	v3 =	vmul.f32 v3, v14;
	v8 =	vmul.f32 v8, v14  }
0x1cb: {  	vm0 =	veq.s32 v10, v13;
	v11 =	vld.idx.msk [tilespmem:v7+s6+$0x0], $0xffff  }
0x1cc: {  	v10 =	vld [tilespmem:s21+$0x14820];
	[tilespmem:s12+$0x16850] =	vst v3;
	v3 =	vsel vm0, $0x0, v8  }
0x1cd: {  	v8 =	vld [tilespmem:s21+$0x10830];
	[tilespmem:s12+$0x17850] =	vst v3  }
0x1ce: {  	v13 =	vld.idx.msk [tilespmem:v9+s6+$0x0], $0xffff  }
0x1cf: {  	v14 =	vld.idx.msk [tilespmem:v15+s6+$0x0], $0xffff  }
0x1d0: {  	v16 =	vld [tilespmem:s12+$0x14860]  }
0x1d1: {  	v12 =	vmul.f32 v5, v10;
	v11 =	vmul.f32 v11, v10;
	v3 =	vld [tilespmem:s12+$0x10870]  }
0x1d2: {  	s23 =	sshra.s32 s24, $0x2;
	vm0 =	veq.s32 v7, v4;
	v5 =	vld [tilespmem:s21+$0x12840]  }
0x1d3: {  	v10 =	vld [tilespmem:s23+$0x12800];
	[tilespmem:s21+$0x16820] =	vst v12;
	v4 =	vsel vm0, $0x0, v11  }
0x1d4: {  	v11 =	vld [tilespmem:s23+$0x10800];
	[tilespmem:s21+$0x17820] =	vst v4  }
0x1d5: {  	v12 =	vld.idx.msk [tilespmem:v6+s6+$0x0], $0xffff;
	v4 =	vmul.f32 v13, v16;
	v7 =	vmul.f32 v14, v16  }
.Ltmp4:
0x1d6: {  	vm0 =	veq.s32 v15, v9;
	v13 =	vld.idx.msk [tilespmem:v8+s6+$0x0], $0xffff;
	(pc) =	sbr.rel @p0 .LBB2_7-.Ltmp4, $4  }
0x1d7: {  	v14 =	vld [tilespmem:s21+$0x14830];
	[tilespmem:s12+$0x16860] =	vst v4;
	v4 =	vsel vm0, $0x0, v7  }
0x1d8: {  	v7 =	vld [tilespmem:s21+$0x10840];
	[tilespmem:s12+$0x17860] =	vst v4  }
0x1d9: {  	v4 =	vld.idx.msk [tilespmem:v3+s6+$0x0], $0xffff  }
0x1da: {  	s24 =	sadd.s32 $0x200, s24;
	v9 =	vld [tilespmem:s21+$0x14840]  }
0x1db: {  	_ =	sdelay $0x3  }
0x1dc: {  	v15 =	vld.idx.msk [tilespmem:v10+s6+$0x0], $0xffff  }
0x1dd: {  	v16 =	vld.idx.msk [tilespmem:v11+s6+$0x0], $0xffff  }
0x1de: {  	v17 =	vld [tilespmem:s23+$0x14800]  }
0x1df: {  	v18 =	vld [tilespmem:s23+$0x12810]  }
0x1e0: {  	v19 =	vld [tilespmem:s23+$0x10810];
	_ =	sdelay $0x2  }
0x1e1: {  	v15 =	vmul.f32 v15, v17;
	v16 =	vmul.f32 v16, v17  }
0x1e2: {  	vm0 =	veq.s32 v11, v10  }
0x1e3: {  	[tilespmem:s23+$0x16800] =	vst v15;
	v10 =	vsel vm0, $0x0, v16  }
0x1e4: {  	v15 =	vld [tilespmem:s23+$0x14810];
	[tilespmem:s23+$0x17800] =	vst v10  }
0x1e5: {  	v10 =	vld.idx.msk [tilespmem:v18+s6+$0x0], $0xffff  }
0x1e6: {  	v11 =	vld.idx.msk [tilespmem:v19+s6+$0x0], $0xffff  }
0x1e7: {  	v52 =	vld [tilespmem:s23+$0x12820]  }
0x1e8: {  	v53 =	vld [tilespmem:s23+$0x10820];
	_ =	sdelay $0x2  }
0x1e9: {  	v10 =	vmul.f32 v10, v15;
	v11 =	vmul.f32 v11, v15  }
0x1ea: {  	vm5 =	veq.s32 v19, v18  }
0x1eb: {  	[tilespmem:s23+$0x16810] =	vst v10;
	v10 =	vsel vm5, $0x0, v11  }
0x1ec: {  	v15 =	vld [tilespmem:s23+$0x14820];
	[tilespmem:s23+$0x17810] =	vst v10  }
0x1ed: {  	v10 =	vld.idx.msk [tilespmem:v52+s6+$0x0], $0xffff  }
0x1ee: {  	v11 =	vld.idx.msk [tilespmem:v53+s6+$0x0], $0xffff  }
0x1ef: {  	v12 =	vmul.f32 v12, v14;
	v13 =	vmul.f32 v13, v14;
	v14 =	vld [tilespmem:s23+$0x12830]  }
0x1f0: {  	vm6 =	veq.s32 v8, v6;
	v6 =	vld [tilespmem:s23+$0x10830];
	_ =	sdelay $0x2  }
0x1f1: {  	v54 =	vld [tilespmem:s23+$0x14830];
	[tilespmem:s21+$0x16830] =	vst v12;
	v8 =	vsel vm6, $0x0, v13;
	v10 =	vmul.f32 v10, v15;
	v11 =	vmul.f32 v11, v15  }
0x1f2: {  	v56 =	vld [tilespmem:s21+$0x10850];
	[tilespmem:s21+$0x17830] =	vst v8;
	vm7 =	veq.s32 v53, v52  }
0x1f3: {  	v8 =	vld.idx.msk [tilespmem:v5+s6+$0x0], $0xffff;
	[tilespmem:s23+$0x16820] =	vst v10;
	v10 =	vsel vm7, $0x0, v11  }
0x1f4: {  	v13 =	vld.idx.msk [tilespmem:v7+s6+$0x0], $0xffff;
	[tilespmem:s23+$0x17820] =	vst v10  }
0x1f5: {  	v10 =	vld.idx.msk [tilespmem:v14+s6+$0x0], $0xffff  }
0x1f6: {  	v15 =	vld.idx.msk [tilespmem:v6+s6+$0x0], $0xffff  }
0x1f7: {  	v12 =	vld [tilespmem:s23+$0x12840]  }
0x1f8: {  	v55 =	vld [tilespmem:s23+$0x10840]  }
0x1f9: {  	v8 =	vmul.f32 v8, v9;
	v9 =	vmul.f32 v13, v9  }
0x1fa: {  	vm8 =	veq.s32 v7, v5  }
0x1fb: {  	[tilespmem:s21+$0x16840] =	vst v8;
	v5 =	vsel vm8, $0x0, v9;
	v11 =	vld [tilespmem:s21+$0x12850];
	v7 =	vmul.f32 v10, v54;
	v8 =	vmul.f32 v15, v54  }
0x1fc: {  	vm9 =	veq.s32 v6, v14;
	v9 =	vld [tilespmem:s23+$0x12850];
	[tilespmem:s21+$0x17840] =	vst v5  }
0x1fd: {  	v5 =	vld [tilespmem:s23+$0x14840];
	[tilespmem:s23+$0x16830] =	vst v7;
	v6 =	vsel vm9, $0x0, v8  }
0x1fe: {  	v14 =	vld.idx.msk [tilespmem:v56+s6+$0x0], $0xffff;
	[tilespmem:s23+$0x17830] =	vst v6  }
0x1ff: {  	v6 =	vld.idx.msk [tilespmem:v12+s6+$0x0], $0xffff  }
0x200: {  	v8 =	vld.idx.msk [tilespmem:v55+s6+$0x0], $0xffff  }
0x201: {  	v10 =	vld [tilespmem:s23+$0x10850]  }
0x202: {  	v15 =	vld [tilespmem:s21+$0x14850]  }
0x203: {  	v7 =	vld.idx.msk [tilespmem:v11+s6+$0x0], $0xffff;
	_ =	sdelay $0x1  }
0x204: {  	v6 =	vmul.f32 v6, v5;
	v5 =	vmul.f32 v8, v5  }
0x205: {  	v57 =	vld [tilespmem:s21+$0x12860];
	vm10 =	veq.s32 v55, v12  }
0x206: {  	v12 =	vld [tilespmem:s21+$0x10860];
	[tilespmem:s23+$0x16840] =	vst v6;
	v5 =	vsel vm10, $0x0, v5  }
0x207: {  	v14 =	vmul.f32 v14, v15;
	v7 =	vmul.f32 v7, v15;
	v15 =	vld [tilespmem:s23+$0x14850];
	[tilespmem:s23+$0x17840] =	vst v5  }
0x208: {  	v5 =	vld.idx.msk [tilespmem:v9+s6+$0x0], $0xffff  }
0x209: {  	v58 =	vld.idx.msk [tilespmem:v10+s6+$0x0], $0xffff  }
0x20a: {  	vm11 =	veq.s32 v56, v11;
	v11 =	vld [tilespmem:s23+$0x12860]  }
0x20b: {  	[tilespmem:s21+$0x16850] =	vst v7;
	v7 =	vsel vm11, $0x0, v14;
	v14 =	vld [tilespmem:s23+$0x10860]  }
0x20c: {  	v61 =	vld [tilespmem:s23+$0x14860]  }
0x20d: {  	[tilespmem:s21+$0x17850] =	vst v7;
	v6 =	vld [tilespmem:s21+$0x12870]  }
0x20e: {  	v7 =	vld.idx.msk [tilespmem:v57+s6+$0x0], $0xffff;
	v5 =	vmul.f32 v5, v15;
	v15 =	vmul.f32 v58, v15  }
0x20f: {  	vm12 =	veq.s32 v10, v9;
	v59 =	vld.idx.msk [tilespmem:v12+s6+$0x0], $0xffff  }
0x210: {  	v9 =	vld [tilespmem:s21+$0x14860];
	[tilespmem:s23+$0x16850] =	vst v5;
	v5 =	vsel vm12, $0x0, v15  }
0x211: {  	v10 =	vld [tilespmem:s21+$0x10870];
	[tilespmem:s23+$0x17850] =	vst v5  }
0x212: {  	v5 =	vld.idx.msk [tilespmem:v11+s6+$0x0], $0xffff  }
0x213: {  	v15 =	vld.idx.msk [tilespmem:v14+s6+$0x0], $0xffff  }
0x214: {  	v20 =	vld [tilespmem:s23+$0x10870]  }
0x215: {  	v60 =	vld [tilespmem:s23+$0x12870]  }
0x216: {  	v7 =	vmul.f32 v7, v9;
	v9 =	vmul.f32 v59, v9  }
0x217: {  	v13 =	vld [tilespmem:s21+$0x14870];
	vm13 =	veq.s32 v12, v57  }
0x218: {  	v8 =	vld [tilespmem:s23+$0x14870];
	[tilespmem:s21+$0x16860] =	vst v7;
	v7 =	vsel vm13, $0x0, v9;
	v5 =	vmul.f32 v5, v61;
	v9 =	vmul.f32 v15, v61  }
0x219: {  	v12 =	vld.idx.msk [tilespmem:v2+s6+$0x0], $0xffff;
	vm14 =	veq.s32 v14, v11;
	[tilespmem:s21+$0x17860] =	vst v7  }
0x21a: {  	v7 =	vld.idx.msk [tilespmem:v10+s6+$0x0], $0xffff;
	[tilespmem:s23+$0x16860] =	vst v5;
	v5 =	vsel vm14, $0x0, v9  }
0x21b: {  	v9 =	vld.idx.msk [tilespmem:v6+s6+$0x0], $0xffff;
	[tilespmem:s23+$0x17860] =	vst v5  }
0x21c: {  	v5 =	vld.idx.msk [tilespmem:v20+s6+$0x0], $0xffff  }
0x21d: {  	vm15 =	veq.s32 v3, v2;
	v4 =	vmul.f32 v4, v1;
	v2 =	vld.idx.msk [tilespmem:v60+s6+$0x0], $0xffff;
	_ =	sdelay $0x1  }
0x21e: {  	v3 =	vsel vm15, $0x0, v4;
	v1 =	vmul.f32 v12, v1;
	v4 =	vmul.f32 v7, v13  }
0x21f: {  	[tilespmem:s12+$0x17870] =	vst v3;
	vm4 =	veq.s32 v10, v6  }
0x220: {  	[tilespmem:s12+$0x16870] =	vst v1;
	v1 =	vsel vm4, $0x0, v4;
	v3 =	vmul.f32 v9, v13  }
0x221: {  	[tilespmem:s21+$0x17870] =	vst v1;
	v4 =	vmul.f32 v5, v8;
	v2 =	vmul.f32 v2, v8  }
0x222: {  	vm5 =	veq.s32 v20, v60;
	[tilespmem:s21+$0x16870] =	vst v3  }
0x223: {  	v1 =	vsel vm5, $0x0, v4;
	[tilespmem:s23+$0x16870] =	vst v2  }
0x224: {  	s24 =	simm.s32 $0x10800;
	[tilespmem:s23+$0x17870] =	vst v1;
	s23 =	simm.s32 $0x16800  }
0x225: {  	[spmem:s5] =	stream.indirect.scatter.add.f32 [tilespmem:s23], [sflag:$0xA], $0x1, s24, s0, $0xb8;
	[tilespmem:$0x1A000] =	vst v63  }
0x226: {  	s21 =	simm.s32 $0x12800;
	s23 =	simm.s32 $0x17800  }
0x227: {  	[spmem:s5] =	stream.indirect.scatter.add.f32 [tilespmem:s23], [sflag:$0xA], $0x1, s21, s0, $0xb8;
	[tilespmem:$0x1A000] =	vst v63  }
0x228: {  	s21 =	simm.s32 $0x10880;
	s23 =	simm.s32 $0x16880  }
0x229: {  	[spmem:s5] =	stream.indirect.scatter.add.f32 [tilespmem:s23], [sflag:$0xA], $0x1, s21, s0, $0xb8;
	[tilespmem:$0x1A000] =	vst v63  }
0x22a: {  	s21 =	simm.s32 $0x12880;
	s23 =	simm.s32 $0x17880  }
0x22b: {  	[spmem:s5] =	stream.indirect.scatter.add.f32 [tilespmem:s23], [sflag:$0xA], $0x1, s21, s0, $0xb8;
	[tilespmem:$0x1A000] =	vst v63  }
0x22c: {  	s21 =	simm.s32 $0x10900;
	s23 =	simm.s32 $0x16900  }
0x22d: {  	[spmem:s5] =	stream.indirect.scatter.add.f32 [tilespmem:s23], [sflag:$0xA], $0x1, s21, s0, $0xb8;
	[tilespmem:$0x1A000] =	vst v63  }
0x22e: {  	s21 =	simm.s32 $0x12900;
	s23 =	simm.s32 $0x17900  }
0x22f: {  	[spmem:s5] =	stream.indirect.scatter.add.f32 [tilespmem:s23], [sflag:$0xA], $0x1, s21, s0, $0xb8;
	[tilespmem:$0x1A000] =	vst v63  }
0x230: {  	s21 =	simm.s32 $0x10980;
	s23 =	simm.s32 $0x16980  }
0x231: {  	[spmem:s5] =	stream.indirect.scatter.add.f32 [tilespmem:s23], [sflag:$0xA], $0x1, s21, s0, $0xb8;
	[tilespmem:$0x1A000] =	vst v63  }
0x232: {  	s21 =	simm.s32 $0x12980;
	s23 =	simm.s32 $0x17980  }
0x233: {  	[spmem:s5] =	stream.indirect.scatter.add.f32 [tilespmem:s23], [sflag:$0xA], $0x1, s21, s0, $0xb8;
	[tilespmem:$0x1A000] =	vst v63  }
0x234: {  	s21 =	simm.s32 $0x10A00;
	s23 =	simm.s32 $0x16A00  }
0x235: {  	[spmem:s5] =	stream.indirect.scatter.add.f32 [tilespmem:s23], [sflag:$0xA], $0x1, s21, s0, $0xb8;
	[tilespmem:$0x1A000] =	vst v63  }
0x236: {  	s21 =	simm.s32 $0x12A00;
	s23 =	simm.s32 $0x17A00  }
0x237: {  	[spmem:s5] =	stream.indirect.scatter.add.f32 [tilespmem:s23], [sflag:$0xA], $0x1, s21, s0, $0xb8;
	[tilespmem:$0x1A000] =	vst v63  }
0x238: {  	s21 =	simm.s32 $0x10A80;
	s23 =	simm.s32 $0x16A80  }
0x239: {  	[spmem:s5] =	stream.indirect.scatter.add.f32 [tilespmem:s23], [sflag:$0xA], $0x1, s21, s0, $0xb8;
	[tilespmem:$0x1A000] =	vst v63  }
0x23a: {  	s21 =	simm.s32 $0x12A80;
	s23 =	simm.s32 $0x17A80  }
0x23b: {  	[spmem:s5] =	stream.indirect.scatter.add.f32 [tilespmem:s23], [sflag:$0xA], $0x1, s21, s0, $0xb8;
	[tilespmem:$0x1A000] =	vst v63  }
0x23c: {  	s21 =	simm.s32 $0x10B00;
	s23 =	simm.s32 $0x16B00  }
0x23d: {  	[spmem:s5] =	stream.indirect.scatter.add.f32 [tilespmem:s23], [sflag:$0xA], $0x1, s21, s0, $0xb8;
	[tilespmem:$0x1A000] =	vst v63  }
0x23e: {  	s21 =	simm.s32 $0x12B00;
	s23 =	simm.s32 $0x17B00  }
0x23f: {  	[spmem:s5] =	stream.indirect.scatter.add.f32 [tilespmem:s23], [sflag:$0xA], $0x1, s21, s0, $0xb8;
	[tilespmem:$0x1A000] =	vst v63  }
0x240: {  	s21 =	simm.s32 $0x10B80;
	s23 =	simm.s32 $0x16B80  }
0x241: {  	[spmem:s5] =	stream.indirect.scatter.add.f32 [tilespmem:s23], [sflag:$0xA], $0x1, s21, s0, $0xb8;
	[tilespmem:$0x1A000] =	vst v63  }
0x242: {  	s21 =	simm.s32 $0x12B80;
	s23 =	simm.s32 $0x17B80  }
0x243: {  	[spmem:s5] =	stream.indirect.scatter.add.f32 [tilespmem:s23], [sflag:$0xA], $0x1, s21, s0, $0xb8;
	[tilespmem:$0x1A000] =	vst v63  }
0x244: {  	s21 =	simm.s32 $0x10C00;
	s23 =	simm.s32 $0x16C00  }
0x245: {  	[spmem:s5] =	stream.indirect.scatter.add.f32 [tilespmem:s23], [sflag:$0xA], $0x1, s21, s0, $0xb8;
	[tilespmem:$0x1A000] =	vst v63  }
0x246: {  	s21 =	simm.s32 $0x12C00;
	s23 =	simm.s32 $0x17C00  }
0x247: {  	[spmem:s5] =	stream.indirect.scatter.add.f32 [tilespmem:s23], [sflag:$0xA], $0x1, s21, s0, $0xb8;
	[tilespmem:$0x1A000] =	vst v63  }
0x248: {  	s21 =	simm.s32 $0x10C80;
	s23 =	simm.s32 $0x16C80  }
0x249: {  	[spmem:s5] =	stream.indirect.scatter.add.f32 [tilespmem:s23], [sflag:$0xA], $0x1, s21, s0, $0xb8;
	[tilespmem:$0x1A000] =	vst v63  }
0x24a: {  	s21 =	simm.s32 $0x12C80;
	s23 =	simm.s32 $0x17C80  }
0x24b: {  	[spmem:s5] =	stream.indirect.scatter.add.f32 [tilespmem:s23], [sflag:$0xA], $0x1, s21, s0, $0xb8;
	[tilespmem:$0x1A000] =	vst v63  }
0x24c: {  	s21 =	simm.s32 $0x10D00;
	s23 =	simm.s32 $0x16D00  }
0x24d: {  	[spmem:s5] =	stream.indirect.scatter.add.f32 [tilespmem:s23], [sflag:$0xA], $0x1, s21, s0, $0xb8;
	[tilespmem:$0x1A000] =	vst v63  }
0x24e: {  	s21 =	simm.s32 $0x12D00;
	s23 =	simm.s32 $0x17D00  }
0x24f: {  	[spmem:s5] =	stream.indirect.scatter.add.f32 [tilespmem:s23], [sflag:$0xA], $0x1, s21, s0, $0xb8;
	[tilespmem:$0x1A000] =	vst v63  }
0x250: {  	s21 =	simm.s32 $0x10D80;
	s23 =	simm.s32 $0x16D80  }
0x251: {  	[spmem:s5] =	stream.indirect.scatter.add.f32 [tilespmem:s23], [sflag:$0xA], $0x1, s21, s0, $0xb8;
	[tilespmem:$0x1A000] =	vst v63  }
0x252: {  	s21 =	simm.s32 $0x12D80;
	s23 =	simm.s32 $0x17D80  }
0x253: {  	[spmem:s5] =	stream.indirect.scatter.add.f32 [tilespmem:s23], [sflag:$0xA], $0x1, s21, s0, $0xb8;
	[tilespmem:$0x1A000] =	vst v63  }
0x254: {  	s21 =	simm.s32 $0x10E00;
	s23 =	simm.s32 $0x16E00  }
0x255: {  	[spmem:s5] =	stream.indirect.scatter.add.f32 [tilespmem:s23], [sflag:$0xA], $0x1, s21, s0, $0xb8;
	[tilespmem:$0x1A000] =	vst v63  }
0x256: {  	s21 =	simm.s32 $0x12E00;
	s23 =	simm.s32 $0x17E00  }
0x257: {  	[spmem:s5] =	stream.indirect.scatter.add.f32 [tilespmem:s23], [sflag:$0xA], $0x1, s21, s0, $0xb8;
	[tilespmem:$0x1A000] =	vst v63  }
0x258: {  	s23 =	simm.s32 $0x10E80  }
0x259: {  	[spmem:s5] =	stream.indirect.scatter.add.f32 [tilespmem:s17], [sflag:$0xA], $0x1, s23, s0, $0xb8;
	[tilespmem:$0x1A000] =	vst v63  }
0x25a: {  	s21 =	simm.s32 $0x12E80  }
0x25b: {  	[spmem:s5] =	stream.indirect.scatter.add.f32 [tilespmem:s16], [sflag:$0xA], $0x1, s21, s0, $0xb8;
	[tilespmem:$0x1A000] =	vst v63  }
0x25c: {  	s23 =	simm.s32 $0x10F00  }
0x25d: {  	[spmem:s5] =	stream.indirect.scatter.add.f32 [tilespmem:s8], [sflag:$0xA], $0x1, s23, s0, $0xb8;
	[tilespmem:$0x1A000] =	vst v63  }
0x25e: {  	s21 =	simm.s32 $0x12F00  }
0x25f: {  	[spmem:s5] =	stream.indirect.scatter.add.f32 [tilespmem:s26], [sflag:$0xA], $0x1, s21, s0, $0xb8;
	[tilespmem:$0x1A000] =	vst v63  }
0x260: {  	s23 =	simm.s32 $0x10F80  }
0x261: {  	[spmem:s5] =	stream.indirect.scatter.add.f32 [tilespmem:s28], [sflag:$0xA], $0x1, s23, s0, $0xb8;
	[tilespmem:$0x1A000] =	vst v63  }
0x262: {  	s12 =	sor.u32 $0x300, s18;
	s21 =	simm.s32 $0x12F80  }
0x263: {  	[spmem:s5] =	stream.indirect.scatter.add.f32 [tilespmem:s2], [sflag:$0xA], $0x1, s21, s0, $0xb8;
	[tilespmem:$0x1A000] =	vst v63  }
0x264: {  	s18 =	sadd.s32 s3, s12;
	s21 =	simm.s32 $0x0  }
0x265: {  	[tilespmem:s20], [sflag:$0x4] =	stream.linear.gather [hbm4b:s18+s21], $0x800, $0x38;
	[tilespmem:$0x1A000] =	vst v63  }
0x266: {  	s23 =	sadd.s32 s4, s12  }
0x267: {  	[tilespmem:s7], [sflag:$0x4] =	stream.linear.gather [hbm4b:s23+s21], $0x800, $0x38;
	[tilespmem:$0x1A000] =	vst v63  }
0x268: {  	s12 =	sadd.s32 s1, s12;
	s23 =	simm.s32 $0x15800  }
0x269: {  	[tilespmem:s23], [sflag:$0x8] =	stream.linear.gather [hbm4b:s12+s21], $0x800, $0x38;
	[tilespmem:$0x1A000] =	vst v63  }
0x26a: {  	_ =	swait.ge [sflag:s11], $0x800  }
0x26b: {  	[sflag:s11] =	ssyncset.done $0x0  }
0x26c: {  	[sflag:s11] =	ssyncadd.s32 $0xFFFFF800  }
0x26d: {  	_ =	swait.ge [sflag:s11], $0x800  }
0x26e: {  	[sflag:s11] =	ssyncset.done $0x0  }
0x26f: {  	[sflag:s11] =	ssyncadd.s32 $0xFFFFF800  }
0x270: {  	_ =	swait.ge [sflag:s13], $0x800  }
0x271: {  	[sflag:s13] =	ssyncset.done $0x0  }
0x272: {  	[sflag:s13] =	ssyncadd.s32 $0xFFFFF800  }
0x273: {  	_ =	swait.ge [sflag:s15], $0x800  }
0x274: {  	[sflag:s15] =	ssyncset.done $0x0  }
0x275: {  	[sflag:s15] =	ssyncadd.s32 $0xFFFFF800  }
0x276: {  	_ =	swait.ge [sflag:s15], $0x800  }
0x277: {  	[sflag:s15] =	ssyncset.done $0x0  }
0x278: {  	s12 =	simm.s32 $0x0;
	[sflag:s15] =	ssyncadd.s32 $0xFFFFF800  }
0x279: {  	v1 =	vld [tilespmem:s12+$0x13000]  }
0x27a: {  	v2 =	vld [tilespmem:s12+$0x11000];
	_ =	sdelay $0x5  }
0x27b: {  	v5 =	vld [tilespmem:s12+$0x15000]  }
0x27c: {  	v3 =	vld.idx.msk [tilespmem:v1+s6+$0x0], $0xffff  }
0x27d: {  	v4 =	vld.idx.msk [tilespmem:v2+s6+$0x0], $0xffff  }
0x27e: {  	v6 =	vld [tilespmem:s12+$0x13010]  }
0x27f: {  	v7 =	vld [tilespmem:s12+$0x11010];
	_ =	sdelay $0x2  }
0x280: {  	v3 =	vmul.f32 v3, v5;
	v4 =	vmul.f32 v4, v5  }
0x281: {  	vm6 =	veq.s32 v2, v1  }
0x282: {  	[tilespmem:s12+$0x16000] =	vst v3;
	v1 =	vsel vm6, $0x0, v4  }
0x283: {  	v3 =	vld [tilespmem:s12+$0x15010];
	[tilespmem:s12+$0x17000] =	vst v1  }
0x284: {  	v1 =	vld.idx.msk [tilespmem:v6+s6+$0x0], $0xffff  }
0x285: {  	v2 =	vld.idx.msk [tilespmem:v7+s6+$0x0], $0xffff  }
0x286: {  	v4 =	vld [tilespmem:s12+$0x13020]  }
0x287: {  	v5 =	vld [tilespmem:s12+$0x11020];
	_ =	sdelay $0x2  }
0x288: {  	v1 =	vmul.f32 v1, v3;
	v2 =	vmul.f32 v2, v3  }
0x289: {  	vm7 =	veq.s32 v7, v6  }
0x28a: {  	[tilespmem:s12+$0x16010] =	vst v1;
	v1 =	vsel vm7, $0x0, v2  }
0x28b: {  	v3 =	vld [tilespmem:s12+$0x15020];
	[tilespmem:s12+$0x17010] =	vst v1  }
0x28c: {  	v1 =	vld.idx.msk [tilespmem:v4+s6+$0x0], $0xffff  }
0x28d: {  	v2 =	vld.idx.msk [tilespmem:v5+s6+$0x0], $0xffff  }
0x28e: {  	v6 =	vld [tilespmem:s12+$0x13030]  }
0x28f: {  	v7 =	vld [tilespmem:s12+$0x11030]  }
0x290: {  	v8 =	vld [tilespmem:s12+$0x15030]  }
0x291: {  	v9 =	vld [tilespmem:s12+$0x11040]  }
0x292: {  	s18 =	simm.s32 $0x80;
	v10 =	vld [tilespmem:s12+$0x15040];
	v1 =	vmul.f32 v1, v3;
	v2 =	vmul.f32 v2, v3  }
0x293: {  	vm8 =	veq.s32 v5, v4;
	v4 =	vld [tilespmem:s18+$0x13000]  }
0x294: {  	v13 =	vld [tilespmem:s18+$0x13010];
	[tilespmem:s12+$0x16020] =	vst v1;
	v1 =	vsel vm8, $0x0, v2  }
0x295: {  	v2 =	vld [tilespmem:s18+$0x11000];
	[tilespmem:s12+$0x17020] =	vst v1  }
0x296: {  	v1 =	vld.idx.msk [tilespmem:v6+s6+$0x0], $0xffff  }
0x297: {  	v5 =	vld.idx.msk [tilespmem:v7+s6+$0x0], $0xffff  }
0x298: {  	v3 =	vld [tilespmem:s12+$0x13040]  }
0x299: {  	v14 =	vld [tilespmem:s12+$0x15050]  }
0x29a: {  	v15 =	vld [tilespmem:s12+$0x13060]  }
0x29b: {  	v11 =	vld.idx.msk [tilespmem:v4+s6+$0x0], $0xffff  }
0x29c: {  	v1 =	vmul.f32 v1, v8;
	v5 =	vmul.f32 v5, v8;
	v8 =	vld [tilespmem:s18+$0x15000]  }
0x29d: {  	vm9 =	veq.s32 v7, v6;
	v12 =	vld.idx.msk [tilespmem:v2+s6+$0x0], $0xffff  }
0x29e: {  	v62 =	vld [tilespmem:s12+$0x11060];
	[tilespmem:s12+$0x16030] =	vst v1;
	v1 =	vsel vm9, $0x0, v5  }
0x29f: {  	v5 =	vld [tilespmem:s18+$0x11010];
	[tilespmem:s12+$0x17030] =	vst v1  }
0x2a0: {  	v6 =	vld.idx.msk [tilespmem:v3+s6+$0x0], $0xffff  }
0x2a1: {  	v7 =	vld.idx.msk [tilespmem:v9+s6+$0x0], $0xffff  }
0x2a2: {  	v1 =	vmul.f32 v11, v8;
	v11 =	vld [tilespmem:s12+$0x13050];
	v8 =	vmul.f32 v12, v8  }
0x2a3: {  	vm10 =	veq.s32 v2, v4;
	v4 =	vld [tilespmem:s12+$0x11050]  }
0x2a4: {  	v63 =	vld [tilespmem:s12+$0x15060];
	[tilespmem:s18+$0x16000] =	vst v1;
	v2 =	vsel vm10, $0x0, v8  }
0x2a5: {  	vm11 =	veq.s32 v9, v3;
	v3 =	vld [tilespmem:s18+$0x15010];
	[tilespmem:s18+$0x17000] =	vst v2  }
0x2a6: {  	v6 =	vmul.f32 v6, v10;
	v7 =	vmul.f32 v7, v10;
	v2 =	vld.idx.msk [tilespmem:v13+s6+$0x0], $0xffff  }
0x2a7: {  	v8 =	vld.idx.msk [tilespmem:v5+s6+$0x0], $0xffff  }
0x2a8: {  	v9 =	vld [tilespmem:s18+$0x13020];
	[tilespmem:s12+$0x16040] =	vst v6;
	v6 =	vsel vm11, $0x0, v7  }
0x2a9: {  	v7 =	vld [tilespmem:s18+$0x11020];
	[tilespmem:s12+$0x17040] =	vst v6  }
0x2aa: {  	v10 =	vld.idx.msk [tilespmem:v11+s6+$0x0], $0xffff  }
0x2ab: {  	v12 =	vld.idx.msk [tilespmem:v4+s6+$0x0], $0xffff  }
0x2ac: {  	v1 =	vld [tilespmem:s12+$0x15070];
	v2 =	vmul.f32 v2, v3;
	v3 =	vmul.f32 v8, v3  }
0x2ad: {  	vm12 =	veq.s32 v5, v13;
	v6 =	vld [tilespmem:s18+$0x13030]  }
0x2ae: {  	vm13 =	veq.s32 v4, v11;
	v4 =	vld [tilespmem:s18+$0x15020];
	[tilespmem:s18+$0x16010] =	vst v2;
	v3 =	vsel vm12, $0x0, v3  }
0x2af: {  	v2 =	vld [tilespmem:s12+$0x13070];
	[tilespmem:s18+$0x17010] =	vst v3  }
0x2b0: {  	v5 =	vmul.f32 v10, v14;
	v8 =	vmul.f32 v12, v14;
	v3 =	vld.idx.msk [tilespmem:v9+s6+$0x0], $0xffff  }
0x2b1: {  	v10 =	vld.idx.msk [tilespmem:v7+s6+$0x0], $0xffff  }
0x2b2: {  	vm14 =	veq.s32 v7, v9;
	v9 =	vld [tilespmem:s18+$0x15040];
	[tilespmem:s12+$0x16050] =	vst v5;
	v5 =	vsel vm13, $0x0, v8  }
0x2b3: {  	v8 =	vld [tilespmem:s18+$0x11030];
	[tilespmem:s12+$0x17050] =	vst v5  }
0x2b4: {  	v14 =	vld.idx.msk [tilespmem:v62+s6+$0x0], $0xffff  }
0x2b5: {  	v13 =	vld.idx.msk [tilespmem:v15+s6+$0x0], $0xffff  }
0x2b6: {  	s21 =	simm.s32 $0x100;
	v11 =	vmul.f32 v3, v4;
	v4 =	vmul.f32 v10, v4;
	v3 =	vld [tilespmem:s12+$0x11070]  }
0x2b7: {  	v10 =	vld [tilespmem:s21+$0x13000]  }
0x2b8: {  	[tilespmem:s18+$0x16020] =	vst v11;
	v4 =	vsel vm14, $0x0, v4;
	v11 =	vld [tilespmem:s21+$0x11000]  }
0x2b9: {  	[tilespmem:s18+$0x17020] =	vst v4;
	v7 =	vmul.f32 v14, v63;
	v14 =	vld [tilespmem:s18+$0x15030]  }
0x2ba: {  	v4 =	vmul.f32 v13, v63;
	v12 =	vld.idx.msk [tilespmem:v6+s6+$0x0], $0xffff  }
0x2bb: {  	vm15 =	veq.s32 v62, v15;
	v13 =	vld.idx.msk [tilespmem:v8+s6+$0x0], $0xffff  }
0x2bc: {  	v5 =	vld [tilespmem:s18+$0x13040];
	[tilespmem:s12+$0x16060] =	vst v4;
	v4 =	vsel vm15, $0x0, v7  }
0x2bd: {  	v7 =	vld [tilespmem:s18+$0x11040];
	[tilespmem:s12+$0x17060] =	vst v4  }
0x2be: {  	s23 =	simm.s32 $0x600;
	v4 =	vld.idx.msk [tilespmem:v3+s6+$0x0], $0xffff  }
.LBB2_9:
0x2bf: {  	p0 =	sne.s32 s23, $0x1E00;
	v15 =	vld [tilespmem:s21+$0x13010]  }
0x2c0: {  	v16 =	vld.idx.msk [tilespmem:v10+s6+$0x0], $0xffff;
	v12 =	vmul.f32 v12, v14;
	v13 =	vmul.f32 v13, v14  }
0x2c1: {  	vm0 =	veq.s32 v8, v6;
	v14 =	vld.idx.msk [tilespmem:v11+s6+$0x0], $0xffff  }
0x2c2: {  	v6 =	vld [tilespmem:s21+$0x15000];
	[tilespmem:s18+$0x16030] =	vst v12;
	v8 =	vsel vm0, $0x0, v13  }
0x2c3: {  	v4 =	vmul.f32 v4, v1;
	v12 =	vld [tilespmem:s21+$0x11010];
	[tilespmem:s18+$0x17030] =	vst v8  }
0x2c4: {  	vm0 =	veq.s32 v3, v2;
	v8 =	vld.idx.msk [tilespmem:v5+s6+$0x0], $0xffff  }
0x2c5: {  	v4 =	vsel vm0, $0x0, v4;
	v3 =	vld.idx.msk [tilespmem:v7+s6+$0x0], $0xffff  }
0x2c6: {  	v2 =	vld.idx.msk [tilespmem:v2+s6+$0x0], $0xffff;
	[tilespmem:s12+$0x17070] =	vst v4  }
0x2c7: {  	v4 =	vmul.f32 v16, v6;
	v6 =	vmul.f32 v14, v6;
	v13 =	vld [tilespmem:s18+$0x13050]  }
0x2c8: {  	vm0 =	veq.s32 v11, v10;
	v10 =	vld [tilespmem:s18+$0x11050]  }
0x2c9: {  	[tilespmem:s21+$0x16000] =	vst v4;
	v4 =	vsel vm0, $0x0, v6;
	v6 =	vld [tilespmem:s18+$0x15070]  }
0x2ca: {  	[tilespmem:s21+$0x17000] =	vst v4;
	v4 =	vld [tilespmem:s21+$0x13020]  }
0x2cb: {  	v8 =	vmul.f32 v8, v9;
	v3 =	vmul.f32 v3, v9;
	v11 =	vld.idx.msk [tilespmem:v15+s6+$0x0], $0xffff  }
0x2cc: {  	vm0 =	veq.s32 v7, v5;
	v2 =	vmul.f32 v2, v1;
	v9 =	vld.idx.msk [tilespmem:v12+s6+$0x0], $0xffff  }
0x2cd: {  	v3 =	vsel vm0, $0x0, v3;
	v5 =	vld [tilespmem:s21+$0x15010];
	[tilespmem:s18+$0x16040] =	vst v8  }
0x2ce: {  	v7 =	vld [tilespmem:s21+$0x11020];
	[tilespmem:s18+$0x17040] =	vst v3;
	v1 =	vmov v6  }
0x2cf: {  	v3 =	vld.idx.msk [tilespmem:v13+s6+$0x0], $0xffff;
	[tilespmem:s12+$0x16070] =	vst v2;
	s12 =	smov.u32 s18;
	s18 =	smov.u32 s21  }
0x2d0: {  	v8 =	vld.idx.msk [tilespmem:v10+s6+$0x0], $0xffff  }
0x2d1: {  	v14 =	vld [tilespmem:s12+$0x15050]  }
0x2d2: {  	v2 =	vmul.f32 v11, v5;
	v5 =	vmul.f32 v9, v5;
	v9 =	vld [tilespmem:s12+$0x13060]  }
0x2d3: {  	vm0 =	veq.s32 v12, v15;
	v15 =	vld [tilespmem:s12+$0x11060]  }
0x2d4: {  	[tilespmem:s18+$0x16010] =	vst v2;
	v5 =	vsel vm0, $0x0, v5;
	v2 =	vld [tilespmem:s12+$0x13070]  }
0x2d5: {  	[tilespmem:s18+$0x17010] =	vst v5;
	v6 =	vld [tilespmem:s18+$0x13030]  }
0x2d6: {  	v5 =	vld.idx.msk [tilespmem:v4+s6+$0x0], $0xffff;
	v3 =	vmul.f32 v3, v14;
	v8 =	vmul.f32 v8, v14  }
0x2d7: {  	vm0 =	veq.s32 v10, v13;
	v11 =	vld.idx.msk [tilespmem:v7+s6+$0x0], $0xffff  }
0x2d8: {  	v10 =	vld [tilespmem:s18+$0x15020];
	[tilespmem:s12+$0x16050] =	vst v3;
	v3 =	vsel vm0, $0x0, v8  }
0x2d9: {  	v8 =	vld [tilespmem:s18+$0x11030];
	[tilespmem:s12+$0x17050] =	vst v3  }
0x2da: {  	v13 =	vld.idx.msk [tilespmem:v9+s6+$0x0], $0xffff  }
0x2db: {  	v14 =	vld.idx.msk [tilespmem:v15+s6+$0x0], $0xffff  }
0x2dc: {  	v16 =	vld [tilespmem:s12+$0x15060]  }
0x2dd: {  	v12 =	vmul.f32 v5, v10;
	v11 =	vmul.f32 v11, v10;
	v3 =	vld [tilespmem:s12+$0x11070]  }
0x2de: {  	s21 =	sshra.s32 s23, $0x2;
	vm0 =	veq.s32 v7, v4;
	v5 =	vld [tilespmem:s18+$0x13040]  }
0x2df: {  	v10 =	vld [tilespmem:s21+$0x13000];
	[tilespmem:s18+$0x16020] =	vst v12;
	v4 =	vsel vm0, $0x0, v11  }
0x2e0: {  	v11 =	vld [tilespmem:s21+$0x11000];
	[tilespmem:s18+$0x17020] =	vst v4  }
0x2e1: {  	v12 =	vld.idx.msk [tilespmem:v6+s6+$0x0], $0xffff;
	v4 =	vmul.f32 v13, v16;
	v7 =	vmul.f32 v14, v16  }
.Ltmp5:
0x2e2: {  	vm0 =	veq.s32 v15, v9;
	v13 =	vld.idx.msk [tilespmem:v8+s6+$0x0], $0xffff;
	(pc) =	sbr.rel @p0 .LBB2_9-.Ltmp5, $4  }
0x2e3: {  	v14 =	vld [tilespmem:s18+$0x15030];
	[tilespmem:s12+$0x16060] =	vst v4;
	v4 =	vsel vm0, $0x0, v7  }
0x2e4: {  	v7 =	vld [tilespmem:s18+$0x11040];
	[tilespmem:s12+$0x17060] =	vst v4  }
0x2e5: {  	v4 =	vld.idx.msk [tilespmem:v3+s6+$0x0], $0xffff  }
0x2e6: {  	s23 =	sadd.s32 $0x200, s23;
	v9 =	vld [tilespmem:s18+$0x15040]  }
0x2e7: {  	_ =	sdelay $0x3  }
0x2e8: {  	v15 =	vld.idx.msk [tilespmem:v10+s6+$0x0], $0xffff  }
0x2e9: {  	v16 =	vld.idx.msk [tilespmem:v11+s6+$0x0], $0xffff  }
0x2ea: {  	v17 =	vld [tilespmem:s21+$0x15000]  }
0x2eb: {  	v18 =	vld [tilespmem:s21+$0x13010]  }
0x2ec: {  	v19 =	vld [tilespmem:s21+$0x11010];
	_ =	sdelay $0x2  }
0x2ed: {  	v15 =	vmul.f32 v15, v17;
	v16 =	vmul.f32 v16, v17  }
0x2ee: {  	vm0 =	veq.s32 v11, v10  }
0x2ef: {  	[tilespmem:s21+$0x16000] =	vst v15;
	v10 =	vsel vm0, $0x0, v16  }
0x2f0: {  	v15 =	vld [tilespmem:s21+$0x15010];
	[tilespmem:s21+$0x17000] =	vst v10  }
0x2f1: {  	v10 =	vld.idx.msk [tilespmem:v18+s6+$0x0], $0xffff  }
0x2f2: {  	v11 =	vld.idx.msk [tilespmem:v19+s6+$0x0], $0xffff  }
0x2f3: {  	v52 =	vld [tilespmem:s21+$0x13020]  }
0x2f4: {  	v53 =	vld [tilespmem:s21+$0x11020];
	_ =	sdelay $0x2  }
0x2f5: {  	v10 =	vmul.f32 v10, v15;
	v11 =	vmul.f32 v11, v15  }
0x2f6: {  	vm5 =	veq.s32 v19, v18  }
0x2f7: {  	[tilespmem:s21+$0x16010] =	vst v10;
	v10 =	vsel vm5, $0x0, v11  }
0x2f8: {  	v15 =	vld [tilespmem:s21+$0x15020];
	[tilespmem:s21+$0x17010] =	vst v10  }
0x2f9: {  	v10 =	vld.idx.msk [tilespmem:v52+s6+$0x0], $0xffff  }
0x2fa: {  	v11 =	vld.idx.msk [tilespmem:v53+s6+$0x0], $0xffff  }
0x2fb: {  	v12 =	vmul.f32 v12, v14;
	v13 =	vmul.f32 v13, v14;
	v14 =	vld [tilespmem:s21+$0x13030]  }
0x2fc: {  	vm6 =	veq.s32 v8, v6;
	v6 =	vld [tilespmem:s21+$0x11030];
	_ =	sdelay $0x2  }
0x2fd: {  	v54 =	vld [tilespmem:s21+$0x15030];
	[tilespmem:s18+$0x16030] =	vst v12;
	v8 =	vsel vm6, $0x0, v13;
	v10 =	vmul.f32 v10, v15;
	v11 =	vmul.f32 v11, v15  }
0x2fe: {  	v56 =	vld [tilespmem:s18+$0x11050];
	[tilespmem:s18+$0x17030] =	vst v8;
	vm7 =	veq.s32 v53, v52  }
0x2ff: {  	v8 =	vld.idx.msk [tilespmem:v5+s6+$0x0], $0xffff;
	[tilespmem:s21+$0x16020] =	vst v10;
	v10 =	vsel vm7, $0x0, v11  }
0x300: {  	v13 =	vld.idx.msk [tilespmem:v7+s6+$0x0], $0xffff;
	[tilespmem:s21+$0x17020] =	vst v10  }
0x301: {  	v10 =	vld.idx.msk [tilespmem:v14+s6+$0x0], $0xffff  }
0x302: {  	v15 =	vld.idx.msk [tilespmem:v6+s6+$0x0], $0xffff  }
0x303: {  	v12 =	vld [tilespmem:s21+$0x13040]  }
0x304: {  	v55 =	vld [tilespmem:s21+$0x11040]  }
0x305: {  	v8 =	vmul.f32 v8, v9;
	v9 =	vmul.f32 v13, v9  }
0x306: {  	vm8 =	veq.s32 v7, v5  }
0x307: {  	[tilespmem:s18+$0x16040] =	vst v8;
	v5 =	vsel vm8, $0x0, v9;
	v11 =	vld [tilespmem:s18+$0x13050];
	v7 =	vmul.f32 v10, v54;
	v8 =	vmul.f32 v15, v54  }
0x308: {  	vm9 =	veq.s32 v6, v14;
	v9 =	vld [tilespmem:s21+$0x13050];
	[tilespmem:s18+$0x17040] =	vst v5  }
0x309: {  	v5 =	vld [tilespmem:s21+$0x15040];
	[tilespmem:s21+$0x16030] =	vst v7;
	v6 =	vsel vm9, $0x0, v8  }
0x30a: {  	v14 =	vld.idx.msk [tilespmem:v56+s6+$0x0], $0xffff;
	[tilespmem:s21+$0x17030] =	vst v6  }
0x30b: {  	v6 =	vld.idx.msk [tilespmem:v12+s6+$0x0], $0xffff  }
0x30c: {  	v8 =	vld.idx.msk [tilespmem:v55+s6+$0x0], $0xffff  }
0x30d: {  	v10 =	vld [tilespmem:s21+$0x11050]  }
0x30e: {  	v15 =	vld [tilespmem:s18+$0x15050]  }
0x30f: {  	v7 =	vld.idx.msk [tilespmem:v11+s6+$0x0], $0xffff;
	_ =	sdelay $0x1  }
0x310: {  	v6 =	vmul.f32 v6, v5;
	v5 =	vmul.f32 v8, v5  }
0x311: {  	v57 =	vld [tilespmem:s18+$0x13060];
	vm10 =	veq.s32 v55, v12  }
0x312: {  	v12 =	vld [tilespmem:s18+$0x11060];
	[tilespmem:s21+$0x16040] =	vst v6;
	v5 =	vsel vm10, $0x0, v5  }
0x313: {  	v14 =	vmul.f32 v14, v15;
	v7 =	vmul.f32 v7, v15;
	v15 =	vld [tilespmem:s21+$0x15050];
	[tilespmem:s21+$0x17040] =	vst v5  }
0x314: {  	v5 =	vld.idx.msk [tilespmem:v9+s6+$0x0], $0xffff  }
0x315: {  	v58 =	vld.idx.msk [tilespmem:v10+s6+$0x0], $0xffff  }
0x316: {  	vm11 =	veq.s32 v56, v11;
	v11 =	vld [tilespmem:s21+$0x13060]  }
0x317: {  	[tilespmem:s18+$0x16050] =	vst v7;
	v7 =	vsel vm11, $0x0, v14;
	v14 =	vld [tilespmem:s21+$0x11060]  }
0x318: {  	v61 =	vld [tilespmem:s21+$0x15060]  }
0x319: {  	[tilespmem:s18+$0x17050] =	vst v7;
	v6 =	vld [tilespmem:s18+$0x13070]  }
0x31a: {  	v7 =	vld.idx.msk [tilespmem:v57+s6+$0x0], $0xffff;
	v5 =	vmul.f32 v5, v15;
	v15 =	vmul.f32 v58, v15  }
0x31b: {  	vm12 =	veq.s32 v10, v9;
	v59 =	vld.idx.msk [tilespmem:v12+s6+$0x0], $0xffff  }
0x31c: {  	v9 =	vld [tilespmem:s18+$0x15060];
	[tilespmem:s21+$0x16050] =	vst v5;
	v5 =	vsel vm12, $0x0, v15  }
0x31d: {  	v10 =	vld [tilespmem:s18+$0x11070];
	[tilespmem:s21+$0x17050] =	vst v5  }
0x31e: {  	v5 =	vld.idx.msk [tilespmem:v11+s6+$0x0], $0xffff  }
0x31f: {  	v15 =	vld.idx.msk [tilespmem:v14+s6+$0x0], $0xffff  }
0x320: {  	v20 =	vld [tilespmem:s21+$0x11070]  }
0x321: {  	v60 =	vld [tilespmem:s21+$0x13070]  }
0x322: {  	v7 =	vmul.f32 v7, v9;
	v9 =	vmul.f32 v59, v9  }
0x323: {  	v13 =	vld [tilespmem:s18+$0x15070];
	vm13 =	veq.s32 v12, v57  }
0x324: {  	v8 =	vld [tilespmem:s21+$0x15070];
	[tilespmem:s18+$0x16060] =	vst v7;
	v7 =	vsel vm13, $0x0, v9;
	v5 =	vmul.f32 v5, v61;
	v9 =	vmul.f32 v15, v61  }
0x325: {  	v12 =	vld.idx.msk [tilespmem:v2+s6+$0x0], $0xffff;
	vm14 =	veq.s32 v14, v11;
	[tilespmem:s18+$0x17060] =	vst v7  }
0x326: {  	v7 =	vld.idx.msk [tilespmem:v10+s6+$0x0], $0xffff;
	[tilespmem:s21+$0x16060] =	vst v5;
	v5 =	vsel vm14, $0x0, v9  }
0x327: {  	v9 =	vld.idx.msk [tilespmem:v6+s6+$0x0], $0xffff;
	[tilespmem:s21+$0x17060] =	vst v5  }
0x328: {  	v5 =	vld.idx.msk [tilespmem:v20+s6+$0x0], $0xffff  }
0x329: {  	vm15 =	veq.s32 v3, v2;
	v4 =	vmul.f32 v4, v1;
	v2 =	vld.idx.msk [tilespmem:v60+s6+$0x0], $0xffff;
	_ =	sdelay $0x1  }
0x32a: {  	v3 =	vsel vm15, $0x0, v4;
	v1 =	vmul.f32 v12, v1;
	v4 =	vmul.f32 v7, v13  }
0x32b: {  	[tilespmem:s12+$0x17070] =	vst v3;
	vm4 =	veq.s32 v10, v6  }
0x32c: {  	[tilespmem:s12+$0x16070] =	vst v1;
	v1 =	vsel vm4, $0x0, v4;
	v3 =	vmul.f32 v9, v13  }
0x32d: {  	[tilespmem:s18+$0x17070] =	vst v1;
	v4 =	vmul.f32 v5, v8;
	v2 =	vmul.f32 v2, v8  }
0x32e: {  	vm5 =	veq.s32 v20, v60;
	[tilespmem:s18+$0x16070] =	vst v3  }
0x32f: {  	v1 =	vsel vm5, $0x0, v4;
	[tilespmem:s21+$0x16070] =	vst v2  }
0x330: {  	s23 =	simm.s32 $0x11000;
	[tilespmem:s21+$0x17070] =	vst v1;
	s21 =	simm.s32 $0x16000  }
0x331: {  	[spmem:s5] =	stream.indirect.scatter.add.f32 [tilespmem:s21], [sflag:$0x9], $0x1, s23, s0, $0xb8;
	[tilespmem:$0x1A000] =	vst v63  }
0x332: {  	s21 =	simm.s32 $0x17000;
	s23 =	simm.s32 $0x13000  }
0x333: {  	[spmem:s5] =	stream.indirect.scatter.add.f32 [tilespmem:s21], [sflag:$0x9], $0x1, s23, s0, $0xb8;
	[tilespmem:$0x1A000] =	vst v63  }
0x334: {  	s21 =	simm.s32 $0x16080;
	s23 =	simm.s32 $0x11080  }
0x335: {  	[spmem:s5] =	stream.indirect.scatter.add.f32 [tilespmem:s21], [sflag:$0x9], $0x1, s23, s0, $0xb8;
	[tilespmem:$0x1A000] =	vst v63  }
0x336: {  	s21 =	simm.s32 $0x17080;
	s23 =	simm.s32 $0x13080  }
0x337: {  	[spmem:s5] =	stream.indirect.scatter.add.f32 [tilespmem:s21], [sflag:$0x9], $0x1, s23, s0, $0xb8;
	[tilespmem:$0x1A000] =	vst v63  }
0x338: {  	s21 =	simm.s32 $0x16100;
	s23 =	simm.s32 $0x11100  }
0x339: {  	[spmem:s5] =	stream.indirect.scatter.add.f32 [tilespmem:s21], [sflag:$0x9], $0x1, s23, s0, $0xb8;
	[tilespmem:$0x1A000] =	vst v63  }
0x33a: {  	s21 =	simm.s32 $0x17100;
	s23 =	simm.s32 $0x13100  }
0x33b: {  	[spmem:s5] =	stream.indirect.scatter.add.f32 [tilespmem:s21], [sflag:$0x9], $0x1, s23, s0, $0xb8;
	[tilespmem:$0x1A000] =	vst v63  }
0x33c: {  	s21 =	simm.s32 $0x16180;
	s23 =	simm.s32 $0x11180  }
0x33d: {  	[spmem:s5] =	stream.indirect.scatter.add.f32 [tilespmem:s21], [sflag:$0x9], $0x1, s23, s0, $0xb8;
	[tilespmem:$0x1A000] =	vst v63  }
0x33e: {  	s21 =	simm.s32 $0x17180;
	s23 =	simm.s32 $0x13180  }
0x33f: {  	[spmem:s5] =	stream.indirect.scatter.add.f32 [tilespmem:s21], [sflag:$0x9], $0x1, s23, s0, $0xb8;
	[tilespmem:$0x1A000] =	vst v63  }
0x340: {  	s21 =	simm.s32 $0x16200;
	s23 =	simm.s32 $0x11200  }
0x341: {  	[spmem:s5] =	stream.indirect.scatter.add.f32 [tilespmem:s21], [sflag:$0x9], $0x1, s23, s0, $0xb8;
	[tilespmem:$0x1A000] =	vst v63  }
0x342: {  	s21 =	simm.s32 $0x17200;
	s23 =	simm.s32 $0x13200  }
0x343: {  	[spmem:s5] =	stream.indirect.scatter.add.f32 [tilespmem:s21], [sflag:$0x9], $0x1, s23, s0, $0xb8;
	[tilespmem:$0x1A000] =	vst v63  }
0x344: {  	s21 =	simm.s32 $0x16280;
	s23 =	simm.s32 $0x11280  }
0x345: {  	[spmem:s5] =	stream.indirect.scatter.add.f32 [tilespmem:s21], [sflag:$0x9], $0x1, s23, s0, $0xb8;
	[tilespmem:$0x1A000] =	vst v63  }
0x346: {  	s21 =	simm.s32 $0x17280;
	s23 =	simm.s32 $0x13280  }
0x347: {  	[spmem:s5] =	stream.indirect.scatter.add.f32 [tilespmem:s21], [sflag:$0x9], $0x1, s23, s0, $0xb8;
	[tilespmem:$0x1A000] =	vst v63  }
0x348: {  	s21 =	simm.s32 $0x16300;
	s23 =	simm.s32 $0x11300  }
0x349: {  	[spmem:s5] =	stream.indirect.scatter.add.f32 [tilespmem:s21], [sflag:$0x9], $0x1, s23, s0, $0xb8;
	[tilespmem:$0x1A000] =	vst v63  }
0x34a: {  	s21 =	simm.s32 $0x17300;
	s23 =	simm.s32 $0x13300  }
0x34b: {  	[spmem:s5] =	stream.indirect.scatter.add.f32 [tilespmem:s21], [sflag:$0x9], $0x1, s23, s0, $0xb8;
	[tilespmem:$0x1A000] =	vst v63  }
0x34c: {  	s21 =	simm.s32 $0x16380;
	s23 =	simm.s32 $0x11380  }
0x34d: {  	[spmem:s5] =	stream.indirect.scatter.add.f32 [tilespmem:s21], [sflag:$0x9], $0x1, s23, s0, $0xb8;
	[tilespmem:$0x1A000] =	vst v63  }
0x34e: {  	s21 =	simm.s32 $0x17380;
	s23 =	simm.s32 $0x13380  }
0x34f: {  	[spmem:s5] =	stream.indirect.scatter.add.f32 [tilespmem:s21], [sflag:$0x9], $0x1, s23, s0, $0xb8;
	[tilespmem:$0x1A000] =	vst v63  }
0x350: {  	s21 =	simm.s32 $0x16400;
	s23 =	simm.s32 $0x11400  }
0x351: {  	[spmem:s5] =	stream.indirect.scatter.add.f32 [tilespmem:s21], [sflag:$0x9], $0x1, s23, s0, $0xb8;
	[tilespmem:$0x1A000] =	vst v63  }
0x352: {  	s21 =	simm.s32 $0x17400;
	s23 =	simm.s32 $0x13400  }
0x353: {  	[spmem:s5] =	stream.indirect.scatter.add.f32 [tilespmem:s21], [sflag:$0x9], $0x1, s23, s0, $0xb8;
	[tilespmem:$0x1A000] =	vst v63  }
0x354: {  	s21 =	simm.s32 $0x16480;
	s23 =	simm.s32 $0x11480  }
0x355: {  	[spmem:s5] =	stream.indirect.scatter.add.f32 [tilespmem:s21], [sflag:$0x9], $0x1, s23, s0, $0xb8;
	[tilespmem:$0x1A000] =	vst v63  }
0x356: {  	s21 =	simm.s32 $0x17480;
	s23 =	simm.s32 $0x13480  }
0x357: {  	[spmem:s5] =	stream.indirect.scatter.add.f32 [tilespmem:s21], [sflag:$0x9], $0x1, s23, s0, $0xb8;
	[tilespmem:$0x1A000] =	vst v63  }
0x358: {  	s21 =	simm.s32 $0x16500;
	s23 =	simm.s32 $0x11500  }
0x359: {  	[spmem:s5] =	stream.indirect.scatter.add.f32 [tilespmem:s21], [sflag:$0x9], $0x1, s23, s0, $0xb8;
	[tilespmem:$0x1A000] =	vst v63  }
0x35a: {  	s21 =	simm.s32 $0x17500;
	s23 =	simm.s32 $0x13500  }
0x35b: {  	[spmem:s5] =	stream.indirect.scatter.add.f32 [tilespmem:s21], [sflag:$0x9], $0x1, s23, s0, $0xb8;
	[tilespmem:$0x1A000] =	vst v63  }
0x35c: {  	s21 =	simm.s32 $0x16580;
	s23 =	simm.s32 $0x11580  }
0x35d: {  	[spmem:s5] =	stream.indirect.scatter.add.f32 [tilespmem:s21], [sflag:$0x9], $0x1, s23, s0, $0xb8;
	[tilespmem:$0x1A000] =	vst v63  }
0x35e: {  	s21 =	simm.s32 $0x17580;
	s23 =	simm.s32 $0x13580  }
0x35f: {  	[spmem:s5] =	stream.indirect.scatter.add.f32 [tilespmem:s21], [sflag:$0x9], $0x1, s23, s0, $0xb8;
	[tilespmem:$0x1A000] =	vst v63  }
0x360: {  	s21 =	simm.s32 $0x16600;
	s23 =	simm.s32 $0x11600  }
0x361: {  	[spmem:s5] =	stream.indirect.scatter.add.f32 [tilespmem:s21], [sflag:$0x9], $0x1, s23, s0, $0xb8;
	[tilespmem:$0x1A000] =	vst v63  }
0x362: {  	s21 =	simm.s32 $0x17600;
	s23 =	simm.s32 $0x13600  }
0x363: {  	[spmem:s5] =	stream.indirect.scatter.add.f32 [tilespmem:s21], [sflag:$0x9], $0x1, s23, s0, $0xb8;
	[tilespmem:$0x1A000] =	vst v63  }
0x364: {  	s21 =	simm.s32 $0x16680;
	s23 =	simm.s32 $0x11680  }
0x365: {  	[spmem:s5] =	stream.indirect.scatter.add.f32 [tilespmem:s21], [sflag:$0x9], $0x1, s23, s0, $0xb8;
	[tilespmem:$0x1A000] =	vst v63  }
0x366: {  	s21 =	simm.s32 $0x17680;
	s23 =	simm.s32 $0x13680  }
0x367: {  	[spmem:s5] =	stream.indirect.scatter.add.f32 [tilespmem:s21], [sflag:$0x9], $0x1, s23, s0, $0xb8;
	[tilespmem:$0x1A000] =	vst v63  }
0x368: {  	s21 =	simm.s32 $0x16700;
	s23 =	simm.s32 $0x11700  }
0x369: {  	[spmem:s5] =	stream.indirect.scatter.add.f32 [tilespmem:s21], [sflag:$0x9], $0x1, s23, s0, $0xb8;
	[tilespmem:$0x1A000] =	vst v63  }
0x36a: {  	p0 =	seq.s32 s10, $0xF;
	s21 =	simm.s32 $0x17700;
	s23 =	simm.s32 $0x13700  }
0x36b: {  	[spmem:s5] =	stream.indirect.scatter.add.f32 [tilespmem:s21], [sflag:$0x9], $0x1, s23, s0, $0xb8;
	[tilespmem:$0x1A000] =	vst v63  }
0x36c: {  	s12 =	rddreg [dreg:$0xf];
	s21 =	simm.s32 $0x16780;
	s23 =	simm.s32 $0x11780  }
0x36d: {  	[spmem:s5] =	stream.indirect.scatter.add.f32 [tilespmem:s21], [sflag:$0x9], $0x1, s23, s0, $0xb8;
	[tilespmem:$0x1A000] =	vst v63  }
0x36e: {  	s12 =	sadd.s32 @!p0 s14, s12;
	s21 =	simm.s32 $0x17780;
	s23 =	simm.s32 $0x13780  }
0x36f: {  	[spmem:s5] =	stream.indirect.scatter.add.f32 [tilespmem:s21], [sflag:$0x9], $0x1, s23, s0, $0xb8;
	[tilespmem:$0x1A000] =	vst v63  }
0x370: {  	s18 =	sadd.s32 @!p0 s3, s12;
	s21 =	simm.s32 @!p0 $0x0;
	s23 =	simm.s32 @!p0 $0x10000  }
0x371: {  	[tilespmem:s23], [sflag:$0x1] =	stream.linear.gather @!p0 [hbm4b:s18+s21], $0x800, $0x38;
	[tilespmem:$0x1A000] =	vst v63  }
0x372: {  	s18 =	sadd.s32 @!p0 s4, s12;
	s23 =	simm.s32 @!p0 $0x12000  }
0x373: {  	[tilespmem:s23], [sflag:$0x1] =	stream.linear.gather @!p0 [hbm4b:s18+s21], $0x800, $0x38;
	[tilespmem:$0x1A000] =	vst v63  }
0x374: {  	s12 =	sadd.s32 @!p0 s1, s12;
	s18 =	simm.s32 @!p0 $0x14000  }
0x375: {  	[tilespmem:s18], [sflag:$0x5] =	stream.linear.gather @!p0 [hbm4b:s12+s21], $0x800, $0x38;
	[tilespmem:$0x1A000] =	vst v63  }
0x376: {  	_ =	swait.ge [sflag:s19], $0x800  }
0x377: {  	[sflag:s19] =	ssyncset.done $0x0  }
0x378: {  	[sflag:s19] =	ssyncadd.s32 $0xFFFFF800  }
0x379: {  	_ =	swait.ge [sflag:s19], $0x800  }
0x37a: {  	[sflag:s19] =	ssyncset.done $0x0  }
0x37b: {  	[sflag:s19] =	ssyncadd.s32 $0xFFFFF800  }
0x37c: {  	_ =	swait.ge [sflag:s9], $0x800  }
0x37d: {  	[sflag:s9] =	ssyncset.done $0x0  }
0x37e: {  	[sflag:s9] =	ssyncadd.s32 $0xFFFFF800  }
0x37f: {  	_ =	swait.ge [sflag:s29], $0x800  }
0x380: {  	[sflag:s29] =	ssyncset.done $0x0  }
0x381: {  	[sflag:s29] =	ssyncadd.s32 $0xFFFFF800  }
0x382: {  	_ =	swait.ge [sflag:s29], $0x800  }
0x383: {  	[sflag:s29] =	ssyncset.done $0x0  }
0x384: {  	s12 =	simm.s32 $0x0;
	[sflag:s29] =	ssyncadd.s32 $0xFFFFF800  }
0x385: {  	v1 =	vld [tilespmem:s12+$0x13800]  }
0x386: {  	v2 =	vld [tilespmem:s12+$0x11800];
	_ =	sdelay $0x5  }
0x387: {  	v5 =	vld [tilespmem:s12+$0x15800]  }
0x388: {  	v3 =	vld.idx.msk [tilespmem:v1+s6+$0x0], $0xffff  }
0x389: {  	v4 =	vld.idx.msk [tilespmem:v2+s6+$0x0], $0xffff  }
0x38a: {  	v6 =	vld [tilespmem:s12+$0x13810]  }
0x38b: {  	v7 =	vld [tilespmem:s12+$0x11810];
	_ =	sdelay $0x2  }
0x38c: {  	v3 =	vmul.f32 v3, v5;
	v4 =	vmul.f32 v4, v5  }
0x38d: {  	vm6 =	veq.s32 v2, v1  }
0x38e: {  	[tilespmem:s12+$0x16800] =	vst v3;
	v1 =	vsel vm6, $0x0, v4  }
0x38f: {  	v3 =	vld [tilespmem:s12+$0x15810];
	[tilespmem:s12+$0x17800] =	vst v1  }
0x390: {  	v1 =	vld.idx.msk [tilespmem:v6+s6+$0x0], $0xffff  }
0x391: {  	v2 =	vld.idx.msk [tilespmem:v7+s6+$0x0], $0xffff  }
0x392: {  	v4 =	vld [tilespmem:s12+$0x13820]  }
0x393: {  	v5 =	vld [tilespmem:s12+$0x11820];
	_ =	sdelay $0x2  }
0x394: {  	v1 =	vmul.f32 v1, v3;
	v2 =	vmul.f32 v2, v3  }
0x395: {  	vm7 =	veq.s32 v7, v6  }
0x396: {  	[tilespmem:s12+$0x16810] =	vst v1;
	v1 =	vsel vm7, $0x0, v2  }
0x397: {  	v3 =	vld [tilespmem:s12+$0x15820];
	[tilespmem:s12+$0x17810] =	vst v1  }
0x398: {  	v1 =	vld.idx.msk [tilespmem:v4+s6+$0x0], $0xffff  }
0x399: {  	v2 =	vld.idx.msk [tilespmem:v5+s6+$0x0], $0xffff  }
0x39a: {  	v6 =	vld [tilespmem:s12+$0x13830]  }
0x39b: {  	v7 =	vld [tilespmem:s12+$0x11830]  }
0x39c: {  	v8 =	vld [tilespmem:s12+$0x15830]  }
0x39d: {  	v9 =	vld [tilespmem:s12+$0x11840]  }
0x39e: {  	s18 =	simm.s32 $0x80;
	v10 =	vld [tilespmem:s12+$0x15840];
	v1 =	vmul.f32 v1, v3;
	v2 =	vmul.f32 v2, v3  }
0x39f: {  	vm8 =	veq.s32 v5, v4;
	v4 =	vld [tilespmem:s18+$0x13800]  }
0x3a0: {  	v13 =	vld [tilespmem:s18+$0x13810];
	[tilespmem:s12+$0x16820] =	vst v1;
	v1 =	vsel vm8, $0x0, v2  }
0x3a1: {  	v2 =	vld [tilespmem:s18+$0x11800];
	[tilespmem:s12+$0x17820] =	vst v1  }
0x3a2: {  	v1 =	vld.idx.msk [tilespmem:v6+s6+$0x0], $0xffff  }
0x3a3: {  	v5 =	vld.idx.msk [tilespmem:v7+s6+$0x0], $0xffff  }
0x3a4: {  	v3 =	vld [tilespmem:s12+$0x13840]  }
0x3a5: {  	v14 =	vld [tilespmem:s12+$0x15850]  }
0x3a6: {  	v15 =	vld [tilespmem:s12+$0x13860]  }
0x3a7: {  	v11 =	vld.idx.msk [tilespmem:v4+s6+$0x0], $0xffff  }
0x3a8: {  	v1 =	vmul.f32 v1, v8;
	v5 =	vmul.f32 v5, v8;
	v8 =	vld [tilespmem:s18+$0x15800]  }
0x3a9: {  	vm9 =	veq.s32 v7, v6;
	v12 =	vld.idx.msk [tilespmem:v2+s6+$0x0], $0xffff  }
0x3aa: {  	v62 =	vld [tilespmem:s12+$0x11860];
	[tilespmem:s12+$0x16830] =	vst v1;
	v1 =	vsel vm9, $0x0, v5  }
0x3ab: {  	v5 =	vld [tilespmem:s18+$0x11810];
	[tilespmem:s12+$0x17830] =	vst v1  }
0x3ac: {  	v6 =	vld.idx.msk [tilespmem:v3+s6+$0x0], $0xffff  }
0x3ad: {  	v7 =	vld.idx.msk [tilespmem:v9+s6+$0x0], $0xffff  }
0x3ae: {  	v1 =	vmul.f32 v11, v8;
	v11 =	vld [tilespmem:s12+$0x13850];
	v8 =	vmul.f32 v12, v8  }
0x3af: {  	vm10 =	veq.s32 v2, v4;
	v4 =	vld [tilespmem:s12+$0x11850]  }
0x3b0: {  	v63 =	vld [tilespmem:s12+$0x15860];
	[tilespmem:s18+$0x16800] =	vst v1;
	v2 =	vsel vm10, $0x0, v8  }
0x3b1: {  	vm11 =	veq.s32 v9, v3;
	v3 =	vld [tilespmem:s18+$0x15810];
	[tilespmem:s18+$0x17800] =	vst v2  }
0x3b2: {  	v6 =	vmul.f32 v6, v10;
	v7 =	vmul.f32 v7, v10;
	v2 =	vld.idx.msk [tilespmem:v13+s6+$0x0], $0xffff  }
0x3b3: {  	v8 =	vld.idx.msk [tilespmem:v5+s6+$0x0], $0xffff  }
0x3b4: {  	v9 =	vld [tilespmem:s18+$0x13820];
	[tilespmem:s12+$0x16840] =	vst v6;
	v6 =	vsel vm11, $0x0, v7  }
0x3b5: {  	v7 =	vld [tilespmem:s18+$0x11820];
	[tilespmem:s12+$0x17840] =	vst v6  }
0x3b6: {  	v10 =	vld.idx.msk [tilespmem:v11+s6+$0x0], $0xffff  }
0x3b7: {  	v12 =	vld.idx.msk [tilespmem:v4+s6+$0x0], $0xffff  }
0x3b8: {  	v1 =	vld [tilespmem:s12+$0x15870];
	v2 =	vmul.f32 v2, v3;
	v3 =	vmul.f32 v8, v3  }
0x3b9: {  	vm12 =	veq.s32 v5, v13;
	v6 =	vld [tilespmem:s18+$0x13830]  }
0x3ba: {  	vm13 =	veq.s32 v4, v11;
	v4 =	vld [tilespmem:s18+$0x15820];
	[tilespmem:s18+$0x16810] =	vst v2;
	v3 =	vsel vm12, $0x0, v3  }
0x3bb: {  	v2 =	vld [tilespmem:s12+$0x13870];
	[tilespmem:s18+$0x17810] =	vst v3  }
0x3bc: {  	v5 =	vmul.f32 v10, v14;
	v8 =	vmul.f32 v12, v14;
	v3 =	vld.idx.msk [tilespmem:v9+s6+$0x0], $0xffff  }
0x3bd: {  	v10 =	vld.idx.msk [tilespmem:v7+s6+$0x0], $0xffff  }
0x3be: {  	vm14 =	veq.s32 v7, v9;
	v9 =	vld [tilespmem:s18+$0x15840];
	[tilespmem:s12+$0x16850] =	vst v5;
	v5 =	vsel vm13, $0x0, v8  }
0x3bf: {  	v8 =	vld [tilespmem:s18+$0x11830];
	[tilespmem:s12+$0x17850] =	vst v5  }
0x3c0: {  	v14 =	vld.idx.msk [tilespmem:v62+s6+$0x0], $0xffff  }
0x3c1: {  	v13 =	vld.idx.msk [tilespmem:v15+s6+$0x0], $0xffff  }
0x3c2: {  	s21 =	simm.s32 $0x100;
	v11 =	vmul.f32 v3, v4;
	v4 =	vmul.f32 v10, v4;
	v3 =	vld [tilespmem:s12+$0x11870]  }
0x3c3: {  	v10 =	vld [tilespmem:s21+$0x13800]  }
0x3c4: {  	[tilespmem:s18+$0x16820] =	vst v11;
	v4 =	vsel vm14, $0x0, v4;
	v11 =	vld [tilespmem:s21+$0x11800]  }
0x3c5: {  	[tilespmem:s18+$0x17820] =	vst v4;
	v7 =	vmul.f32 v14, v63;
	v14 =	vld [tilespmem:s18+$0x15830]  }
0x3c6: {  	v4 =	vmul.f32 v13, v63;
	v12 =	vld.idx.msk [tilespmem:v6+s6+$0x0], $0xffff  }
0x3c7: {  	vm15 =	veq.s32 v62, v15;
	v13 =	vld.idx.msk [tilespmem:v8+s6+$0x0], $0xffff  }
0x3c8: {  	v5 =	vld [tilespmem:s18+$0x13840];
	[tilespmem:s12+$0x16860] =	vst v4;
	v4 =	vsel vm15, $0x0, v7  }
0x3c9: {  	v7 =	vld [tilespmem:s18+$0x11840];
	[tilespmem:s12+$0x17860] =	vst v4  }
0x3ca: {  	s23 =	simm.s32 $0x600;
	v4 =	vld.idx.msk [tilespmem:v3+s6+$0x0], $0xffff  }
.LBB2_11:
0x3cb: {  	p1 =	sne.s32 s23, $0x1E00;
	v15 =	vld [tilespmem:s21+$0x13810]  }
0x3cc: {  	v16 =	vld.idx.msk [tilespmem:v10+s6+$0x0], $0xffff;
	v12 =	vmul.f32 v12, v14;
	v13 =	vmul.f32 v13, v14  }
0x3cd: {  	vm0 =	veq.s32 v8, v6;
	v14 =	vld.idx.msk [tilespmem:v11+s6+$0x0], $0xffff  }
0x3ce: {  	v6 =	vld [tilespmem:s21+$0x15800];
	[tilespmem:s18+$0x16830] =	vst v12;
	v8 =	vsel vm0, $0x0, v13  }
0x3cf: {  	v4 =	vmul.f32 v4, v1;
	v12 =	vld [tilespmem:s21+$0x11810];
	[tilespmem:s18+$0x17830] =	vst v8  }
0x3d0: {  	vm0 =	veq.s32 v3, v2;
	v8 =	vld.idx.msk [tilespmem:v5+s6+$0x0], $0xffff  }
0x3d1: {  	v4 =	vsel vm0, $0x0, v4;
	v3 =	vld.idx.msk [tilespmem:v7+s6+$0x0], $0xffff  }
0x3d2: {  	v2 =	vld.idx.msk [tilespmem:v2+s6+$0x0], $0xffff;
	[tilespmem:s12+$0x17870] =	vst v4  }
0x3d3: {  	v4 =	vmul.f32 v16, v6;
	v6 =	vmul.f32 v14, v6;
	v13 =	vld [tilespmem:s18+$0x13850]  }
0x3d4: {  	vm0 =	veq.s32 v11, v10;
	v10 =	vld [tilespmem:s18+$0x11850]  }
0x3d5: {  	[tilespmem:s21+$0x16800] =	vst v4;
	v4 =	vsel vm0, $0x0, v6;
	v6 =	vld [tilespmem:s18+$0x15870]  }
0x3d6: {  	[tilespmem:s21+$0x17800] =	vst v4;
	v4 =	vld [tilespmem:s21+$0x13820]  }
0x3d7: {  	v8 =	vmul.f32 v8, v9;
	v3 =	vmul.f32 v3, v9;
	v11 =	vld.idx.msk [tilespmem:v15+s6+$0x0], $0xffff  }
0x3d8: {  	vm0 =	veq.s32 v7, v5;
	v2 =	vmul.f32 v2, v1;
	v9 =	vld.idx.msk [tilespmem:v12+s6+$0x0], $0xffff  }
0x3d9: {  	v3 =	vsel vm0, $0x0, v3;
	v5 =	vld [tilespmem:s21+$0x15810];
	[tilespmem:s18+$0x16840] =	vst v8  }
0x3da: {  	v7 =	vld [tilespmem:s21+$0x11820];
	[tilespmem:s18+$0x17840] =	vst v3;
	v1 =	vmov v6  }
0x3db: {  	v3 =	vld.idx.msk [tilespmem:v13+s6+$0x0], $0xffff;
	[tilespmem:s12+$0x16870] =	vst v2;
	s12 =	smov.u32 s18;
	s18 =	smov.u32 s21  }
0x3dc: {  	v8 =	vld.idx.msk [tilespmem:v10+s6+$0x0], $0xffff  }
0x3dd: {  	v14 =	vld [tilespmem:s12+$0x15850]  }
0x3de: {  	v2 =	vmul.f32 v11, v5;
	v5 =	vmul.f32 v9, v5;
	v9 =	vld [tilespmem:s12+$0x13860]  }
0x3df: {  	vm0 =	veq.s32 v12, v15;
	v15 =	vld [tilespmem:s12+$0x11860]  }
0x3e0: {  	[tilespmem:s18+$0x16810] =	vst v2;
	v5 =	vsel vm0, $0x0, v5;
	v2 =	vld [tilespmem:s12+$0x13870]  }
0x3e1: {  	[tilespmem:s18+$0x17810] =	vst v5;
	v6 =	vld [tilespmem:s18+$0x13830]  }
0x3e2: {  	v5 =	vld.idx.msk [tilespmem:v4+s6+$0x0], $0xffff;
	v3 =	vmul.f32 v3, v14;
	v8 =	vmul.f32 v8, v14  }
0x3e3: {  	vm0 =	veq.s32 v10, v13;
	v11 =	vld.idx.msk [tilespmem:v7+s6+$0x0], $0xffff  }
0x3e4: {  	v10 =	vld [tilespmem:s18+$0x15820];
	[tilespmem:s12+$0x16850] =	vst v3;
	v3 =	vsel vm0, $0x0, v8  }
0x3e5: {  	v8 =	vld [tilespmem:s18+$0x11830];
	[tilespmem:s12+$0x17850] =	vst v3  }
0x3e6: {  	v13 =	vld.idx.msk [tilespmem:v9+s6+$0x0], $0xffff  }
0x3e7: {  	v14 =	vld.idx.msk [tilespmem:v15+s6+$0x0], $0xffff  }
0x3e8: {  	v16 =	vld [tilespmem:s12+$0x15860]  }
0x3e9: {  	v12 =	vmul.f32 v5, v10;
	v11 =	vmul.f32 v11, v10;
	v3 =	vld [tilespmem:s12+$0x11870]  }
0x3ea: {  	s21 =	sshra.s32 s23, $0x2;
	vm0 =	veq.s32 v7, v4;
	v5 =	vld [tilespmem:s18+$0x13840]  }
0x3eb: {  	v10 =	vld [tilespmem:s21+$0x13800];
	[tilespmem:s18+$0x16820] =	vst v12;
	v4 =	vsel vm0, $0x0, v11  }
0x3ec: {  	v11 =	vld [tilespmem:s21+$0x11800];
	[tilespmem:s18+$0x17820] =	vst v4  }
0x3ed: {  	v12 =	vld.idx.msk [tilespmem:v6+s6+$0x0], $0xffff;
	v4 =	vmul.f32 v13, v16;
	v7 =	vmul.f32 v14, v16  }
.Ltmp6:
0x3ee: {  	vm0 =	veq.s32 v15, v9;
	v13 =	vld.idx.msk [tilespmem:v8+s6+$0x0], $0xffff;
	(pc) =	sbr.rel @p1 .LBB2_11-.Ltmp6, $4  }
0x3ef: {  	v14 =	vld [tilespmem:s18+$0x15830];
	[tilespmem:s12+$0x16860] =	vst v4;
	v4 =	vsel vm0, $0x0, v7  }
0x3f0: {  	v7 =	vld [tilespmem:s18+$0x11840];
	[tilespmem:s12+$0x17860] =	vst v4  }
0x3f1: {  	v4 =	vld.idx.msk [tilespmem:v3+s6+$0x0], $0xffff  }
0x3f2: {  	s23 =	sadd.s32 $0x200, s23;
	v9 =	vld [tilespmem:s18+$0x15840]  }
0x3f3: {  	_ =	sdelay $0x3  }
0x3f4: {  	v15 =	vld.idx.msk [tilespmem:v10+s6+$0x0], $0xffff  }
0x3f5: {  	v16 =	vld.idx.msk [tilespmem:v11+s6+$0x0], $0xffff  }
0x3f6: {  	v17 =	vld [tilespmem:s21+$0x15800]  }
0x3f7: {  	v18 =	vld [tilespmem:s21+$0x13810]  }
0x3f8: {  	v19 =	vld [tilespmem:s21+$0x11810];
	_ =	sdelay $0x2  }
0x3f9: {  	v15 =	vmul.f32 v15, v17;
	v16 =	vmul.f32 v16, v17  }
0x3fa: {  	vm0 =	veq.s32 v11, v10  }
0x3fb: {  	[tilespmem:s21+$0x16800] =	vst v15;
	v10 =	vsel vm0, $0x0, v16  }
0x3fc: {  	v57 =	vld [tilespmem:s21+$0x15810];
	[tilespmem:s21+$0x17800] =	vst v10  }
0x3fd: {  	v10 =	vld.idx.msk [tilespmem:v18+s6+$0x0], $0xffff  }
0x3fe: {  	v56 =	vld.idx.msk [tilespmem:v19+s6+$0x0], $0xffff  }
0x3ff: {  	v58 =	vld [tilespmem:s21+$0x13820]  }
0x400: {  	v59 =	vld [tilespmem:s21+$0x11820];
	_ =	sdelay $0x2  }
0x401: {  	v10 =	vmul.f32 v10, v57;
	v11 =	vmul.f32 v56, v57  }
0x402: {  	vm15 =	veq.s32 v19, v18  }
0x403: {  	[tilespmem:s21+$0x16810] =	vst v10;
	v60 =	vsel vm15, $0x0, v11  }
0x404: {  	v62 =	vld [tilespmem:s21+$0x15820];
	[tilespmem:s21+$0x17810] =	vst v60  }
0x405: {  	v10 =	vld.idx.msk [tilespmem:v58+s6+$0x0], $0xffff  }
0x406: {  	v61 =	vld.idx.msk [tilespmem:v59+s6+$0x0], $0xffff  }
0x407: {  	v63 =	vld [tilespmem:s21+$0x13830]  }
0x408: {  	v21 =	vld [tilespmem:s21+$0x11830];
	_ =	sdelay $0x2  }
0x409: {  	v10 =	vmul.f32 v10, v62;
	v11 =	vmul.f32 v61, v62  }
0x40a: {  	vm5 =	veq.s32 v59, v58  }
0x40b: {  	[tilespmem:s21+$0x16820] =	vst v10;
	v24 =	vsel vm5, $0x0, v11  }
0x40c: {  	v27 =	vld [tilespmem:s21+$0x15830];
	[tilespmem:s21+$0x17820] =	vst v24  }
0x40d: {  	v10 =	vld.idx.msk [tilespmem:v63+s6+$0x0], $0xffff  }
0x40e: {  	v26 =	vld.idx.msk [tilespmem:v21+s6+$0x0], $0xffff  }
0x40f: {  	v22 =	vld [tilespmem:s21+$0x13840]  }
0x410: {  	v28 =	vld [tilespmem:s21+$0x11840]  }
0x411: {  	v12 =	vmul.f32 v12, v14;
	v13 =	vmul.f32 v13, v14  }
0x412: {  	vm4 =	veq.s32 v8, v6;
	v25 =	vld [tilespmem:s18+$0x13850]  }
0x413: {  	v29 =	vld [tilespmem:s18+$0x11850];
	[tilespmem:s18+$0x16830] =	vst v12;
	v8 =	vsel vm4, $0x0, v13;
	v32 =	vmul.f32 v10, v27;
	v33 =	vmul.f32 v26, v27  }
0x414: {  	v34 =	vld [tilespmem:s21+$0x15840];
	[tilespmem:s18+$0x17830] =	vst v8;
	vm7 =	veq.s32 v21, v63  }
0x415: {  	v23 =	vld.idx.msk [tilespmem:v7+s6+$0x0], $0xffff;
	[tilespmem:s21+$0x16830] =	vst v32;
	v6 =	vsel vm7, $0x0, v33  }
0x416: {  	v8 =	vld.idx.msk [tilespmem:v5+s6+$0x0], $0xffff;
	[tilespmem:s21+$0x17830] =	vst v6  }
0x417: {  	v6 =	vld.idx.msk [tilespmem:v22+s6+$0x0], $0xffff  }
0x418: {  	v36 =	vld.idx.msk [tilespmem:v28+s6+$0x0], $0xffff  }
0x419: {  	v37 =	vld [tilespmem:s21+$0x13850]  }
0x41a: {  	v38 =	vld [tilespmem:s21+$0x11850];
	v30 =	vmul.f32 v23, v9  }
0x41b: {  	v40 =	vld [tilespmem:s18+$0x15850];
	vm6 =	veq.s32 v7, v5  }
0x41c: {  	v41 =	vld [tilespmem:s18+$0x13860];
	v8 =	vmul.f32 v8, v9;
	v5 =	vsel vm6, $0x0, v30  }
0x41d: {  	v43 =	vld [tilespmem:s18+$0x11860];
	[tilespmem:s18+$0x17840] =	vst v5;
	v6 =	vmul.f32 v6, v34;
	v5 =	vmul.f32 v36, v34  }
0x41e: {  	v46 =	vld [tilespmem:s21+$0x15850];
	vm8 =	veq.s32 v28, v22;
	[tilespmem:s18+$0x16840] =	vst v8  }
0x41f: {  	v35 =	vld.idx.msk [tilespmem:v25+s6+$0x0], $0xffff;
	[tilespmem:s21+$0x16840] =	vst v6;
	v5 =	vsel vm8, $0x0, v5  }
0x420: {  	v39 =	vld.idx.msk [tilespmem:v29+s6+$0x0], $0xffff;
	[tilespmem:s21+$0x17840] =	vst v5  }
0x421: {  	v5 =	vld.idx.msk [tilespmem:v37+s6+$0x0], $0xffff  }
0x422: {  	v45 =	vld.idx.msk [tilespmem:v38+s6+$0x0], $0xffff  }
0x423: {  	v47 =	vld [tilespmem:s21+$0x13860]  }
0x424: {  	v49 =	vld [tilespmem:s21+$0x11860]  }
0x425: {  	v44 =	vld [tilespmem:s18+$0x13870];
	v7 =	vmul.f32 v35, v40;
	v14 =	vmul.f32 v39, v40  }
0x426: {  	v52 =	vld [tilespmem:s18+$0x15860];
	vm9 =	veq.s32 v29, v25  }
0x427: {  	v54 =	vld [tilespmem:s18+$0x11870];
	[tilespmem:s18+$0x16850] =	vst v7;
	v48 =	vsel vm9, $0x0, v14;
	v5 =	vmul.f32 v5, v46;
	v15 =	vmul.f32 v45, v46  }
0x428: {  	vm10 =	veq.s32 v38, v37;
	v56 =	vld [tilespmem:s21+$0x15860];
	[tilespmem:s18+$0x17850] =	vst v48  }
0x429: {  	v7 =	vld.idx.msk [tilespmem:v41+s6+$0x0], $0xffff;
	[tilespmem:s21+$0x16850] =	vst v5;
	v53 =	vsel vm10, $0x0, v15  }
0x42a: {  	v50 =	vld.idx.msk [tilespmem:v43+s6+$0x0], $0xffff;
	[tilespmem:s21+$0x17850] =	vst v53  }
0x42b: {  	v5 =	vld.idx.msk [tilespmem:v47+s6+$0x0], $0xffff  }
0x42c: {  	v55 =	vld.idx.msk [tilespmem:v49+s6+$0x0], $0xffff  }
0x42d: {  	v20 =	vld [tilespmem:s21+$0x11870]  }
0x42e: {  	v51 =	vld [tilespmem:s21+$0x13870]  }
0x42f: {  	v7 =	vmul.f32 v7, v52;
	v9 =	vmul.f32 v50, v52  }
0x430: {  	v31 =	vld [tilespmem:s18+$0x15870];
	vm11 =	veq.s32 v43, v41  }
0x431: {  	v42 =	vld [tilespmem:s21+$0x15870];
	[tilespmem:s18+$0x16860] =	vst v7;
	v57 =	vsel vm11, $0x0, v9;
	v5 =	vmul.f32 v5, v56;
	v58 =	vmul.f32 v55, v56  }
0x432: {  	vm12 =	veq.s32 v49, v47;
	v59 =	vld.idx.msk [tilespmem:v2+s6+$0x0], $0xffff;
	[tilespmem:s18+$0x17860] =	vst v57  }
0x433: {  	v7 =	vld.idx.msk [tilespmem:v54+s6+$0x0], $0xffff;
	[tilespmem:s21+$0x16860] =	vst v5;
	v60 =	vsel vm12, $0x0, v58  }
0x434: {  	v61 =	vld.idx.msk [tilespmem:v44+s6+$0x0], $0xffff;
	[tilespmem:s21+$0x17860] =	vst v60  }
0x435: {  	v5 =	vld.idx.msk [tilespmem:v20+s6+$0x0], $0xffff  }
0x436: {  	vm13 =	veq.s32 v3, v2;
	v4 =	vmul.f32 v4, v1;
	v2 =	vld.idx.msk [tilespmem:v51+s6+$0x0], $0xffff;
	_ =	sdelay $0x1  }
0x437: {  	v3 =	vsel vm13, $0x0, v4;
	v1 =	vmul.f32 v59, v1  }
0x438: {  	[tilespmem:s12+$0x17870] =	vst v3;
	v62 =	vmul.f32 v7, v31;
	v3 =	vmul.f32 v61, v31  }
0x439: {  	vm14 =	veq.s32 v54, v44;
	[tilespmem:s12+$0x16870] =	vst v1  }
0x43a: {  	v1 =	vsel vm14, $0x0, v62;
	[tilespmem:s18+$0x16870] =	vst v3;
	v63 =	vmul.f32 v5, v42;
	v2 =	vmul.f32 v2, v42  }
0x43b: {  	vm15 =	veq.s32 v20, v51;
	[tilespmem:s18+$0x17870] =	vst v1  }
0x43c: {  	v1 =	vsel vm15, $0x0, v63;
	[tilespmem:s21+$0x16870] =	vst v2  }
0x43d: {  	s23 =	simm.s32 $0x16800;
	[tilespmem:s21+$0x17870] =	vst v1  }
0x43e: {  	[spmem:s5] =	stream.indirect.scatter.add.f32 [tilespmem:s23], [sflag:$0xA], $0x1, s20, s0, $0xb8;
	[tilespmem:$0x1A000] =	vst v63  }
0x43f: {  	s18 =	simm.s32 $0x17800  }
0x440: {  	[spmem:s5] =	stream.indirect.scatter.add.f32 [tilespmem:s18], [sflag:$0xA], $0x1, s7, s0, $0xb8;
	[tilespmem:$0x1A000] =	vst v63  }
0x441: {  	s21 =	simm.s32 $0x16880;
	s23 =	simm.s32 $0x11880  }
0x442: {  	[spmem:s5] =	stream.indirect.scatter.add.f32 [tilespmem:s21], [sflag:$0xA], $0x1, s23, s0, $0xb8;
	[tilespmem:$0x1A000] =	vst v63  }
0x443: {  	s21 =	simm.s32 $0x17880;
	s23 =	simm.s32 $0x13880  }
0x444: {  	[spmem:s5] =	stream.indirect.scatter.add.f32 [tilespmem:s21], [sflag:$0xA], $0x1, s23, s0, $0xb8;
	[tilespmem:$0x1A000] =	vst v63  }
0x445: {  	s21 =	simm.s32 $0x16900;
	s23 =	simm.s32 $0x11900  }
0x446: {  	[spmem:s5] =	stream.indirect.scatter.add.f32 [tilespmem:s21], [sflag:$0xA], $0x1, s23, s0, $0xb8;
	[tilespmem:$0x1A000] =	vst v63  }
0x447: {  	s21 =	simm.s32 $0x17900;
	s23 =	simm.s32 $0x13900  }
0x448: {  	[spmem:s5] =	stream.indirect.scatter.add.f32 [tilespmem:s21], [sflag:$0xA], $0x1, s23, s0, $0xb8;
	[tilespmem:$0x1A000] =	vst v63  }
0x449: {  	s21 =	simm.s32 $0x16980;
	s23 =	simm.s32 $0x11980  }
0x44a: {  	[spmem:s5] =	stream.indirect.scatter.add.f32 [tilespmem:s21], [sflag:$0xA], $0x1, s23, s0, $0xb8;
	[tilespmem:$0x1A000] =	vst v63  }
0x44b: {  	s21 =	simm.s32 $0x17980;
	s23 =	simm.s32 $0x13980  }
0x44c: {  	[spmem:s5] =	stream.indirect.scatter.add.f32 [tilespmem:s21], [sflag:$0xA], $0x1, s23, s0, $0xb8;
	[tilespmem:$0x1A000] =	vst v63  }
0x44d: {  	s21 =	simm.s32 $0x16A00;
	s23 =	simm.s32 $0x11A00  }
0x44e: {  	[spmem:s5] =	stream.indirect.scatter.add.f32 [tilespmem:s21], [sflag:$0xA], $0x1, s23, s0, $0xb8;
	[tilespmem:$0x1A000] =	vst v63  }
0x44f: {  	s21 =	simm.s32 $0x17A00;
	s23 =	simm.s32 $0x13A00  }
0x450: {  	[spmem:s5] =	stream.indirect.scatter.add.f32 [tilespmem:s21], [sflag:$0xA], $0x1, s23, s0, $0xb8;
	[tilespmem:$0x1A000] =	vst v63  }
0x451: {  	s21 =	simm.s32 $0x16A80;
	s23 =	simm.s32 $0x11A80  }
0x452: {  	[spmem:s5] =	stream.indirect.scatter.add.f32 [tilespmem:s21], [sflag:$0xA], $0x1, s23, s0, $0xb8;
	[tilespmem:$0x1A000] =	vst v63  }
0x453: {  	s21 =	simm.s32 $0x17A80;
	s23 =	simm.s32 $0x13A80  }
0x454: {  	[spmem:s5] =	stream.indirect.scatter.add.f32 [tilespmem:s21], [sflag:$0xA], $0x1, s23, s0, $0xb8;
	[tilespmem:$0x1A000] =	vst v63  }
0x455: {  	s21 =	simm.s32 $0x16B00;
	s23 =	simm.s32 $0x11B00  }
0x456: {  	[spmem:s5] =	stream.indirect.scatter.add.f32 [tilespmem:s21], [sflag:$0xA], $0x1, s23, s0, $0xb8;
	[tilespmem:$0x1A000] =	vst v63  }
0x457: {  	s21 =	simm.s32 $0x17B00;
	s23 =	simm.s32 $0x13B00  }
0x458: {  	[spmem:s5] =	stream.indirect.scatter.add.f32 [tilespmem:s21], [sflag:$0xA], $0x1, s23, s0, $0xb8;
	[tilespmem:$0x1A000] =	vst v63  }
0x459: {  	s21 =	simm.s32 $0x16B80;
	s23 =	simm.s32 $0x11B80  }
0x45a: {  	[spmem:s5] =	stream.indirect.scatter.add.f32 [tilespmem:s21], [sflag:$0xA], $0x1, s23, s0, $0xb8;
	[tilespmem:$0x1A000] =	vst v63  }
0x45b: {  	s21 =	simm.s32 $0x17B80;
	s23 =	simm.s32 $0x13B80  }
0x45c: {  	[spmem:s5] =	stream.indirect.scatter.add.f32 [tilespmem:s21], [sflag:$0xA], $0x1, s23, s0, $0xb8;
	[tilespmem:$0x1A000] =	vst v63  }
0x45d: {  	s21 =	simm.s32 $0x16C00;
	s23 =	simm.s32 $0x11C00  }
0x45e: {  	[spmem:s5] =	stream.indirect.scatter.add.f32 [tilespmem:s21], [sflag:$0xA], $0x1, s23, s0, $0xb8;
	[tilespmem:$0x1A000] =	vst v63  }
0x45f: {  	s21 =	simm.s32 $0x17C00;
	s23 =	simm.s32 $0x13C00  }
0x460: {  	[spmem:s5] =	stream.indirect.scatter.add.f32 [tilespmem:s21], [sflag:$0xA], $0x1, s23, s0, $0xb8;
	[tilespmem:$0x1A000] =	vst v63  }
0x461: {  	s21 =	simm.s32 $0x16C80;
	s23 =	simm.s32 $0x11C80  }
0x462: {  	[spmem:s5] =	stream.indirect.scatter.add.f32 [tilespmem:s21], [sflag:$0xA], $0x1, s23, s0, $0xb8;
	[tilespmem:$0x1A000] =	vst v63  }
0x463: {  	s21 =	simm.s32 $0x17C80;
	s23 =	simm.s32 $0x13C80  }
0x464: {  	[spmem:s5] =	stream.indirect.scatter.add.f32 [tilespmem:s21], [sflag:$0xA], $0x1, s23, s0, $0xb8;
	[tilespmem:$0x1A000] =	vst v63  }
0x465: {  	s21 =	simm.s32 $0x16D00;
	s23 =	simm.s32 $0x11D00  }
0x466: {  	[spmem:s5] =	stream.indirect.scatter.add.f32 [tilespmem:s21], [sflag:$0xA], $0x1, s23, s0, $0xb8;
	[tilespmem:$0x1A000] =	vst v63  }
0x467: {  	s21 =	simm.s32 $0x17D00;
	s23 =	simm.s32 $0x13D00  }
0x468: {  	[spmem:s5] =	stream.indirect.scatter.add.f32 [tilespmem:s21], [sflag:$0xA], $0x1, s23, s0, $0xb8;
	[tilespmem:$0x1A000] =	vst v63  }
0x469: {  	s21 =	simm.s32 $0x16D80;
	s23 =	simm.s32 $0x11D80  }
0x46a: {  	[spmem:s5] =	stream.indirect.scatter.add.f32 [tilespmem:s21], [sflag:$0xA], $0x1, s23, s0, $0xb8;
	[tilespmem:$0x1A000] =	vst v63  }
0x46b: {  	s21 =	simm.s32 $0x17D80;
	s23 =	simm.s32 $0x13D80  }
0x46c: {  	[spmem:s5] =	stream.indirect.scatter.add.f32 [tilespmem:s21], [sflag:$0xA], $0x1, s23, s0, $0xb8;
	[tilespmem:$0x1A000] =	vst v63  }
0x46d: {  	s21 =	simm.s32 $0x16E00;
	s23 =	simm.s32 $0x11E00  }
0x46e: {  	[spmem:s5] =	stream.indirect.scatter.add.f32 [tilespmem:s21], [sflag:$0xA], $0x1, s23, s0, $0xb8;
	[tilespmem:$0x1A000] =	vst v63  }
0x46f: {  	s21 =	simm.s32 $0x17E00;
	s23 =	simm.s32 $0x13E00  }
0x470: {  	[spmem:s5] =	stream.indirect.scatter.add.f32 [tilespmem:s21], [sflag:$0xA], $0x1, s23, s0, $0xb8;
	[tilespmem:$0x1A000] =	vst v63  }
0x471: {  	s18 =	simm.s32 $0x11E80  }
0x472: {  	[spmem:s5] =	stream.indirect.scatter.add.f32 [tilespmem:s17], [sflag:$0xA], $0x1, s18, s0, $0xb8;
	[tilespmem:$0x1A000] =	vst v63  }
0x473: {  	s21 =	simm.s32 $0x13E80  }
0x474: {  	[spmem:s5] =	stream.indirect.scatter.add.f32 [tilespmem:s16], [sflag:$0xA], $0x1, s21, s0, $0xb8;
	[tilespmem:$0x1A000] =	vst v63  }
0x475: {  	s23 =	simm.s32 $0x11F00  }
0x476: {  	[spmem:s5] =	stream.indirect.scatter.add.f32 [tilespmem:s8], [sflag:$0xA], $0x1, s23, s0, $0xb8;
	[tilespmem:$0x1A000] =	vst v63  }
0x477: {  	s18 =	simm.s32 $0x13F00  }
0x478: {  	[spmem:s5] =	stream.indirect.scatter.add.f32 [tilespmem:s26], [sflag:$0xA], $0x1, s18, s0, $0xb8;
	[tilespmem:$0x1A000] =	vst v63  }
.Ltmp7:
0x479: {  	_ = 	snop;
	(pc) =	sbr.rel @p0 .LBB2_14-.Ltmp7, $4  }
0x47a: {  	s21 =	simm.s32 $0x11F80  }
0x47b: {  	[spmem:s5] =	stream.indirect.scatter.add.f32 [tilespmem:s28], [sflag:$0xA], $0x1, s21, s0, $0xb8;
	[tilespmem:$0x1A000] =	vst v63  }
0x47c: {  	s23 =	simm.s32 $0x13F80  }
0x47d: {  	[spmem:s5] =	stream.indirect.scatter.add.f32 [tilespmem:s2], [sflag:$0xA], $0x1, s23, s0, $0xb8;
	[tilespmem:$0x1A000] =	vst v63  }
0x47e: {  	s12 =	rddreg [dreg:$0x10]  }
0x47f: {  	s12 =	sadd.s32 s14, s12  }
0x480: {  	s14 =	sadd.s32 s3, s12  }
0x481: {  	[tilespmem:s24], [sflag:$0x2] =	stream.linear.gather [hbm4b:s14+s6], $0x800, $0x38;
	[tilespmem:$0x1A000] =	vst v63  }
.Ltmp8:
0x482: {  	_ = 	snop;
	(pc) =	sbr.rel .LBB2_4-.Ltmp8, $4  }
0x483: {  	s18 =	simm.s32 $0x12800;
	s23 =	sadd.s32 s4, s12  }
0x484: {  	[tilespmem:s18], [sflag:$0x2] =	stream.linear.gather [hbm4b:s23+s6], $0x800, $0x38;
	[tilespmem:$0x1A000] =	vst v63  }
0x485: {  	s10 =	sadd.s32 $0x1, s10;
	s12 =	sadd.s32 s1, s12;
	s24 =	simm.s32 $0x14800  }
0x486: {  	[tilespmem:s24], [sflag:$0x6] =	stream.linear.gather [hbm4b:s12+s6], $0x800, $0x38;
	[tilespmem:$0x1A000] =	vst v63  }
.LBB2_15:
0x487: {  	_ =	sfence.sel $0x180000  }
0x488: {  	[bflag:$0x0] =	sbarrier.arrive $0xFFFF  }
0x489: {  	_ =	strace $0x90000047  }
0x48a: {  	s0 =	stileid.u32;
	[bflag:$0x2] =	sbarrier.arrive $0xFFFF  }
0x48b: {  	p0 =	sne.s32 s0, $0x0;
	s0 =	rddreg [dreg:$0x6]  }
0x48c: {  	s0 =	sadd.s32 @!p0 $0x100000, s0  }
0x48d: {  	[sflag:s0] =	ssyncadd.tile.s32 @!p0 $0x1;
	_ =	shalt  }
.Lfunc_end2:
_tile_overlayer_lowered:
.L_overlay_start_2:
0x48e: {  	(tag) =	ssettag $0x2  }
0x48f: {  	s0 =	rddreg [dreg:$0x0];
	s2 =	stileid.u32  }
0x490: {  	s1 =	rddreg [dreg:$0x1];
	p0 =	sne.s32 s2, $0x0  }
0x491: {  	s3 =	rddreg [dreg:$0x2];
	[bflag:$0x3] =	sbarrier.arrive $0xFFFF;
	s2 =	simm.s32 @!p0 $0x1C0C  }
0x492: {  	[timem:s3], [sflag:s2] =	dma.local @!p0 [hbm:s0], s1  }
0x493: {  	s0 =	simm.s32 @!p0 $0xC  }
0x494: {  	_ =	swait.ge @!p0 [sflag:s0], s1  }
0x495: {  	s1 =	ssub.s32 @!p0 $0x0, s1;
	[sflag:s0] =	ssyncset.done @!p0 $0x0  }
0x496: {  	[sflag:s0] =	ssyncadd.s32 @!p0 s1  }
0x497: {  	[bflag:$0x3] =	sbarrier.arrive $0xFFFF  }
0x498: {  	_ =	shalt  }

</sc_bundles>
